<compile_context>
chip_gen: v7x
topology: tpu7x:2x2x1
jax: 0.10.2.dev20260603
libtpu: 0.0.44.dev20260713+nightly
codegen_flags: <defaults>
</compile_context>

<pallas_src>
import dataclasses
import functools

import jax
import jax.numpy as jnp
from jax import lax
from jax.experimental import pallas as pl
from jax.experimental.pallas import tpu as pltpu
from jax.experimental.pallas import tpu_sc as plsc

DIM = 64
BATCH = 16384
PAD_DIM = 128
NUM_REL = 100000
NUM_CORES = 2
NUM_SUBCORES = 16
NUM_WORKERS = NUM_CORES * NUM_SUBCORES
ROWS_PER_WORKER = BATCH // NUM_WORKERS
STAGE_ROWS = 128
NUM_STAGES = ROWS_PER_WORKER // STAGE_ROWS
LANES = 16
DIM_CHUNKS = DIM // LANES
GROUPS_PER_STAGE = STAGE_ROWS // LANES

TR_COLS = 16384


def _pack_diag_kernel(dt_ref, out_ref):
  x = dt_ref[...].T
  out_ref[...] = jnp.concatenate(
      [x, jnp.zeros((TR_COLS, PAD_DIM - DIM), jnp.float32)], axis=1)


def _pack_diag(dt):
  return pl.pallas_call(
      _pack_diag_kernel,
      grid=(-(-NUM_REL // TR_COLS),),
      in_specs=[pl.BlockSpec((DIM, TR_COLS), lambda i: (0, i))],
      out_specs=pl.BlockSpec((TR_COLS, PAD_DIM), lambda i: (i, 0)),
      out_shape=jax.ShapeDtypeStruct((NUM_REL, PAD_DIM), jnp.float32),
  )(dt)


QC_COLS = 4096
Q_ROWS = BATCH // 2


def _pack_q_kernel(ha_ref, ta_ref, hb_ref, tb_ref, out_ref):
  a = ha_ref[...] * ta_ref[...]
  b = hb_ref[...] * tb_ref[...]
  out_ref[...] = jnp.concatenate([a.T, b.T], axis=1)


def _pack_q(ht, tt):
  return pl.pallas_call(
      _pack_q_kernel,
      grid=(Q_ROWS // QC_COLS,),
      in_specs=[
          pl.BlockSpec((DIM, QC_COLS), lambda i: (0, i)),
          pl.BlockSpec((DIM, QC_COLS), lambda i: (0, i)),
          pl.BlockSpec((DIM, QC_COLS), lambda i: (0, i + Q_ROWS // QC_COLS)),
          pl.BlockSpec((DIM, QC_COLS), lambda i: (0, i + Q_ROWS // QC_COLS)),
      ],
      out_specs=pl.BlockSpec((QC_COLS, PAD_DIM), lambda i: (i, 0)),
      out_shape=jax.ShapeDtypeStruct((Q_ROWS, PAD_DIM), jnp.float32),
  )(ht, tt, ht, tt)


def _sc_kernel(diagp_hbm, idx_hbm, q_hbm, out_hbm,
               idx_v, rel0, rel1, rel2, rel3, q_v, out_v,
               sem_q, sem_g0, sem_g1, sem_g2, sem_g3):
  wid = lax.axis_index("s") * NUM_CORES + lax.axis_index("c")
  half = ROWS_PER_WORKER // 2
  base = wid * half

  pltpu.sync_copy(idx_hbm.at[wid], idx_v)
  copy_q = pltpu.async_copy(q_hbm.at[pl.ds(base, half)], q_v, sem_q)

  rel = (rel0, rel1, rel2, rel3)
  sems = (sem_g0, sem_g1, sem_g2, sem_g3)
  lane = lax.iota(jnp.int32, LANES)

  def compute_stage(s, relbuf):
    qoff = (s // 2) * DIM

    @pl.loop(0, GROUPS_PER_STAGE)
    def _(g):
      res = [jnp.zeros((LANES,), jnp.float32) for _ in range(2)]
      for k in range(LANES):
        li = g * LANES + k
        qrow = (s % 2) * STAGE_ROWS + g * LANES + k
        acc = None
        for c in range(DIM_CHUNKS):
          term = (q_v[qrow, pl.ds(qoff + c * LANES, LANES)]
                  * relbuf[li, pl.ds(c * LANES, LANES)])
          acc = term if acc is None else acc + term
        ch = k & 1
        res[ch] = jnp.where(lane == k, jnp.sum(acc), res[ch])
      out_v[pl.ds(s * STAGE_ROWS + g * LANES, LANES)] = res[0] + res[1]

  gathers = [
      pltpu.async_copy(diagp_hbm.at[idx_v.at[s]], rel[s], sems[s])
      for s in range(NUM_STAGES)
  ]
  copy_q.wait()
  for s in range(NUM_STAGES):
    gathers[s].wait()
    compute_stage(s, rel[s])

  pltpu.sync_copy(out_v.at[pl.ds(0, half)], out_hbm.at[pl.ds(base, half)])
  pltpu.sync_copy(out_v.at[pl.ds(half, half)],
                  out_hbm.at[pl.ds(Q_ROWS + base, half)])


@jax.jit
def _dist_mult(h, r, t, diag):
  idx = (r.astype(jnp.int32)
         .reshape(2, NUM_WORKERS, ROWS_PER_WORKER // 2)
         .transpose(1, 0, 2)
         .reshape(NUM_WORKERS, NUM_STAGES, STAGE_ROWS))
  diagp = _pack_diag(diag.T)
  q = _pack_q(h.T, t.T)
  mesh = plsc.VectorSubcoreMesh(core_axis_name="c", subcore_axis_name="s")
  cp = pltpu.CompilerParams()
  for field, value in (("needs_layout_passes", False),
                       ("use_tc_tiling_on_sc", True)):
    if field in pltpu.CompilerParams.__dataclass_fields__:
      cp = dataclasses.replace(cp, **{field: value})
  run = pl.kernel(
      _sc_kernel,
      out_type=jax.ShapeDtypeStruct((BATCH,), jnp.float32),
      mesh=mesh,
      compiler_params=cp,
      scratch_types=[
          pltpu.VMEM((NUM_STAGES, STAGE_ROWS), jnp.int32),
          pltpu.VMEM((STAGE_ROWS, PAD_DIM), jnp.float32),
          pltpu.VMEM((STAGE_ROWS, PAD_DIM), jnp.float32),
          pltpu.VMEM((STAGE_ROWS, PAD_DIM), jnp.float32),
          pltpu.VMEM((STAGE_ROWS, PAD_DIM), jnp.float32),
          pltpu.VMEM((ROWS_PER_WORKER // 2, PAD_DIM), jnp.float32),
          pltpu.VMEM((ROWS_PER_WORKER,), jnp.float32),
          pltpu.SemaphoreType.DMA,
          pltpu.SemaphoreType.DMA,
          pltpu.SemaphoreType.DMA,
          pltpu.SemaphoreType.DMA,
          pltpu.SemaphoreType.DMA,
      ],
  )
  return run(diagp, idx, q)


def kernel(h, r, t, diag):
  return _dist_mult(h, r, t, diag)

# --- scband reference (transcript-rebuilt; emitter-appended) ---
"""Pipeline reference for scband-dist-mult-42142219108844 (READ-ONLY COPY).

The authoritative reference and input builder live on the scoring server;
editing this copy changes nothing except your own understanding.
"""

import jax, jax.numpy as jnp
import numpy as np

DIM = 64
NUM_RELATIONS = 100000
BATCH = 16384

def setup_inputs(seed: int = 0) -> dict:
    key = jax.random.key(seed)
    k1, k2, k3, k4 = jax.random.split(key, 4)
    h = jax.random.normal(k1, (BATCH, DIM), dtype=jnp.float32)
    t = jax.random.normal(k2, (BATCH, DIM), dtype=jnp.float32)
    r = jax.random.randint(k3, (BATCH,), 0, NUM_RELATIONS, dtype=jnp.int64)
    diag = jax.random.normal(k4, (NUM_RELATIONS, DIM), dtype=jnp.float32)  # init_mean=0.0, init_std=1.0
    return {"h": h, "r": r, "t": t, "diag": diag}

def reference(h, r, t, diag):
    # scores = sum_d h[b,d] * t[b,d] * diag[r[b], d]
    rel = jnp.take(diag, r, axis=0)  # gather: (batch, dim)
    return jnp.sum(h * t * rel, axis=1)  # (batch,)

if __name__ == "__main__":
    import jax
    _d = setup_inputs()
    print(jax.jit(kernel)(*tuple(_d.values())))

</pallas_src>

<mosaic_0001>
#map = affine_map<(d0, d1) -> (0, 0)>
#map1 = affine_map<(d0, d1) -> (0, 0, 0)>
#map2 = affine_map<(d0, d1) -> (0)>
module attributes {stable_mosaic.version = 14 : i64} {
  func.func @_sc_kernel(%arg0: i32, %arg1: i32, %arg2: memref<100000x128xf32, #tpu.memory_space<hbm>>, %arg3: memref<32x4x128xi32, #tpu.memory_space<hbm>>, %arg4: memref<8192x128xf32, #tpu.memory_space<hbm>>, %arg5: memref<16384xf32, #tpu.memory_space<hbm>>, %arg6: memref<4x128xi32, #tpu.memory_space<vmem>>, %arg7: memref<128x128xf32, #tpu.memory_space<vmem>>, %arg8: memref<128x128xf32, #tpu.memory_space<vmem>>, %arg9: memref<128x128xf32, #tpu.memory_space<vmem>>, %arg10: memref<128x128xf32, #tpu.memory_space<vmem>>, %arg11: memref<256x128xf32, #tpu.memory_space<vmem>>, %arg12: memref<512xf32, #tpu.memory_space<vmem>>, %arg13: memref<!tpu.dma_semaphore, #tpu.memory_space<semaphore_mem>>, %arg14: memref<!tpu.dma_semaphore, #tpu.memory_space<semaphore_mem>>, %arg15: memref<!tpu.dma_semaphore, #tpu.memory_space<semaphore_mem>>, %arg16: memref<!tpu.dma_semaphore, #tpu.memory_space<semaphore_mem>>, %arg17: memref<!tpu.dma_semaphore, #tpu.memory_space<semaphore_mem>>) attributes {dimension_semantics = [#tpu.dimension_semantics<core_parallel>, #tpu.dimension_semantics<subcore_parallel>], iteration_bounds = array<i64: 2, 16>, scalar_prefetch = 0 : i64, scratch_operands = 12 : i64, tpu.core_type = #tpu.core_type<sc_vector_subcore>, window_params = [{transform_indices = #map}, {transform_indices = #map1}, {transform_indices = #map}, {transform_indices = #map2}]} {
    %mul3A = arith.constant 2 : i32
    %mul3A_0 = arith.muli %arg1, %mul3A : i32
    %add3A = arith.addi %mul3A_0, %arg0 : i32
    %mul3A_1 = arith.constant 256 : i32
    %mul3A_2 = arith.muli %add3A, %mul3A_1 : i32
    "tpu.region"() ({
      %run_scoped3A = tpu.sem_alloc : memref<!tpu.dma_semaphore, #tpu.memory_space<semaphore_mem>>
      %dma_start3A_86 = arith.constant 0 : i32
      %dma_start3A_87 = arith.constant 0 : i32
      %dma_start3A_88 = tpu.memref_slice %arg3[%add3A, %dma_start3A_86, %dma_start3A_87] : memref<32x4x128xi32, #tpu.memory_space<hbm>> -> memref<1x4x128xi32, #tpu.memory_space<hbm>>
      %dma_start3A_89 = tpu.memref_squeeze %dma_start3A_88 : memref<1x4x128xi32, #tpu.memory_space<hbm>> -> memref<4x128xi32, #tpu.memory_space<hbm>>
      %dma_start3A_90 = arith.constant 0 : i32
      %dma_start3A_91 = arith.constant 0 : i32
      %dma_start3A_92 = tpu.memref_slice %arg3[%add3A, %dma_start3A_90, %dma_start3A_91] : memref<32x4x128xi32, #tpu.memory_space<hbm>> -> memref<1x4x128xi32, #tpu.memory_space<hbm>>
      %dma_start3A_93 = tpu.memref_squeeze %dma_start3A_92 : memref<1x4x128xi32, #tpu.memory_space<hbm>> -> memref<4x128xi32, #tpu.memory_space<hbm>>
      tpu.enqueue_dma source(%dma_start3A_93 : memref<4x128xi32, #tpu.memory_space<hbm>>) target(%arg6 : memref<4x128xi32, #tpu.memory_space<vmem>>) target_semaphore(%run_scoped3A : memref<!tpu.dma_semaphore, #tpu.memory_space<semaphore_mem>>)
      %dma_wait3A_94 = arith.constant 0 : i32
      %dma_wait3A_95 = arith.constant 0 : i32
      %dma_wait3A_96 = tpu.memref_slice %arg3[%add3A, %dma_wait3A_94, %dma_wait3A_95] : memref<32x4x128xi32, #tpu.memory_space<hbm>> -> memref<1x4x128xi32, #tpu.memory_space<hbm>>
      %dma_wait3A_97 = tpu.memref_squeeze %dma_wait3A_96 : memref<1x4x128xi32, #tpu.memory_space<hbm>> -> memref<4x128xi32, #tpu.memory_space<hbm>>
      %dma_wait3A_98 = arith.constant 0 : i32
      %dma_wait3A_99 = arith.constant 0 : i32
      %dma_wait3A_100 = tpu.memref_slice %arg3[%add3A, %dma_wait3A_98, %dma_wait3A_99] : memref<32x4x128xi32, #tpu.memory_space<hbm>> -> memref<1x4x128xi32, #tpu.memory_space<hbm>>
      %dma_wait3A_101 = tpu.memref_squeeze %dma_wait3A_100 : memref<1x4x128xi32, #tpu.memory_space<hbm>> -> memref<4x128xi32, #tpu.memory_space<hbm>>
      tpu.wait_dma2 semaphore(%run_scoped3A : memref<!tpu.dma_semaphore, #tpu.memory_space<semaphore_mem>>) src(%dma_wait3A_101 : memref<4x128xi32, #tpu.memory_space<hbm>>) dst(%arg6 : memref<4x128xi32, #tpu.memory_space<vmem>>)
      tpu.yield
    }) : () -> ()
    %dma_start3A = arith.constant 0 : i32
    %dma_start3A_3 = tpu.memref_slice %arg4[%mul3A_2, %dma_start3A] : memref<8192x128xf32, #tpu.memory_space<hbm>> -> memref<256x128xf32, #tpu.memory_space<hbm>>
    %dma_start3A_4 = arith.constant 0 : i32
    %dma_start3A_5 = tpu.memref_slice %arg4[%mul3A_2, %dma_start3A_4] : memref<8192x128xf32, #tpu.memory_space<hbm>> -> memref<256x128xf32, #tpu.memory_space<hbm>>
    tpu.enqueue_dma source(%dma_start3A_5 : memref<256x128xf32, #tpu.memory_space<hbm>>) target(%arg11 : memref<256x128xf32, #tpu.memory_space<vmem>>) target_semaphore(%arg13 : memref<!tpu.dma_semaphore, #tpu.memory_space<semaphore_mem>>)
    %iota3A = tpu.iota {dimensions = array<i32: 0>} : vector<16xi32>
    %dma_start3A_6 = arith.constant 0 : i32
    %dma_start3A_7 = arith.constant 0 : i32
    %dma_start3A_8 = tpu.memref_slice %arg6[%dma_start3A_6, %dma_start3A_7] : memref<4x128xi32, #tpu.memory_space<vmem>> -> memref<1x128xi32, #tpu.memory_space<vmem>>
    %dma_start3A_9 = tpu.memref_squeeze %dma_start3A_8 : memref<1x128xi32, #tpu.memory_space<vmem>> -> memref<128xi32, #tpu.memory_space<vmem>>
    %dma_start3A_10 = arith.constant 0 : i32
    %dma_start3A_11 = arith.constant 0 : i32
    %dma_start3A_12 = tpu.memref_slice %arg2[%dma_start3A_10, %dma_start3A_11] : memref<100000x128xf32, #tpu.memory_space<hbm>> -> memref<100000x128xf32, #tpu.memory_space<hbm>>
    tpu.enqueue_indirect_dma source(%dma_start3A_12 : memref<100000x128xf32, #tpu.memory_space<hbm>>) target(%arg7 : memref<128x128xf32, #tpu.memory_space<vmem>>) offsets(%dma_start3A_9 : memref<128xi32, #tpu.memory_space<vmem>>) semaphore(%arg14 : memref<!tpu.dma_semaphore, #tpu.memory_space<semaphore_mem>>)
    %dma_start3A_13 = arith.constant 1 : i32
    %dma_start3A_14 = arith.constant 0 : i32
    %dma_start3A_15 = tpu.memref_slice %arg6[%dma_start3A_13, %dma_start3A_14] : memref<4x128xi32, #tpu.memory_space<vmem>> -> memref<1x128xi32, #tpu.memory_space<vmem>>
    %dma_start3A_16 = tpu.memref_squeeze %dma_start3A_15 : memref<1x128xi32, #tpu.memory_space<vmem>> -> memref<128xi32, #tpu.memory_space<vmem>>
    %dma_start3A_17 = arith.constant 0 : i32
    %dma_start3A_18 = arith.constant 0 : i32
    %dma_start3A_19 = tpu.memref_slice %arg2[%dma_start3A_17, %dma_start3A_18] : memref<100000x128xf32, #tpu.memory_space<hbm>> -> memref<100000x128xf32, #tpu.memory_space<hbm>>
    tpu.enqueue_indirect_dma source(%dma_start3A_19 : memref<100000x128xf32, #tpu.memory_space<hbm>>) target(%arg8 : memref<128x128xf32, #tpu.memory_space<vmem>>) offsets(%dma_start3A_16 : memref<128xi32, #tpu.memory_space<vmem>>) semaphore(%arg15 : memref<!tpu.dma_semaphore, #tpu.memory_space<semaphore_mem>>)
    %dma_start3A_20 = arith.constant 2 : i32
    %dma_start3A_21 = arith.constant 0 : i32
    %dma_start3A_22 = tpu.memref_slice %arg6[%dma_start3A_20, %dma_start3A_21] : memref<4x128xi32, #tpu.memory_space<vmem>> -> memref<1x128xi32, #tpu.memory_space<vmem>>
    %dma_start3A_23 = tpu.memref_squeeze %dma_start3A_22 : memref<1x128xi32, #tpu.memory_space<vmem>> -> memref<128xi32, #tpu.memory_space<vmem>>
    %dma_start3A_24 = arith.constant 0 : i32
    %dma_start3A_25 = arith.constant 0 : i32
    %dma_start3A_26 = tpu.memref_slice %arg2[%dma_start3A_24, %dma_start3A_25] : memref<100000x128xf32, #tpu.memory_space<hbm>> -> memref<100000x128xf32, #tpu.memory_space<hbm>>
    tpu.enqueue_indirect_dma source(%dma_start3A_26 : memref<100000x128xf32, #tpu.memory_space<hbm>>) target(%arg9 : memref<128x128xf32, #tpu.memory_space<vmem>>) offsets(%dma_start3A_23 : memref<128xi32, #tpu.memory_space<vmem>>) semaphore(%arg16 : memref<!tpu.dma_semaphore, #tpu.memory_space<semaphore_mem>>)
    %dma_start3A_27 = arith.constant 3 : i32
    %dma_start3A_28 = arith.constant 0 : i32
    %dma_start3A_29 = tpu.memref_slice %arg6[%dma_start3A_27, %dma_start3A_28] : memref<4x128xi32, #tpu.memory_space<vmem>> -> memref<1x128xi32, #tpu.memory_space<vmem>>
    %dma_start3A_30 = tpu.memref_squeeze %dma_start3A_29 : memref<1x128xi32, #tpu.memory_space<vmem>> -> memref<128xi32, #tpu.memory_space<vmem>>
    %dma_start3A_31 = arith.constant 0 : i32
    %dma_start3A_32 = arith.constant 0 : i32
    %dma_start3A_33 = tpu.memref_slice %arg2[%dma_start3A_31, %dma_start3A_32] : memref<100000x128xf32, #tpu.memory_space<hbm>> -> memref<100000x128xf32, #tpu.memory_space<hbm>>
    tpu.enqueue_indirect_dma source(%dma_start3A_33 : memref<100000x128xf32, #tpu.memory_space<hbm>>) target(%arg10 : memref<128x128xf32, #tpu.memory_space<vmem>>) offsets(%dma_start3A_30 : memref<128xi32, #tpu.memory_space<vmem>>) semaphore(%arg17 : memref<!tpu.dma_semaphore, #tpu.memory_space<semaphore_mem>>)
    %dma_wait3A = arith.constant 0 : i32
    %dma_wait3A_34 = tpu.memref_slice %arg4[%mul3A_2, %dma_wait3A] : memref<8192x128xf32, #tpu.memory_space<hbm>> -> memref<256x128xf32, #tpu.memory_space<hbm>>
    %dma_wait3A_35 = arith.constant 0 : i32
    %dma_wait3A_36 = tpu.memref_slice %arg4[%mul3A_2, %dma_wait3A_35] : memref<8192x128xf32, #tpu.memory_space<hbm>> -> memref<256x128xf32, #tpu.memory_space<hbm>>
    tpu.wait_dma2 semaphore(%arg13 : memref<!tpu.dma_semaphore, #tpu.memory_space<semaphore_mem>>) src(%dma_wait3A_36 : memref<256x128xf32, #tpu.memory_space<hbm>>) dst(%arg11 : memref<256x128xf32, #tpu.memory_space<vmem>>)
    %dma_wait3A_37 = arith.constant 0 : i32
    %dma_wait3A_38 = arith.constant 0 : i32
    %dma_wait3A_39 = tpu.memref_slice %arg6[%dma_wait3A_37, %dma_wait3A_38] : memref<4x128xi32, #tpu.memory_space<vmem>> -> memref<1x128xi32, #tpu.memory_space<vmem>>
    %dma_wait3A_40 = tpu.memref_squeeze %dma_wait3A_39 : memref<1x128xi32, #tpu.memory_space<vmem>> -> memref<128xi32, #tpu.memory_space<vmem>>
    %dma_wait3A_41 = arith.constant 0 : i32
    %dma_wait3A_42 = arith.constant 0 : i32
    %dma_wait3A_43 = tpu.memref_slice %arg2[%dma_wait3A_41, %dma_wait3A_42] : memref<100000x128xf32, #tpu.memory_space<hbm>> -> memref<100000x128xf32, #tpu.memory_space<hbm>>
    tpu.wait_indirect_dma semaphore(%arg14 : memref<!tpu.dma_semaphore, #tpu.memory_space<semaphore_mem>>) src(%dma_wait3A_43 : memref<100000x128xf32, #tpu.memory_space<hbm>>) dst(%arg7 : memref<128x128xf32, #tpu.memory_space<vmem>>)
    %scan3A = arith.constant 0 : i32
    %scan3A_44 = arith.constant 8 : i32
    %scan3A_45 = arith.addi %scan3A, %scan3A_44 : i32
    %scan3A_46 = arith.constant 1 : i32
    scf.for %scan3A_86 = %scan3A to %scan3A_45 step %scan3A_46  : i32 {
      %mul3A_87 = arith.constant 1 : i32
      %mul3A_88 = arith.muli %scan3A_86, %mul3A_87 : i32
      %add3A_89 = arith.constant 0 : i32
      %add3A_90 = arith.addi %add3A_89, %mul3A_88 : i32
      %broadcast_in_dim3A = arith.constant 0.000000e+00 : f32
      %broadcast_in_dim3A_91 = vector.broadcast %broadcast_in_dim3A : f32 to vector<16xf32>
      %broadcast_in_dim3A_92 = arith.constant 0.000000e+00 : f32
      %broadcast_in_dim3A_93 = vector.broadcast %broadcast_in_dim3A_92 : f32 to vector<16xf32>
      %mul3A_94 = arith.constant 16 : i32
      %mul3A_95 = arith.muli %add3A_90, %mul3A_94 : i32
      %add3A_96 = arith.constant 0 : i32
      %add3A_97 = arith.addi %mul3A_95, %add3A_96 : i32
      %mul3A_98 = arith.constant 16 : i32
      %mul3A_99 = arith.muli %add3A_90, %mul3A_98 : i32
      %add3A_100 = arith.constant 0 : i32
      %add3A_101 = arith.addi %add3A_100, %mul3A_99 : i32
      %add3A_102 = arith.constant 0 : i32
      %add3A_103 = arith.addi %add3A_101, %add3A_102 : i32
      %get3A = arith.index_cast %add3A_103 : i32 to index
      %get3A_104 = arith.constant 0 : index
      %get3A_105 = tpu.vector_load %arg11[%get3A, %get3A_104] {strides = array<i32>} : memref<256x128xf32, #tpu.memory_space<vmem>>, vector<16xf32>,
      %get3A_106 = arith.index_cast %add3A_97 : i32 to index
      %get3A_107 = arith.constant 0 : index
      %get3A_108 = tpu.vector_load %arg7[%get3A_106, %get3A_107] {strides = array<i32>} : memref<128x128xf32, #tpu.memory_space<vmem>>, vector<16xf32>,
      %mul3A_109 = arith.mulf %get3A_105, %get3A_108 : vector<16xf32>
      %get3A_110 = arith.index_cast %add3A_103 : i32 to index
      %get3A_111 = arith.constant 16 : index
      %get3A_112 = tpu.vector_load %arg11[%get3A_110, %get3A_111] {strides = array<i32>} : memref<256x128xf32, #tpu.memory_space<vmem>>, vector<16xf32>,
      %get3A_113 = arith.index_cast %add3A_97 : i32 to index
      %get3A_114 = arith.constant 16 : index
      %get3A_115 = tpu.vector_load %arg7[%get3A_113, %get3A_114] {strides = array<i32>} : memref<128x128xf32, #tpu.memory_space<vmem>>, vector<16xf32>,
      %mul3A_116 = arith.mulf %get3A_112, %get3A_115 : vector<16xf32>
      %add3A_117 = arith.addf %mul3A_109, %mul3A_116 : vector<16xf32>
      %get3A_118 = arith.index_cast %add3A_103 : i32 to index
      %get3A_119 = arith.constant 32 : index
      %get3A_120 = tpu.vector_load %arg11[%get3A_118, %get3A_119] {strides = array<i32>} : memref<256x128xf32, #tpu.memory_space<vmem>>, vector<16xf32>,
      %get3A_121 = arith.index_cast %add3A_97 : i32 to index
      %get3A_122 = arith.constant 32 : index
      %get3A_123 = tpu.vector_load %arg7[%get3A_121, %get3A_122] {strides = array<i32>} : memref<128x128xf32, #tpu.memory_space<vmem>>, vector<16xf32>,
      %mul3A_124 = arith.mulf %get3A_120, %get3A_123 : vector<16xf32>
      %add3A_125 = arith.addf %add3A_117, %mul3A_124 : vector<16xf32>
      %get3A_126 = arith.index_cast %add3A_103 : i32 to index
      %get3A_127 = arith.constant 48 : index
      %get3A_128 = tpu.vector_load %arg11[%get3A_126, %get3A_127] {strides = array<i32>} : memref<256x128xf32, #tpu.memory_space<vmem>>, vector<16xf32>,
      %get3A_129 = arith.index_cast %add3A_97 : i32 to index
      %get3A_130 = arith.constant 48 : index
      %get3A_131 = tpu.vector_load %arg7[%get3A_129, %get3A_130] {strides = array<i32>} : memref<128x128xf32, #tpu.memory_space<vmem>>, vector<16xf32>,
      %mul3A_132 = arith.mulf %get3A_128, %get3A_131 : vector<16xf32>
      %add3A_133 = arith.addf %add3A_125, %mul3A_132 : vector<16xf32>
      %eq3A = arith.constant 0 : i32
      %eq3A_134 = vector.broadcast %eq3A : i32 to vector<16xi32>
      %eq3A_135 = arith.cmpi eq, %iota3A, %eq3A_134 : vector<16xi32>
      %reduce_sum3A = arith.constant true
      %reduce_sum3A_136 = vector.broadcast %reduce_sum3A : i1 to vector<16xi1>
      %reduce_sum3A_137 = tpu.scan <sum>, %add3A_133 masked %reduce_sum3A_136 : vector<16xf32>, vector<16xi1> -> vector<16xf32>
      %reduce_sum3A_138 = vector.extract %reduce_sum3A_137[15] : f32 from vector<16xf32>
      %broadcast_in_dim3A_139 = vector.broadcast %reduce_sum3A_138 : f32 to vector<16xf32>
      %select_n3A = arith.select %eq3A_135, %broadcast_in_dim3A_139, %broadcast_in_dim3A_91 : vector<16xi1>, vector<16xf32>
      %mul3A_140 = arith.constant 16 : i32
      %mul3A_141 = arith.muli %add3A_90, %mul3A_140 : i32
      %add3A_142 = arith.constant 1 : i32
      %add3A_143 = arith.addi %mul3A_141, %add3A_142 : i32
      %mul3A_144 = arith.constant 16 : i32
      %mul3A_145 = arith.muli %add3A_90, %mul3A_144 : i32
      %add3A_146 = arith.constant 0 : i32
      %add3A_147 = arith.addi %add3A_146, %mul3A_145 : i32
      %add3A_148 = arith.constant 1 : i32
      %add3A_149 = arith.addi %add3A_147, %add3A_148 : i32
      %get3A_150 = arith.index_cast %add3A_149 : i32 to index
      %get3A_151 = arith.constant 0 : index
      %get3A_152 = tpu.vector_load %arg11[%get3A_150, %get3A_151] {strides = array<i32>} : memref<256x128xf32, #tpu.memory_space<vmem>>, vector<16xf32>,
      %get3A_153 = arith.index_cast %add3A_143 : i32 to index
      %get3A_154 = arith.constant 0 : index
      %get3A_155 = tpu.vector_load %arg7[%get3A_153, %get3A_154] {strides = array<i32>} : memref<128x128xf32, #tpu.memory_space<vmem>>, vector<16xf32>,
      %mul3A_156 = arith.mulf %get3A_152, %get3A_155 : vector<16xf32>
      %get3A_157 = arith.index_cast %add3A_149 : i32 to index
      %get3A_158 = arith.constant 16 : index
      %get3A_159 = tpu.vector_load %arg11[%get3A_157, %get3A_158] {strides = array<i32>} : memref<256x128xf32, #tpu.memory_space<vmem>>, vector<16xf32>,
      %get3A_160 = arith.index_cast %add3A_143 : i32 to index
      %get3A_161 = arith.constant 16 : index
      %get3A_162 = tpu.vector_load %arg7[%get3A_160, %get3A_161] {strides = array<i32>} : memref<128x128xf32, #tpu.memory_space<vmem>>, vector<16xf32>,
      %mul3A_163 = arith.mulf %get3A_159, %get3A_162 : vector<16xf32>
      %add3A_164 = arith.addf %mul3A_156, %mul3A_163 : vector<16xf32>
      %get3A_165 = arith.index_cast %add3A_149 : i32 to index
      %get3A_166 = arith.constant 32 : index
      %get3A_167 = tpu.vector_load %arg11[%get3A_165, %get3A_166] {strides = array<i32>} : memref<256x128xf32, #tpu.memory_space<vmem>>, vector<16xf32>,
      %get3A_168 = arith.index_cast %add3A_143 : i32 to index
      %get3A_169 = arith.constant 32 : index
      %get3A_170 = tpu.vector_load %arg7[%get3A_168, %get3A_169] {strides = array<i32>} : memref<128x128xf32, #tpu.memory_space<vmem>>, vector<16xf32>,
      %mul3A_171 = arith.mulf %get3A_167, %get3A_170 : vector<16xf32>
      %add3A_172 = arith.addf %add3A_164, %mul3A_171 : vector<16xf32>
      %get3A_173 = arith.index_cast %add3A_149 : i32 to index
      %get3A_174 = arith.constant 48 : index
      %get3A_175 = tpu.vector_load %arg11[%get3A_173, %get3A_174] {strides = array<i32>} : memref<256x128xf32, #tpu.memory_space<vmem>>, vector<16xf32>,
      %get3A_176 = arith.index_cast %add3A_143 : i32 to index
      %get3A_177 = arith.constant 48 : index
      %get3A_178 = tpu.vector_load %arg7[%get3A_176, %get3A_177] {strides = array<i32>} : memref<128x128xf32, #tpu.memory_space<vmem>>, vector<16xf32>,
      %mul3A_179 = arith.mulf %get3A_175, %get3A_178 : vector<16xf32>
      %add3A_180 = arith.addf %add3A_172, %mul3A_179 : vector<16xf32>
      %eq3A_181 = arith.constant 1 : i32
      %eq3A_182 = vector.broadcast %eq3A_181 : i32 to vector<16xi32>
      %eq3A_183 = arith.cmpi eq, %iota3A, %eq3A_182 : vector<16xi32>
      %reduce_sum3A_184 = arith.constant true
      %reduce_sum3A_185 = vector.broadcast %reduce_sum3A_184 : i1 to vector<16xi1>
      %reduce_sum3A_186 = tpu.scan <sum>, %add3A_180 masked %reduce_sum3A_185 : vector<16xf32>, vector<16xi1> -> vector<16xf32>
      %reduce_sum3A_187 = vector.extract %reduce_sum3A_186[15] : f32 from vector<16xf32>
      %broadcast_in_dim3A_188 = vector.broadcast %reduce_sum3A_187 : f32 to vector<16xf32>
      %select_n3A_189 = arith.select %eq3A_183, %broadcast_in_dim3A_188, %broadcast_in_dim3A_93 : vector<16xi1>, vector<16xf32>
      %mul3A_190 = arith.constant 16 : i32
      %mul3A_191 = arith.muli %add3A_90, %mul3A_190 : i32
      %add3A_192 = arith.constant 2 : i32
      %add3A_193 = arith.addi %mul3A_191, %add3A_192 : i32
      %mul3A_194 = arith.constant 16 : i32
      %mul3A_195 = arith.muli %add3A_90, %mul3A_194 : i32
      %add3A_196 = arith.constant 0 : i32
      %add3A_197 = arith.addi %add3A_196, %mul3A_195 : i32
      %add3A_198 = arith.constant 2 : i32
      %add3A_199 = arith.addi %add3A_197, %add3A_198 : i32
      %get3A_200 = arith.index_cast %add3A_199 : i32 to index
      %get3A_201 = arith.constant 0 : index
      %get3A_202 = tpu.vector_load %arg11[%get3A_200, %get3A_201] {strides = array<i32>} : memref<256x128xf32, #tpu.memory_space<vmem>>, vector<16xf32>,
      %get3A_203 = arith.index_cast %add3A_193 : i32 to index
      %get3A_204 = arith.constant 0 : index
      %get3A_205 = tpu.vector_load %arg7[%get3A_203, %get3A_204] {strides = array<i32>} : memref<128x128xf32, #tpu.memory_space<vmem>>, vector<16xf32>,
      %mul3A_206 = arith.mulf %get3A_202, %get3A_205 : vector<16xf32>
      %get3A_207 = arith.index_cast %add3A_199 : i32 to index
      %get3A_208 = arith.constant 16 : index
      %get3A_209 = tpu.vector_load %arg11[%get3A_207, %get3A_208] {strides = array<i32>} : memref<256x128xf32, #tpu.memory_space<vmem>>, vector<16xf32>,
      %get3A_210 = arith.index_cast %add3A_193 : i32 to index
      %get3A_211 = arith.constant 16 : index
      %get3A_212 = tpu.vector_load %arg7[%get3A_210, %get3A_211] {strides = array<i32>} : memref<128x128xf32, #tpu.memory_space<vmem>>, vector<16xf32>,
      %mul3A_213 = arith.mulf %get3A_209, %get3A_212 : vector<16xf32>
      %add3A_214 = arith.addf %mul3A_206, %mul3A_213 : vector<16xf32>
      %get3A_215 = arith.index_cast %add3A_199 : i32 to index
      %get3A_216 = arith.constant 32 : index
      %get3A_217 = tpu.vector_load %arg11[%get3A_215, %get3A_216] {strides = array<i32>} : memref<256x128xf32, #tpu.memory_space<vmem>>, vector<16xf32>,
      %get3A_218 = arith.index_cast %add3A_193 : i32 to index
      %get3A_219 = arith.constant 32 : index
      %get3A_220 = tpu.vector_load %arg7[%get3A_218, %get3A_219] {strides = array<i32>} : memref<128x128xf32, #tpu.memory_space<vmem>>, vector<16xf32>,
      %mul3A_221 = arith.mulf %get3A_217, %get3A_220 : vector<16xf32>
      %add3A_222 = arith.addf %add3A_214, %mul3A_221 : vector<16xf32>
      %get3A_223 = arith.index_cast %add3A_199 : i32 to index
      %get3A_224 = arith.constant 48 : index
      %get3A_225 = tpu.vector_load %arg11[%get3A_223, %get3A_224] {strides = array<i32>} : memref<256x128xf32, #tpu.memory_space<vmem>>, vector<16xf32>,
      %get3A_226 = arith.index_cast %add3A_193 : i32 to index
      %get3A_227 = arith.constant 48 : index
      %get3A_228 = tpu.vector_load %arg7[%get3A_226, %get3A_227] {strides = array<i32>} : memref<128x128xf32, #tpu.memory_space<vmem>>, vector<16xf32>,
      %mul3A_229 = arith.mulf %get3A_225, %get3A_228 : vector<16xf32>
      %add3A_230 = arith.addf %add3A_222, %mul3A_229 : vector<16xf32>
      %eq3A_231 = arith.constant 2 : i32
      %eq3A_232 = vector.broadcast %eq3A_231 : i32 to vector<16xi32>
      %eq3A_233 = arith.cmpi eq, %iota3A, %eq3A_232 : vector<16xi32>
      %reduce_sum3A_234 = arith.constant true
      %reduce_sum3A_235 = vector.broadcast %reduce_sum3A_234 : i1 to vector<16xi1>
      %reduce_sum3A_236 = tpu.scan <sum>, %add3A_230 masked %reduce_sum3A_235 : vector<16xf32>, vector<16xi1> -> vector<16xf32>
      %reduce_sum3A_237 = vector.extract %reduce_sum3A_236[15] : f32 from vector<16xf32>
      %broadcast_in_dim3A_238 = vector.broadcast %reduce_sum3A_237 : f32 to vector<16xf32>
      %select_n3A_239 = arith.select %eq3A_233, %broadcast_in_dim3A_238, %select_n3A : vector<16xi1>, vector<16xf32>
      %mul3A_240 = arith.constant 16 : i32
      %mul3A_241 = arith.muli %add3A_90, %mul3A_240 : i32
      %add3A_242 = arith.constant 3 : i32
      %add3A_243 = arith.addi %mul3A_241, %add3A_242 : i32
      %mul3A_244 = arith.constant 16 : i32
      %mul3A_245 = arith.muli %add3A_90, %mul3A_244 : i32
      %add3A_246 = arith.constant 0 : i32
      %add3A_247 = arith.addi %add3A_246, %mul3A_245 : i32
      %add3A_248 = arith.constant 3 : i32
      %add3A_249 = arith.addi %add3A_247, %add3A_248 : i32
      %get3A_250 = arith.index_cast %add3A_249 : i32 to index
      %get3A_251 = arith.constant 0 : index
      %get3A_252 = tpu.vector_load %arg11[%get3A_250, %get3A_251] {strides = array<i32>} : memref<256x128xf32, #tpu.memory_space<vmem>>, vector<16xf32>,
      %get3A_253 = arith.index_cast %add3A_243 : i32 to index
      %get3A_254 = arith.constant 0 : index
      %get3A_255 = tpu.vector_load %arg7[%get3A_253, %get3A_254] {strides = array<i32>} : memref<128x128xf32, #tpu.memory_space<vmem>>, vector<16xf32>,
      %mul3A_256 = arith.mulf %get3A_252, %get3A_255 : vector<16xf32>
      %get3A_257 = arith.index_cast %add3A_249 : i32 to index
      %get3A_258 = arith.constant 16 : index
      %get3A_259 = tpu.vector_load %arg11[%get3A_257, %get3A_258] {strides = array<i32>} : memref<256x128xf32, #tpu.memory_space<vmem>>, vector<16xf32>,
      %get3A_260 = arith.index_cast %add3A_243 : i32 to index
      %get3A_261 = arith.constant 16 : index
      %get3A_262 = tpu.vector_load %arg7[%get3A_260, %get3A_261] {strides = array<i32>} : memref<128x128xf32, #tpu.memory_space<vmem>>, vector<16xf32>,
      %mul3A_263 = arith.mulf %get3A_259, %get3A_262 : vector<16xf32>
      %add3A_264 = arith.addf %mul3A_256, %mul3A_263 : vector<16xf32>
      %get3A_265 = arith.index_cast %add3A_249 : i32 to index
      %get3A_266 = arith.constant 32 : index
      %get3A_267 = tpu.vector_load %arg11[%get3A_265, %get3A_266] {strides = array<i32>} : memref<256x128xf32, #tpu.memory_space<vmem>>, vector<16xf32>,
      %get3A_268 = arith.index_cast %add3A_243 : i32 to index
      %get3A_269 = arith.constant 32 : index
      %get3A_270 = tpu.vector_load %arg7[%get3A_268, %get3A_269] {strides = array<i32>} : memref<128x128xf32, #tpu.memory_space<vmem>>, vector<16xf32>,
      %mul3A_271 = arith.mulf %get3A_267, %get3A_270 : vector<16xf32>
      %add3A_272 = arith.addf %add3A_264, %mul3A_271 : vector<16xf32>
      %get3A_273 = arith.index_cast %add3A_249 : i32 to index
      %get3A_274 = arith.constant 48 : index
      %get3A_275 = tpu.vector_load %arg11[%get3A_273, %get3A_274] {strides = array<i32>} : memref<256x128xf32, #tpu.memory_space<vmem>>, vector<16xf32>,
      %get3A_276 = arith.index_cast %add3A_243 : i32 to index
      %get3A_277 = arith.constant 48 : index
      %get3A_278 = tpu.vector_load %arg7[%get3A_276, %get3A_277] {strides = array<i32>} : memref<128x128xf32, #tpu.memory_space<vmem>>, vector<16xf32>,
      %mul3A_279 = arith.mulf %get3A_275, %get3A_278 : vector<16xf32>
      %add3A_280 = arith.addf %add3A_272, %mul3A_279 : vector<16xf32>
      %eq3A_281 = arith.constant 3 : i32
      %eq3A_282 = vector.broadcast %eq3A_281 : i32 to vector<16xi32>
      %eq3A_283 = arith.cmpi eq, %iota3A, %eq3A_282 : vector<16xi32>
      %reduce_sum3A_284 = arith.constant true
      %reduce_sum3A_285 = vector.broadcast %reduce_sum3A_284 : i1 to vector<16xi1>
      %reduce_sum3A_286 = tpu.scan <sum>, %add3A_280 masked %reduce_sum3A_285 : vector<16xf32>, vector<16xi1> -> vector<16xf32>
      %reduce_sum3A_287 = vector.extract %reduce_sum3A_286[15] : f32 from vector<16xf32>
      %broadcast_in_dim3A_288 = vector.broadcast %reduce_sum3A_287 : f32 to vector<16xf32>
      %select_n3A_289 = arith.select %eq3A_283, %broadcast_in_dim3A_288, %select_n3A_189 : vector<16xi1>, vector<16xf32>
      %mul3A_290 = arith.constant 16 : i32
      %mul3A_291 = arith.muli %add3A_90, %mul3A_290 : i32
      %add3A_292 = arith.constant 4 : i32
      %add3A_293 = arith.addi %mul3A_291, %add3A_292 : i32
      %mul3A_294 = arith.constant 16 : i32
      %mul3A_295 = arith.muli %add3A_90, %mul3A_294 : i32
      %add3A_296 = arith.constant 0 : i32
      %add3A_297 = arith.addi %add3A_296, %mul3A_295 : i32
      %add3A_298 = arith.constant 4 : i32
      %add3A_299 = arith.addi %add3A_297, %add3A_298 : i32
      %get3A_300 = arith.index_cast %add3A_299 : i32 to index
      %get3A_301 = arith.constant 0 : index
      %get3A_302 = tpu.vector_load %arg11[%get3A_300, %get3A_301] {strides = array<i32>} : memref<256x128xf32, #tpu.memory_space<vmem>>, vector<16xf32>,
      %get3A_303 = arith.index_cast %add3A_293 : i32 to index
      %get3A_304 = arith.constant 0 : index
      %get3A_305 = tpu.vector_load %arg7[%get3A_303, %get3A_304] {strides = array<i32>} : memref<128x128xf32, #tpu.memory_space<vmem>>, vector<16xf32>,
      %mul3A_306 = arith.mulf %get3A_302, %get3A_305 : vector<16xf32>
      %get3A_307 = arith.index_cast %add3A_299 : i32 to index
      %get3A_308 = arith.constant 16 : index
      %get3A_309 = tpu.vector_load %arg11[%get3A_307, %get3A_308] {strides = array<i32>} : memref<256x128xf32, #tpu.memory_space<vmem>>, vector<16xf32>,
      %get3A_310 = arith.index_cast %add3A_293 : i32 to index
      %get3A_311 = arith.constant 16 : index
      %get3A_312 = tpu.vector_load %arg7[%get3A_310, %get3A_311] {strides = array<i32>} : memref<128x128xf32, #tpu.memory_space<vmem>>, vector<16xf32>,
      %mul3A_313 = arith.mulf %get3A_309, %get3A_312 : vector<16xf32>
      %add3A_314 = arith.addf %mul3A_306, %mul3A_313 : vector<16xf32>
      %get3A_315 = arith.index_cast %add3A_299 : i32 to index
      %get3A_316 = arith.constant 32 : index
      %get3A_317 = tpu.vector_load %arg11[%get3A_315, %get3A_316] {strides = array<i32>} : memref<256x128xf32, #tpu.memory_space<vmem>>, vector<16xf32>,
      %get3A_318 = arith.index_cast %add3A_293 : i32 to index
      %get3A_319 = arith.constant 32 : index
      %get3A_320 = tpu.vector_load %arg7[%get3A_318, %get3A_319] {strides = array<i32>} : memref<128x128xf32, #tpu.memory_space<vmem>>, vector<16xf32>,
      %mul3A_321 = arith.mulf %get3A_317, %get3A_320 : vector<16xf32>
      %add3A_322 = arith.addf %add3A_314, %mul3A_321 : vector<16xf32>
      %get3A_323 = arith.index_cast %add3A_299 : i32 to index
      %get3A_324 = arith.constant 48 : index
      %get3A_325 = tpu.vector_load %arg11[%get3A_323, %get3A_324] {strides = array<i32>} : memref<256x128xf32, #tpu.memory_space<vmem>>, vector<16xf32>,
      %get3A_326 = arith.index_cast %add3A_293 : i32 to index
      %get3A_327 = arith.constant 48 : index
      %get3A_328 = tpu.vector_load %arg7[%get3A_326, %get3A_327] {strides = array<i32>} : memref<128x128xf32, #tpu.memory_space<vmem>>, vector<16xf32>,
      %mul3A_329 = arith.mulf %get3A_325, %get3A_328 : vector<16xf32>
      %add3A_330 = arith.addf %add3A_322, %mul3A_329 : vector<16xf32>
      %eq3A_331 = arith.constant 4 : i32
      %eq3A_332 = vector.broadcast %eq3A_331 : i32 to vector<16xi32>
      %eq3A_333 = arith.cmpi eq, %iota3A, %eq3A_332 : vector<16xi32>
      %reduce_sum3A_334 = arith.constant true
      %reduce_sum3A_335 = vector.broadcast %reduce_sum3A_334 : i1 to vector<16xi1>
      %reduce_sum3A_336 = tpu.scan <sum>, %add3A_330 masked %reduce_sum3A_335 : vector<16xf32>, vector<16xi1> -> vector<16xf32>
      %reduce_sum3A_337 = vector.extract %reduce_sum3A_336[15] : f32 from vector<16xf32>
      %broadcast_in_dim3A_338 = vector.broadcast %reduce_sum3A_337 : f32 to vector<16xf32>
      %select_n3A_339 = arith.select %eq3A_333, %broadcast_in_dim3A_338, %select_n3A_239 : vector<16xi1>, vector<16xf32>
      %mul3A_340 = arith.constant 16 : i32
      %mul3A_341 = arith.muli %add3A_90, %mul3A_340 : i32
      %add3A_342 = arith.constant 5 : i32
      %add3A_343 = arith.addi %mul3A_341, %add3A_342 : i32
      %mul3A_344 = arith.constant 16 : i32
      %mul3A_345 = arith.muli %add3A_90, %mul3A_344 : i32
      %add3A_346 = arith.constant 0 : i32
      %add3A_347 = arith.addi %add3A_346, %mul3A_345 : i32
      %add3A_348 = arith.constant 5 : i32
      %add3A_349 = arith.addi %add3A_347, %add3A_348 : i32
      %get3A_350 = arith.index_cast %add3A_349 : i32 to index
      %get3A_351 = arith.constant 0 : index
      %get3A_352 = tpu.vector_load %arg11[%get3A_350, %get3A_351] {strides = array<i32>} : memref<256x128xf32, #tpu.memory_space<vmem>>, vector<16xf32>,
      %get3A_353 = arith.index_cast %add3A_343 : i32 to index
      %get3A_354 = arith.constant 0 : index
      %get3A_355 = tpu.vector_load %arg7[%get3A_353, %get3A_354] {strides = array<i32>} : memref<128x128xf32, #tpu.memory_space<vmem>>, vector<16xf32>,
      %mul3A_356 = arith.mulf %get3A_352, %get3A_355 : vector<16xf32>
      %get3A_357 = arith.index_cast %add3A_349 : i32 to index
      %get3A_358 = arith.constant 16 : index
      %get3A_359 = tpu.vector_load %arg11[%get3A_357, %get3A_358] {strides = array<i32>} : memref<256x128xf32, #tpu.memory_space<vmem>>, vector<16xf32>,
      %get3A_360 = arith.index_cast %add3A_343 : i32 to index
      %get3A_361 = arith.constant 16 : index
      %get3A_362 = tpu.vector_load %arg7[%get3A_360, %get3A_361] {strides = array<i32>} : memref<128x128xf32, #tpu.memory_space<vmem>>, vector<16xf32>,
      %mul3A_363 = arith.mulf %get3A_359, %get3A_362 : vector<16xf32>
      %add3A_364 = arith.addf %mul3A_356, %mul3A_363 : vector<16xf32>
      %get3A_365 = arith.index_cast %add3A_349 : i32 to index
      %get3A_366 = arith.constant 32 : index
      %get3A_367 = tpu.vector_load %arg11[%get3A_365, %get3A_366] {strides = array<i32>} : memref<256x128xf32, #tpu.memory_space<vmem>>, vector<16xf32>,
      %get3A_368 = arith.index_cast %add3A_343 : i32 to index
      %get3A_369 = arith.constant 32 : index
      %get3A_370 = tpu.vector_load %arg7[%get3A_368, %get3A_369] {strides = array<i32>} : memref<128x128xf32, #tpu.memory_space<vmem>>, vector<16xf32>,
      %mul3A_371 = arith.mulf %get3A_367, %get3A_370 : vector<16xf32>
      %add3A_372 = arith.addf %add3A_364, %mul3A_371 : vector<16xf32>
      %get3A_373 = arith.index_cast %add3A_349 : i32 to index
      %get3A_374 = arith.constant 48 : index
      %get3A_375 = tpu.vector_load %arg11[%get3A_373, %get3A_374] {strides = array<i32>} : memref<256x128xf32, #tpu.memory_space<vmem>>, vector<16xf32>,
      %get3A_376 = arith.index_cast %add3A_343 : i32 to index
      %get3A_377 = arith.constant 48 : index
      %get3A_378 = tpu.vector_load %arg7[%get3A_376, %get3A_377] {strides = array<i32>} : memref<128x128xf32, #tpu.memory_space<vmem>>, vector<16xf32>,
      %mul3A_379 = arith.mulf %get3A_375, %get3A_378 : vector<16xf32>
      %add3A_380 = arith.addf %add3A_372, %mul3A_379 : vector<16xf32>
      %eq3A_381 = arith.constant 5 : i32
      %eq3A_382 = vector.broadcast %eq3A_381 : i32 to vector<16xi32>
      %eq3A_383 = arith.cmpi eq, %iota3A, %eq3A_382 : vector<16xi32>
      %reduce_sum3A_384 = arith.constant true
      %reduce_sum3A_385 = vector.broadcast %reduce_sum3A_384 : i1 to vector<16xi1>
      %reduce_sum3A_386 = tpu.scan <sum>, %add3A_380 masked %reduce_sum3A_385 : vector<16xf32>, vector<16xi1> -> vector<16xf32>
      %reduce_sum3A_387 = vector.extract %reduce_sum3A_386[15] : f32 from vector<16xf32>
      %broadcast_in_dim3A_388 = vector.broadcast %reduce_sum3A_387 : f32 to vector<16xf32>
      %select_n3A_389 = arith.select %eq3A_383, %broadcast_in_dim3A_388, %select_n3A_289 : vector<16xi1>, vector<16xf32>
      %mul3A_390 = arith.constant 16 : i32
      %mul3A_391 = arith.muli %add3A_90, %mul3A_390 : i32
      %add3A_392 = arith.constant 6 : i32
      %add3A_393 = arith.addi %mul3A_391, %add3A_392 : i32
      %mul3A_394 = arith.constant 16 : i32
      %mul3A_395 = arith.muli %add3A_90, %mul3A_394 : i32
      %add3A_396 = arith.constant 0 : i32
      %add3A_397 = arith.addi %add3A_396, %mul3A_395 : i32
      %add3A_398 = arith.constant 6 : i32
      %add3A_399 = arith.addi %add3A_397, %add3A_398 : i32
      %get3A_400 = arith.index_cast %add3A_399 : i32 to index
      %get3A_401 = arith.constant 0 : index
      %get3A_402 = tpu.vector_load %arg11[%get3A_400, %get3A_401] {strides = array<i32>} : memref<256x128xf32, #tpu.memory_space<vmem>>, vector<16xf32>,
      %get3A_403 = arith.index_cast %add3A_393 : i32 to index
      %get3A_404 = arith.constant 0 : index
      %get3A_405 = tpu.vector_load %arg7[%get3A_403, %get3A_404] {strides = array<i32>} : memref<128x128xf32, #tpu.memory_space<vmem>>, vector<16xf32>,
      %mul3A_406 = arith.mulf %get3A_402, %get3A_405 : vector<16xf32>
      %get3A_407 = arith.index_cast %add3A_399 : i32 to index
      %get3A_408 = arith.constant 16 : index
      %get3A_409 = tpu.vector_load %arg11[%get3A_407, %get3A_408] {strides = array<i32>} : memref<256x128xf32, #tpu.memory_space<vmem>>, vector<16xf32>,
      %get3A_410 = arith.index_cast %add3A_393 : i32 to index
      %get3A_411 = arith.constant 16 : index
      %get3A_412 = tpu.vector_load %arg7[%get3A_410, %get3A_411] {strides = array<i32>} : memref<128x128xf32, #tpu.memory_space<vmem>>, vector<16xf32>,
      %mul3A_413 = arith.mulf %get3A_409, %get3A_412 : vector<16xf32>
      %add3A_414 = arith.addf %mul3A_406, %mul3A_413 : vector<16xf32>
      %get3A_415 = arith.index_cast %add3A_399 : i32 to index
      %get3A_416 = arith.constant 32 : index
      %get3A_417 = tpu.vector_load %arg11[%get3A_415, %get3A_416] {strides = array<i32>} : memref<256x128xf32, #tpu.memory_space<vmem>>, vector<16xf32>,
      %get3A_418 = arith.index_cast %add3A_393 : i32 to index
      %get3A_419 = arith.constant 32 : index
      %get3A_420 = tpu.vector_load %arg7[%get3A_418, %get3A_419] {strides = array<i32>} : memref<128x128xf32, #tpu.memory_space<vmem>>, vector<16xf32>,
      %mul3A_421 = arith.mulf %get3A_417, %get3A_420 : vector<16xf32>
      %add3A_422 = arith.addf %add3A_414, %mul3A_421 : vector<16xf32>
      %get3A_423 = arith.index_cast %add3A_399 : i32 to index
      %get3A_424 = arith.constant 48 : index
      %get3A_425 = tpu.vector_load %arg11[%get3A_423, %get3A_424] {strides = array<i32>} : memref<256x128xf32, #tpu.memory_space<vmem>>, vector<16xf32>,
      %get3A_426 = arith.index_cast %add3A_393 : i32 to index
      %get3A_427 = arith.constant 48 : index
      %get3A_428 = tpu.vector_load %arg7[%get3A_426, %get3A_427] {strides = array<i32>} : memref<128x128xf32, #tpu.memory_space<vmem>>, vector<16xf32>,
      %mul3A_429 = arith.mulf %get3A_425, %get3A_428 : vector<16xf32>
      %add3A_430 = arith.addf %add3A_422, %mul3A_429 : vector<16xf32>
      %eq3A_431 = arith.constant 6 : i32
      %eq3A_432 = vector.broadcast %eq3A_431 : i32 to vector<16xi32>
      %eq3A_433 = arith.cmpi eq, %iota3A, %eq3A_432 : vector<16xi32>
      %reduce_sum3A_434 = arith.constant true
      %reduce_sum3A_435 = vector.broadcast %reduce_sum3A_434 : i1 to vector<16xi1>
      %reduce_sum3A_436 = tpu.scan <sum>, %add3A_430 masked %reduce_sum3A_435 : vector<16xf32>, vector<16xi1> -> vector<16xf32>
      %reduce_sum3A_437 = vector.extract %reduce_sum3A_436[15] : f32 from vector<16xf32>
      %broadcast_in_dim3A_438 = vector.broadcast %reduce_sum3A_437 : f32 to vector<16xf32>
      %select_n3A_439 = arith.select %eq3A_433, %broadcast_in_dim3A_438, %select_n3A_339 : vector<16xi1>, vector<16xf32>
      %mul3A_440 = arith.constant 16 : i32
      %mul3A_441 = arith.muli %add3A_90, %mul3A_440 : i32
      %add3A_442 = arith.constant 7 : i32
      %add3A_443 = arith.addi %mul3A_441, %add3A_442 : i32
      %mul3A_444 = arith.constant 16 : i32
      %mul3A_445 = arith.muli %add3A_90, %mul3A_444 : i32
      %add3A_446 = arith.constant 0 : i32
      %add3A_447 = arith.addi %add3A_446, %mul3A_445 : i32
      %add3A_448 = arith.constant 7 : i32
      %add3A_449 = arith.addi %add3A_447, %add3A_448 : i32
      %get3A_450 = arith.index_cast %add3A_449 : i32 to index
      %get3A_451 = arith.constant 0 : index
      %get3A_452 = tpu.vector_load %arg11[%get3A_450, %get3A_451] {strides = array<i32>} : memref<256x128xf32, #tpu.memory_space<vmem>>, vector<16xf32>,
      %get3A_453 = arith.index_cast %add3A_443 : i32 to index
      %get3A_454 = arith.constant 0 : index
      %get3A_455 = tpu.vector_load %arg7[%get3A_453, %get3A_454] {strides = array<i32>} : memref<128x128xf32, #tpu.memory_space<vmem>>, vector<16xf32>,
      %mul3A_456 = arith.mulf %get3A_452, %get3A_455 : vector<16xf32>
      %get3A_457 = arith.index_cast %add3A_449 : i32 to index
      %get3A_458 = arith.constant 16 : index
      %get3A_459 = tpu.vector_load %arg11[%get3A_457, %get3A_458] {strides = array<i32>} : memref<256x128xf32, #tpu.memory_space<vmem>>, vector<16xf32>,
      %get3A_460 = arith.index_cast %add3A_443 : i32 to index
      %get3A_461 = arith.constant 16 : index
      %get3A_462 = tpu.vector_load %arg7[%get3A_460, %get3A_461] {strides = array<i32>} : memref<128x128xf32, #tpu.memory_space<vmem>>, vector<16xf32>,
      %mul3A_463 = arith.mulf %get3A_459, %get3A_462 : vector<16xf32>
      %add3A_464 = arith.addf %mul3A_456, %mul3A_463 : vector<16xf32>
      %get3A_465 = arith.index_cast %add3A_449 : i32 to index
      %get3A_466 = arith.constant 32 : index
      %get3A_467 = tpu.vector_load %arg11[%get3A_465, %get3A_466] {strides = array<i32>} : memref<256x128xf32, #tpu.memory_space<vmem>>, vector<16xf32>,
      %get3A_468 = arith.index_cast %add3A_443 : i32 to index
      %get3A_469 = arith.constant 32 : index
      %get3A_470 = tpu.vector_load %arg7[%get3A_468, %get3A_469] {strides = array<i32>} : memref<128x128xf32, #tpu.memory_space<vmem>>, vector<16xf32>,
      %mul3A_471 = arith.mulf %get3A_467, %get3A_470 : vector<16xf32>
      %add3A_472 = arith.addf %add3A_464, %mul3A_471 : vector<16xf32>
      %get3A_473 = arith.index_cast %add3A_449 : i32 to index
      %get3A_474 = arith.constant 48 : index
      %get3A_475 = tpu.vector_load %arg11[%get3A_473, %get3A_474] {strides = array<i32>} : memref<256x128xf32, #tpu.memory_space<vmem>>, vector<16xf32>,
      %get3A_476 = arith.index_cast %add3A_443 : i32 to index
      %get3A_477 = arith.constant 48 : index
      %get3A_478 = tpu.vector_load %arg7[%get3A_476, %get3A_477] {strides = array<i32>} : memref<128x128xf32, #tpu.memory_space<vmem>>, vector<16xf32>,
      %mul3A_479 = arith.mulf %get3A_475, %get3A_478 : vector<16xf32>
      %add3A_480 = arith.addf %add3A_472, %mul3A_479 : vector<16xf32>
      %eq3A_481 = arith.constant 7 : i32
      %eq3A_482 = vector.broadcast %eq3A_481 : i32 to vector<16xi32>
      %eq3A_483 = arith.cmpi eq, %iota3A, %eq3A_482 : vector<16xi32>
      %reduce_sum3A_484 = arith.constant true
      %reduce_sum3A_485 = vector.broadcast %reduce_sum3A_484 : i1 to vector<16xi1>
      %reduce_sum3A_486 = tpu.scan <sum>, %add3A_480 masked %reduce_sum3A_485 : vector<16xf32>, vector<16xi1> -> vector<16xf32>
      %reduce_sum3A_487 = vector.extract %reduce_sum3A_486[15] : f32 from vector<16xf32>
      %broadcast_in_dim3A_488 = vector.broadcast %reduce_sum3A_487 : f32 to vector<16xf32>
      %select_n3A_489 = arith.select %eq3A_483, %broadcast_in_dim3A_488, %select_n3A_389 : vector<16xi1>, vector<16xf32>
      %mul3A_490 = arith.constant 16 : i32
      %mul3A_491 = arith.muli %add3A_90, %mul3A_490 : i32
      %add3A_492 = arith.constant 8 : i32
      %add3A_493 = arith.addi %mul3A_491, %add3A_492 : i32
      %mul3A_494 = arith.constant 16 : i32
      %mul3A_495 = arith.muli %add3A_90, %mul3A_494 : i32
      %add3A_496 = arith.constant 0 : i32
      %add3A_497 = arith.addi %add3A_496, %mul3A_495 : i32
      %add3A_498 = arith.constant 8 : i32
      %add3A_499 = arith.addi %add3A_497, %add3A_498 : i32
      %get3A_500 = arith.index_cast %add3A_499 : i32 to index
      %get3A_501 = arith.constant 0 : index
      %get3A_502 = tpu.vector_load %arg11[%get3A_500, %get3A_501] {strides = array<i32>} : memref<256x128xf32, #tpu.memory_space<vmem>>, vector<16xf32>,
      %get3A_503 = arith.index_cast %add3A_493 : i32 to index
      %get3A_504 = arith.constant 0 : index
      %get3A_505 = tpu.vector_load %arg7[%get3A_503, %get3A_504] {strides = array<i32>} : memref<128x128xf32, #tpu.memory_space<vmem>>, vector<16xf32>,
      %mul3A_506 = arith.mulf %get3A_502, %get3A_505 : vector<16xf32>
      %get3A_507 = arith.index_cast %add3A_499 : i32 to index
      %get3A_508 = arith.constant 16 : index
      %get3A_509 = tpu.vector_load %arg11[%get3A_507, %get3A_508] {strides = array<i32>} : memref<256x128xf32, #tpu.memory_space<vmem>>, vector<16xf32>,
      %get3A_510 = arith.index_cast %add3A_493 : i32 to index
      %get3A_511 = arith.constant 16 : index
      %get3A_512 = tpu.vector_load %arg7[%get3A_510, %get3A_511] {strides = array<i32>} : memref<128x128xf32, #tpu.memory_space<vmem>>, vector<16xf32>,
      %mul3A_513 = arith.mulf %get3A_509, %get3A_512 : vector<16xf32>
      %add3A_514 = arith.addf %mul3A_506, %mul3A_513 : vector<16xf32>
      %get3A_515 = arith.index_cast %add3A_499 : i32 to index
      %get3A_516 = arith.constant 32 : index
      %get3A_517 = tpu.vector_load %arg11[%get3A_515, %get3A_516] {strides = array<i32>} : memref<256x128xf32, #tpu.memory_space<vmem>>, vector<16xf32>,
      %get3A_518 = arith.index_cast %add3A_493 : i32 to index
      %get3A_519 = arith.constant 32 : index
      %get3A_520 = tpu.vector_load %arg7[%get3A_518, %get3A_519] {strides = array<i32>} : memref<128x128xf32, #tpu.memory_space<vmem>>, vector<16xf32>,
      %mul3A_521 = arith.mulf %get3A_517, %get3A_520 : vector<16xf32>
      %add3A_522 = arith.addf %add3A_514, %mul3A_521 : vector<16xf32>
      %get3A_523 = arith.index_cast %add3A_499 : i32 to index
      %get3A_524 = arith.constant 48 : index
      %get3A_525 = tpu.vector_load %arg11[%get3A_523, %get3A_524] {strides = array<i32>} : memref<256x128xf32, #tpu.memory_space<vmem>>, vector<16xf32>,
      %get3A_526 = arith.index_cast %add3A_493 : i32 to index
      %get3A_527 = arith.constant 48 : index
      %get3A_528 = tpu.vector_load %arg7[%get3A_526, %get3A_527] {strides = array<i32>} : memref<128x128xf32, #tpu.memory_space<vmem>>, vector<16xf32>,
      %mul3A_529 = arith.mulf %get3A_525, %get3A_528 : vector<16xf32>
      %add3A_530 = arith.addf %add3A_522, %mul3A_529 : vector<16xf32>
      %eq3A_531 = arith.constant 8 : i32
      %eq3A_532 = vector.broadcast %eq3A_531 : i32 to vector<16xi32>
      %eq3A_533 = arith.cmpi eq, %iota3A, %eq3A_532 : vector<16xi32>
      %reduce_sum3A_534 = arith.constant true
      %reduce_sum3A_535 = vector.broadcast %reduce_sum3A_534 : i1 to vector<16xi1>
      %reduce_sum3A_536 = tpu.scan <sum>, %add3A_530 masked %reduce_sum3A_535 : vector<16xf32>, vector<16xi1> -> vector<16xf32>
      %reduce_sum3A_537 = vector.extract %reduce_sum3A_536[15] : f32 from vector<16xf32>
      %broadcast_in_dim3A_538 = vector.broadcast %reduce_sum3A_537 : f32 to vector<16xf32>
      %select_n3A_539 = arith.select %eq3A_533, %broadcast_in_dim3A_538, %select_n3A_439 : vector<16xi1>, vector<16xf32>
      %mul3A_540 = arith.constant 16 : i32
      %mul3A_541 = arith.muli %add3A_90, %mul3A_540 : i32
      %add3A_542 = arith.constant 9 : i32
      %add3A_543 = arith.addi %mul3A_541, %add3A_542 : i32
      %mul3A_544 = arith.constant 16 : i32
      %mul3A_545 = arith.muli %add3A_90, %mul3A_544 : i32
      %add3A_546 = arith.constant 0 : i32
      %add3A_547 = arith.addi %add3A_546, %mul3A_545 : i32
      %add3A_548 = arith.constant 9 : i32
      %add3A_549 = arith.addi %add3A_547, %add3A_548 : i32
      %get3A_550 = arith.index_cast %add3A_549 : i32 to index
      %get3A_551 = arith.constant 0 : index
      %get3A_552 = tpu.vector_load %arg11[%get3A_550, %get3A_551] {strides = array<i32>} : memref<256x128xf32, #tpu.memory_space<vmem>>, vector<16xf32>,
      %get3A_553 = arith.index_cast %add3A_543 : i32 to index
      %get3A_554 = arith.constant 0 : index
      %get3A_555 = tpu.vector_load %arg7[%get3A_553, %get3A_554] {strides = array<i32>} : memref<128x128xf32, #tpu.memory_space<vmem>>, vector<16xf32>,
      %mul3A_556 = arith.mulf %get3A_552, %get3A_555 : vector<16xf32>
      %get3A_557 = arith.index_cast %add3A_549 : i32 to index
      %get3A_558 = arith.constant 16 : index
      %get3A_559 = tpu.vector_load %arg11[%get3A_557, %get3A_558] {strides = array<i32>} : memref<256x128xf32, #tpu.memory_space<vmem>>, vector<16xf32>,
      %get3A_560 = arith.index_cast %add3A_543 : i32 to index
      %get3A_561 = arith.constant 16 : index
      %get3A_562 = tpu.vector_load %arg7[%get3A_560, %get3A_561] {strides = array<i32>} : memref<128x128xf32, #tpu.memory_space<vmem>>, vector<16xf32>,
      %mul3A_563 = arith.mulf %get3A_559, %get3A_562 : vector<16xf32>
      %add3A_564 = arith.addf %mul3A_556, %mul3A_563 : vector<16xf32>
      %get3A_565 = arith.index_cast %add3A_549 : i32 to index
      %get3A_566 = arith.constant 32 : index
      %get3A_567 = tpu.vector_load %arg11[%get3A_565, %get3A_566] {strides = array<i32>} : memref<256x128xf32, #tpu.memory_space<vmem>>, vector<16xf32>,
      %get3A_568 = arith.index_cast %add3A_543 : i32 to index
      %get3A_569 = arith.constant 32 : index
      %get3A_570 = tpu.vector_load %arg7[%get3A_568, %get3A_569] {strides = array<i32>} : memref<128x128xf32, #tpu.memory_space<vmem>>, vector<16xf32>,
      %mul3A_571 = arith.mulf %get3A_567, %get3A_570 : vector<16xf32>
      %add3A_572 = arith.addf %add3A_564, %mul3A_571 : vector<16xf32>
      %get3A_573 = arith.index_cast %add3A_549 : i32 to index
      %get3A_574 = arith.constant 48 : index
      %get3A_575 = tpu.vector_load %arg11[%get3A_573, %get3A_574] {strides = array<i32>} : memref<256x128xf32, #tpu.memory_space<vmem>>, vector<16xf32>,
      %get3A_576 = arith.index_cast %add3A_543 : i32 to index
      %get3A_577 = arith.constant 48 : index
      %get3A_578 = tpu.vector_load %arg7[%get3A_576, %get3A_577] {strides = array<i32>} : memref<128x128xf32, #tpu.memory_space<vmem>>, vector<16xf32>,
      %mul3A_579 = arith.mulf %get3A_575, %get3A_578 : vector<16xf32>
      %add3A_580 = arith.addf %add3A_572, %mul3A_579 : vector<16xf32>
      %eq3A_581 = arith.constant 9 : i32
      %eq3A_582 = vector.broadcast %eq3A_581 : i32 to vector<16xi32>
      %eq3A_583 = arith.cmpi eq, %iota3A, %eq3A_582 : vector<16xi32>
      %reduce_sum3A_584 = arith.constant true
      %reduce_sum3A_585 = vector.broadcast %reduce_sum3A_584 : i1 to vector<16xi1>
      %reduce_sum3A_586 = tpu.scan <sum>, %add3A_580 masked %reduce_sum3A_585 : vector<16xf32>, vector<16xi1> -> vector<16xf32>
      %reduce_sum3A_587 = vector.extract %reduce_sum3A_586[15] : f32 from vector<16xf32>
      %broadcast_in_dim3A_588 = vector.broadcast %reduce_sum3A_587 : f32 to vector<16xf32>
      %select_n3A_589 = arith.select %eq3A_583, %broadcast_in_dim3A_588, %select_n3A_489 : vector<16xi1>, vector<16xf32>
      %mul3A_590 = arith.constant 16 : i32
      %mul3A_591 = arith.muli %add3A_90, %mul3A_590 : i32
      %add3A_592 = arith.constant 10 : i32
      %add3A_593 = arith.addi %mul3A_591, %add3A_592 : i32
      %mul3A_594 = arith.constant 16 : i32
      %mul3A_595 = arith.muli %add3A_90, %mul3A_594 : i32
      %add3A_596 = arith.constant 0 : i32
      %add3A_597 = arith.addi %add3A_596, %mul3A_595 : i32
      %add3A_598 = arith.constant 10 : i32
      %add3A_599 = arith.addi %add3A_597, %add3A_598 : i32
      %get3A_600 = arith.index_cast %add3A_599 : i32 to index
      %get3A_601 = arith.constant 0 : index
      %get3A_602 = tpu.vector_load %arg11[%get3A_600, %get3A_601] {strides = array<i32>} : memref<256x128xf32, #tpu.memory_space<vmem>>, vector<16xf32>,
      %get3A_603 = arith.index_cast %add3A_593 : i32 to index
      %get3A_604 = arith.constant 0 : index
      %get3A_605 = tpu.vector_load %arg7[%get3A_603, %get3A_604] {strides = array<i32>} : memref<128x128xf32, #tpu.memory_space<vmem>>, vector<16xf32>,
      %mul3A_606 = arith.mulf %get3A_602, %get3A_605 : vector<16xf32>
      %get3A_607 = arith.index_cast %add3A_599 : i32 to index
      %get3A_608 = arith.constant 16 : index
      %get3A_609 = tpu.vector_load %arg11[%get3A_607, %get3A_608] {strides = array<i32>} : memref<256x128xf32, #tpu.memory_space<vmem>>, vector<16xf32>,
      %get3A_610 = arith.index_cast %add3A_593 : i32 to index
      %get3A_611 = arith.constant 16 : index
      %get3A_612 = tpu.vector_load %arg7[%get3A_610, %get3A_611] {strides = array<i32>} : memref<128x128xf32, #tpu.memory_space<vmem>>, vector<16xf32>,
      %mul3A_613 = arith.mulf %get3A_609, %get3A_612 : vector<16xf32>
      %add3A_614 = arith.addf %mul3A_606, %mul3A_613 : vector<16xf32>
      %get3A_615 = arith.index_cast %add3A_599 : i32 to index
      %get3A_616 = arith.constant 32 : index
      %get3A_617 = tpu.vector_load %arg11[%get3A_615, %get3A_616] {strides = array<i32>} : memref<256x128xf32, #tpu.memory_space<vmem>>, vector<16xf32>,
      %get3A_618 = arith.index_cast %add3A_593 : i32 to index
      %get3A_619 = arith.constant 32 : index
      %get3A_620 = tpu.vector_load %arg7[%get3A_618, %get3A_619] {strides = array<i32>} : memref<128x128xf32, #tpu.memory_space<vmem>>, vector<16xf32>,
      %mul3A_621 = arith.mulf %get3A_617, %get3A_620 : vector<16xf32>
      %add3A_622 = arith.addf %add3A_614, %mul3A_621 : vector<16xf32>
      %get3A_623 = arith.index_cast %add3A_599 : i32 to index
      %get3A_624 = arith.constant 48 : index
      %get3A_625 = tpu.vector_load %arg11[%get3A_623, %get3A_624] {strides = array<i32>} : memref<256x128xf32, #tpu.memory_space<vmem>>, vector<16xf32>,
      %get3A_626 = arith.index_cast %add3A_593 : i32 to index
      %get3A_627 = arith.constant 48 : index
      %get3A_628 = tpu.vector_load %arg7[%get3A_626, %get3A_627] {strides = array<i32>} : memref<128x128xf32, #tpu.memory_space<vmem>>, vector<16xf32>,
      %mul3A_629 = arith.mulf %get3A_625, %get3A_628 : vector<16xf32>
      %add3A_630 = arith.addf %add3A_622, %mul3A_629 : vector<16xf32>
      %eq3A_631 = arith.constant 10 : i32
      %eq3A_632 = vector.broadcast %eq3A_631 : i32 to vector<16xi32>
      %eq3A_633 = arith.cmpi eq, %iota3A, %eq3A_632 : vector<16xi32>
      %reduce_sum3A_634 = arith.constant true
      %reduce_sum3A_635 = vector.broadcast %reduce_sum3A_634 : i1 to vector<16xi1>
      %reduce_sum3A_636 = tpu.scan <sum>, %add3A_630 masked %reduce_sum3A_635 : vector<16xf32>, vector<16xi1> -> vector<16xf32>
      %reduce_sum3A_637 = vector.extract %reduce_sum3A_636[15] : f32 from vector<16xf32>
      %broadcast_in_dim3A_638 = vector.broadcast %reduce_sum3A_637 : f32 to vector<16xf32>
      %select_n3A_639 = arith.select %eq3A_633, %broadcast_in_dim3A_638, %select_n3A_539 : vector<16xi1>, vector<16xf32>
      %mul3A_640 = arith.constant 16 : i32
      %mul3A_641 = arith.muli %add3A_90, %mul3A_640 : i32
      %add3A_642 = arith.constant 11 : i32
      %add3A_643 = arith.addi %mul3A_641, %add3A_642 : i32
      %mul3A_644 = arith.constant 16 : i32
      %mul3A_645 = arith.muli %add3A_90, %mul3A_644 : i32
      %add3A_646 = arith.constant 0 : i32
      %add3A_647 = arith.addi %add3A_646, %mul3A_645 : i32
      %add3A_648 = arith.constant 11 : i32
      %add3A_649 = arith.addi %add3A_647, %add3A_648 : i32
      %get3A_650 = arith.index_cast %add3A_649 : i32 to index
      %get3A_651 = arith.constant 0 : index
      %get3A_652 = tpu.vector_load %arg11[%get3A_650, %get3A_651] {strides = array<i32>} : memref<256x128xf32, #tpu.memory_space<vmem>>, vector<16xf32>,
      %get3A_653 = arith.index_cast %add3A_643 : i32 to index
      %get3A_654 = arith.constant 0 : index
      %get3A_655 = tpu.vector_load %arg7[%get3A_653, %get3A_654] {strides = array<i32>} : memref<128x128xf32, #tpu.memory_space<vmem>>, vector<16xf32>,
      %mul3A_656 = arith.mulf %get3A_652, %get3A_655 : vector<16xf32>
      %get3A_657 = arith.index_cast %add3A_649 : i32 to index
      %get3A_658 = arith.constant 16 : index
      %get3A_659 = tpu.vector_load %arg11[%get3A_657, %get3A_658] {strides = array<i32>} : memref<256x128xf32, #tpu.memory_space<vmem>>, vector<16xf32>,
      %get3A_660 = arith.index_cast %add3A_643 : i32 to index
      %get3A_661 = arith.constant 16 : index
      %get3A_662 = tpu.vector_load %arg7[%get3A_660, %get3A_661] {strides = array<i32>} : memref<128x128xf32, #tpu.memory_space<vmem>>, vector<16xf32>,
      %mul3A_663 = arith.mulf %get3A_659, %get3A_662 : vector<16xf32>
      %add3A_664 = arith.addf %mul3A_656, %mul3A_663 : vector<16xf32>
      %get3A_665 = arith.index_cast %add3A_649 : i32 to index
      %get3A_666 = arith.constant 32 : index
      %get3A_667 = tpu.vector_load %arg11[%get3A_665, %get3A_666] {strides = array<i32>} : memref<256x128xf32, #tpu.memory_space<vmem>>, vector<16xf32>,
      %get3A_668 = arith.index_cast %add3A_643 : i32 to index
      %get3A_669 = arith.constant 32 : index
      %get3A_670 = tpu.vector_load %arg7[%get3A_668, %get3A_669] {strides = array<i32>} : memref<128x128xf32, #tpu.memory_space<vmem>>, vector<16xf32>,
      %mul3A_671 = arith.mulf %get3A_667, %get3A_670 : vector<16xf32>
      %add3A_672 = arith.addf %add3A_664, %mul3A_671 : vector<16xf32>
      %get3A_673 = arith.index_cast %add3A_649 : i32 to index
      %get3A_674 = arith.constant 48 : index
      %get3A_675 = tpu.vector_load %arg11[%get3A_673, %get3A_674] {strides = array<i32>} : memref<256x128xf32, #tpu.memory_space<vmem>>, vector<16xf32>,
      %get3A_676 = arith.index_cast %add3A_643 : i32 to index
      %get3A_677 = arith.constant 48 : index
      %get3A_678 = tpu.vector_load %arg7[%get3A_676, %get3A_677] {strides = array<i32>} : memref<128x128xf32, #tpu.memory_space<vmem>>, vector<16xf32>,
      %mul3A_679 = arith.mulf %get3A_675, %get3A_678 : vector<16xf32>
      %add3A_680 = arith.addf %add3A_672, %mul3A_679 : vector<16xf32>
      %eq3A_681 = arith.constant 11 : i32
      %eq3A_682 = vector.broadcast %eq3A_681 : i32 to vector<16xi32>
      %eq3A_683 = arith.cmpi eq, %iota3A, %eq3A_682 : vector<16xi32>
      %reduce_sum3A_684 = arith.constant true
      %reduce_sum3A_685 = vector.broadcast %reduce_sum3A_684 : i1 to vector<16xi1>
      %reduce_sum3A_686 = tpu.scan <sum>, %add3A_680 masked %reduce_sum3A_685 : vector<16xf32>, vector<16xi1> -> vector<16xf32>
      %reduce_sum3A_687 = vector.extract %reduce_sum3A_686[15] : f32 from vector<16xf32>
      %broadcast_in_dim3A_688 = vector.broadcast %reduce_sum3A_687 : f32 to vector<16xf32>
      %select_n3A_689 = arith.select %eq3A_683, %broadcast_in_dim3A_688, %select_n3A_589 : vector<16xi1>, vector<16xf32>
      %mul3A_690 = arith.constant 16 : i32
      %mul3A_691 = arith.muli %add3A_90, %mul3A_690 : i32
      %add3A_692 = arith.constant 12 : i32
      %add3A_693 = arith.addi %mul3A_691, %add3A_692 : i32
      %mul3A_694 = arith.constant 16 : i32
      %mul3A_695 = arith.muli %add3A_90, %mul3A_694 : i32
      %add3A_696 = arith.constant 0 : i32
      %add3A_697 = arith.addi %add3A_696, %mul3A_695 : i32
      %add3A_698 = arith.constant 12 : i32
      %add3A_699 = arith.addi %add3A_697, %add3A_698 : i32
      %get3A_700 = arith.index_cast %add3A_699 : i32 to index
      %get3A_701 = arith.constant 0 : index
      %get3A_702 = tpu.vector_load %arg11[%get3A_700, %get3A_701] {strides = array<i32>} : memref<256x128xf32, #tpu.memory_space<vmem>>, vector<16xf32>,
      %get3A_703 = arith.index_cast %add3A_693 : i32 to index
      %get3A_704 = arith.constant 0 : index
      %get3A_705 = tpu.vector_load %arg7[%get3A_703, %get3A_704] {strides = array<i32>} : memref<128x128xf32, #tpu.memory_space<vmem>>, vector<16xf32>,
      %mul3A_706 = arith.mulf %get3A_702, %get3A_705 : vector<16xf32>
      %get3A_707 = arith.index_cast %add3A_699 : i32 to index
      %get3A_708 = arith.constant 16 : index
      %get3A_709 = tpu.vector_load %arg11[%get3A_707, %get3A_708] {strides = array<i32>} : memref<256x128xf32, #tpu.memory_space<vmem>>, vector<16xf32>,
      %get3A_710 = arith.index_cast %add3A_693 : i32 to index
      %get3A_711 = arith.constant 16 : index
      %get3A_712 = tpu.vector_load %arg7[%get3A_710, %get3A_711] {strides = array<i32>} : memref<128x128xf32, #tpu.memory_space<vmem>>, vector<16xf32>,
      %mul3A_713 = arith.mulf %get3A_709, %get3A_712 : vector<16xf32>
      %add3A_714 = arith.addf %mul3A_706, %mul3A_713 : vector<16xf32>
      %get3A_715 = arith.index_cast %add3A_699 : i32 to index
      %get3A_716 = arith.constant 32 : index
      %get3A_717 = tpu.vector_load %arg11[%get3A_715, %get3A_716] {strides = array<i32>} : memref<256x128xf32, #tpu.memory_space<vmem>>, vector<16xf32>,
      %get3A_718 = arith.index_cast %add3A_693 : i32 to index
      %get3A_719 = arith.constant 32 : index
      %get3A_720 = tpu.vector_load %arg7[%get3A_718, %get3A_719] {strides = array<i32>} : memref<128x128xf32, #tpu.memory_space<vmem>>, vector<16xf32>,
      %mul3A_721 = arith.mulf %get3A_717, %get3A_720 : vector<16xf32>
      %add3A_722 = arith.addf %add3A_714, %mul3A_721 : vector<16xf32>
      %get3A_723 = arith.index_cast %add3A_699 : i32 to index
      %get3A_724 = arith.constant 48 : index
      %get3A_725 = tpu.vector_load %arg11[%get3A_723, %get3A_724] {strides = array<i32>} : memref<256x128xf32, #tpu.memory_space<vmem>>, vector<16xf32>,
      %get3A_726 = arith.index_cast %add3A_693 : i32 to index
      %get3A_727 = arith.constant 48 : index
      %get3A_728 = tpu.vector_load %arg7[%get3A_726, %get3A_727] {strides = array<i32>} : memref<128x128xf32, #tpu.memory_space<vmem>>, vector<16xf32>,
      %mul3A_729 = arith.mulf %get3A_725, %get3A_728 : vector<16xf32>
      %add3A_730 = arith.addf %add3A_722, %mul3A_729 : vector<16xf32>
      %eq3A_731 = arith.constant 12 : i32
      %eq3A_732 = vector.broadcast %eq3A_731 : i32 to vector<16xi32>
      %eq3A_733 = arith.cmpi eq, %iota3A, %eq3A_732 : vector<16xi32>
      %reduce_sum3A_734 = arith.constant true
      %reduce_sum3A_735 = vector.broadcast %reduce_sum3A_734 : i1 to vector<16xi1>
      %reduce_sum3A_736 = tpu.scan <sum>, %add3A_730 masked %reduce_sum3A_735 : vector<16xf32>, vector<16xi1> -> vector<16xf32>
      %reduce_sum3A_737 = vector.extract %reduce_sum3A_736[15] : f32 from vector<16xf32>
      %broadcast_in_dim3A_738 = vector.broadcast %reduce_sum3A_737 : f32 to vector<16xf32>
      %select_n3A_739 = arith.select %eq3A_733, %broadcast_in_dim3A_738, %select_n3A_639 : vector<16xi1>, vector<16xf32>
      %mul3A_740 = arith.constant 16 : i32
      %mul3A_741 = arith.muli %add3A_90, %mul3A_740 : i32
      %add3A_742 = arith.constant 13 : i32
      %add3A_743 = arith.addi %mul3A_741, %add3A_742 : i32
      %mul3A_744 = arith.constant 16 : i32
      %mul3A_745 = arith.muli %add3A_90, %mul3A_744 : i32
      %add3A_746 = arith.constant 0 : i32
      %add3A_747 = arith.addi %add3A_746, %mul3A_745 : i32
      %add3A_748 = arith.constant 13 : i32
      %add3A_749 = arith.addi %add3A_747, %add3A_748 : i32
      %get3A_750 = arith.index_cast %add3A_749 : i32 to index
      %get3A_751 = arith.constant 0 : index
      %get3A_752 = tpu.vector_load %arg11[%get3A_750, %get3A_751] {strides = array<i32>} : memref<256x128xf32, #tpu.memory_space<vmem>>, vector<16xf32>,
      %get3A_753 = arith.index_cast %add3A_743 : i32 to index
      %get3A_754 = arith.constant 0 : index
      %get3A_755 = tpu.vector_load %arg7[%get3A_753, %get3A_754] {strides = array<i32>} : memref<128x128xf32, #tpu.memory_space<vmem>>, vector<16xf32>,
      %mul3A_756 = arith.mulf %get3A_752, %get3A_755 : vector<16xf32>
      %get3A_757 = arith.index_cast %add3A_749 : i32 to index
      %get3A_758 = arith.constant 16 : index
      %get3A_759 = tpu.vector_load %arg11[%get3A_757, %get3A_758] {strides = array<i32>} : memref<256x128xf32, #tpu.memory_space<vmem>>, vector<16xf32>,
      %get3A_760 = arith.index_cast %add3A_743 : i32 to index
      %get3A_761 = arith.constant 16 : index
      %get3A_762 = tpu.vector_load %arg7[%get3A_760, %get3A_761] {strides = array<i32>} : memref<128x128xf32, #tpu.memory_space<vmem>>, vector<16xf32>,
      %mul3A_763 = arith.mulf %get3A_759, %get3A_762 : vector<16xf32>
      %add3A_764 = arith.addf %mul3A_756, %mul3A_763 : vector<16xf32>
      %get3A_765 = arith.index_cast %add3A_749 : i32 to index
      %get3A_766 = arith.constant 32 : index
      %get3A_767 = tpu.vector_load %arg11[%get3A_765, %get3A_766] {strides = array<i32>} : memref<256x128xf32, #tpu.memory_space<vmem>>, vector<16xf32>,
      %get3A_768 = arith.index_cast %add3A_743 : i32 to index
      %get3A_769 = arith.constant 32 : index
      %get3A_770 = tpu.vector_load %arg7[%get3A_768, %get3A_769] {strides = array<i32>} : memref<128x128xf32, #tpu.memory_space<vmem>>, vector<16xf32>,
      %mul3A_771 = arith.mulf %get3A_767, %get3A_770 : vector<16xf32>
      %add3A_772 = arith.addf %add3A_764, %mul3A_771 : vector<16xf32>
      %get3A_773 = arith.index_cast %add3A_749 : i32 to index
      %get3A_774 = arith.constant 48 : index
      %get3A_775 = tpu.vector_load %arg11[%get3A_773, %get3A_774] {strides = array<i32>} : memref<256x128xf32, #tpu.memory_space<vmem>>, vector<16xf32>,
      %get3A_776 = arith.index_cast %add3A_743 : i32 to index
      %get3A_777 = arith.constant 48 : index
      %get3A_778 = tpu.vector_load %arg7[%get3A_776, %get3A_777] {strides = array<i32>} : memref<128x128xf32, #tpu.memory_space<vmem>>, vector<16xf32>,
      %mul3A_779 = arith.mulf %get3A_775, %get3A_778 : vector<16xf32>
      %add3A_780 = arith.addf %add3A_772, %mul3A_779 : vector<16xf32>
      %eq3A_781 = arith.constant 13 : i32
      %eq3A_782 = vector.broadcast %eq3A_781 : i32 to vector<16xi32>
      %eq3A_783 = arith.cmpi eq, %iota3A, %eq3A_782 : vector<16xi32>
      %reduce_sum3A_784 = arith.constant true
      %reduce_sum3A_785 = vector.broadcast %reduce_sum3A_784 : i1 to vector<16xi1>
      %reduce_sum3A_786 = tpu.scan <sum>, %add3A_780 masked %reduce_sum3A_785 : vector<16xf32>, vector<16xi1> -> vector<16xf32>
      %reduce_sum3A_787 = vector.extract %reduce_sum3A_786[15] : f32 from vector<16xf32>
      %broadcast_in_dim3A_788 = vector.broadcast %reduce_sum3A_787 : f32 to vector<16xf32>
      %select_n3A_789 = arith.select %eq3A_783, %broadcast_in_dim3A_788, %select_n3A_689 : vector<16xi1>, vector<16xf32>
      %mul3A_790 = arith.constant 16 : i32
      %mul3A_791 = arith.muli %add3A_90, %mul3A_790 : i32
      %add3A_792 = arith.constant 14 : i32
      %add3A_793 = arith.addi %mul3A_791, %add3A_792 : i32
      %mul3A_794 = arith.constant 16 : i32
      %mul3A_795 = arith.muli %add3A_90, %mul3A_794 : i32
      %add3A_796 = arith.constant 0 : i32
      %add3A_797 = arith.addi %add3A_796, %mul3A_795 : i32
      %add3A_798 = arith.constant 14 : i32
      %add3A_799 = arith.addi %add3A_797, %add3A_798 : i32
      %get3A_800 = arith.index_cast %add3A_799 : i32 to index
      %get3A_801 = arith.constant 0 : index
      %get3A_802 = tpu.vector_load %arg11[%get3A_800, %get3A_801] {strides = array<i32>} : memref<256x128xf32, #tpu.memory_space<vmem>>, vector<16xf32>,
      %get3A_803 = arith.index_cast %add3A_793 : i32 to index
      %get3A_804 = arith.constant 0 : index
      %get3A_805 = tpu.vector_load %arg7[%get3A_803, %get3A_804] {strides = array<i32>} : memref<128x128xf32, #tpu.memory_space<vmem>>, vector<16xf32>,
      %mul3A_806 = arith.mulf %get3A_802, %get3A_805 : vector<16xf32>
      %get3A_807 = arith.index_cast %add3A_799 : i32 to index
      %get3A_808 = arith.constant 16 : index
      %get3A_809 = tpu.vector_load %arg11[%get3A_807, %get3A_808] {strides = array<i32>} : memref<256x128xf32, #tpu.memory_space<vmem>>, vector<16xf32>,
      %get3A_810 = arith.index_cast %add3A_793 : i32 to index
      %get3A_811 = arith.constant 16 : index
      %get3A_812 = tpu.vector_load %arg7[%get3A_810, %get3A_811] {strides = array<i32>} : memref<128x128xf32, #tpu.memory_space<vmem>>, vector<16xf32>,
      %mul3A_813 = arith.mulf %get3A_809, %get3A_812 : vector<16xf32>
      %add3A_814 = arith.addf %mul3A_806, %mul3A_813 : vector<16xf32>
      %get3A_815 = arith.index_cast %add3A_799 : i32 to index
      %get3A_816 = arith.constant 32 : index
      %get3A_817 = tpu.vector_load %arg11[%get3A_815, %get3A_816] {strides = array<i32>} : memref<256x128xf32, #tpu.memory_space<vmem>>, vector<16xf32>,
      %get3A_818 = arith.index_cast %add3A_793 : i32 to index
      %get3A_819 = arith.constant 32 : index
      %get3A_820 = tpu.vector_load %arg7[%get3A_818, %get3A_819] {strides = array<i32>} : memref<128x128xf32, #tpu.memory_space<vmem>>, vector<16xf32>,
      %mul3A_821 = arith.mulf %get3A_817, %get3A_820 : vector<16xf32>
      %add3A_822 = arith.addf %add3A_814, %mul3A_821 : vector<16xf32>
      %get3A_823 = arith.index_cast %add3A_799 : i32 to index
      %get3A_824 = arith.constant 48 : index
      %get3A_825 = tpu.vector_load %arg11[%get3A_823, %get3A_824] {strides = array<i32>} : memref<256x128xf32, #tpu.memory_space<vmem>>, vector<16xf32>,
      %get3A_826 = arith.index_cast %add3A_793 : i32 to index
      %get3A_827 = arith.constant 48 : index
      %get3A_828 = tpu.vector_load %arg7[%get3A_826, %get3A_827] {strides = array<i32>} : memref<128x128xf32, #tpu.memory_space<vmem>>, vector<16xf32>,
      %mul3A_829 = arith.mulf %get3A_825, %get3A_828 : vector<16xf32>
      %add3A_830 = arith.addf %add3A_822, %mul3A_829 : vector<16xf32>
      %eq3A_831 = arith.constant 14 : i32
      %eq3A_832 = vector.broadcast %eq3A_831 : i32 to vector<16xi32>
      %eq3A_833 = arith.cmpi eq, %iota3A, %eq3A_832 : vector<16xi32>
      %reduce_sum3A_834 = arith.constant true
      %reduce_sum3A_835 = vector.broadcast %reduce_sum3A_834 : i1 to vector<16xi1>
      %reduce_sum3A_836 = tpu.scan <sum>, %add3A_830 masked %reduce_sum3A_835 : vector<16xf32>, vector<16xi1> -> vector<16xf32>
      %reduce_sum3A_837 = vector.extract %reduce_sum3A_836[15] : f32 from vector<16xf32>
      %broadcast_in_dim3A_838 = vector.broadcast %reduce_sum3A_837 : f32 to vector<16xf32>
      %select_n3A_839 = arith.select %eq3A_833, %broadcast_in_dim3A_838, %select_n3A_739 : vector<16xi1>, vector<16xf32>
      %mul3A_840 = arith.constant 16 : i32
      %mul3A_841 = arith.muli %add3A_90, %mul3A_840 : i32
      %add3A_842 = arith.constant 15 : i32
      %add3A_843 = arith.addi %mul3A_841, %add3A_842 : i32
      %mul3A_844 = arith.constant 16 : i32
      %mul3A_845 = arith.muli %add3A_90, %mul3A_844 : i32
      %add3A_846 = arith.constant 0 : i32
      %add3A_847 = arith.addi %add3A_846, %mul3A_845 : i32
      %add3A_848 = arith.constant 15 : i32
      %add3A_849 = arith.addi %add3A_847, %add3A_848 : i32
      %get3A_850 = arith.index_cast %add3A_849 : i32 to index
      %get3A_851 = arith.constant 0 : index
      %get3A_852 = tpu.vector_load %arg11[%get3A_850, %get3A_851] {strides = array<i32>} : memref<256x128xf32, #tpu.memory_space<vmem>>, vector<16xf32>,
      %get3A_853 = arith.index_cast %add3A_843 : i32 to index
      %get3A_854 = arith.constant 0 : index
      %get3A_855 = tpu.vector_load %arg7[%get3A_853, %get3A_854] {strides = array<i32>} : memref<128x128xf32, #tpu.memory_space<vmem>>, vector<16xf32>,
      %mul3A_856 = arith.mulf %get3A_852, %get3A_855 : vector<16xf32>
      %get3A_857 = arith.index_cast %add3A_849 : i32 to index
      %get3A_858 = arith.constant 16 : index
      %get3A_859 = tpu.vector_load %arg11[%get3A_857, %get3A_858] {strides = array<i32>} : memref<256x128xf32, #tpu.memory_space<vmem>>, vector<16xf32>,
      %get3A_860 = arith.index_cast %add3A_843 : i32 to index
      %get3A_861 = arith.constant 16 : index
      %get3A_862 = tpu.vector_load %arg7[%get3A_860, %get3A_861] {strides = array<i32>} : memref<128x128xf32, #tpu.memory_space<vmem>>, vector<16xf32>,
      %mul3A_863 = arith.mulf %get3A_859, %get3A_862 : vector<16xf32>
      %add3A_864 = arith.addf %mul3A_856, %mul3A_863 : vector<16xf32>
      %get3A_865 = arith.index_cast %add3A_849 : i32 to index
      %get3A_866 = arith.constant 32 : index
      %get3A_867 = tpu.vector_load %arg11[%get3A_865, %get3A_866] {strides = array<i32>} : memref<256x128xf32, #tpu.memory_space<vmem>>, vector<16xf32>,
      %get3A_868 = arith.index_cast %add3A_843 : i32 to index
      %get3A_869 = arith.constant 32 : index
      %get3A_870 = tpu.vector_load %arg7[%get3A_868, %get3A_869] {strides = array<i32>} : memref<128x128xf32, #tpu.memory_space<vmem>>, vector<16xf32>,
      %mul3A_871 = arith.mulf %get3A_867, %get3A_870 : vector<16xf32>
      %add3A_872 = arith.addf %add3A_864, %mul3A_871 : vector<16xf32>
      %get3A_873 = arith.index_cast %add3A_849 : i32 to index
      %get3A_874 = arith.constant 48 : index
      %get3A_875 = tpu.vector_load %arg11[%get3A_873, %get3A_874] {strides = array<i32>} : memref<256x128xf32, #tpu.memory_space<vmem>>, vector<16xf32>,
      %get3A_876 = arith.index_cast %add3A_843 : i32 to index
      %get3A_877 = arith.constant 48 : index
      %get3A_878 = tpu.vector_load %arg7[%get3A_876, %get3A_877] {strides = array<i32>} : memref<128x128xf32, #tpu.memory_space<vmem>>, vector<16xf32>,
      %mul3A_879 = arith.mulf %get3A_875, %get3A_878 : vector<16xf32>
      %add3A_880 = arith.addf %add3A_872, %mul3A_879 : vector<16xf32>
      %eq3A_881 = arith.constant 15 : i32
      %eq3A_882 = vector.broadcast %eq3A_881 : i32 to vector<16xi32>
      %eq3A_883 = arith.cmpi eq, %iota3A, %eq3A_882 : vector<16xi32>
      %reduce_sum3A_884 = arith.constant true
      %reduce_sum3A_885 = vector.broadcast %reduce_sum3A_884 : i1 to vector<16xi1>
      %reduce_sum3A_886 = tpu.scan <sum>, %add3A_880 masked %reduce_sum3A_885 : vector<16xf32>, vector<16xi1> -> vector<16xf32>
      %reduce_sum3A_887 = vector.extract %reduce_sum3A_886[15] : f32 from vector<16xf32>
      %broadcast_in_dim3A_888 = vector.broadcast %reduce_sum3A_887 : f32 to vector<16xf32>
      %select_n3A_889 = arith.select %eq3A_883, %broadcast_in_dim3A_888, %select_n3A_789 : vector<16xi1>, vector<16xf32>
      %add3A_890 = arith.addf %select_n3A_839, %select_n3A_889 : vector<16xf32>
      %mul3A_891 = arith.constant 16 : i32
      %mul3A_892 = arith.muli %add3A_90, %mul3A_891 : i32
      %add3A_893 = arith.constant 0 : i32
      %add3A_894 = arith.addi %add3A_893, %mul3A_892 : i32
      %swap3A = arith.index_cast %add3A_894 : i32 to index
      %swap3A_895 = tpu.vector_load %arg12[%swap3A] {strides = array<i32>} : memref<512xf32, #tpu.memory_space<vmem>>, vector<16xf32>,
      tpu.vector_store %arg12[%swap3A], %add3A_890 {strides = array<i32>} : memref<512xf32, #tpu.memory_space<vmem>>, vector<16xf32>,
    }
    %scan3A_47 = arith.constant 8 : i32
    %dma_wait3A_48 = arith.constant 1 : i32
    %dma_wait3A_49 = arith.constant 0 : i32
    %dma_wait3A_50 = tpu.memref_slice %arg6[%dma_wait3A_48, %dma_wait3A_49] : memref<4x128xi32, #tpu.memory_space<vmem>> -> memref<1x128xi32, #tpu.memory_space<vmem>>
    %dma_wait3A_51 = tpu.memref_squeeze %dma_wait3A_50 : memref<1x128xi32, #tpu.memory_space<vmem>> -> memref<128xi32, #tpu.memory_space<vmem>>
    %dma_wait3A_52 = arith.constant 0 : i32
    %dma_wait3A_53 = arith.constant 0 : i32
    %dma_wait3A_54 = tpu.memref_slice %arg2[%dma_wait3A_52, %dma_wait3A_53] : memref<100000x128xf32, #tpu.memory_space<hbm>> -> memref<100000x128xf32, #tpu.memory_space<hbm>>
    tpu.wait_indirect_dma semaphore(%arg15 : memref<!tpu.dma_semaphore, #tpu.memory_space<semaphore_mem>>) src(%dma_wait3A_54 : memref<100000x128xf32, #tpu.memory_space<hbm>>) dst(%arg8 : memref<128x128xf32, #tpu.memory_space<vmem>>)
    %scan3A_55 = arith.constant 0 : i32
    %scan3A_56 = arith.constant 8 : i32
    %scan3A_57 = arith.addi %scan3A_55, %scan3A_56 : i32
    %scan3A_58 = arith.constant 1 : i32
    scf.for %scan3A_86 = %scan3A_55 to %scan3A_57 step %scan3A_58  : i32 {
      %mul3A_87 = arith.constant 1 : i32
      %mul3A_88 = arith.muli %scan3A_86, %mul3A_87 : i32
      %add3A_89 = arith.constant 0 : i32
      %add3A_90 = arith.addi %add3A_89, %mul3A_88 : i32
      %broadcast_in_dim3A = arith.constant 0.000000e+00 : f32
      %broadcast_in_dim3A_91 = vector.broadcast %broadcast_in_dim3A : f32 to vector<16xf32>
      %broadcast_in_dim3A_92 = arith.constant 0.000000e+00 : f32
      %broadcast_in_dim3A_93 = vector.broadcast %broadcast_in_dim3A_92 : f32 to vector<16xf32>
      %mul3A_94 = arith.constant 16 : i32
      %mul3A_95 = arith.muli %add3A_90, %mul3A_94 : i32
      %add3A_96 = arith.constant 0 : i32
      %add3A_97 = arith.addi %mul3A_95, %add3A_96 : i32
      %mul3A_98 = arith.constant 16 : i32
      %mul3A_99 = arith.muli %add3A_90, %mul3A_98 : i32
      %add3A_100 = arith.constant 128 : i32
      %add3A_101 = arith.addi %add3A_100, %mul3A_99 : i32
      %add3A_102 = arith.constant 0 : i32
      %add3A_103 = arith.addi %add3A_101, %add3A_102 : i32
      %get3A = arith.index_cast %add3A_103 : i32 to index
      %get3A_104 = arith.constant 0 : index
      %get3A_105 = tpu.vector_load %arg11[%get3A, %get3A_104] {strides = array<i32>} : memref<256x128xf32, #tpu.memory_space<vmem>>, vector<16xf32>,
      %get3A_106 = arith.index_cast %add3A_97 : i32 to index
      %get3A_107 = arith.constant 0 : index
      %get3A_108 = tpu.vector_load %arg8[%get3A_106, %get3A_107] {strides = array<i32>} : memref<128x128xf32, #tpu.memory_space<vmem>>, vector<16xf32>,
      %mul3A_109 = arith.mulf %get3A_105, %get3A_108 : vector<16xf32>
      %get3A_110 = arith.index_cast %add3A_103 : i32 to index
      %get3A_111 = arith.constant 16 : index
      %get3A_112 = tpu.vector_load %arg11[%get3A_110, %get3A_111] {strides = array<i32>} : memref<256x128xf32, #tpu.memory_space<vmem>>, vector<16xf32>,
      %get3A_113 = arith.index_cast %add3A_97 : i32 to index
      %get3A_114 = arith.constant 16 : index
      %get3A_115 = tpu.vector_load %arg8[%get3A_113, %get3A_114] {strides = array<i32>} : memref<128x128xf32, #tpu.memory_space<vmem>>, vector<16xf32>,
      %mul3A_116 = arith.mulf %get3A_112, %get3A_115 : vector<16xf32>
      %add3A_117 = arith.addf %mul3A_109, %mul3A_116 : vector<16xf32>
      %get3A_118 = arith.index_cast %add3A_103 : i32 to index
      %get3A_119 = arith.constant 32 : index
      %get3A_120 = tpu.vector_load %arg11[%get3A_118, %get3A_119] {strides = array<i32>} : memref<256x128xf32, #tpu.memory_space<vmem>>, vector<16xf32>,
      %get3A_121 = arith.index_cast %add3A_97 : i32 to index
      %get3A_122 = arith.constant 32 : index
      %get3A_123 = tpu.vector_load %arg8[%get3A_121, %get3A_122] {strides = array<i32>} : memref<128x128xf32, #tpu.memory_space<vmem>>, vector<16xf32>,
      %mul3A_124 = arith.mulf %get3A_120, %get3A_123 : vector<16xf32>
      %add3A_125 = arith.addf %add3A_117, %mul3A_124 : vector<16xf32>
      %get3A_126 = arith.index_cast %add3A_103 : i32 to index
      %get3A_127 = arith.constant 48 : index
      %get3A_128 = tpu.vector_load %arg11[%get3A_126, %get3A_127] {strides = array<i32>} : memref<256x128xf32, #tpu.memory_space<vmem>>, vector<16xf32>,
      %get3A_129 = arith.index_cast %add3A_97 : i32 to index
      %get3A_130 = arith.constant 48 : index
      %get3A_131 = tpu.vector_load %arg8[%get3A_129, %get3A_130] {strides = array<i32>} : memref<128x128xf32, #tpu.memory_space<vmem>>, vector<16xf32>,
      %mul3A_132 = arith.mulf %get3A_128, %get3A_131 : vector<16xf32>
      %add3A_133 = arith.addf %add3A_125, %mul3A_132 : vector<16xf32>
      %eq3A = arith.constant 0 : i32
      %eq3A_134 = vector.broadcast %eq3A : i32 to vector<16xi32>
      %eq3A_135 = arith.cmpi eq, %iota3A, %eq3A_134 : vector<16xi32>
      %reduce_sum3A = arith.constant true
      %reduce_sum3A_136 = vector.broadcast %reduce_sum3A : i1 to vector<16xi1>
      %reduce_sum3A_137 = tpu.scan <sum>, %add3A_133 masked %reduce_sum3A_136 : vector<16xf32>, vector<16xi1> -> vector<16xf32>
      %reduce_sum3A_138 = vector.extract %reduce_sum3A_137[15] : f32 from vector<16xf32>
      %broadcast_in_dim3A_139 = vector.broadcast %reduce_sum3A_138 : f32 to vector<16xf32>
      %select_n3A = arith.select %eq3A_135, %broadcast_in_dim3A_139, %broadcast_in_dim3A_91 : vector<16xi1>, vector<16xf32>
      %mul3A_140 = arith.constant 16 : i32
      %mul3A_141 = arith.muli %add3A_90, %mul3A_140 : i32
      %add3A_142 = arith.constant 1 : i32
      %add3A_143 = arith.addi %mul3A_141, %add3A_142 : i32
      %mul3A_144 = arith.constant 16 : i32
      %mul3A_145 = arith.muli %add3A_90, %mul3A_144 : i32
      %add3A_146 = arith.constant 128 : i32
      %add3A_147 = arith.addi %add3A_146, %mul3A_145 : i32
      %add3A_148 = arith.constant 1 : i32
      %add3A_149 = arith.addi %add3A_147, %add3A_148 : i32
      %get3A_150 = arith.index_cast %add3A_149 : i32 to index
      %get3A_151 = arith.constant 0 : index
      %get3A_152 = tpu.vector_load %arg11[%get3A_150, %get3A_151] {strides = array<i32>} : memref<256x128xf32, #tpu.memory_space<vmem>>, vector<16xf32>,
      %get3A_153 = arith.index_cast %add3A_143 : i32 to index
      %get3A_154 = arith.constant 0 : index
      %get3A_155 = tpu.vector_load %arg8[%get3A_153, %get3A_154] {strides = array<i32>} : memref<128x128xf32, #tpu.memory_space<vmem>>, vector<16xf32>,
      %mul3A_156 = arith.mulf %get3A_152, %get3A_155 : vector<16xf32>
      %get3A_157 = arith.index_cast %add3A_149 : i32 to index
      %get3A_158 = arith.constant 16 : index
      %get3A_159 = tpu.vector_load %arg11[%get3A_157, %get3A_158] {strides = array<i32>} : memref<256x128xf32, #tpu.memory_space<vmem>>, vector<16xf32>,
      %get3A_160 = arith.index_cast %add3A_143 : i32 to index
      %get3A_161 = arith.constant 16 : index
      %get3A_162 = tpu.vector_load %arg8[%get3A_160, %get3A_161] {strides = array<i32>} : memref<128x128xf32, #tpu.memory_space<vmem>>, vector<16xf32>,
      %mul3A_163 = arith.mulf %get3A_159, %get3A_162 : vector<16xf32>
      %add3A_164 = arith.addf %mul3A_156, %mul3A_163 : vector<16xf32>
      %get3A_165 = arith.index_cast %add3A_149 : i32 to index
      %get3A_166 = arith.constant 32 : index
      %get3A_167 = tpu.vector_load %arg11[%get3A_165, %get3A_166] {strides = array<i32>} : memref<256x128xf32, #tpu.memory_space<vmem>>, vector<16xf32>,
      %get3A_168 = arith.index_cast %add3A_143 : i32 to index
      %get3A_169 = arith.constant 32 : index
      %get3A_170 = tpu.vector_load %arg8[%get3A_168, %get3A_169] {strides = array<i32>} : memref<128x128xf32, #tpu.memory_space<vmem>>, vector<16xf32>,
      %mul3A_171 = arith.mulf %get3A_167, %get3A_170 : vector<16xf32>
      %add3A_172 = arith.addf %add3A_164, %mul3A_171 : vector<16xf32>
      %get3A_173 = arith.index_cast %add3A_149 : i32 to index
      %get3A_174 = arith.constant 48 : index
      %get3A_175 = tpu.vector_load %arg11[%get3A_173, %get3A_174] {strides = array<i32>} : memref<256x128xf32, #tpu.memory_space<vmem>>, vector<16xf32>,
      %get3A_176 = arith.index_cast %add3A_143 : i32 to index
      %get3A_177 = arith.constant 48 : index
      %get3A_178 = tpu.vector_load %arg8[%get3A_176, %get3A_177] {strides = array<i32>} : memref<128x128xf32, #tpu.memory_space<vmem>>, vector<16xf32>,
      %mul3A_179 = arith.mulf %get3A_175, %get3A_178 : vector<16xf32>
      %add3A_180 = arith.addf %add3A_172, %mul3A_179 : vector<16xf32>
      %eq3A_181 = arith.constant 1 : i32
      %eq3A_182 = vector.broadcast %eq3A_181 : i32 to vector<16xi32>
      %eq3A_183 = arith.cmpi eq, %iota3A, %eq3A_182 : vector<16xi32>
      %reduce_sum3A_184 = arith.constant true
      %reduce_sum3A_185 = vector.broadcast %reduce_sum3A_184 : i1 to vector<16xi1>
      %reduce_sum3A_186 = tpu.scan <sum>, %add3A_180 masked %reduce_sum3A_185 : vector<16xf32>, vector<16xi1> -> vector<16xf32>
      %reduce_sum3A_187 = vector.extract %reduce_sum3A_186[15] : f32 from vector<16xf32>
      %broadcast_in_dim3A_188 = vector.broadcast %reduce_sum3A_187 : f32 to vector<16xf32>
      %select_n3A_189 = arith.select %eq3A_183, %broadcast_in_dim3A_188, %broadcast_in_dim3A_93 : vector<16xi1>, vector<16xf32>
      %mul3A_190 = arith.constant 16 : i32
      %mul3A_191 = arith.muli %add3A_90, %mul3A_190 : i32
      %add3A_192 = arith.constant 2 : i32
      %add3A_193 = arith.addi %mul3A_191, %add3A_192 : i32
      %mul3A_194 = arith.constant 16 : i32
      %mul3A_195 = arith.muli %add3A_90, %mul3A_194 : i32
      %add3A_196 = arith.constant 128 : i32
      %add3A_197 = arith.addi %add3A_196, %mul3A_195 : i32
      %add3A_198 = arith.constant 2 : i32
      %add3A_199 = arith.addi %add3A_197, %add3A_198 : i32
      %get3A_200 = arith.index_cast %add3A_199 : i32 to index
      %get3A_201 = arith.constant 0 : index
      %get3A_202 = tpu.vector_load %arg11[%get3A_200, %get3A_201] {strides = array<i32>} : memref<256x128xf32, #tpu.memory_space<vmem>>, vector<16xf32>,
      %get3A_203 = arith.index_cast %add3A_193 : i32 to index
      %get3A_204 = arith.constant 0 : index
      %get3A_205 = tpu.vector_load %arg8[%get3A_203, %get3A_204] {strides = array<i32>} : memref<128x128xf32, #tpu.memory_space<vmem>>, vector<16xf32>,
      %mul3A_206 = arith.mulf %get3A_202, %get3A_205 : vector<16xf32>
      %get3A_207 = arith.index_cast %add3A_199 : i32 to index
      %get3A_208 = arith.constant 16 : index
      %get3A_209 = tpu.vector_load %arg11[%get3A_207, %get3A_208] {strides = array<i32>} : memref<256x128xf32, #tpu.memory_space<vmem>>, vector<16xf32>,
      %get3A_210 = arith.index_cast %add3A_193 : i32 to index
      %get3A_211 = arith.constant 16 : index
      %get3A_212 = tpu.vector_load %arg8[%get3A_210, %get3A_211] {strides = array<i32>} : memref<128x128xf32, #tpu.memory_space<vmem>>, vector<16xf32>,
      %mul3A_213 = arith.mulf %get3A_209, %get3A_212 : vector<16xf32>
      %add3A_214 = arith.addf %mul3A_206, %mul3A_213 : vector<16xf32>
      %get3A_215 = arith.index_cast %add3A_199 : i32 to index
      %get3A_216 = arith.constant 32 : index
      %get3A_217 = tpu.vector_load %arg11[%get3A_215, %get3A_216] {strides = array<i32>} : memref<256x128xf32, #tpu.memory_space<vmem>>, vector<16xf32>,
      %get3A_218 = arith.index_cast %add3A_193 : i32 to index
      %get3A_219 = arith.constant 32 : index
      %get3A_220 = tpu.vector_load %arg8[%get3A_218, %get3A_219] {strides = array<i32>} : memref<128x128xf32, #tpu.memory_space<vmem>>, vector<16xf32>,
      %mul3A_221 = arith.mulf %get3A_217, %get3A_220 : vector<16xf32>
      %add3A_222 = arith.addf %add3A_214, %mul3A_221 : vector<16xf32>
      %get3A_223 = arith.index_cast %add3A_199 : i32 to index
      %get3A_224 = arith.constant 48 : index
      %get3A_225 = tpu.vector_load %arg11[%get3A_223, %get3A_224] {strides = array<i32>} : memref<256x128xf32, #tpu.memory_space<vmem>>, vector<16xf32>,
      %get3A_226 = arith.index_cast %add3A_193 : i32 to index
      %get3A_227 = arith.constant 48 : index
      %get3A_228 = tpu.vector_load %arg8[%get3A_226, %get3A_227] {strides = array<i32>} : memref<128x128xf32, #tpu.memory_space<vmem>>, vector<16xf32>,
      %mul3A_229 = arith.mulf %get3A_225, %get3A_228 : vector<16xf32>
      %add3A_230 = arith.addf %add3A_222, %mul3A_229 : vector<16xf32>
      %eq3A_231 = arith.constant 2 : i32
      %eq3A_232 = vector.broadcast %eq3A_231 : i32 to vector<16xi32>
      %eq3A_233 = arith.cmpi eq, %iota3A, %eq3A_232 : vector<16xi32>
      %reduce_sum3A_234 = arith.constant true
      %reduce_sum3A_235 = vector.broadcast %reduce_sum3A_234 : i1 to vector<16xi1>
      %reduce_sum3A_236 = tpu.scan <sum>, %add3A_230 masked %reduce_sum3A_235 : vector<16xf32>, vector<16xi1> -> vector<16xf32>
      %reduce_sum3A_237 = vector.extract %reduce_sum3A_236[15] : f32 from vector<16xf32>
      %broadcast_in_dim3A_238 = vector.broadcast %reduce_sum3A_237 : f32 to vector<16xf32>
      %select_n3A_239 = arith.select %eq3A_233, %broadcast_in_dim3A_238, %select_n3A : vector<16xi1>, vector<16xf32>
      %mul3A_240 = arith.constant 16 : i32
      %mul3A_241 = arith.muli %add3A_90, %mul3A_240 : i32
      %add3A_242 = arith.constant 3 : i32
      %add3A_243 = arith.addi %mul3A_241, %add3A_242 : i32
      %mul3A_244 = arith.constant 16 : i32
      %mul3A_245 = arith.muli %add3A_90, %mul3A_244 : i32
      %add3A_246 = arith.constant 128 : i32
      %add3A_247 = arith.addi %add3A_246, %mul3A_245 : i32
      %add3A_248 = arith.constant 3 : i32
      %add3A_249 = arith.addi %add3A_247, %add3A_248 : i32
      %get3A_250 = arith.index_cast %add3A_249 : i32 to index
      %get3A_251 = arith.constant 0 : index
      %get3A_252 = tpu.vector_load %arg11[%get3A_250, %get3A_251] {strides = array<i32>} : memref<256x128xf32, #tpu.memory_space<vmem>>, vector<16xf32>,
      %get3A_253 = arith.index_cast %add3A_243 : i32 to index
      %get3A_254 = arith.constant 0 : index
      %get3A_255 = tpu.vector_load %arg8[%get3A_253, %get3A_254] {strides = array<i32>} : memref<128x128xf32, #tpu.memory_space<vmem>>, vector<16xf32>,
      %mul3A_256 = arith.mulf %get3A_252, %get3A_255 : vector<16xf32>
      %get3A_257 = arith.index_cast %add3A_249 : i32 to index
      %get3A_258 = arith.constant 16 : index
      %get3A_259 = tpu.vector_load %arg11[%get3A_257, %get3A_258] {strides = array<i32>} : memref<256x128xf32, #tpu.memory_space<vmem>>, vector<16xf32>,
      %get3A_260 = arith.index_cast %add3A_243 : i32 to index
      %get3A_261 = arith.constant 16 : index
      %get3A_262 = tpu.vector_load %arg8[%get3A_260, %get3A_261] {strides = array<i32>} : memref<128x128xf32, #tpu.memory_space<vmem>>, vector<16xf32>,
      %mul3A_263 = arith.mulf %get3A_259, %get3A_262 : vector<16xf32>
      %add3A_264 = arith.addf %mul3A_256, %mul3A_263 : vector<16xf32>
      %get3A_265 = arith.index_cast %add3A_249 : i32 to index
      %get3A_266 = arith.constant 32 : index
      %get3A_267 = tpu.vector_load %arg11[%get3A_265, %get3A_266] {strides = array<i32>} : memref<256x128xf32, #tpu.memory_space<vmem>>, vector<16xf32>,
      %get3A_268 = arith.index_cast %add3A_243 : i32 to index
      %get3A_269 = arith.constant 32 : index
      %get3A_270 = tpu.vector_load %arg8[%get3A_268, %get3A_269] {strides = array<i32>} : memref<128x128xf32, #tpu.memory_space<vmem>>, vector<16xf32>,
      %mul3A_271 = arith.mulf %get3A_267, %get3A_270 : vector<16xf32>
      %add3A_272 = arith.addf %add3A_264, %mul3A_271 : vector<16xf32>
      %get3A_273 = arith.index_cast %add3A_249 : i32 to index
      %get3A_274 = arith.constant 48 : index
      %get3A_275 = tpu.vector_load %arg11[%get3A_273, %get3A_274] {strides = array<i32>} : memref<256x128xf32, #tpu.memory_space<vmem>>, vector<16xf32>,
      %get3A_276 = arith.index_cast %add3A_243 : i32 to index
      %get3A_277 = arith.constant 48 : index
      %get3A_278 = tpu.vector_load %arg8[%get3A_276, %get3A_277] {strides = array<i32>} : memref<128x128xf32, #tpu.memory_space<vmem>>, vector<16xf32>,
      %mul3A_279 = arith.mulf %get3A_275, %get3A_278 : vector<16xf32>
      %add3A_280 = arith.addf %add3A_272, %mul3A_279 : vector<16xf32>
      %eq3A_281 = arith.constant 3 : i32
      %eq3A_282 = vector.broadcast %eq3A_281 : i32 to vector<16xi32>
      %eq3A_283 = arith.cmpi eq, %iota3A, %eq3A_282 : vector<16xi32>
      %reduce_sum3A_284 = arith.constant true
      %reduce_sum3A_285 = vector.broadcast %reduce_sum3A_284 : i1 to vector<16xi1>
      %reduce_sum3A_286 = tpu.scan <sum>, %add3A_280 masked %reduce_sum3A_285 : vector<16xf32>, vector<16xi1> -> vector<16xf32>
      %reduce_sum3A_287 = vector.extract %reduce_sum3A_286[15] : f32 from vector<16xf32>
      %broadcast_in_dim3A_288 = vector.broadcast %reduce_sum3A_287 : f32 to vector<16xf32>
      %select_n3A_289 = arith.select %eq3A_283, %broadcast_in_dim3A_288, %select_n3A_189 : vector<16xi1>, vector<16xf32>
      %mul3A_290 = arith.constant 16 : i32
      %mul3A_291 = arith.muli %add3A_90, %mul3A_290 : i32
      %add3A_292 = arith.constant 4 : i32
      %add3A_293 = arith.addi %mul3A_291, %add3A_292 : i32
      %mul3A_294 = arith.constant 16 : i32
      %mul3A_295 = arith.muli %add3A_90, %mul3A_294 : i32
      %add3A_296 = arith.constant 128 : i32
      %add3A_297 = arith.addi %add3A_296, %mul3A_295 : i32
      %add3A_298 = arith.constant 4 : i32
      %add3A_299 = arith.addi %add3A_297, %add3A_298 : i32
      %get3A_300 = arith.index_cast %add3A_299 : i32 to index
      %get3A_301 = arith.constant 0 : index
      %get3A_302 = tpu.vector_load %arg11[%get3A_300, %get3A_301] {strides = array<i32>} : memref<256x128xf32, #tpu.memory_space<vmem>>, vector<16xf32>,
      %get3A_303 = arith.index_cast %add3A_293 : i32 to index
      %get3A_304 = arith.constant 0 : index
      %get3A_305 = tpu.vector_load %arg8[%get3A_303, %get3A_304] {strides = array<i32>} : memref<128x128xf32, #tpu.memory_space<vmem>>, vector<16xf32>,
      %mul3A_306 = arith.mulf %get3A_302, %get3A_305 : vector<16xf32>
      %get3A_307 = arith.index_cast %add3A_299 : i32 to index
      %get3A_308 = arith.constant 16 : index
      %get3A_309 = tpu.vector_load %arg11[%get3A_307, %get3A_308] {strides = array<i32>} : memref<256x128xf32, #tpu.memory_space<vmem>>, vector<16xf32>,
      %get3A_310 = arith.index_cast %add3A_293 : i32 to index
      %get3A_311 = arith.constant 16 : index
      %get3A_312 = tpu.vector_load %arg8[%get3A_310, %get3A_311] {strides = array<i32>} : memref<128x128xf32, #tpu.memory_space<vmem>>, vector<16xf32>,
      %mul3A_313 = arith.mulf %get3A_309, %get3A_312 : vector<16xf32>
      %add3A_314 = arith.addf %mul3A_306, %mul3A_313 : vector<16xf32>
      %get3A_315 = arith.index_cast %add3A_299 : i32 to index
      %get3A_316 = arith.constant 32 : index
      %get3A_317 = tpu.vector_load %arg11[%get3A_315, %get3A_316] {strides = array<i32>} : memref<256x128xf32, #tpu.memory_space<vmem>>, vector<16xf32>,
      %get3A_318 = arith.index_cast %add3A_293 : i32 to index
      %get3A_319 = arith.constant 32 : index
      %get3A_320 = tpu.vector_load %arg8[%get3A_318, %get3A_319] {strides = array<i32>} : memref<128x128xf32, #tpu.memory_space<vmem>>, vector<16xf32>,
      %mul3A_321 = arith.mulf %get3A_317, %get3A_320 : vector<16xf32>
      %add3A_322 = arith.addf %add3A_314, %mul3A_321 : vector<16xf32>
      %get3A_323 = arith.index_cast %add3A_299 : i32 to index
      %get3A_324 = arith.constant 48 : index
      %get3A_325 = tpu.vector_load %arg11[%get3A_323, %get3A_324] {strides = array<i32>} : memref<256x128xf32, #tpu.memory_space<vmem>>, vector<16xf32>,
      %get3A_326 = arith.index_cast %add3A_293 : i32 to index
      %get3A_327 = arith.constant 48 : index
      %get3A_328 = tpu.vector_load %arg8[%get3A_326, %get3A_327] {strides = array<i32>} : memref<128x128xf32, #tpu.memory_space<vmem>>, vector<16xf32>,
      %mul3A_329 = arith.mulf %get3A_325, %get3A_328 : vector<16xf32>
      %add3A_330 = arith.addf %add3A_322, %mul3A_329 : vector<16xf32>
      %eq3A_331 = arith.constant 4 : i32
      %eq3A_332 = vector.broadcast %eq3A_331 : i32 to vector<16xi32>
      %eq3A_333 = arith.cmpi eq, %iota3A, %eq3A_332 : vector<16xi32>
      %reduce_sum3A_334 = arith.constant true
      %reduce_sum3A_335 = vector.broadcast %reduce_sum3A_334 : i1 to vector<16xi1>
      %reduce_sum3A_336 = tpu.scan <sum>, %add3A_330 masked %reduce_sum3A_335 : vector<16xf32>, vector<16xi1> -> vector<16xf32>
      %reduce_sum3A_337 = vector.extract %reduce_sum3A_336[15] : f32 from vector<16xf32>
      %broadcast_in_dim3A_338 = vector.broadcast %reduce_sum3A_337 : f32 to vector<16xf32>
      %select_n3A_339 = arith.select %eq3A_333, %broadcast_in_dim3A_338, %select_n3A_239 : vector<16xi1>, vector<16xf32>
      %mul3A_340 = arith.constant 16 : i32
      %mul3A_341 = arith.muli %add3A_90, %mul3A_340 : i32
      %add3A_342 = arith.constant 5 : i32
      %add3A_343 = arith.addi %mul3A_341, %add3A_342 : i32
      %mul3A_344 = arith.constant 16 : i32
      %mul3A_345 = arith.muli %add3A_90, %mul3A_344 : i32
      %add3A_346 = arith.constant 128 : i32
      %add3A_347 = arith.addi %add3A_346, %mul3A_345 : i32
      %add3A_348 = arith.constant 5 : i32
      %add3A_349 = arith.addi %add3A_347, %add3A_348 : i32
      %get3A_350 = arith.index_cast %add3A_349 : i32 to index
      %get3A_351 = arith.constant 0 : index
      %get3A_352 = tpu.vector_load %arg11[%get3A_350, %get3A_351] {strides = array<i32>} : memref<256x128xf32, #tpu.memory_space<vmem>>, vector<16xf32>,
      %get3A_353 = arith.index_cast %add3A_343 : i32 to index
      %get3A_354 = arith.constant 0 : index
      %get3A_355 = tpu.vector_load %arg8[%get3A_353, %get3A_354] {strides = array<i32>} : memref<128x128xf32, #tpu.memory_space<vmem>>, vector<16xf32>,
      %mul3A_356 = arith.mulf %get3A_352, %get3A_355 : vector<16xf32>
      %get3A_357 = arith.index_cast %add3A_349 : i32 to index
      %get3A_358 = arith.constant 16 : index
      %get3A_359 = tpu.vector_load %arg11[%get3A_357, %get3A_358] {strides = array<i32>} : memref<256x128xf32, #tpu.memory_space<vmem>>, vector<16xf32>,
      %get3A_360 = arith.index_cast %add3A_343 : i32 to index
      %get3A_361 = arith.constant 16 : index
      %get3A_362 = tpu.vector_load %arg8[%get3A_360, %get3A_361] {strides = array<i32>} : memref<128x128xf32, #tpu.memory_space<vmem>>, vector<16xf32>,
      %mul3A_363 = arith.mulf %get3A_359, %get3A_362 : vector<16xf32>
      %add3A_364 = arith.addf %mul3A_356, %mul3A_363 : vector<16xf32>
      %get3A_365 = arith.index_cast %add3A_349 : i32 to index
      %get3A_366 = arith.constant 32 : index
      %get3A_367 = tpu.vector_load %arg11[%get3A_365, %get3A_366] {strides = array<i32>} : memref<256x128xf32, #tpu.memory_space<vmem>>, vector<16xf32>,
      %get3A_368 = arith.index_cast %add3A_343 : i32 to index
      %get3A_369 = arith.constant 32 : index
      %get3A_370 = tpu.vector_load %arg8[%get3A_368, %get3A_369] {strides = array<i32>} : memref<128x128xf32, #tpu.memory_space<vmem>>, vector<16xf32>,
      %mul3A_371 = arith.mulf %get3A_367, %get3A_370 : vector<16xf32>
      %add3A_372 = arith.addf %add3A_364, %mul3A_371 : vector<16xf32>
      %get3A_373 = arith.index_cast %add3A_349 : i32 to index
      %get3A_374 = arith.constant 48 : index
      %get3A_375 = tpu.vector_load %arg11[%get3A_373, %get3A_374] {strides = array<i32>} : memref<256x128xf32, #tpu.memory_space<vmem>>, vector<16xf32>,
      %get3A_376 = arith.index_cast %add3A_343 : i32 to index
      %get3A_377 = arith.constant 48 : index
      %get3A_378 = tpu.vector_load %arg8[%get3A_376, %get3A_377] {strides = array<i32>} : memref<128x128xf32, #tpu.memory_space<vmem>>, vector<16xf32>,
      %mul3A_379 = arith.mulf %get3A_375, %get3A_378 : vector<16xf32>
      %add3A_380 = arith.addf %add3A_372, %mul3A_379 : vector<16xf32>
      %eq3A_381 = arith.constant 5 : i32
      %eq3A_382 = vector.broadcast %eq3A_381 : i32 to vector<16xi32>
      %eq3A_383 = arith.cmpi eq, %iota3A, %eq3A_382 : vector<16xi32>
      %reduce_sum3A_384 = arith.constant true
      %reduce_sum3A_385 = vector.broadcast %reduce_sum3A_384 : i1 to vector<16xi1>
      %reduce_sum3A_386 = tpu.scan <sum>, %add3A_380 masked %reduce_sum3A_385 : vector<16xf32>, vector<16xi1> -> vector<16xf32>
      %reduce_sum3A_387 = vector.extract %reduce_sum3A_386[15] : f32 from vector<16xf32>
      %broadcast_in_dim3A_388 = vector.broadcast %reduce_sum3A_387 : f32 to vector<16xf32>
      %select_n3A_389 = arith.select %eq3A_383, %broadcast_in_dim3A_388, %select_n3A_289 : vector<16xi1>, vector<16xf32>
      %mul3A_390 = arith.constant 16 : i32
      %mul3A_391 = arith.muli %add3A_90, %mul3A_390 : i32
      %add3A_392 = arith.constant 6 : i32
      %add3A_393 = arith.addi %mul3A_391, %add3A_392 : i32
      %mul3A_394 = arith.constant 16 : i32
      %mul3A_395 = arith.muli %add3A_90, %mul3A_394 : i32
      %add3A_396 = arith.constant 128 : i32
      %add3A_397 = arith.addi %add3A_396, %mul3A_395 : i32
      %add3A_398 = arith.constant 6 : i32
      %add3A_399 = arith.addi %add3A_397, %add3A_398 : i32
      %get3A_400 = arith.index_cast %add3A_399 : i32 to index
      %get3A_401 = arith.constant 0 : index
      %get3A_402 = tpu.vector_load %arg11[%get3A_400, %get3A_401] {strides = array<i32>} : memref<256x128xf32, #tpu.memory_space<vmem>>, vector<16xf32>,
      %get3A_403 = arith.index_cast %add3A_393 : i32 to index
      %get3A_404 = arith.constant 0 : index
      %get3A_405 = tpu.vector_load %arg8[%get3A_403, %get3A_404] {strides = array<i32>} : memref<128x128xf32, #tpu.memory_space<vmem>>, vector<16xf32>,
      %mul3A_406 = arith.mulf %get3A_402, %get3A_405 : vector<16xf32>
      %get3A_407 = arith.index_cast %add3A_399 : i32 to index
      %get3A_408 = arith.constant 16 : index
      %get3A_409 = tpu.vector_load %arg11[%get3A_407, %get3A_408] {strides = array<i32>} : memref<256x128xf32, #tpu.memory_space<vmem>>, vector<16xf32>,
      %get3A_410 = arith.index_cast %add3A_393 : i32 to index
      %get3A_411 = arith.constant 16 : index
      %get3A_412 = tpu.vector_load %arg8[%get3A_410, %get3A_411] {strides = array<i32>} : memref<128x128xf32, #tpu.memory_space<vmem>>, vector<16xf32>,
      %mul3A_413 = arith.mulf %get3A_409, %get3A_412 : vector<16xf32>
      %add3A_414 = arith.addf %mul3A_406, %mul3A_413 : vector<16xf32>
      %get3A_415 = arith.index_cast %add3A_399 : i32 to index
      %get3A_416 = arith.constant 32 : index
      %get3A_417 = tpu.vector_load %arg11[%get3A_415, %get3A_416] {strides = array<i32>} : memref<256x128xf32, #tpu.memory_space<vmem>>, vector<16xf32>,
      %get3A_418 = arith.index_cast %add3A_393 : i32 to index
      %get3A_419 = arith.constant 32 : index
      %get3A_420 = tpu.vector_load %arg8[%get3A_418, %get3A_419] {strides = array<i32>} : memref<128x128xf32, #tpu.memory_space<vmem>>, vector<16xf32>,
      %mul3A_421 = arith.mulf %get3A_417, %get3A_420 : vector<16xf32>
      %add3A_422 = arith.addf %add3A_414, %mul3A_421 : vector<16xf32>
      %get3A_423 = arith.index_cast %add3A_399 : i32 to index
      %get3A_424 = arith.constant 48 : index
      %get3A_425 = tpu.vector_load %arg11[%get3A_423, %get3A_424] {strides = array<i32>} : memref<256x128xf32, #tpu.memory_space<vmem>>, vector<16xf32>,
      %get3A_426 = arith.index_cast %add3A_393 : i32 to index
      %get3A_427 = arith.constant 48 : index
      %get3A_428 = tpu.vector_load %arg8[%get3A_426, %get3A_427] {strides = array<i32>} : memref<128x128xf32, #tpu.memory_space<vmem>>, vector<16xf32>,
      %mul3A_429 = arith.mulf %get3A_425, %get3A_428 : vector<16xf32>
      %add3A_430 = arith.addf %add3A_422, %mul3A_429 : vector<16xf32>
      %eq3A_431 = arith.constant 6 : i32
      %eq3A_432 = vector.broadcast %eq3A_431 : i32 to vector<16xi32>
      %eq3A_433 = arith.cmpi eq, %iota3A, %eq3A_432 : vector<16xi32>
      %reduce_sum3A_434 = arith.constant true
      %reduce_sum3A_435 = vector.broadcast %reduce_sum3A_434 : i1 to vector<16xi1>
      %reduce_sum3A_436 = tpu.scan <sum>, %add3A_430 masked %reduce_sum3A_435 : vector<16xf32>, vector<16xi1> -> vector<16xf32>
      %reduce_sum3A_437 = vector.extract %reduce_sum3A_436[15] : f32 from vector<16xf32>
      %broadcast_in_dim3A_438 = vector.broadcast %reduce_sum3A_437 : f32 to vector<16xf32>
      %select_n3A_439 = arith.select %eq3A_433, %broadcast_in_dim3A_438, %select_n3A_339 : vector<16xi1>, vector<16xf32>
      %mul3A_440 = arith.constant 16 : i32
      %mul3A_441 = arith.muli %add3A_90, %mul3A_440 : i32
      %add3A_442 = arith.constant 7 : i32
      %add3A_443 = arith.addi %mul3A_441, %add3A_442 : i32
      %mul3A_444 = arith.constant 16 : i32
      %mul3A_445 = arith.muli %add3A_90, %mul3A_444 : i32
      %add3A_446 = arith.constant 128 : i32
      %add3A_447 = arith.addi %add3A_446, %mul3A_445 : i32
      %add3A_448 = arith.constant 7 : i32
      %add3A_449 = arith.addi %add3A_447, %add3A_448 : i32
      %get3A_450 = arith.index_cast %add3A_449 : i32 to index
      %get3A_451 = arith.constant 0 : index
      %get3A_452 = tpu.vector_load %arg11[%get3A_450, %get3A_451] {strides = array<i32>} : memref<256x128xf32, #tpu.memory_space<vmem>>, vector<16xf32>,
      %get3A_453 = arith.index_cast %add3A_443 : i32 to index
      %get3A_454 = arith.constant 0 : index
      %get3A_455 = tpu.vector_load %arg8[%get3A_453, %get3A_454] {strides = array<i32>} : memref<128x128xf32, #tpu.memory_space<vmem>>, vector<16xf32>,
      %mul3A_456 = arith.mulf %get3A_452, %get3A_455 : vector<16xf32>
      %get3A_457 = arith.index_cast %add3A_449 : i32 to index
      %get3A_458 = arith.constant 16 : index
      %get3A_459 = tpu.vector_load %arg11[%get3A_457, %get3A_458] {strides = array<i32>} : memref<256x128xf32, #tpu.memory_space<vmem>>, vector<16xf32>,
      %get3A_460 = arith.index_cast %add3A_443 : i32 to index
      %get3A_461 = arith.constant 16 : index
      %get3A_462 = tpu.vector_load %arg8[%get3A_460, %get3A_461] {strides = array<i32>} : memref<128x128xf32, #tpu.memory_space<vmem>>, vector<16xf32>,
      %mul3A_463 = arith.mulf %get3A_459, %get3A_462 : vector<16xf32>
      %add3A_464 = arith.addf %mul3A_456, %mul3A_463 : vector<16xf32>
      %get3A_465 = arith.index_cast %add3A_449 : i32 to index
      %get3A_466 = arith.constant 32 : index
      %get3A_467 = tpu.vector_load %arg11[%get3A_465, %get3A_466] {strides = array<i32>} : memref<256x128xf32, #tpu.memory_space<vmem>>, vector<16xf32>,
      %get3A_468 = arith.index_cast %add3A_443 : i32 to index
      %get3A_469 = arith.constant 32 : index
      %get3A_470 = tpu.vector_load %arg8[%get3A_468, %get3A_469] {strides = array<i32>} : memref<128x128xf32, #tpu.memory_space<vmem>>, vector<16xf32>,
      %mul3A_471 = arith.mulf %get3A_467, %get3A_470 : vector<16xf32>
      %add3A_472 = arith.addf %add3A_464, %mul3A_471 : vector<16xf32>
      %get3A_473 = arith.index_cast %add3A_449 : i32 to index
      %get3A_474 = arith.constant 48 : index
      %get3A_475 = tpu.vector_load %arg11[%get3A_473, %get3A_474] {strides = array<i32>} : memref<256x128xf32, #tpu.memory_space<vmem>>, vector<16xf32>,
      %get3A_476 = arith.index_cast %add3A_443 : i32 to index
      %get3A_477 = arith.constant 48 : index
      %get3A_478 = tpu.vector_load %arg8[%get3A_476, %get3A_477] {strides = array<i32>} : memref<128x128xf32, #tpu.memory_space<vmem>>, vector<16xf32>,
      %mul3A_479 = arith.mulf %get3A_475, %get3A_478 : vector<16xf32>
      %add3A_480 = arith.addf %add3A_472, %mul3A_479 : vector<16xf32>
      %eq3A_481 = arith.constant 7 : i32
      %eq3A_482 = vector.broadcast %eq3A_481 : i32 to vector<16xi32>
      %eq3A_483 = arith.cmpi eq, %iota3A, %eq3A_482 : vector<16xi32>
      %reduce_sum3A_484 = arith.constant true
      %reduce_sum3A_485 = vector.broadcast %reduce_sum3A_484 : i1 to vector<16xi1>
      %reduce_sum3A_486 = tpu.scan <sum>, %add3A_480 masked %reduce_sum3A_485 : vector<16xf32>, vector<16xi1> -> vector<16xf32>
      %reduce_sum3A_487 = vector.extract %reduce_sum3A_486[15] : f32 from vector<16xf32>
      %broadcast_in_dim3A_488 = vector.broadcast %reduce_sum3A_487 : f32 to vector<16xf32>
      %select_n3A_489 = arith.select %eq3A_483, %broadcast_in_dim3A_488, %select_n3A_389 : vector<16xi1>, vector<16xf32>
      %mul3A_490 = arith.constant 16 : i32
      %mul3A_491 = arith.muli %add3A_90, %mul3A_490 : i32
      %add3A_492 = arith.constant 8 : i32
      %add3A_493 = arith.addi %mul3A_491, %add3A_492 : i32
      %mul3A_494 = arith.constant 16 : i32
      %mul3A_495 = arith.muli %add3A_90, %mul3A_494 : i32
      %add3A_496 = arith.constant 128 : i32
      %add3A_497 = arith.addi %add3A_496, %mul3A_495 : i32
      %add3A_498 = arith.constant 8 : i32
      %add3A_499 = arith.addi %add3A_497, %add3A_498 : i32
      %get3A_500 = arith.index_cast %add3A_499 : i32 to index
      %get3A_501 = arith.constant 0 : index
      %get3A_502 = tpu.vector_load %arg11[%get3A_500, %get3A_501] {strides = array<i32>} : memref<256x128xf32, #tpu.memory_space<vmem>>, vector<16xf32>,
      %get3A_503 = arith.index_cast %add3A_493 : i32 to index
      %get3A_504 = arith.constant 0 : index
      %get3A_505 = tpu.vector_load %arg8[%get3A_503, %get3A_504] {strides = array<i32>} : memref<128x128xf32, #tpu.memory_space<vmem>>, vector<16xf32>,
      %mul3A_506 = arith.mulf %get3A_502, %get3A_505 : vector<16xf32>
      %get3A_507 = arith.index_cast %add3A_499 : i32 to index
      %get3A_508 = arith.constant 16 : index
      %get3A_509 = tpu.vector_load %arg11[%get3A_507, %get3A_508] {strides = array<i32>} : memref<256x128xf32, #tpu.memory_space<vmem>>, vector<16xf32>,
      %get3A_510 = arith.index_cast %add3A_493 : i32 to index
      %get3A_511 = arith.constant 16 : index
      %get3A_512 = tpu.vector_load %arg8[%get3A_510, %get3A_511] {strides = array<i32>} : memref<128x128xf32, #tpu.memory_space<vmem>>, vector<16xf32>,
      %mul3A_513 = arith.mulf %get3A_509, %get3A_512 : vector<16xf32>
      %add3A_514 = arith.addf %mul3A_506, %mul3A_513 : vector<16xf32>
      %get3A_515 = arith.index_cast %add3A_499 : i32 to index
      %get3A_516 = arith.constant 32 : index
      %get3A_517 = tpu.vector_load %arg11[%get3A_515, %get3A_516] {strides = array<i32>} : memref<256x128xf32, #tpu.memory_space<vmem>>, vector<16xf32>,
      %get3A_518 = arith.index_cast %add3A_493 : i32 to index
      %get3A_519 = arith.constant 32 : index
      %get3A_520 = tpu.vector_load %arg8[%get3A_518, %get3A_519] {strides = array<i32>} : memref<128x128xf32, #tpu.memory_space<vmem>>, vector<16xf32>,
      %mul3A_521 = arith.mulf %get3A_517, %get3A_520 : vector<16xf32>
      %add3A_522 = arith.addf %add3A_514, %mul3A_521 : vector<16xf32>
      %get3A_523 = arith.index_cast %add3A_499 : i32 to index
      %get3A_524 = arith.constant 48 : index
      %get3A_525 = tpu.vector_load %arg11[%get3A_523, %get3A_524] {strides = array<i32>} : memref<256x128xf32, #tpu.memory_space<vmem>>, vector<16xf32>,
      %get3A_526 = arith.index_cast %add3A_493 : i32 to index
      %get3A_527 = arith.constant 48 : index
      %get3A_528 = tpu.vector_load %arg8[%get3A_526, %get3A_527] {strides = array<i32>} : memref<128x128xf32, #tpu.memory_space<vmem>>, vector<16xf32>,
      %mul3A_529 = arith.mulf %get3A_525, %get3A_528 : vector<16xf32>
      %add3A_530 = arith.addf %add3A_522, %mul3A_529 : vector<16xf32>
      %eq3A_531 = arith.constant 8 : i32
      %eq3A_532 = vector.broadcast %eq3A_531 : i32 to vector<16xi32>
      %eq3A_533 = arith.cmpi eq, %iota3A, %eq3A_532 : vector<16xi32>
      %reduce_sum3A_534 = arith.constant true
      %reduce_sum3A_535 = vector.broadcast %reduce_sum3A_534 : i1 to vector<16xi1>
      %reduce_sum3A_536 = tpu.scan <sum>, %add3A_530 masked %reduce_sum3A_535 : vector<16xf32>, vector<16xi1> -> vector<16xf32>
      %reduce_sum3A_537 = vector.extract %reduce_sum3A_536[15] : f32 from vector<16xf32>
      %broadcast_in_dim3A_538 = vector.broadcast %reduce_sum3A_537 : f32 to vector<16xf32>
      %select_n3A_539 = arith.select %eq3A_533, %broadcast_in_dim3A_538, %select_n3A_439 : vector<16xi1>, vector<16xf32>
      %mul3A_540 = arith.constant 16 : i32
      %mul3A_541 = arith.muli %add3A_90, %mul3A_540 : i32
      %add3A_542 = arith.constant 9 : i32
      %add3A_543 = arith.addi %mul3A_541, %add3A_542 : i32
      %mul3A_544 = arith.constant 16 : i32
      %mul3A_545 = arith.muli %add3A_90, %mul3A_544 : i32
      %add3A_546 = arith.constant 128 : i32
      %add3A_547 = arith.addi %add3A_546, %mul3A_545 : i32
      %add3A_548 = arith.constant 9 : i32
      %add3A_549 = arith.addi %add3A_547, %add3A_548 : i32
      %get3A_550 = arith.index_cast %add3A_549 : i32 to index
      %get3A_551 = arith.constant 0 : index
      %get3A_552 = tpu.vector_load %arg11[%get3A_550, %get3A_551] {strides = array<i32>} : memref<256x128xf32, #tpu.memory_space<vmem>>, vector<16xf32>,
      %get3A_553 = arith.index_cast %add3A_543 : i32 to index
      %get3A_554 = arith.constant 0 : index
      %get3A_555 = tpu.vector_load %arg8[%get3A_553, %get3A_554] {strides = array<i32>} : memref<128x128xf32, #tpu.memory_space<vmem>>, vector<16xf32>,
      %mul3A_556 = arith.mulf %get3A_552, %get3A_555 : vector<16xf32>
      %get3A_557 = arith.index_cast %add3A_549 : i32 to index
      %get3A_558 = arith.constant 16 : index
      %get3A_559 = tpu.vector_load %arg11[%get3A_557, %get3A_558] {strides = array<i32>} : memref<256x128xf32, #tpu.memory_space<vmem>>, vector<16xf32>,
      %get3A_560 = arith.index_cast %add3A_543 : i32 to index
      %get3A_561 = arith.constant 16 : index
      %get3A_562 = tpu.vector_load %arg8[%get3A_560, %get3A_561] {strides = array<i32>} : memref<128x128xf32, #tpu.memory_space<vmem>>, vector<16xf32>,
      %mul3A_563 = arith.mulf %get3A_559, %get3A_562 : vector<16xf32>
      %add3A_564 = arith.addf %mul3A_556, %mul3A_563 : vector<16xf32>
      %get3A_565 = arith.index_cast %add3A_549 : i32 to index
      %get3A_566 = arith.constant 32 : index
      %get3A_567 = tpu.vector_load %arg11[%get3A_565, %get3A_566] {strides = array<i32>} : memref<256x128xf32, #tpu.memory_space<vmem>>, vector<16xf32>,
      %get3A_568 = arith.index_cast %add3A_543 : i32 to index
      %get3A_569 = arith.constant 32 : index
      %get3A_570 = tpu.vector_load %arg8[%get3A_568, %get3A_569] {strides = array<i32>} : memref<128x128xf32, #tpu.memory_space<vmem>>, vector<16xf32>,
      %mul3A_571 = arith.mulf %get3A_567, %get3A_570 : vector<16xf32>
      %add3A_572 = arith.addf %add3A_564, %mul3A_571 : vector<16xf32>
      %get3A_573 = arith.index_cast %add3A_549 : i32 to index
      %get3A_574 = arith.constant 48 : index
      %get3A_575 = tpu.vector_load %arg11[%get3A_573, %get3A_574] {strides = array<i32>} : memref<256x128xf32, #tpu.memory_space<vmem>>, vector<16xf32>,
      %get3A_576 = arith.index_cast %add3A_543 : i32 to index
      %get3A_577 = arith.constant 48 : index
      %get3A_578 = tpu.vector_load %arg8[%get3A_576, %get3A_577] {strides = array<i32>} : memref<128x128xf32, #tpu.memory_space<vmem>>, vector<16xf32>,
      %mul3A_579 = arith.mulf %get3A_575, %get3A_578 : vector<16xf32>
      %add3A_580 = arith.addf %add3A_572, %mul3A_579 : vector<16xf32>
      %eq3A_581 = arith.constant 9 : i32
      %eq3A_582 = vector.broadcast %eq3A_581 : i32 to vector<16xi32>
      %eq3A_583 = arith.cmpi eq, %iota3A, %eq3A_582 : vector<16xi32>
      %reduce_sum3A_584 = arith.constant true
      %reduce_sum3A_585 = vector.broadcast %reduce_sum3A_584 : i1 to vector<16xi1>
      %reduce_sum3A_586 = tpu.scan <sum>, %add3A_580 masked %reduce_sum3A_585 : vector<16xf32>, vector<16xi1> -> vector<16xf32>
      %reduce_sum3A_587 = vector.extract %reduce_sum3A_586[15] : f32 from vector<16xf32>
      %broadcast_in_dim3A_588 = vector.broadcast %reduce_sum3A_587 : f32 to vector<16xf32>
      %select_n3A_589 = arith.select %eq3A_583, %broadcast_in_dim3A_588, %select_n3A_489 : vector<16xi1>, vector<16xf32>
      %mul3A_590 = arith.constant 16 : i32
      %mul3A_591 = arith.muli %add3A_90, %mul3A_590 : i32
      %add3A_592 = arith.constant 10 : i32
      %add3A_593 = arith.addi %mul3A_591, %add3A_592 : i32
      %mul3A_594 = arith.constant 16 : i32
      %mul3A_595 = arith.muli %add3A_90, %mul3A_594 : i32
      %add3A_596 = arith.constant 128 : i32
      %add3A_597 = arith.addi %add3A_596, %mul3A_595 : i32
      %add3A_598 = arith.constant 10 : i32
      %add3A_599 = arith.addi %add3A_597, %add3A_598 : i32
      %get3A_600 = arith.index_cast %add3A_599 : i32 to index
      %get3A_601 = arith.constant 0 : index
      %get3A_602 = tpu.vector_load %arg11[%get3A_600, %get3A_601] {strides = array<i32>} : memref<256x128xf32, #tpu.memory_space<vmem>>, vector<16xf32>,
      %get3A_603 = arith.index_cast %add3A_593 : i32 to index
      %get3A_604 = arith.constant 0 : index
      %get3A_605 = tpu.vector_load %arg8[%get3A_603, %get3A_604] {strides = array<i32>} : memref<128x128xf32, #tpu.memory_space<vmem>>, vector<16xf32>,
      %mul3A_606 = arith.mulf %get3A_602, %get3A_605 : vector<16xf32>
      %get3A_607 = arith.index_cast %add3A_599 : i32 to index
      %get3A_608 = arith.constant 16 : index
      %get3A_609 = tpu.vector_load %arg11[%get3A_607, %get3A_608] {strides = array<i32>} : memref<256x128xf32, #tpu.memory_space<vmem>>, vector<16xf32>,
      %get3A_610 = arith.index_cast %add3A_593 : i32 to index
      %get3A_611 = arith.constant 16 : index
      %get3A_612 = tpu.vector_load %arg8[%get3A_610, %get3A_611] {strides = array<i32>} : memref<128x128xf32, #tpu.memory_space<vmem>>, vector<16xf32>,
      %mul3A_613 = arith.mulf %get3A_609, %get3A_612 : vector<16xf32>
      %add3A_614 = arith.addf %mul3A_606, %mul3A_613 : vector<16xf32>
      %get3A_615 = arith.index_cast %add3A_599 : i32 to index
      %get3A_616 = arith.constant 32 : index
      %get3A_617 = tpu.vector_load %arg11[%get3A_615, %get3A_616] {strides = array<i32>} : memref<256x128xf32, #tpu.memory_space<vmem>>, vector<16xf32>,
      %get3A_618 = arith.index_cast %add3A_593 : i32 to index
      %get3A_619 = arith.constant 32 : index
      %get3A_620 = tpu.vector_load %arg8[%get3A_618, %get3A_619] {strides = array<i32>} : memref<128x128xf32, #tpu.memory_space<vmem>>, vector<16xf32>,
      %mul3A_621 = arith.mulf %get3A_617, %get3A_620 : vector<16xf32>
      %add3A_622 = arith.addf %add3A_614, %mul3A_621 : vector<16xf32>
      %get3A_623 = arith.index_cast %add3A_599 : i32 to index
      %get3A_624 = arith.constant 48 : index
      %get3A_625 = tpu.vector_load %arg11[%get3A_623, %get3A_624] {strides = array<i32>} : memref<256x128xf32, #tpu.memory_space<vmem>>, vector<16xf32>,
      %get3A_626 = arith.index_cast %add3A_593 : i32 to index
      %get3A_627 = arith.constant 48 : index
      %get3A_628 = tpu.vector_load %arg8[%get3A_626, %get3A_627] {strides = array<i32>} : memref<128x128xf32, #tpu.memory_space<vmem>>, vector<16xf32>,
      %mul3A_629 = arith.mulf %get3A_625, %get3A_628 : vector<16xf32>
      %add3A_630 = arith.addf %add3A_622, %mul3A_629 : vector<16xf32>
      %eq3A_631 = arith.constant 10 : i32
      %eq3A_632 = vector.broadcast %eq3A_631 : i32 to vector<16xi32>
      %eq3A_633 = arith.cmpi eq, %iota3A, %eq3A_632 : vector<16xi32>
      %reduce_sum3A_634 = arith.constant true
      %reduce_sum3A_635 = vector.broadcast %reduce_sum3A_634 : i1 to vector<16xi1>
      %reduce_sum3A_636 = tpu.scan <sum>, %add3A_630 masked %reduce_sum3A_635 : vector<16xf32>, vector<16xi1> -> vector<16xf32>
      %reduce_sum3A_637 = vector.extract %reduce_sum3A_636[15] : f32 from vector<16xf32>
      %broadcast_in_dim3A_638 = vector.broadcast %reduce_sum3A_637 : f32 to vector<16xf32>
      %select_n3A_639 = arith.select %eq3A_633, %broadcast_in_dim3A_638, %select_n3A_539 : vector<16xi1>, vector<16xf32>
      %mul3A_640 = arith.constant 16 : i32
      %mul3A_641 = arith.muli %add3A_90, %mul3A_640 : i32
      %add3A_642 = arith.constant 11 : i32
      %add3A_643 = arith.addi %mul3A_641, %add3A_642 : i32
      %mul3A_644 = arith.constant 16 : i32
      %mul3A_645 = arith.muli %add3A_90, %mul3A_644 : i32
      %add3A_646 = arith.constant 128 : i32
      %add3A_647 = arith.addi %add3A_646, %mul3A_645 : i32
      %add3A_648 = arith.constant 11 : i32
      %add3A_649 = arith.addi %add3A_647, %add3A_648 : i32
      %get3A_650 = arith.index_cast %add3A_649 : i32 to index
      %get3A_651 = arith.constant 0 : index
      %get3A_652 = tpu.vector_load %arg11[%get3A_650, %get3A_651] {strides = array<i32>} : memref<256x128xf32, #tpu.memory_space<vmem>>, vector<16xf32>,
      %get3A_653 = arith.index_cast %add3A_643 : i32 to index
      %get3A_654 = arith.constant 0 : index
      %get3A_655 = tpu.vector_load %arg8[%get3A_653, %get3A_654] {strides = array<i32>} : memref<128x128xf32, #tpu.memory_space<vmem>>, vector<16xf32>,
      %mul3A_656 = arith.mulf %get3A_652, %get3A_655 : vector<16xf32>
      %get3A_657 = arith.index_cast %add3A_649 : i32 to index
      %get3A_658 = arith.constant 16 : index
      %get3A_659 = tpu.vector_load %arg11[%get3A_657, %get3A_658] {strides = array<i32>} : memref<256x128xf32, #tpu.memory_space<vmem>>, vector<16xf32>,
      %get3A_660 = arith.index_cast %add3A_643 : i32 to index
      %get3A_661 = arith.constant 16 : index
      %get3A_662 = tpu.vector_load %arg8[%get3A_660, %get3A_661] {strides = array<i32>} : memref<128x128xf32, #tpu.memory_space<vmem>>, vector<16xf32>,
      %mul3A_663 = arith.mulf %get3A_659, %get3A_662 : vector<16xf32>
      %add3A_664 = arith.addf %mul3A_656, %mul3A_663 : vector<16xf32>
      %get3A_665 = arith.index_cast %add3A_649 : i32 to index
      %get3A_666 = arith.constant 32 : index
      %get3A_667 = tpu.vector_load %arg11[%get3A_665, %get3A_666] {strides = array<i32>} : memref<256x128xf32, #tpu.memory_space<vmem>>, vector<16xf32>,
      %get3A_668 = arith.index_cast %add3A_643 : i32 to index
      %get3A_669 = arith.constant 32 : index
      %get3A_670 = tpu.vector_load %arg8[%get3A_668, %get3A_669] {strides = array<i32>} : memref<128x128xf32, #tpu.memory_space<vmem>>, vector<16xf32>,
      %mul3A_671 = arith.mulf %get3A_667, %get3A_670 : vector<16xf32>
      %add3A_672 = arith.addf %add3A_664, %mul3A_671 : vector<16xf32>
      %get3A_673 = arith.index_cast %add3A_649 : i32 to index
      %get3A_674 = arith.constant 48 : index
      %get3A_675 = tpu.vector_load %arg11[%get3A_673, %get3A_674] {strides = array<i32>} : memref<256x128xf32, #tpu.memory_space<vmem>>, vector<16xf32>,
      %get3A_676 = arith.index_cast %add3A_643 : i32 to index
      %get3A_677 = arith.constant 48 : index
      %get3A_678 = tpu.vector_load %arg8[%get3A_676, %get3A_677] {strides = array<i32>} : memref<128x128xf32, #tpu.memory_space<vmem>>, vector<16xf32>,
      %mul3A_679 = arith.mulf %get3A_675, %get3A_678 : vector<16xf32>
      %add3A_680 = arith.addf %add3A_672, %mul3A_679 : vector<16xf32>
      %eq3A_681 = arith.constant 11 : i32
      %eq3A_682 = vector.broadcast %eq3A_681 : i32 to vector<16xi32>
      %eq3A_683 = arith.cmpi eq, %iota3A, %eq3A_682 : vector<16xi32>
      %reduce_sum3A_684 = arith.constant true
      %reduce_sum3A_685 = vector.broadcast %reduce_sum3A_684 : i1 to vector<16xi1>
      %reduce_sum3A_686 = tpu.scan <sum>, %add3A_680 masked %reduce_sum3A_685 : vector<16xf32>, vector<16xi1> -> vector<16xf32>
      %reduce_sum3A_687 = vector.extract %reduce_sum3A_686[15] : f32 from vector<16xf32>
      %broadcast_in_dim3A_688 = vector.broadcast %reduce_sum3A_687 : f32 to vector<16xf32>
      %select_n3A_689 = arith.select %eq3A_683, %broadcast_in_dim3A_688, %select_n3A_589 : vector<16xi1>, vector<16xf32>
      %mul3A_690 = arith.constant 16 : i32
      %mul3A_691 = arith.muli %add3A_90, %mul3A_690 : i32
      %add3A_692 = arith.constant 12 : i32
      %add3A_693 = arith.addi %mul3A_691, %add3A_692 : i32
      %mul3A_694 = arith.constant 16 : i32
      %mul3A_695 = arith.muli %add3A_90, %mul3A_694 : i32
      %add3A_696 = arith.constant 128 : i32
      %add3A_697 = arith.addi %add3A_696, %mul3A_695 : i32
      %add3A_698 = arith.constant 12 : i32
      %add3A_699 = arith.addi %add3A_697, %add3A_698 : i32
      %get3A_700 = arith.index_cast %add3A_699 : i32 to index
      %get3A_701 = arith.constant 0 : index
      %get3A_702 = tpu.vector_load %arg11[%get3A_700, %get3A_701] {strides = array<i32>} : memref<256x128xf32, #tpu.memory_space<vmem>>, vector<16xf32>,
      %get3A_703 = arith.index_cast %add3A_693 : i32 to index
      %get3A_704 = arith.constant 0 : index
      %get3A_705 = tpu.vector_load %arg8[%get3A_703, %get3A_704] {strides = array<i32>} : memref<128x128xf32, #tpu.memory_space<vmem>>, vector<16xf32>,
      %mul3A_706 = arith.mulf %get3A_702, %get3A_705 : vector<16xf32>
      %get3A_707 = arith.index_cast %add3A_699 : i32 to index
      %get3A_708 = arith.constant 16 : index
      %get3A_709 = tpu.vector_load %arg11[%get3A_707, %get3A_708] {strides = array<i32>} : memref<256x128xf32, #tpu.memory_space<vmem>>, vector<16xf32>,
      %get3A_710 = arith.index_cast %add3A_693 : i32 to index
      %get3A_711 = arith.constant 16 : index
      %get3A_712 = tpu.vector_load %arg8[%get3A_710, %get3A_711] {strides = array<i32>} : memref<128x128xf32, #tpu.memory_space<vmem>>, vector<16xf32>,
      %mul3A_713 = arith.mulf %get3A_709, %get3A_712 : vector<16xf32>
      %add3A_714 = arith.addf %mul3A_706, %mul3A_713 : vector<16xf32>
      %get3A_715 = arith.index_cast %add3A_699 : i32 to index
      %get3A_716 = arith.constant 32 : index
      %get3A_717 = tpu.vector_load %arg11[%get3A_715, %get3A_716] {strides = array<i32>} : memref<256x128xf32, #tpu.memory_space<vmem>>, vector<16xf32>,
      %get3A_718 = arith.index_cast %add3A_693 : i32 to index
      %get3A_719 = arith.constant 32 : index
      %get3A_720 = tpu.vector_load %arg8[%get3A_718, %get3A_719] {strides = array<i32>} : memref<128x128xf32, #tpu.memory_space<vmem>>, vector<16xf32>,
      %mul3A_721 = arith.mulf %get3A_717, %get3A_720 : vector<16xf32>
      %add3A_722 = arith.addf %add3A_714, %mul3A_721 : vector<16xf32>
      %get3A_723 = arith.index_cast %add3A_699 : i32 to index
      %get3A_724 = arith.constant 48 : index
      %get3A_725 = tpu.vector_load %arg11[%get3A_723, %get3A_724] {strides = array<i32>} : memref<256x128xf32, #tpu.memory_space<vmem>>, vector<16xf32>,
      %get3A_726 = arith.index_cast %add3A_693 : i32 to index
      %get3A_727 = arith.constant 48 : index
      %get3A_728 = tpu.vector_load %arg8[%get3A_726, %get3A_727] {strides = array<i32>} : memref<128x128xf32, #tpu.memory_space<vmem>>, vector<16xf32>,
      %mul3A_729 = arith.mulf %get3A_725, %get3A_728 : vector<16xf32>
      %add3A_730 = arith.addf %add3A_722, %mul3A_729 : vector<16xf32>
      %eq3A_731 = arith.constant 12 : i32
      %eq3A_732 = vector.broadcast %eq3A_731 : i32 to vector<16xi32>
      %eq3A_733 = arith.cmpi eq, %iota3A, %eq3A_732 : vector<16xi32>
      %reduce_sum3A_734 = arith.constant true
      %reduce_sum3A_735 = vector.broadcast %reduce_sum3A_734 : i1 to vector<16xi1>
      %reduce_sum3A_736 = tpu.scan <sum>, %add3A_730 masked %reduce_sum3A_735 : vector<16xf32>, vector<16xi1> -> vector<16xf32>
      %reduce_sum3A_737 = vector.extract %reduce_sum3A_736[15] : f32 from vector<16xf32>
      %broadcast_in_dim3A_738 = vector.broadcast %reduce_sum3A_737 : f32 to vector<16xf32>
      %select_n3A_739 = arith.select %eq3A_733, %broadcast_in_dim3A_738, %select_n3A_639 : vector<16xi1>, vector<16xf32>
      %mul3A_740 = arith.constant 16 : i32
      %mul3A_741 = arith.muli %add3A_90, %mul3A_740 : i32
      %add3A_742 = arith.constant 13 : i32
      %add3A_743 = arith.addi %mul3A_741, %add3A_742 : i32
      %mul3A_744 = arith.constant 16 : i32
      %mul3A_745 = arith.muli %add3A_90, %mul3A_744 : i32
      %add3A_746 = arith.constant 128 : i32
      %add3A_747 = arith.addi %add3A_746, %mul3A_745 : i32
      %add3A_748 = arith.constant 13 : i32
      %add3A_749 = arith.addi %add3A_747, %add3A_748 : i32
      %get3A_750 = arith.index_cast %add3A_749 : i32 to index
      %get3A_751 = arith.constant 0 : index
      %get3A_752 = tpu.vector_load %arg11[%get3A_750, %get3A_751] {strides = array<i32>} : memref<256x128xf32, #tpu.memory_space<vmem>>, vector<16xf32>,
      %get3A_753 = arith.index_cast %add3A_743 : i32 to index
      %get3A_754 = arith.constant 0 : index
      %get3A_755 = tpu.vector_load %arg8[%get3A_753, %get3A_754] {strides = array<i32>} : memref<128x128xf32, #tpu.memory_space<vmem>>, vector<16xf32>,
      %mul3A_756 = arith.mulf %get3A_752, %get3A_755 : vector<16xf32>
      %get3A_757 = arith.index_cast %add3A_749 : i32 to index
      %get3A_758 = arith.constant 16 : index
      %get3A_759 = tpu.vector_load %arg11[%get3A_757, %get3A_758] {strides = array<i32>} : memref<256x128xf32, #tpu.memory_space<vmem>>, vector<16xf32>,
      %get3A_760 = arith.index_cast %add3A_743 : i32 to index
      %get3A_761 = arith.constant 16 : index
      %get3A_762 = tpu.vector_load %arg8[%get3A_760, %get3A_761] {strides = array<i32>} : memref<128x128xf32, #tpu.memory_space<vmem>>, vector<16xf32>,
      %mul3A_763 = arith.mulf %get3A_759, %get3A_762 : vector<16xf32>
      %add3A_764 = arith.addf %mul3A_756, %mul3A_763 : vector<16xf32>
      %get3A_765 = arith.index_cast %add3A_749 : i32 to index
      %get3A_766 = arith.constant 32 : index
      %get3A_767 = tpu.vector_load %arg11[%get3A_765, %get3A_766] {strides = array<i32>} : memref<256x128xf32, #tpu.memory_space<vmem>>, vector<16xf32>,
      %get3A_768 = arith.index_cast %add3A_743 : i32 to index
      %get3A_769 = arith.constant 32 : index
      %get3A_770 = tpu.vector_load %arg8[%get3A_768, %get3A_769] {strides = array<i32>} : memref<128x128xf32, #tpu.memory_space<vmem>>, vector<16xf32>,
      %mul3A_771 = arith.mulf %get3A_767, %get3A_770 : vector<16xf32>
      %add3A_772 = arith.addf %add3A_764, %mul3A_771 : vector<16xf32>
      %get3A_773 = arith.index_cast %add3A_749 : i32 to index
      %get3A_774 = arith.constant 48 : index
      %get3A_775 = tpu.vector_load %arg11[%get3A_773, %get3A_774] {strides = array<i32>} : memref<256x128xf32, #tpu.memory_space<vmem>>, vector<16xf32>,
      %get3A_776 = arith.index_cast %add3A_743 : i32 to index
      %get3A_777 = arith.constant 48 : index
      %get3A_778 = tpu.vector_load %arg8[%get3A_776, %get3A_777] {strides = array<i32>} : memref<128x128xf32, #tpu.memory_space<vmem>>, vector<16xf32>,
      %mul3A_779 = arith.mulf %get3A_775, %get3A_778 : vector<16xf32>
      %add3A_780 = arith.addf %add3A_772, %mul3A_779 : vector<16xf32>
      %eq3A_781 = arith.constant 13 : i32
      %eq3A_782 = vector.broadcast %eq3A_781 : i32 to vector<16xi32>
      %eq3A_783 = arith.cmpi eq, %iota3A, %eq3A_782 : vector<16xi32>
      %reduce_sum3A_784 = arith.constant true
      %reduce_sum3A_785 = vector.broadcast %reduce_sum3A_784 : i1 to vector<16xi1>
      %reduce_sum3A_786 = tpu.scan <sum>, %add3A_780 masked %reduce_sum3A_785 : vector<16xf32>, vector<16xi1> -> vector<16xf32>
      %reduce_sum3A_787 = vector.extract %reduce_sum3A_786[15] : f32 from vector<16xf32>
      %broadcast_in_dim3A_788 = vector.broadcast %reduce_sum3A_787 : f32 to vector<16xf32>
      %select_n3A_789 = arith.select %eq3A_783, %broadcast_in_dim3A_788, %select_n3A_689 : vector<16xi1>, vector<16xf32>
      %mul3A_790 = arith.constant 16 : i32
      %mul3A_791 = arith.muli %add3A_90, %mul3A_790 : i32
      %add3A_792 = arith.constant 14 : i32
      %add3A_793 = arith.addi %mul3A_791, %add3A_792 : i32
      %mul3A_794 = arith.constant 16 : i32
      %mul3A_795 = arith.muli %add3A_90, %mul3A_794 : i32
      %add3A_796 = arith.constant 128 : i32
      %add3A_797 = arith.addi %add3A_796, %mul3A_795 : i32
      %add3A_798 = arith.constant 14 : i32
      %add3A_799 = arith.addi %add3A_797, %add3A_798 : i32
      %get3A_800 = arith.index_cast %add3A_799 : i32 to index
      %get3A_801 = arith.constant 0 : index
      %get3A_802 = tpu.vector_load %arg11[%get3A_800, %get3A_801] {strides = array<i32>} : memref<256x128xf32, #tpu.memory_space<vmem>>, vector<16xf32>,
      %get3A_803 = arith.index_cast %add3A_793 : i32 to index
      %get3A_804 = arith.constant 0 : index
      %get3A_805 = tpu.vector_load %arg8[%get3A_803, %get3A_804] {strides = array<i32>} : memref<128x128xf32, #tpu.memory_space<vmem>>, vector<16xf32>,
      %mul3A_806 = arith.mulf %get3A_802, %get3A_805 : vector<16xf32>
      %get3A_807 = arith.index_cast %add3A_799 : i32 to index
      %get3A_808 = arith.constant 16 : index
      %get3A_809 = tpu.vector_load %arg11[%get3A_807, %get3A_808] {strides = array<i32>} : memref<256x128xf32, #tpu.memory_space<vmem>>, vector<16xf32>,
      %get3A_810 = arith.index_cast %add3A_793 : i32 to index
      %get3A_811 = arith.constant 16 : index
      %get3A_812 = tpu.vector_load %arg8[%get3A_810, %get3A_811] {strides = array<i32>} : memref<128x128xf32, #tpu.memory_space<vmem>>, vector<16xf32>,
      %mul3A_813 = arith.mulf %get3A_809, %get3A_812 : vector<16xf32>
      %add3A_814 = arith.addf %mul3A_806, %mul3A_813 : vector<16xf32>
      %get3A_815 = arith.index_cast %add3A_799 : i32 to index
      %get3A_816 = arith.constant 32 : index
      %get3A_817 = tpu.vector_load %arg11[%get3A_815, %get3A_816] {strides = array<i32>} : memref<256x128xf32, #tpu.memory_space<vmem>>, vector<16xf32>,
      %get3A_818 = arith.index_cast %add3A_793 : i32 to index
      %get3A_819 = arith.constant 32 : index
      %get3A_820 = tpu.vector_load %arg8[%get3A_818, %get3A_819] {strides = array<i32>} : memref<128x128xf32, #tpu.memory_space<vmem>>, vector<16xf32>,
      %mul3A_821 = arith.mulf %get3A_817, %get3A_820 : vector<16xf32>
      %add3A_822 = arith.addf %add3A_814, %mul3A_821 : vector<16xf32>
      %get3A_823 = arith.index_cast %add3A_799 : i32 to index
      %get3A_824 = arith.constant 48 : index
      %get3A_825 = tpu.vector_load %arg11[%get3A_823, %get3A_824] {strides = array<i32>} : memref<256x128xf32, #tpu.memory_space<vmem>>, vector<16xf32>,
      %get3A_826 = arith.index_cast %add3A_793 : i32 to index
      %get3A_827 = arith.constant 48 : index
      %get3A_828 = tpu.vector_load %arg8[%get3A_826, %get3A_827] {strides = array<i32>} : memref<128x128xf32, #tpu.memory_space<vmem>>, vector<16xf32>,
      %mul3A_829 = arith.mulf %get3A_825, %get3A_828 : vector<16xf32>
      %add3A_830 = arith.addf %add3A_822, %mul3A_829 : vector<16xf32>
      %eq3A_831 = arith.constant 14 : i32
      %eq3A_832 = vector.broadcast %eq3A_831 : i32 to vector<16xi32>
      %eq3A_833 = arith.cmpi eq, %iota3A, %eq3A_832 : vector<16xi32>
      %reduce_sum3A_834 = arith.constant true
      %reduce_sum3A_835 = vector.broadcast %reduce_sum3A_834 : i1 to vector<16xi1>
      %reduce_sum3A_836 = tpu.scan <sum>, %add3A_830 masked %reduce_sum3A_835 : vector<16xf32>, vector<16xi1> -> vector<16xf32>
      %reduce_sum3A_837 = vector.extract %reduce_sum3A_836[15] : f32 from vector<16xf32>
      %broadcast_in_dim3A_838 = vector.broadcast %reduce_sum3A_837 : f32 to vector<16xf32>
      %select_n3A_839 = arith.select %eq3A_833, %broadcast_in_dim3A_838, %select_n3A_739 : vector<16xi1>, vector<16xf32>
      %mul3A_840 = arith.constant 16 : i32
      %mul3A_841 = arith.muli %add3A_90, %mul3A_840 : i32
      %add3A_842 = arith.constant 15 : i32
      %add3A_843 = arith.addi %mul3A_841, %add3A_842 : i32
      %mul3A_844 = arith.constant 16 : i32
      %mul3A_845 = arith.muli %add3A_90, %mul3A_844 : i32
      %add3A_846 = arith.constant 128 : i32
      %add3A_847 = arith.addi %add3A_846, %mul3A_845 : i32
      %add3A_848 = arith.constant 15 : i32
      %add3A_849 = arith.addi %add3A_847, %add3A_848 : i32
      %get3A_850 = arith.index_cast %add3A_849 : i32 to index
      %get3A_851 = arith.constant 0 : index
      %get3A_852 = tpu.vector_load %arg11[%get3A_850, %get3A_851] {strides = array<i32>} : memref<256x128xf32, #tpu.memory_space<vmem>>, vector<16xf32>,
      %get3A_853 = arith.index_cast %add3A_843 : i32 to index
      %get3A_854 = arith.constant 0 : index
      %get3A_855 = tpu.vector_load %arg8[%get3A_853, %get3A_854] {strides = array<i32>} : memref<128x128xf32, #tpu.memory_space<vmem>>, vector<16xf32>,
      %mul3A_856 = arith.mulf %get3A_852, %get3A_855 : vector<16xf32>
      %get3A_857 = arith.index_cast %add3A_849 : i32 to index
      %get3A_858 = arith.constant 16 : index
      %get3A_859 = tpu.vector_load %arg11[%get3A_857, %get3A_858] {strides = array<i32>} : memref<256x128xf32, #tpu.memory_space<vmem>>, vector<16xf32>,
      %get3A_860 = arith.index_cast %add3A_843 : i32 to index
      %get3A_861 = arith.constant 16 : index
      %get3A_862 = tpu.vector_load %arg8[%get3A_860, %get3A_861] {strides = array<i32>} : memref<128x128xf32, #tpu.memory_space<vmem>>, vector<16xf32>,
      %mul3A_863 = arith.mulf %get3A_859, %get3A_862 : vector<16xf32>
      %add3A_864 = arith.addf %mul3A_856, %mul3A_863 : vector<16xf32>
      %get3A_865 = arith.index_cast %add3A_849 : i32 to index
      %get3A_866 = arith.constant 32 : index
      %get3A_867 = tpu.vector_load %arg11[%get3A_865, %get3A_866] {strides = array<i32>} : memref<256x128xf32, #tpu.memory_space<vmem>>, vector<16xf32>,
      %get3A_868 = arith.index_cast %add3A_843 : i32 to index
      %get3A_869 = arith.constant 32 : index
      %get3A_870 = tpu.vector_load %arg8[%get3A_868, %get3A_869] {strides = array<i32>} : memref<128x128xf32, #tpu.memory_space<vmem>>, vector<16xf32>,
      %mul3A_871 = arith.mulf %get3A_867, %get3A_870 : vector<16xf32>
      %add3A_872 = arith.addf %add3A_864, %mul3A_871 : vector<16xf32>
      %get3A_873 = arith.index_cast %add3A_849 : i32 to index
      %get3A_874 = arith.constant 48 : index
      %get3A_875 = tpu.vector_load %arg11[%get3A_873, %get3A_874] {strides = array<i32>} : memref<256x128xf32, #tpu.memory_space<vmem>>, vector<16xf32>,
      %get3A_876 = arith.index_cast %add3A_843 : i32 to index
      %get3A_877 = arith.constant 48 : index
      %get3A_878 = tpu.vector_load %arg8[%get3A_876, %get3A_877] {strides = array<i32>} : memref<128x128xf32, #tpu.memory_space<vmem>>, vector<16xf32>,
      %mul3A_879 = arith.mulf %get3A_875, %get3A_878 : vector<16xf32>
      %add3A_880 = arith.addf %add3A_872, %mul3A_879 : vector<16xf32>
      %eq3A_881 = arith.constant 15 : i32
      %eq3A_882 = vector.broadcast %eq3A_881 : i32 to vector<16xi32>
      %eq3A_883 = arith.cmpi eq, %iota3A, %eq3A_882 : vector<16xi32>
      %reduce_sum3A_884 = arith.constant true
      %reduce_sum3A_885 = vector.broadcast %reduce_sum3A_884 : i1 to vector<16xi1>
      %reduce_sum3A_886 = tpu.scan <sum>, %add3A_880 masked %reduce_sum3A_885 : vector<16xf32>, vector<16xi1> -> vector<16xf32>
      %reduce_sum3A_887 = vector.extract %reduce_sum3A_886[15] : f32 from vector<16xf32>
      %broadcast_in_dim3A_888 = vector.broadcast %reduce_sum3A_887 : f32 to vector<16xf32>
      %select_n3A_889 = arith.select %eq3A_883, %broadcast_in_dim3A_888, %select_n3A_789 : vector<16xi1>, vector<16xf32>
      %add3A_890 = arith.addf %select_n3A_839, %select_n3A_889 : vector<16xf32>
      %mul3A_891 = arith.constant 16 : i32
      %mul3A_892 = arith.muli %add3A_90, %mul3A_891 : i32
      %add3A_893 = arith.constant 128 : i32
      %add3A_894 = arith.addi %add3A_893, %mul3A_892 : i32
      %swap3A = arith.index_cast %add3A_894 : i32 to index
      %swap3A_895 = tpu.vector_load %arg12[%swap3A] {strides = array<i32>} : memref<512xf32, #tpu.memory_space<vmem>>, vector<16xf32>,
      tpu.vector_store %arg12[%swap3A], %add3A_890 {strides = array<i32>} : memref<512xf32, #tpu.memory_space<vmem>>, vector<16xf32>,
    }
    %scan3A_59 = arith.constant 8 : i32
    %dma_wait3A_60 = arith.constant 2 : i32
    %dma_wait3A_61 = arith.constant 0 : i32
    %dma_wait3A_62 = tpu.memref_slice %arg6[%dma_wait3A_60, %dma_wait3A_61] : memref<4x128xi32, #tpu.memory_space<vmem>> -> memref<1x128xi32, #tpu.memory_space<vmem>>
    %dma_wait3A_63 = tpu.memref_squeeze %dma_wait3A_62 : memref<1x128xi32, #tpu.memory_space<vmem>> -> memref<128xi32, #tpu.memory_space<vmem>>
    %dma_wait3A_64 = arith.constant 0 : i32
    %dma_wait3A_65 = arith.constant 0 : i32
    %dma_wait3A_66 = tpu.memref_slice %arg2[%dma_wait3A_64, %dma_wait3A_65] : memref<100000x128xf32, #tpu.memory_space<hbm>> -> memref<100000x128xf32, #tpu.memory_space<hbm>>
    tpu.wait_indirect_dma semaphore(%arg16 : memref<!tpu.dma_semaphore, #tpu.memory_space<semaphore_mem>>) src(%dma_wait3A_66 : memref<100000x128xf32, #tpu.memory_space<hbm>>) dst(%arg9 : memref<128x128xf32, #tpu.memory_space<vmem>>)
    %scan3A_67 = arith.constant 0 : i32
    %scan3A_68 = arith.constant 8 : i32
    %scan3A_69 = arith.addi %scan3A_67, %scan3A_68 : i32
    %scan3A_70 = arith.constant 1 : i32
    scf.for %scan3A_86 = %scan3A_67 to %scan3A_69 step %scan3A_70  : i32 {
      %mul3A_87 = arith.constant 1 : i32
      %mul3A_88 = arith.muli %scan3A_86, %mul3A_87 : i32
      %add3A_89 = arith.constant 0 : i32
      %add3A_90 = arith.addi %add3A_89, %mul3A_88 : i32
      %broadcast_in_dim3A = arith.constant 0.000000e+00 : f32
      %broadcast_in_dim3A_91 = vector.broadcast %broadcast_in_dim3A : f32 to vector<16xf32>
      %broadcast_in_dim3A_92 = arith.constant 0.000000e+00 : f32
      %broadcast_in_dim3A_93 = vector.broadcast %broadcast_in_dim3A_92 : f32 to vector<16xf32>
      %mul3A_94 = arith.constant 16 : i32
      %mul3A_95 = arith.muli %add3A_90, %mul3A_94 : i32
      %add3A_96 = arith.constant 0 : i32
      %add3A_97 = arith.addi %mul3A_95, %add3A_96 : i32
      %mul3A_98 = arith.constant 16 : i32
      %mul3A_99 = arith.muli %add3A_90, %mul3A_98 : i32
      %add3A_100 = arith.constant 0 : i32
      %add3A_101 = arith.addi %add3A_100, %mul3A_99 : i32
      %add3A_102 = arith.constant 0 : i32
      %add3A_103 = arith.addi %add3A_101, %add3A_102 : i32
      %get3A = arith.index_cast %add3A_103 : i32 to index
      %get3A_104 = arith.constant 64 : index
      %get3A_105 = tpu.vector_load %arg11[%get3A, %get3A_104] {strides = array<i32>} : memref<256x128xf32, #tpu.memory_space<vmem>>, vector<16xf32>,
      %get3A_106 = arith.index_cast %add3A_97 : i32 to index
      %get3A_107 = arith.constant 0 : index
      %get3A_108 = tpu.vector_load %arg9[%get3A_106, %get3A_107] {strides = array<i32>} : memref<128x128xf32, #tpu.memory_space<vmem>>, vector<16xf32>,
      %mul3A_109 = arith.mulf %get3A_105, %get3A_108 : vector<16xf32>
      %get3A_110 = arith.index_cast %add3A_103 : i32 to index
      %get3A_111 = arith.constant 80 : index
      %get3A_112 = tpu.vector_load %arg11[%get3A_110, %get3A_111] {strides = array<i32>} : memref<256x128xf32, #tpu.memory_space<vmem>>, vector<16xf32>,
      %get3A_113 = arith.index_cast %add3A_97 : i32 to index
      %get3A_114 = arith.constant 16 : index
      %get3A_115 = tpu.vector_load %arg9[%get3A_113, %get3A_114] {strides = array<i32>} : memref<128x128xf32, #tpu.memory_space<vmem>>, vector<16xf32>,
      %mul3A_116 = arith.mulf %get3A_112, %get3A_115 : vector<16xf32>
      %add3A_117 = arith.addf %mul3A_109, %mul3A_116 : vector<16xf32>
      %get3A_118 = arith.index_cast %add3A_103 : i32 to index
      %get3A_119 = arith.constant 96 : index
      %get3A_120 = tpu.vector_load %arg11[%get3A_118, %get3A_119] {strides = array<i32>} : memref<256x128xf32, #tpu.memory_space<vmem>>, vector<16xf32>,
      %get3A_121 = arith.index_cast %add3A_97 : i32 to index
      %get3A_122 = arith.constant 32 : index
      %get3A_123 = tpu.vector_load %arg9[%get3A_121, %get3A_122] {strides = array<i32>} : memref<128x128xf32, #tpu.memory_space<vmem>>, vector<16xf32>,
      %mul3A_124 = arith.mulf %get3A_120, %get3A_123 : vector<16xf32>
      %add3A_125 = arith.addf %add3A_117, %mul3A_124 : vector<16xf32>
      %get3A_126 = arith.index_cast %add3A_103 : i32 to index
      %get3A_127 = arith.constant 112 : index
      %get3A_128 = tpu.vector_load %arg11[%get3A_126, %get3A_127] {strides = array<i32>} : memref<256x128xf32, #tpu.memory_space<vmem>>, vector<16xf32>,
      %get3A_129 = arith.index_cast %add3A_97 : i32 to index
      %get3A_130 = arith.constant 48 : index
      %get3A_131 = tpu.vector_load %arg9[%get3A_129, %get3A_130] {strides = array<i32>} : memref<128x128xf32, #tpu.memory_space<vmem>>, vector<16xf32>,
      %mul3A_132 = arith.mulf %get3A_128, %get3A_131 : vector<16xf32>
      %add3A_133 = arith.addf %add3A_125, %mul3A_132 : vector<16xf32>
      %eq3A = arith.constant 0 : i32
      %eq3A_134 = vector.broadcast %eq3A : i32 to vector<16xi32>
      %eq3A_135 = arith.cmpi eq, %iota3A, %eq3A_134 : vector<16xi32>
      %reduce_sum3A = arith.constant true
      %reduce_sum3A_136 = vector.broadcast %reduce_sum3A : i1 to vector<16xi1>
      %reduce_sum3A_137 = tpu.scan <sum>, %add3A_133 masked %reduce_sum3A_136 : vector<16xf32>, vector<16xi1> -> vector<16xf32>
      %reduce_sum3A_138 = vector.extract %reduce_sum3A_137[15] : f32 from vector<16xf32>
      %broadcast_in_dim3A_139 = vector.broadcast %reduce_sum3A_138 : f32 to vector<16xf32>
      %select_n3A = arith.select %eq3A_135, %broadcast_in_dim3A_139, %broadcast_in_dim3A_91 : vector<16xi1>, vector<16xf32>
      %mul3A_140 = arith.constant 16 : i32
      %mul3A_141 = arith.muli %add3A_90, %mul3A_140 : i32
      %add3A_142 = arith.constant 1 : i32
      %add3A_143 = arith.addi %mul3A_141, %add3A_142 : i32
      %mul3A_144 = arith.constant 16 : i32
      %mul3A_145 = arith.muli %add3A_90, %mul3A_144 : i32
      %add3A_146 = arith.constant 0 : i32
      %add3A_147 = arith.addi %add3A_146, %mul3A_145 : i32
      %add3A_148 = arith.constant 1 : i32
      %add3A_149 = arith.addi %add3A_147, %add3A_148 : i32
      %get3A_150 = arith.index_cast %add3A_149 : i32 to index
      %get3A_151 = arith.constant 64 : index
      %get3A_152 = tpu.vector_load %arg11[%get3A_150, %get3A_151] {strides = array<i32>} : memref<256x128xf32, #tpu.memory_space<vmem>>, vector<16xf32>,
      %get3A_153 = arith.index_cast %add3A_143 : i32 to index
      %get3A_154 = arith.constant 0 : index
      %get3A_155 = tpu.vector_load %arg9[%get3A_153, %get3A_154] {strides = array<i32>} : memref<128x128xf32, #tpu.memory_space<vmem>>, vector<16xf32>,
      %mul3A_156 = arith.mulf %get3A_152, %get3A_155 : vector<16xf32>
      %get3A_157 = arith.index_cast %add3A_149 : i32 to index
      %get3A_158 = arith.constant 80 : index
      %get3A_159 = tpu.vector_load %arg11[%get3A_157, %get3A_158] {strides = array<i32>} : memref<256x128xf32, #tpu.memory_space<vmem>>, vector<16xf32>,
      %get3A_160 = arith.index_cast %add3A_143 : i32 to index
      %get3A_161 = arith.constant 16 : index
      %get3A_162 = tpu.vector_load %arg9[%get3A_160, %get3A_161] {strides = array<i32>} : memref<128x128xf32, #tpu.memory_space<vmem>>, vector<16xf32>,
      %mul3A_163 = arith.mulf %get3A_159, %get3A_162 : vector<16xf32>
      %add3A_164 = arith.addf %mul3A_156, %mul3A_163 : vector<16xf32>
      %get3A_165 = arith.index_cast %add3A_149 : i32 to index
      %get3A_166 = arith.constant 96 : index
      %get3A_167 = tpu.vector_load %arg11[%get3A_165, %get3A_166] {strides = array<i32>} : memref<256x128xf32, #tpu.memory_space<vmem>>, vector<16xf32>,
      %get3A_168 = arith.index_cast %add3A_143 : i32 to index
      %get3A_169 = arith.constant 32 : index
      %get3A_170 = tpu.vector_load %arg9[%get3A_168, %get3A_169] {strides = array<i32>} : memref<128x128xf32, #tpu.memory_space<vmem>>, vector<16xf32>,
      %mul3A_171 = arith.mulf %get3A_167, %get3A_170 : vector<16xf32>
      %add3A_172 = arith.addf %add3A_164, %mul3A_171 : vector<16xf32>
      %get3A_173 = arith.index_cast %add3A_149 : i32 to index
      %get3A_174 = arith.constant 112 : index
      %get3A_175 = tpu.vector_load %arg11[%get3A_173, %get3A_174] {strides = array<i32>} : memref<256x128xf32, #tpu.memory_space<vmem>>, vector<16xf32>,
      %get3A_176 = arith.index_cast %add3A_143 : i32 to index
      %get3A_177 = arith.constant 48 : index
      %get3A_178 = tpu.vector_load %arg9[%get3A_176, %get3A_177] {strides = array<i32>} : memref<128x128xf32, #tpu.memory_space<vmem>>, vector<16xf32>,
      %mul3A_179 = arith.mulf %get3A_175, %get3A_178 : vector<16xf32>
      %add3A_180 = arith.addf %add3A_172, %mul3A_179 : vector<16xf32>
      %eq3A_181 = arith.constant 1 : i32
      %eq3A_182 = vector.broadcast %eq3A_181 : i32 to vector<16xi32>
      %eq3A_183 = arith.cmpi eq, %iota3A, %eq3A_182 : vector<16xi32>
      %reduce_sum3A_184 = arith.constant true
      %reduce_sum3A_185 = vector.broadcast %reduce_sum3A_184 : i1 to vector<16xi1>
      %reduce_sum3A_186 = tpu.scan <sum>, %add3A_180 masked %reduce_sum3A_185 : vector<16xf32>, vector<16xi1> -> vector<16xf32>
      %reduce_sum3A_187 = vector.extract %reduce_sum3A_186[15] : f32 from vector<16xf32>
      %broadcast_in_dim3A_188 = vector.broadcast %reduce_sum3A_187 : f32 to vector<16xf32>
      %select_n3A_189 = arith.select %eq3A_183, %broadcast_in_dim3A_188, %broadcast_in_dim3A_93 : vector<16xi1>, vector<16xf32>
      %mul3A_190 = arith.constant 16 : i32
      %mul3A_191 = arith.muli %add3A_90, %mul3A_190 : i32
      %add3A_192 = arith.constant 2 : i32
      %add3A_193 = arith.addi %mul3A_191, %add3A_192 : i32
      %mul3A_194 = arith.constant 16 : i32
      %mul3A_195 = arith.muli %add3A_90, %mul3A_194 : i32
      %add3A_196 = arith.constant 0 : i32
      %add3A_197 = arith.addi %add3A_196, %mul3A_195 : i32
      %add3A_198 = arith.constant 2 : i32
      %add3A_199 = arith.addi %add3A_197, %add3A_198 : i32
      %get3A_200 = arith.index_cast %add3A_199 : i32 to index
      %get3A_201 = arith.constant 64 : index
      %get3A_202 = tpu.vector_load %arg11[%get3A_200, %get3A_201] {strides = array<i32>} : memref<256x128xf32, #tpu.memory_space<vmem>>, vector<16xf32>,
      %get3A_203 = arith.index_cast %add3A_193 : i32 to index
      %get3A_204 = arith.constant 0 : index
      %get3A_205 = tpu.vector_load %arg9[%get3A_203, %get3A_204] {strides = array<i32>} : memref<128x128xf32, #tpu.memory_space<vmem>>, vector<16xf32>,
      %mul3A_206 = arith.mulf %get3A_202, %get3A_205 : vector<16xf32>
      %get3A_207 = arith.index_cast %add3A_199 : i32 to index
      %get3A_208 = arith.constant 80 : index
      %get3A_209 = tpu.vector_load %arg11[%get3A_207, %get3A_208] {strides = array<i32>} : memref<256x128xf32, #tpu.memory_space<vmem>>, vector<16xf32>,
      %get3A_210 = arith.index_cast %add3A_193 : i32 to index
      %get3A_211 = arith.constant 16 : index
      %get3A_212 = tpu.vector_load %arg9[%get3A_210, %get3A_211] {strides = array<i32>} : memref<128x128xf32, #tpu.memory_space<vmem>>, vector<16xf32>,
      %mul3A_213 = arith.mulf %get3A_209, %get3A_212 : vector<16xf32>
      %add3A_214 = arith.addf %mul3A_206, %mul3A_213 : vector<16xf32>
      %get3A_215 = arith.index_cast %add3A_199 : i32 to index
      %get3A_216 = arith.constant 96 : index
      %get3A_217 = tpu.vector_load %arg11[%get3A_215, %get3A_216] {strides = array<i32>} : memref<256x128xf32, #tpu.memory_space<vmem>>, vector<16xf32>,
      %get3A_218 = arith.index_cast %add3A_193 : i32 to index
      %get3A_219 = arith.constant 32 : index
      %get3A_220 = tpu.vector_load %arg9[%get3A_218, %get3A_219] {strides = array<i32>} : memref<128x128xf32, #tpu.memory_space<vmem>>, vector<16xf32>,
      %mul3A_221 = arith.mulf %get3A_217, %get3A_220 : vector<16xf32>
      %add3A_222 = arith.addf %add3A_214, %mul3A_221 : vector<16xf32>
      %get3A_223 = arith.index_cast %add3A_199 : i32 to index
      %get3A_224 = arith.constant 112 : index
      %get3A_225 = tpu.vector_load %arg11[%get3A_223, %get3A_224] {strides = array<i32>} : memref<256x128xf32, #tpu.memory_space<vmem>>, vector<16xf32>,
      %get3A_226 = arith.index_cast %add3A_193 : i32 to index
      %get3A_227 = arith.constant 48 : index
      %get3A_228 = tpu.vector_load %arg9[%get3A_226, %get3A_227] {strides = array<i32>} : memref<128x128xf32, #tpu.memory_space<vmem>>, vector<16xf32>,
      %mul3A_229 = arith.mulf %get3A_225, %get3A_228 : vector<16xf32>
      %add3A_230 = arith.addf %add3A_222, %mul3A_229 : vector<16xf32>
      %eq3A_231 = arith.constant 2 : i32
      %eq3A_232 = vector.broadcast %eq3A_231 : i32 to vector<16xi32>
      %eq3A_233 = arith.cmpi eq, %iota3A, %eq3A_232 : vector<16xi32>
      %reduce_sum3A_234 = arith.constant true
      %reduce_sum3A_235 = vector.broadcast %reduce_sum3A_234 : i1 to vector<16xi1>
      %reduce_sum3A_236 = tpu.scan <sum>, %add3A_230 masked %reduce_sum3A_235 : vector<16xf32>, vector<16xi1> -> vector<16xf32>
      %reduce_sum3A_237 = vector.extract %reduce_sum3A_236[15] : f32 from vector<16xf32>
      %broadcast_in_dim3A_238 = vector.broadcast %reduce_sum3A_237 : f32 to vector<16xf32>
      %select_n3A_239 = arith.select %eq3A_233, %broadcast_in_dim3A_238, %select_n3A : vector<16xi1>, vector<16xf32>
      %mul3A_240 = arith.constant 16 : i32
      %mul3A_241 = arith.muli %add3A_90, %mul3A_240 : i32
      %add3A_242 = arith.constant 3 : i32
      %add3A_243 = arith.addi %mul3A_241, %add3A_242 : i32
      %mul3A_244 = arith.constant 16 : i32
      %mul3A_245 = arith.muli %add3A_90, %mul3A_244 : i32
      %add3A_246 = arith.constant 0 : i32
      %add3A_247 = arith.addi %add3A_246, %mul3A_245 : i32
      %add3A_248 = arith.constant 3 : i32
      %add3A_249 = arith.addi %add3A_247, %add3A_248 : i32
      %get3A_250 = arith.index_cast %add3A_249 : i32 to index
      %get3A_251 = arith.constant 64 : index
      %get3A_252 = tpu.vector_load %arg11[%get3A_250, %get3A_251] {strides = array<i32>} : memref<256x128xf32, #tpu.memory_space<vmem>>, vector<16xf32>,
      %get3A_253 = arith.index_cast %add3A_243 : i32 to index
      %get3A_254 = arith.constant 0 : index
      %get3A_255 = tpu.vector_load %arg9[%get3A_253, %get3A_254] {strides = array<i32>} : memref<128x128xf32, #tpu.memory_space<vmem>>, vector<16xf32>,
      %mul3A_256 = arith.mulf %get3A_252, %get3A_255 : vector<16xf32>
      %get3A_257 = arith.index_cast %add3A_249 : i32 to index
      %get3A_258 = arith.constant 80 : index
      %get3A_259 = tpu.vector_load %arg11[%get3A_257, %get3A_258] {strides = array<i32>} : memref<256x128xf32, #tpu.memory_space<vmem>>, vector<16xf32>,
      %get3A_260 = arith.index_cast %add3A_243 : i32 to index
      %get3A_261 = arith.constant 16 : index
      %get3A_262 = tpu.vector_load %arg9[%get3A_260, %get3A_261] {strides = array<i32>} : memref<128x128xf32, #tpu.memory_space<vmem>>, vector<16xf32>,
      %mul3A_263 = arith.mulf %get3A_259, %get3A_262 : vector<16xf32>
      %add3A_264 = arith.addf %mul3A_256, %mul3A_263 : vector<16xf32>
      %get3A_265 = arith.index_cast %add3A_249 : i32 to index
      %get3A_266 = arith.constant 96 : index
      %get3A_267 = tpu.vector_load %arg11[%get3A_265, %get3A_266] {strides = array<i32>} : memref<256x128xf32, #tpu.memory_space<vmem>>, vector<16xf32>,
      %get3A_268 = arith.index_cast %add3A_243 : i32 to index
      %get3A_269 = arith.constant 32 : index
      %get3A_270 = tpu.vector_load %arg9[%get3A_268, %get3A_269] {strides = array<i32>} : memref<128x128xf32, #tpu.memory_space<vmem>>, vector<16xf32>,
      %mul3A_271 = arith.mulf %get3A_267, %get3A_270 : vector<16xf32>
      %add3A_272 = arith.addf %add3A_264, %mul3A_271 : vector<16xf32>
      %get3A_273 = arith.index_cast %add3A_249 : i32 to index
      %get3A_274 = arith.constant 112 : index
      %get3A_275 = tpu.vector_load %arg11[%get3A_273, %get3A_274] {strides = array<i32>} : memref<256x128xf32, #tpu.memory_space<vmem>>, vector<16xf32>,
      %get3A_276 = arith.index_cast %add3A_243 : i32 to index
      %get3A_277 = arith.constant 48 : index
      %get3A_278 = tpu.vector_load %arg9[%get3A_276, %get3A_277] {strides = array<i32>} : memref<128x128xf32, #tpu.memory_space<vmem>>, vector<16xf32>,
      %mul3A_279 = arith.mulf %get3A_275, %get3A_278 : vector<16xf32>
      %add3A_280 = arith.addf %add3A_272, %mul3A_279 : vector<16xf32>
      %eq3A_281 = arith.constant 3 : i32
      %eq3A_282 = vector.broadcast %eq3A_281 : i32 to vector<16xi32>
      %eq3A_283 = arith.cmpi eq, %iota3A, %eq3A_282 : vector<16xi32>
      %reduce_sum3A_284 = arith.constant true
      %reduce_sum3A_285 = vector.broadcast %reduce_sum3A_284 : i1 to vector<16xi1>
      %reduce_sum3A_286 = tpu.scan <sum>, %add3A_280 masked %reduce_sum3A_285 : vector<16xf32>, vector<16xi1> -> vector<16xf32>
      %reduce_sum3A_287 = vector.extract %reduce_sum3A_286[15] : f32 from vector<16xf32>
      %broadcast_in_dim3A_288 = vector.broadcast %reduce_sum3A_287 : f32 to vector<16xf32>
      %select_n3A_289 = arith.select %eq3A_283, %broadcast_in_dim3A_288, %select_n3A_189 : vector<16xi1>, vector<16xf32>
      %mul3A_290 = arith.constant 16 : i32
      %mul3A_291 = arith.muli %add3A_90, %mul3A_290 : i32
      %add3A_292 = arith.constant 4 : i32
      %add3A_293 = arith.addi %mul3A_291, %add3A_292 : i32
      %mul3A_294 = arith.constant 16 : i32
      %mul3A_295 = arith.muli %add3A_90, %mul3A_294 : i32
      %add3A_296 = arith.constant 0 : i32
      %add3A_297 = arith.addi %add3A_296, %mul3A_295 : i32
      %add3A_298 = arith.constant 4 : i32
      %add3A_299 = arith.addi %add3A_297, %add3A_298 : i32
      %get3A_300 = arith.index_cast %add3A_299 : i32 to index
      %get3A_301 = arith.constant 64 : index
      %get3A_302 = tpu.vector_load %arg11[%get3A_300, %get3A_301] {strides = array<i32>} : memref<256x128xf32, #tpu.memory_space<vmem>>, vector<16xf32>,
      %get3A_303 = arith.index_cast %add3A_293 : i32 to index
      %get3A_304 = arith.constant 0 : index
      %get3A_305 = tpu.vector_load %arg9[%get3A_303, %get3A_304] {strides = array<i32>} : memref<128x128xf32, #tpu.memory_space<vmem>>, vector<16xf32>,
      %mul3A_306 = arith.mulf %get3A_302, %get3A_305 : vector<16xf32>
      %get3A_307 = arith.index_cast %add3A_299 : i32 to index
      %get3A_308 = arith.constant 80 : index
      %get3A_309 = tpu.vector_load %arg11[%get3A_307, %get3A_308] {strides = array<i32>} : memref<256x128xf32, #tpu.memory_space<vmem>>, vector<16xf32>,
      %get3A_310 = arith.index_cast %add3A_293 : i32 to index
      %get3A_311 = arith.constant 16 : index
      %get3A_312 = tpu.vector_load %arg9[%get3A_310, %get3A_311] {strides = array<i32>} : memref<128x128xf32, #tpu.memory_space<vmem>>, vector<16xf32>,
      %mul3A_313 = arith.mulf %get3A_309, %get3A_312 : vector<16xf32>
      %add3A_314 = arith.addf %mul3A_306, %mul3A_313 : vector<16xf32>
      %get3A_315 = arith.index_cast %add3A_299 : i32 to index
      %get3A_316 = arith.constant 96 : index
      %get3A_317 = tpu.vector_load %arg11[%get3A_315, %get3A_316] {strides = array<i32>} : memref<256x128xf32, #tpu.memory_space<vmem>>, vector<16xf32>,
      %get3A_318 = arith.index_cast %add3A_293 : i32 to index
      %get3A_319 = arith.constant 32 : index
      %get3A_320 = tpu.vector_load %arg9[%get3A_318, %get3A_319] {strides = array<i32>} : memref<128x128xf32, #tpu.memory_space<vmem>>, vector<16xf32>,
      %mul3A_321 = arith.mulf %get3A_317, %get3A_320 : vector<16xf32>
      %add3A_322 = arith.addf %add3A_314, %mul3A_321 : vector<16xf32>
      %get3A_323 = arith.index_cast %add3A_299 : i32 to index
      %get3A_324 = arith.constant 112 : index
      %get3A_325 = tpu.vector_load %arg11[%get3A_323, %get3A_324] {strides = array<i32>} : memref<256x128xf32, #tpu.memory_space<vmem>>, vector<16xf32>,
      %get3A_326 = arith.index_cast %add3A_293 : i32 to index
      %get3A_327 = arith.constant 48 : index
      %get3A_328 = tpu.vector_load %arg9[%get3A_326, %get3A_327] {strides = array<i32>} : memref<128x128xf32, #tpu.memory_space<vmem>>, vector<16xf32>,
      %mul3A_329 = arith.mulf %get3A_325, %get3A_328 : vector<16xf32>
      %add3A_330 = arith.addf %add3A_322, %mul3A_329 : vector<16xf32>
      %eq3A_331 = arith.constant 4 : i32
      %eq3A_332 = vector.broadcast %eq3A_331 : i32 to vector<16xi32>
      %eq3A_333 = arith.cmpi eq, %iota3A, %eq3A_332 : vector<16xi32>
      %reduce_sum3A_334 = arith.constant true
      %reduce_sum3A_335 = vector.broadcast %reduce_sum3A_334 : i1 to vector<16xi1>
      %reduce_sum3A_336 = tpu.scan <sum>, %add3A_330 masked %reduce_sum3A_335 : vector<16xf32>, vector<16xi1> -> vector<16xf32>
      %reduce_sum3A_337 = vector.extract %reduce_sum3A_336[15] : f32 from vector<16xf32>
      %broadcast_in_dim3A_338 = vector.broadcast %reduce_sum3A_337 : f32 to vector<16xf32>
      %select_n3A_339 = arith.select %eq3A_333, %broadcast_in_dim3A_338, %select_n3A_239 : vector<16xi1>, vector<16xf32>
      %mul3A_340 = arith.constant 16 : i32
      %mul3A_341 = arith.muli %add3A_90, %mul3A_340 : i32
      %add3A_342 = arith.constant 5 : i32
      %add3A_343 = arith.addi %mul3A_341, %add3A_342 : i32
      %mul3A_344 = arith.constant 16 : i32
      %mul3A_345 = arith.muli %add3A_90, %mul3A_344 : i32
      %add3A_346 = arith.constant 0 : i32
      %add3A_347 = arith.addi %add3A_346, %mul3A_345 : i32
      %add3A_348 = arith.constant 5 : i32
      %add3A_349 = arith.addi %add3A_347, %add3A_348 : i32
      %get3A_350 = arith.index_cast %add3A_349 : i32 to index
      %get3A_351 = arith.constant 64 : index
      %get3A_352 = tpu.vector_load %arg11[%get3A_350, %get3A_351] {strides = array<i32>} : memref<256x128xf32, #tpu.memory_space<vmem>>, vector<16xf32>,
      %get3A_353 = arith.index_cast %add3A_343 : i32 to index
      %get3A_354 = arith.constant 0 : index
      %get3A_355 = tpu.vector_load %arg9[%get3A_353, %get3A_354] {strides = array<i32>} : memref<128x128xf32, #tpu.memory_space<vmem>>, vector<16xf32>,
      %mul3A_356 = arith.mulf %get3A_352, %get3A_355 : vector<16xf32>
      %get3A_357 = arith.index_cast %add3A_349 : i32 to index
      %get3A_358 = arith.constant 80 : index
      %get3A_359 = tpu.vector_load %arg11[%get3A_357, %get3A_358] {strides = array<i32>} : memref<256x128xf32, #tpu.memory_space<vmem>>, vector<16xf32>,
      %get3A_360 = arith.index_cast %add3A_343 : i32 to index
      %get3A_361 = arith.constant 16 : index
      %get3A_362 = tpu.vector_load %arg9[%get3A_360, %get3A_361] {strides = array<i32>} : memref<128x128xf32, #tpu.memory_space<vmem>>, vector<16xf32>,
      %mul3A_363 = arith.mulf %get3A_359, %get3A_362 : vector<16xf32>
      %add3A_364 = arith.addf %mul3A_356, %mul3A_363 : vector<16xf32>
      %get3A_365 = arith.index_cast %add3A_349 : i32 to index
      %get3A_366 = arith.constant 96 : index
      %get3A_367 = tpu.vector_load %arg11[%get3A_365, %get3A_366] {strides = array<i32>} : memref<256x128xf32, #tpu.memory_space<vmem>>, vector<16xf32>,
      %get3A_368 = arith.index_cast %add3A_343 : i32 to index
      %get3A_369 = arith.constant 32 : index
      %get3A_370 = tpu.vector_load %arg9[%get3A_368, %get3A_369] {strides = array<i32>} : memref<128x128xf32, #tpu.memory_space<vmem>>, vector<16xf32>,
      %mul3A_371 = arith.mulf %get3A_367, %get3A_370 : vector<16xf32>
      %add3A_372 = arith.addf %add3A_364, %mul3A_371 : vector<16xf32>
      %get3A_373 = arith.index_cast %add3A_349 : i32 to index
      %get3A_374 = arith.constant 112 : index
      %get3A_375 = tpu.vector_load %arg11[%get3A_373, %get3A_374] {strides = array<i32>} : memref<256x128xf32, #tpu.memory_space<vmem>>, vector<16xf32>,
      %get3A_376 = arith.index_cast %add3A_343 : i32 to index
      %get3A_377 = arith.constant 48 : index
      %get3A_378 = tpu.vector_load %arg9[%get3A_376, %get3A_377] {strides = array<i32>} : memref<128x128xf32, #tpu.memory_space<vmem>>, vector<16xf32>,
      %mul3A_379 = arith.mulf %get3A_375, %get3A_378 : vector<16xf32>
      %add3A_380 = arith.addf %add3A_372, %mul3A_379 : vector<16xf32>
      %eq3A_381 = arith.constant 5 : i32
      %eq3A_382 = vector.broadcast %eq3A_381 : i32 to vector<16xi32>
      %eq3A_383 = arith.cmpi eq, %iota3A, %eq3A_382 : vector<16xi32>
      %reduce_sum3A_384 = arith.constant true
      %reduce_sum3A_385 = vector.broadcast %reduce_sum3A_384 : i1 to vector<16xi1>
      %reduce_sum3A_386 = tpu.scan <sum>, %add3A_380 masked %reduce_sum3A_385 : vector<16xf32>, vector<16xi1> -> vector<16xf32>
      %reduce_sum3A_387 = vector.extract %reduce_sum3A_386[15] : f32 from vector<16xf32>
      %broadcast_in_dim3A_388 = vector.broadcast %reduce_sum3A_387 : f32 to vector<16xf32>
      %select_n3A_389 = arith.select %eq3A_383, %broadcast_in_dim3A_388, %select_n3A_289 : vector<16xi1>, vector<16xf32>
      %mul3A_390 = arith.constant 16 : i32
      %mul3A_391 = arith.muli %add3A_90, %mul3A_390 : i32
      %add3A_392 = arith.constant 6 : i32
      %add3A_393 = arith.addi %mul3A_391, %add3A_392 : i32
      %mul3A_394 = arith.constant 16 : i32
      %mul3A_395 = arith.muli %add3A_90, %mul3A_394 : i32
      %add3A_396 = arith.constant 0 : i32
      %add3A_397 = arith.addi %add3A_396, %mul3A_395 : i32
      %add3A_398 = arith.constant 6 : i32
      %add3A_399 = arith.addi %add3A_397, %add3A_398 : i32
      %get3A_400 = arith.index_cast %add3A_399 : i32 to index
      %get3A_401 = arith.constant 64 : index
      %get3A_402 = tpu.vector_load %arg11[%get3A_400, %get3A_401] {strides = array<i32>} : memref<256x128xf32, #tpu.memory_space<vmem>>, vector<16xf32>,
      %get3A_403 = arith.index_cast %add3A_393 : i32 to index
      %get3A_404 = arith.constant 0 : index
      %get3A_405 = tpu.vector_load %arg9[%get3A_403, %get3A_404] {strides = array<i32>} : memref<128x128xf32, #tpu.memory_space<vmem>>, vector<16xf32>,
      %mul3A_406 = arith.mulf %get3A_402, %get3A_405 : vector<16xf32>
      %get3A_407 = arith.index_cast %add3A_399 : i32 to index
      %get3A_408 = arith.constant 80 : index
      %get3A_409 = tpu.vector_load %arg11[%get3A_407, %get3A_408] {strides = array<i32>} : memref<256x128xf32, #tpu.memory_space<vmem>>, vector<16xf32>,
      %get3A_410 = arith.index_cast %add3A_393 : i32 to index
      %get3A_411 = arith.constant 16 : index
      %get3A_412 = tpu.vector_load %arg9[%get3A_410, %get3A_411] {strides = array<i32>} : memref<128x128xf32, #tpu.memory_space<vmem>>, vector<16xf32>,
      %mul3A_413 = arith.mulf %get3A_409, %get3A_412 : vector<16xf32>
      %add3A_414 = arith.addf %mul3A_406, %mul3A_413 : vector<16xf32>
      %get3A_415 = arith.index_cast %add3A_399 : i32 to index
      %get3A_416 = arith.constant 96 : index
      %get3A_417 = tpu.vector_load %arg11[%get3A_415, %get3A_416] {strides = array<i32>} : memref<256x128xf32, #tpu.memory_space<vmem>>, vector<16xf32>,
      %get3A_418 = arith.index_cast %add3A_393 : i32 to index
      %get3A_419 = arith.constant 32 : index
      %get3A_420 = tpu.vector_load %arg9[%get3A_418, %get3A_419] {strides = array<i32>} : memref<128x128xf32, #tpu.memory_space<vmem>>, vector<16xf32>,
      %mul3A_421 = arith.mulf %get3A_417, %get3A_420 : vector<16xf32>
      %add3A_422 = arith.addf %add3A_414, %mul3A_421 : vector<16xf32>
      %get3A_423 = arith.index_cast %add3A_399 : i32 to index
      %get3A_424 = arith.constant 112 : index
      %get3A_425 = tpu.vector_load %arg11[%get3A_423, %get3A_424] {strides = array<i32>} : memref<256x128xf32, #tpu.memory_space<vmem>>, vector<16xf32>,
      %get3A_426 = arith.index_cast %add3A_393 : i32 to index
      %get3A_427 = arith.constant 48 : index
      %get3A_428 = tpu.vector_load %arg9[%get3A_426, %get3A_427] {strides = array<i32>} : memref<128x128xf32, #tpu.memory_space<vmem>>, vector<16xf32>,
      %mul3A_429 = arith.mulf %get3A_425, %get3A_428 : vector<16xf32>
      %add3A_430 = arith.addf %add3A_422, %mul3A_429 : vector<16xf32>
      %eq3A_431 = arith.constant 6 : i32
      %eq3A_432 = vector.broadcast %eq3A_431 : i32 to vector<16xi32>
      %eq3A_433 = arith.cmpi eq, %iota3A, %eq3A_432 : vector<16xi32>
      %reduce_sum3A_434 = arith.constant true
      %reduce_sum3A_435 = vector.broadcast %reduce_sum3A_434 : i1 to vector<16xi1>
      %reduce_sum3A_436 = tpu.scan <sum>, %add3A_430 masked %reduce_sum3A_435 : vector<16xf32>, vector<16xi1> -> vector<16xf32>
      %reduce_sum3A_437 = vector.extract %reduce_sum3A_436[15] : f32 from vector<16xf32>
      %broadcast_in_dim3A_438 = vector.broadcast %reduce_sum3A_437 : f32 to vector<16xf32>
      %select_n3A_439 = arith.select %eq3A_433, %broadcast_in_dim3A_438, %select_n3A_339 : vector<16xi1>, vector<16xf32>
      %mul3A_440 = arith.constant 16 : i32
      %mul3A_441 = arith.muli %add3A_90, %mul3A_440 : i32
      %add3A_442 = arith.constant 7 : i32
      %add3A_443 = arith.addi %mul3A_441, %add3A_442 : i32
      %mul3A_444 = arith.constant 16 : i32
      %mul3A_445 = arith.muli %add3A_90, %mul3A_444 : i32
      %add3A_446 = arith.constant 0 : i32
      %add3A_447 = arith.addi %add3A_446, %mul3A_445 : i32
      %add3A_448 = arith.constant 7 : i32
      %add3A_449 = arith.addi %add3A_447, %add3A_448 : i32
      %get3A_450 = arith.index_cast %add3A_449 : i32 to index
      %get3A_451 = arith.constant 64 : index
      %get3A_452 = tpu.vector_load %arg11[%get3A_450, %get3A_451] {strides = array<i32>} : memref<256x128xf32, #tpu.memory_space<vmem>>, vector<16xf32>,
      %get3A_453 = arith.index_cast %add3A_443 : i32 to index
      %get3A_454 = arith.constant 0 : index
      %get3A_455 = tpu.vector_load %arg9[%get3A_453, %get3A_454] {strides = array<i32>} : memref<128x128xf32, #tpu.memory_space<vmem>>, vector<16xf32>,
      %mul3A_456 = arith.mulf %get3A_452, %get3A_455 : vector<16xf32>
      %get3A_457 = arith.index_cast %add3A_449 : i32 to index
      %get3A_458 = arith.constant 80 : index
      %get3A_459 = tpu.vector_load %arg11[%get3A_457, %get3A_458] {strides = array<i32>} : memref<256x128xf32, #tpu.memory_space<vmem>>, vector<16xf32>,
      %get3A_460 = arith.index_cast %add3A_443 : i32 to index
      %get3A_461 = arith.constant 16 : index
      %get3A_462 = tpu.vector_load %arg9[%get3A_460, %get3A_461] {strides = array<i32>} : memref<128x128xf32, #tpu.memory_space<vmem>>, vector<16xf32>,
      %mul3A_463 = arith.mulf %get3A_459, %get3A_462 : vector<16xf32>
      %add3A_464 = arith.addf %mul3A_456, %mul3A_463 : vector<16xf32>
      %get3A_465 = arith.index_cast %add3A_449 : i32 to index
      %get3A_466 = arith.constant 96 : index
      %get3A_467 = tpu.vector_load %arg11[%get3A_465, %get3A_466] {strides = array<i32>} : memref<256x128xf32, #tpu.memory_space<vmem>>, vector<16xf32>,
      %get3A_468 = arith.index_cast %add3A_443 : i32 to index
      %get3A_469 = arith.constant 32 : index
      %get3A_470 = tpu.vector_load %arg9[%get3A_468, %get3A_469] {strides = array<i32>} : memref<128x128xf32, #tpu.memory_space<vmem>>, vector<16xf32>,
      %mul3A_471 = arith.mulf %get3A_467, %get3A_470 : vector<16xf32>
      %add3A_472 = arith.addf %add3A_464, %mul3A_471 : vector<16xf32>
      %get3A_473 = arith.index_cast %add3A_449 : i32 to index
      %get3A_474 = arith.constant 112 : index
      %get3A_475 = tpu.vector_load %arg11[%get3A_473, %get3A_474] {strides = array<i32>} : memref<256x128xf32, #tpu.memory_space<vmem>>, vector<16xf32>,
      %get3A_476 = arith.index_cast %add3A_443 : i32 to index
      %get3A_477 = arith.constant 48 : index
      %get3A_478 = tpu.vector_load %arg9[%get3A_476, %get3A_477] {strides = array<i32>} : memref<128x128xf32, #tpu.memory_space<vmem>>, vector<16xf32>,
      %mul3A_479 = arith.mulf %get3A_475, %get3A_478 : vector<16xf32>
      %add3A_480 = arith.addf %add3A_472, %mul3A_479 : vector<16xf32>
      %eq3A_481 = arith.constant 7 : i32
      %eq3A_482 = vector.broadcast %eq3A_481 : i32 to vector<16xi32>
      %eq3A_483 = arith.cmpi eq, %iota3A, %eq3A_482 : vector<16xi32>
      %reduce_sum3A_484 = arith.constant true
      %reduce_sum3A_485 = vector.broadcast %reduce_sum3A_484 : i1 to vector<16xi1>
      %reduce_sum3A_486 = tpu.scan <sum>, %add3A_480 masked %reduce_sum3A_485 : vector<16xf32>, vector<16xi1> -> vector<16xf32>
      %reduce_sum3A_487 = vector.extract %reduce_sum3A_486[15] : f32 from vector<16xf32>
      %broadcast_in_dim3A_488 = vector.broadcast %reduce_sum3A_487 : f32 to vector<16xf32>
      %select_n3A_489 = arith.select %eq3A_483, %broadcast_in_dim3A_488, %select_n3A_389 : vector<16xi1>, vector<16xf32>
      %mul3A_490 = arith.constant 16 : i32
      %mul3A_491 = arith.muli %add3A_90, %mul3A_490 : i32
      %add3A_492 = arith.constant 8 : i32
      %add3A_493 = arith.addi %mul3A_491, %add3A_492 : i32
      %mul3A_494 = arith.constant 16 : i32
      %mul3A_495 = arith.muli %add3A_90, %mul3A_494 : i32
      %add3A_496 = arith.constant 0 : i32
      %add3A_497 = arith.addi %add3A_496, %mul3A_495 : i32
      %add3A_498 = arith.constant 8 : i32
      %add3A_499 = arith.addi %add3A_497, %add3A_498 : i32
      %get3A_500 = arith.index_cast %add3A_499 : i32 to index
      %get3A_501 = arith.constant 64 : index
      %get3A_502 = tpu.vector_load %arg11[%get3A_500, %get3A_501] {strides = array<i32>} : memref<256x128xf32, #tpu.memory_space<vmem>>, vector<16xf32>,
      %get3A_503 = arith.index_cast %add3A_493 : i32 to index
      %get3A_504 = arith.constant 0 : index
      %get3A_505 = tpu.vector_load %arg9[%get3A_503, %get3A_504] {strides = array<i32>} : memref<128x128xf32, #tpu.memory_space<vmem>>, vector<16xf32>,
      %mul3A_506 = arith.mulf %get3A_502, %get3A_505 : vector<16xf32>
      %get3A_507 = arith.index_cast %add3A_499 : i32 to index
      %get3A_508 = arith.constant 80 : index
      %get3A_509 = tpu.vector_load %arg11[%get3A_507, %get3A_508] {strides = array<i32>} : memref<256x128xf32, #tpu.memory_space<vmem>>, vector<16xf32>,
      %get3A_510 = arith.index_cast %add3A_493 : i32 to index
      %get3A_511 = arith.constant 16 : index
      %get3A_512 = tpu.vector_load %arg9[%get3A_510, %get3A_511] {strides = array<i32>} : memref<128x128xf32, #tpu.memory_space<vmem>>, vector<16xf32>,
      %mul3A_513 = arith.mulf %get3A_509, %get3A_512 : vector<16xf32>
      %add3A_514 = arith.addf %mul3A_506, %mul3A_513 : vector<16xf32>
      %get3A_515 = arith.index_cast %add3A_499 : i32 to index
      %get3A_516 = arith.constant 96 : index
      %get3A_517 = tpu.vector_load %arg11[%get3A_515, %get3A_516] {strides = array<i32>} : memref<256x128xf32, #tpu.memory_space<vmem>>, vector<16xf32>,
      %get3A_518 = arith.index_cast %add3A_493 : i32 to index
      %get3A_519 = arith.constant 32 : index
      %get3A_520 = tpu.vector_load %arg9[%get3A_518, %get3A_519] {strides = array<i32>} : memref<128x128xf32, #tpu.memory_space<vmem>>, vector<16xf32>,
      %mul3A_521 = arith.mulf %get3A_517, %get3A_520 : vector<16xf32>
      %add3A_522 = arith.addf %add3A_514, %mul3A_521 : vector<16xf32>
      %get3A_523 = arith.index_cast %add3A_499 : i32 to index
      %get3A_524 = arith.constant 112 : index
      %get3A_525 = tpu.vector_load %arg11[%get3A_523, %get3A_524] {strides = array<i32>} : memref<256x128xf32, #tpu.memory_space<vmem>>, vector<16xf32>,
      %get3A_526 = arith.index_cast %add3A_493 : i32 to index
      %get3A_527 = arith.constant 48 : index
      %get3A_528 = tpu.vector_load %arg9[%get3A_526, %get3A_527] {strides = array<i32>} : memref<128x128xf32, #tpu.memory_space<vmem>>, vector<16xf32>,
      %mul3A_529 = arith.mulf %get3A_525, %get3A_528 : vector<16xf32>
      %add3A_530 = arith.addf %add3A_522, %mul3A_529 : vector<16xf32>
      %eq3A_531 = arith.constant 8 : i32
      %eq3A_532 = vector.broadcast %eq3A_531 : i32 to vector<16xi32>
      %eq3A_533 = arith.cmpi eq, %iota3A, %eq3A_532 : vector<16xi32>
      %reduce_sum3A_534 = arith.constant true
      %reduce_sum3A_535 = vector.broadcast %reduce_sum3A_534 : i1 to vector<16xi1>
      %reduce_sum3A_536 = tpu.scan <sum>, %add3A_530 masked %reduce_sum3A_535 : vector<16xf32>, vector<16xi1> -> vector<16xf32>
      %reduce_sum3A_537 = vector.extract %reduce_sum3A_536[15] : f32 from vector<16xf32>
      %broadcast_in_dim3A_538 = vector.broadcast %reduce_sum3A_537 : f32 to vector<16xf32>
      %select_n3A_539 = arith.select %eq3A_533, %broadcast_in_dim3A_538, %select_n3A_439 : vector<16xi1>, vector<16xf32>
      %mul3A_540 = arith.constant 16 : i32
      %mul3A_541 = arith.muli %add3A_90, %mul3A_540 : i32
      %add3A_542 = arith.constant 9 : i32
      %add3A_543 = arith.addi %mul3A_541, %add3A_542 : i32
      %mul3A_544 = arith.constant 16 : i32
      %mul3A_545 = arith.muli %add3A_90, %mul3A_544 : i32
      %add3A_546 = arith.constant 0 : i32
      %add3A_547 = arith.addi %add3A_546, %mul3A_545 : i32
      %add3A_548 = arith.constant 9 : i32
      %add3A_549 = arith.addi %add3A_547, %add3A_548 : i32
      %get3A_550 = arith.index_cast %add3A_549 : i32 to index
      %get3A_551 = arith.constant 64 : index
      %get3A_552 = tpu.vector_load %arg11[%get3A_550, %get3A_551] {strides = array<i32>} : memref<256x128xf32, #tpu.memory_space<vmem>>, vector<16xf32>,
      %get3A_553 = arith.index_cast %add3A_543 : i32 to index
      %get3A_554 = arith.constant 0 : index
      %get3A_555 = tpu.vector_load %arg9[%get3A_553, %get3A_554] {strides = array<i32>} : memref<128x128xf32, #tpu.memory_space<vmem>>, vector<16xf32>,
      %mul3A_556 = arith.mulf %get3A_552, %get3A_555 : vector<16xf32>
      %get3A_557 = arith.index_cast %add3A_549 : i32 to index
      %get3A_558 = arith.constant 80 : index
      %get3A_559 = tpu.vector_load %arg11[%get3A_557, %get3A_558] {strides = array<i32>} : memref<256x128xf32, #tpu.memory_space<vmem>>, vector<16xf32>,
      %get3A_560 = arith.index_cast %add3A_543 : i32 to index
      %get3A_561 = arith.constant 16 : index
      %get3A_562 = tpu.vector_load %arg9[%get3A_560, %get3A_561] {strides = array<i32>} : memref<128x128xf32, #tpu.memory_space<vmem>>, vector<16xf32>,
      %mul3A_563 = arith.mulf %get3A_559, %get3A_562 : vector<16xf32>
      %add3A_564 = arith.addf %mul3A_556, %mul3A_563 : vector<16xf32>
      %get3A_565 = arith.index_cast %add3A_549 : i32 to index
      %get3A_566 = arith.constant 96 : index
      %get3A_567 = tpu.vector_load %arg11[%get3A_565, %get3A_566] {strides = array<i32>} : memref<256x128xf32, #tpu.memory_space<vmem>>, vector<16xf32>,
      %get3A_568 = arith.index_cast %add3A_543 : i32 to index
      %get3A_569 = arith.constant 32 : index
      %get3A_570 = tpu.vector_load %arg9[%get3A_568, %get3A_569] {strides = array<i32>} : memref<128x128xf32, #tpu.memory_space<vmem>>, vector<16xf32>,
      %mul3A_571 = arith.mulf %get3A_567, %get3A_570 : vector<16xf32>
      %add3A_572 = arith.addf %add3A_564, %mul3A_571 : vector<16xf32>
      %get3A_573 = arith.index_cast %add3A_549 : i32 to index
      %get3A_574 = arith.constant 112 : index
      %get3A_575 = tpu.vector_load %arg11[%get3A_573, %get3A_574] {strides = array<i32>} : memref<256x128xf32, #tpu.memory_space<vmem>>, vector<16xf32>,
      %get3A_576 = arith.index_cast %add3A_543 : i32 to index
      %get3A_577 = arith.constant 48 : index
      %get3A_578 = tpu.vector_load %arg9[%get3A_576, %get3A_577] {strides = array<i32>} : memref<128x128xf32, #tpu.memory_space<vmem>>, vector<16xf32>,
      %mul3A_579 = arith.mulf %get3A_575, %get3A_578 : vector<16xf32>
      %add3A_580 = arith.addf %add3A_572, %mul3A_579 : vector<16xf32>
      %eq3A_581 = arith.constant 9 : i32
      %eq3A_582 = vector.broadcast %eq3A_581 : i32 to vector<16xi32>
      %eq3A_583 = arith.cmpi eq, %iota3A, %eq3A_582 : vector<16xi32>
      %reduce_sum3A_584 = arith.constant true
      %reduce_sum3A_585 = vector.broadcast %reduce_sum3A_584 : i1 to vector<16xi1>
      %reduce_sum3A_586 = tpu.scan <sum>, %add3A_580 masked %reduce_sum3A_585 : vector<16xf32>, vector<16xi1> -> vector<16xf32>
      %reduce_sum3A_587 = vector.extract %reduce_sum3A_586[15] : f32 from vector<16xf32>
      %broadcast_in_dim3A_588 = vector.broadcast %reduce_sum3A_587 : f32 to vector<16xf32>
      %select_n3A_589 = arith.select %eq3A_583, %broadcast_in_dim3A_588, %select_n3A_489 : vector<16xi1>, vector<16xf32>
      %mul3A_590 = arith.constant 16 : i32
      %mul3A_591 = arith.muli %add3A_90, %mul3A_590 : i32
      %add3A_592 = arith.constant 10 : i32
      %add3A_593 = arith.addi %mul3A_591, %add3A_592 : i32
      %mul3A_594 = arith.constant 16 : i32
      %mul3A_595 = arith.muli %add3A_90, %mul3A_594 : i32
      %add3A_596 = arith.constant 0 : i32
      %add3A_597 = arith.addi %add3A_596, %mul3A_595 : i32
      %add3A_598 = arith.constant 10 : i32
      %add3A_599 = arith.addi %add3A_597, %add3A_598 : i32
      %get3A_600 = arith.index_cast %add3A_599 : i32 to index
      %get3A_601 = arith.constant 64 : index
      %get3A_602 = tpu.vector_load %arg11[%get3A_600, %get3A_601] {strides = array<i32>} : memref<256x128xf32, #tpu.memory_space<vmem>>, vector<16xf32>,
      %get3A_603 = arith.index_cast %add3A_593 : i32 to index
      %get3A_604 = arith.constant 0 : index
      %get3A_605 = tpu.vector_load %arg9[%get3A_603, %get3A_604] {strides = array<i32>} : memref<128x128xf32, #tpu.memory_space<vmem>>, vector<16xf32>,
      %mul3A_606 = arith.mulf %get3A_602, %get3A_605 : vector<16xf32>
      %get3A_607 = arith.index_cast %add3A_599 : i32 to index
      %get3A_608 = arith.constant 80 : index
      %get3A_609 = tpu.vector_load %arg11[%get3A_607, %get3A_608] {strides = array<i32>} : memref<256x128xf32, #tpu.memory_space<vmem>>, vector<16xf32>,
      %get3A_610 = arith.index_cast %add3A_593 : i32 to index
      %get3A_611 = arith.constant 16 : index
      %get3A_612 = tpu.vector_load %arg9[%get3A_610, %get3A_611] {strides = array<i32>} : memref<128x128xf32, #tpu.memory_space<vmem>>, vector<16xf32>,
      %mul3A_613 = arith.mulf %get3A_609, %get3A_612 : vector<16xf32>
      %add3A_614 = arith.addf %mul3A_606, %mul3A_613 : vector<16xf32>
      %get3A_615 = arith.index_cast %add3A_599 : i32 to index
      %get3A_616 = arith.constant 96 : index
      %get3A_617 = tpu.vector_load %arg11[%get3A_615, %get3A_616] {strides = array<i32>} : memref<256x128xf32, #tpu.memory_space<vmem>>, vector<16xf32>,
      %get3A_618 = arith.index_cast %add3A_593 : i32 to index
      %get3A_619 = arith.constant 32 : index
      %get3A_620 = tpu.vector_load %arg9[%get3A_618, %get3A_619] {strides = array<i32>} : memref<128x128xf32, #tpu.memory_space<vmem>>, vector<16xf32>,
      %mul3A_621 = arith.mulf %get3A_617, %get3A_620 : vector<16xf32>
      %add3A_622 = arith.addf %add3A_614, %mul3A_621 : vector<16xf32>
      %get3A_623 = arith.index_cast %add3A_599 : i32 to index
      %get3A_624 = arith.constant 112 : index
      %get3A_625 = tpu.vector_load %arg11[%get3A_623, %get3A_624] {strides = array<i32>} : memref<256x128xf32, #tpu.memory_space<vmem>>, vector<16xf32>,
      %get3A_626 = arith.index_cast %add3A_593 : i32 to index
      %get3A_627 = arith.constant 48 : index
      %get3A_628 = tpu.vector_load %arg9[%get3A_626, %get3A_627] {strides = array<i32>} : memref<128x128xf32, #tpu.memory_space<vmem>>, vector<16xf32>,
      %mul3A_629 = arith.mulf %get3A_625, %get3A_628 : vector<16xf32>
      %add3A_630 = arith.addf %add3A_622, %mul3A_629 : vector<16xf32>
      %eq3A_631 = arith.constant 10 : i32
      %eq3A_632 = vector.broadcast %eq3A_631 : i32 to vector<16xi32>
      %eq3A_633 = arith.cmpi eq, %iota3A, %eq3A_632 : vector<16xi32>
      %reduce_sum3A_634 = arith.constant true
      %reduce_sum3A_635 = vector.broadcast %reduce_sum3A_634 : i1 to vector<16xi1>
      %reduce_sum3A_636 = tpu.scan <sum>, %add3A_630 masked %reduce_sum3A_635 : vector<16xf32>, vector<16xi1> -> vector<16xf32>
      %reduce_sum3A_637 = vector.extract %reduce_sum3A_636[15] : f32 from vector<16xf32>
      %broadcast_in_dim3A_638 = vector.broadcast %reduce_sum3A_637 : f32 to vector<16xf32>
      %select_n3A_639 = arith.select %eq3A_633, %broadcast_in_dim3A_638, %select_n3A_539 : vector<16xi1>, vector<16xf32>
      %mul3A_640 = arith.constant 16 : i32
      %mul3A_641 = arith.muli %add3A_90, %mul3A_640 : i32
      %add3A_642 = arith.constant 11 : i32
      %add3A_643 = arith.addi %mul3A_641, %add3A_642 : i32
      %mul3A_644 = arith.constant 16 : i32
      %mul3A_645 = arith.muli %add3A_90, %mul3A_644 : i32
      %add3A_646 = arith.constant 0 : i32
      %add3A_647 = arith.addi %add3A_646, %mul3A_645 : i32
      %add3A_648 = arith.constant 11 : i32
      %add3A_649 = arith.addi %add3A_647, %add3A_648 : i32
      %get3A_650 = arith.index_cast %add3A_649 : i32 to index
      %get3A_651 = arith.constant 64 : index
      %get3A_652 = tpu.vector_load %arg11[%get3A_650, %get3A_651] {strides = array<i32>} : memref<256x128xf32, #tpu.memory_space<vmem>>, vector<16xf32>,
      %get3A_653 = arith.index_cast %add3A_643 : i32 to index
      %get3A_654 = arith.constant 0 : index
      %get3A_655 = tpu.vector_load %arg9[%get3A_653, %get3A_654] {strides = array<i32>} : memref<128x128xf32, #tpu.memory_space<vmem>>, vector<16xf32>,
      %mul3A_656 = arith.mulf %get3A_652, %get3A_655 : vector<16xf32>
      %get3A_657 = arith.index_cast %add3A_649 : i32 to index
      %get3A_658 = arith.constant 80 : index
      %get3A_659 = tpu.vector_load %arg11[%get3A_657, %get3A_658] {strides = array<i32>} : memref<256x128xf32, #tpu.memory_space<vmem>>, vector<16xf32>,
      %get3A_660 = arith.index_cast %add3A_643 : i32 to index
      %get3A_661 = arith.constant 16 : index
      %get3A_662 = tpu.vector_load %arg9[%get3A_660, %get3A_661] {strides = array<i32>} : memref<128x128xf32, #tpu.memory_space<vmem>>, vector<16xf32>,
      %mul3A_663 = arith.mulf %get3A_659, %get3A_662 : vector<16xf32>
      %add3A_664 = arith.addf %mul3A_656, %mul3A_663 : vector<16xf32>
      %get3A_665 = arith.index_cast %add3A_649 : i32 to index
      %get3A_666 = arith.constant 96 : index
      %get3A_667 = tpu.vector_load %arg11[%get3A_665, %get3A_666] {strides = array<i32>} : memref<256x128xf32, #tpu.memory_space<vmem>>, vector<16xf32>,
      %get3A_668 = arith.index_cast %add3A_643 : i32 to index
      %get3A_669 = arith.constant 32 : index
      %get3A_670 = tpu.vector_load %arg9[%get3A_668, %get3A_669] {strides = array<i32>} : memref<128x128xf32, #tpu.memory_space<vmem>>, vector<16xf32>,
      %mul3A_671 = arith.mulf %get3A_667, %get3A_670 : vector<16xf32>
      %add3A_672 = arith.addf %add3A_664, %mul3A_671 : vector<16xf32>
      %get3A_673 = arith.index_cast %add3A_649 : i32 to index
      %get3A_674 = arith.constant 112 : index
      %get3A_675 = tpu.vector_load %arg11[%get3A_673, %get3A_674] {strides = array<i32>} : memref<256x128xf32, #tpu.memory_space<vmem>>, vector<16xf32>,
      %get3A_676 = arith.index_cast %add3A_643 : i32 to index
      %get3A_677 = arith.constant 48 : index
      %get3A_678 = tpu.vector_load %arg9[%get3A_676, %get3A_677] {strides = array<i32>} : memref<128x128xf32, #tpu.memory_space<vmem>>, vector<16xf32>,
      %mul3A_679 = arith.mulf %get3A_675, %get3A_678 : vector<16xf32>
      %add3A_680 = arith.addf %add3A_672, %mul3A_679 : vector<16xf32>
      %eq3A_681 = arith.constant 11 : i32
      %eq3A_682 = vector.broadcast %eq3A_681 : i32 to vector<16xi32>
      %eq3A_683 = arith.cmpi eq, %iota3A, %eq3A_682 : vector<16xi32>
      %reduce_sum3A_684 = arith.constant true
      %reduce_sum3A_685 = vector.broadcast %reduce_sum3A_684 : i1 to vector<16xi1>
      %reduce_sum3A_686 = tpu.scan <sum>, %add3A_680 masked %reduce_sum3A_685 : vector<16xf32>, vector<16xi1> -> vector<16xf32>
      %reduce_sum3A_687 = vector.extract %reduce_sum3A_686[15] : f32 from vector<16xf32>
      %broadcast_in_dim3A_688 = vector.broadcast %reduce_sum3A_687 : f32 to vector<16xf32>
      %select_n3A_689 = arith.select %eq3A_683, %broadcast_in_dim3A_688, %select_n3A_589 : vector<16xi1>, vector<16xf32>
      %mul3A_690 = arith.constant 16 : i32
      %mul3A_691 = arith.muli %add3A_90, %mul3A_690 : i32
      %add3A_692 = arith.constant 12 : i32
      %add3A_693 = arith.addi %mul3A_691, %add3A_692 : i32
      %mul3A_694 = arith.constant 16 : i32
      %mul3A_695 = arith.muli %add3A_90, %mul3A_694 : i32
      %add3A_696 = arith.constant 0 : i32
      %add3A_697 = arith.addi %add3A_696, %mul3A_695 : i32
      %add3A_698 = arith.constant 12 : i32
      %add3A_699 = arith.addi %add3A_697, %add3A_698 : i32
      %get3A_700 = arith.index_cast %add3A_699 : i32 to index
      %get3A_701 = arith.constant 64 : index
      %get3A_702 = tpu.vector_load %arg11[%get3A_700, %get3A_701] {strides = array<i32>} : memref<256x128xf32, #tpu.memory_space<vmem>>, vector<16xf32>,
      %get3A_703 = arith.index_cast %add3A_693 : i32 to index
      %get3A_704 = arith.constant 0 : index
      %get3A_705 = tpu.vector_load %arg9[%get3A_703, %get3A_704] {strides = array<i32>} : memref<128x128xf32, #tpu.memory_space<vmem>>, vector<16xf32>,
      %mul3A_706 = arith.mulf %get3A_702, %get3A_705 : vector<16xf32>
      %get3A_707 = arith.index_cast %add3A_699 : i32 to index
      %get3A_708 = arith.constant 80 : index
      %get3A_709 = tpu.vector_load %arg11[%get3A_707, %get3A_708] {strides = array<i32>} : memref<256x128xf32, #tpu.memory_space<vmem>>, vector<16xf32>,
      %get3A_710 = arith.index_cast %add3A_693 : i32 to index
      %get3A_711 = arith.constant 16 : index
      %get3A_712 = tpu.vector_load %arg9[%get3A_710, %get3A_711] {strides = array<i32>} : memref<128x128xf32, #tpu.memory_space<vmem>>, vector<16xf32>,
      %mul3A_713 = arith.mulf %get3A_709, %get3A_712 : vector<16xf32>
      %add3A_714 = arith.addf %mul3A_706, %mul3A_713 : vector<16xf32>
      %get3A_715 = arith.index_cast %add3A_699 : i32 to index
      %get3A_716 = arith.constant 96 : index
      %get3A_717 = tpu.vector_load %arg11[%get3A_715, %get3A_716] {strides = array<i32>} : memref<256x128xf32, #tpu.memory_space<vmem>>, vector<16xf32>,
      %get3A_718 = arith.index_cast %add3A_693 : i32 to index
      %get3A_719 = arith.constant 32 : index
      %get3A_720 = tpu.vector_load %arg9[%get3A_718, %get3A_719] {strides = array<i32>} : memref<128x128xf32, #tpu.memory_space<vmem>>, vector<16xf32>,
      %mul3A_721 = arith.mulf %get3A_717, %get3A_720 : vector<16xf32>
      %add3A_722 = arith.addf %add3A_714, %mul3A_721 : vector<16xf32>
      %get3A_723 = arith.index_cast %add3A_699 : i32 to index
      %get3A_724 = arith.constant 112 : index
      %get3A_725 = tpu.vector_load %arg11[%get3A_723, %get3A_724] {strides = array<i32>} : memref<256x128xf32, #tpu.memory_space<vmem>>, vector<16xf32>,
      %get3A_726 = arith.index_cast %add3A_693 : i32 to index
      %get3A_727 = arith.constant 48 : index
      %get3A_728 = tpu.vector_load %arg9[%get3A_726, %get3A_727] {strides = array<i32>} : memref<128x128xf32, #tpu.memory_space<vmem>>, vector<16xf32>,
      %mul3A_729 = arith.mulf %get3A_725, %get3A_728 : vector<16xf32>
      %add3A_730 = arith.addf %add3A_722, %mul3A_729 : vector<16xf32>
      %eq3A_731 = arith.constant 12 : i32
      %eq3A_732 = vector.broadcast %eq3A_731 : i32 to vector<16xi32>
      %eq3A_733 = arith.cmpi eq, %iota3A, %eq3A_732 : vector<16xi32>
      %reduce_sum3A_734 = arith.constant true
      %reduce_sum3A_735 = vector.broadcast %reduce_sum3A_734 : i1 to vector<16xi1>
      %reduce_sum3A_736 = tpu.scan <sum>, %add3A_730 masked %reduce_sum3A_735 : vector<16xf32>, vector<16xi1> -> vector<16xf32>
      %reduce_sum3A_737 = vector.extract %reduce_sum3A_736[15] : f32 from vector<16xf32>
      %broadcast_in_dim3A_738 = vector.broadcast %reduce_sum3A_737 : f32 to vector<16xf32>
      %select_n3A_739 = arith.select %eq3A_733, %broadcast_in_dim3A_738, %select_n3A_639 : vector<16xi1>, vector<16xf32>
      %mul3A_740 = arith.constant 16 : i32
      %mul3A_741 = arith.muli %add3A_90, %mul3A_740 : i32
      %add3A_742 = arith.constant 13 : i32
      %add3A_743 = arith.addi %mul3A_741, %add3A_742 : i32
      %mul3A_744 = arith.constant 16 : i32
      %mul3A_745 = arith.muli %add3A_90, %mul3A_744 : i32
      %add3A_746 = arith.constant 0 : i32
      %add3A_747 = arith.addi %add3A_746, %mul3A_745 : i32
      %add3A_748 = arith.constant 13 : i32
      %add3A_749 = arith.addi %add3A_747, %add3A_748 : i32
      %get3A_750 = arith.index_cast %add3A_749 : i32 to index
      %get3A_751 = arith.constant 64 : index
      %get3A_752 = tpu.vector_load %arg11[%get3A_750, %get3A_751] {strides = array<i32>} : memref<256x128xf32, #tpu.memory_space<vmem>>, vector<16xf32>,
      %get3A_753 = arith.index_cast %add3A_743 : i32 to index
      %get3A_754 = arith.constant 0 : index
      %get3A_755 = tpu.vector_load %arg9[%get3A_753, %get3A_754] {strides = array<i32>} : memref<128x128xf32, #tpu.memory_space<vmem>>, vector<16xf32>,
      %mul3A_756 = arith.mulf %get3A_752, %get3A_755 : vector<16xf32>
      %get3A_757 = arith.index_cast %add3A_749 : i32 to index
      %get3A_758 = arith.constant 80 : index
      %get3A_759 = tpu.vector_load %arg11[%get3A_757, %get3A_758] {strides = array<i32>} : memref<256x128xf32, #tpu.memory_space<vmem>>, vector<16xf32>,
      %get3A_760 = arith.index_cast %add3A_743 : i32 to index
      %get3A_761 = arith.constant 16 : index
      %get3A_762 = tpu.vector_load %arg9[%get3A_760, %get3A_761] {strides = array<i32>} : memref<128x128xf32, #tpu.memory_space<vmem>>, vector<16xf32>,
      %mul3A_763 = arith.mulf %get3A_759, %get3A_762 : vector<16xf32>
      %add3A_764 = arith.addf %mul3A_756, %mul3A_763 : vector<16xf32>
      %get3A_765 = arith.index_cast %add3A_749 : i32 to index
      %get3A_766 = arith.constant 96 : index
      %get3A_767 = tpu.vector_load %arg11[%get3A_765, %get3A_766] {strides = array<i32>} : memref<256x128xf32, #tpu.memory_space<vmem>>, vector<16xf32>,
      %get3A_768 = arith.index_cast %add3A_743 : i32 to index
      %get3A_769 = arith.constant 32 : index
      %get3A_770 = tpu.vector_load %arg9[%get3A_768, %get3A_769] {strides = array<i32>} : memref<128x128xf32, #tpu.memory_space<vmem>>, vector<16xf32>,
      %mul3A_771 = arith.mulf %get3A_767, %get3A_770 : vector<16xf32>
      %add3A_772 = arith.addf %add3A_764, %mul3A_771 : vector<16xf32>
      %get3A_773 = arith.index_cast %add3A_749 : i32 to index
      %get3A_774 = arith.constant 112 : index
      %get3A_775 = tpu.vector_load %arg11[%get3A_773, %get3A_774] {strides = array<i32>} : memref<256x128xf32, #tpu.memory_space<vmem>>, vector<16xf32>,
      %get3A_776 = arith.index_cast %add3A_743 : i32 to index
      %get3A_777 = arith.constant 48 : index
      %get3A_778 = tpu.vector_load %arg9[%get3A_776, %get3A_777] {strides = array<i32>} : memref<128x128xf32, #tpu.memory_space<vmem>>, vector<16xf32>,
      %mul3A_779 = arith.mulf %get3A_775, %get3A_778 : vector<16xf32>
      %add3A_780 = arith.addf %add3A_772, %mul3A_779 : vector<16xf32>
      %eq3A_781 = arith.constant 13 : i32
      %eq3A_782 = vector.broadcast %eq3A_781 : i32 to vector<16xi32>
      %eq3A_783 = arith.cmpi eq, %iota3A, %eq3A_782 : vector<16xi32>
      %reduce_sum3A_784 = arith.constant true
      %reduce_sum3A_785 = vector.broadcast %reduce_sum3A_784 : i1 to vector<16xi1>
      %reduce_sum3A_786 = tpu.scan <sum>, %add3A_780 masked %reduce_sum3A_785 : vector<16xf32>, vector<16xi1> -> vector<16xf32>
      %reduce_sum3A_787 = vector.extract %reduce_sum3A_786[15] : f32 from vector<16xf32>
      %broadcast_in_dim3A_788 = vector.broadcast %reduce_sum3A_787 : f32 to vector<16xf32>
      %select_n3A_789 = arith.select %eq3A_783, %broadcast_in_dim3A_788, %select_n3A_689 : vector<16xi1>, vector<16xf32>
      %mul3A_790 = arith.constant 16 : i32
      %mul3A_791 = arith.muli %add3A_90, %mul3A_790 : i32
      %add3A_792 = arith.constant 14 : i32
      %add3A_793 = arith.addi %mul3A_791, %add3A_792 : i32
      %mul3A_794 = arith.constant 16 : i32
      %mul3A_795 = arith.muli %add3A_90, %mul3A_794 : i32
      %add3A_796 = arith.constant 0 : i32
      %add3A_797 = arith.addi %add3A_796, %mul3A_795 : i32
      %add3A_798 = arith.constant 14 : i32
      %add3A_799 = arith.addi %add3A_797, %add3A_798 : i32
      %get3A_800 = arith.index_cast %add3A_799 : i32 to index
      %get3A_801 = arith.constant 64 : index
      %get3A_802 = tpu.vector_load %arg11[%get3A_800, %get3A_801] {strides = array<i32>} : memref<256x128xf32, #tpu.memory_space<vmem>>, vector<16xf32>,
      %get3A_803 = arith.index_cast %add3A_793 : i32 to index
      %get3A_804 = arith.constant 0 : index
      %get3A_805 = tpu.vector_load %arg9[%get3A_803, %get3A_804] {strides = array<i32>} : memref<128x128xf32, #tpu.memory_space<vmem>>, vector<16xf32>,
      %mul3A_806 = arith.mulf %get3A_802, %get3A_805 : vector<16xf32>
      %get3A_807 = arith.index_cast %add3A_799 : i32 to index
      %get3A_808 = arith.constant 80 : index
      %get3A_809 = tpu.vector_load %arg11[%get3A_807, %get3A_808] {strides = array<i32>} : memref<256x128xf32, #tpu.memory_space<vmem>>, vector<16xf32>,
      %get3A_810 = arith.index_cast %add3A_793 : i32 to index
      %get3A_811 = arith.constant 16 : index
      %get3A_812 = tpu.vector_load %arg9[%get3A_810, %get3A_811] {strides = array<i32>} : memref<128x128xf32, #tpu.memory_space<vmem>>, vector<16xf32>,
      %mul3A_813 = arith.mulf %get3A_809, %get3A_812 : vector<16xf32>
      %add3A_814 = arith.addf %mul3A_806, %mul3A_813 : vector<16xf32>
      %get3A_815 = arith.index_cast %add3A_799 : i32 to index
      %get3A_816 = arith.constant 96 : index
      %get3A_817 = tpu.vector_load %arg11[%get3A_815, %get3A_816] {strides = array<i32>} : memref<256x128xf32, #tpu.memory_space<vmem>>, vector<16xf32>,
      %get3A_818 = arith.index_cast %add3A_793 : i32 to index
      %get3A_819 = arith.constant 32 : index
      %get3A_820 = tpu.vector_load %arg9[%get3A_818, %get3A_819] {strides = array<i32>} : memref<128x128xf32, #tpu.memory_space<vmem>>, vector<16xf32>,
      %mul3A_821 = arith.mulf %get3A_817, %get3A_820 : vector<16xf32>
      %add3A_822 = arith.addf %add3A_814, %mul3A_821 : vector<16xf32>
      %get3A_823 = arith.index_cast %add3A_799 : i32 to index
      %get3A_824 = arith.constant 112 : index
      %get3A_825 = tpu.vector_load %arg11[%get3A_823, %get3A_824] {strides = array<i32>} : memref<256x128xf32, #tpu.memory_space<vmem>>, vector<16xf32>,
      %get3A_826 = arith.index_cast %add3A_793 : i32 to index
      %get3A_827 = arith.constant 48 : index
      %get3A_828 = tpu.vector_load %arg9[%get3A_826, %get3A_827] {strides = array<i32>} : memref<128x128xf32, #tpu.memory_space<vmem>>, vector<16xf32>,
      %mul3A_829 = arith.mulf %get3A_825, %get3A_828 : vector<16xf32>
      %add3A_830 = arith.addf %add3A_822, %mul3A_829 : vector<16xf32>
      %eq3A_831 = arith.constant 14 : i32
      %eq3A_832 = vector.broadcast %eq3A_831 : i32 to vector<16xi32>
      %eq3A_833 = arith.cmpi eq, %iota3A, %eq3A_832 : vector<16xi32>
      %reduce_sum3A_834 = arith.constant true
      %reduce_sum3A_835 = vector.broadcast %reduce_sum3A_834 : i1 to vector<16xi1>
      %reduce_sum3A_836 = tpu.scan <sum>, %add3A_830 masked %reduce_sum3A_835 : vector<16xf32>, vector<16xi1> -> vector<16xf32>
      %reduce_sum3A_837 = vector.extract %reduce_sum3A_836[15] : f32 from vector<16xf32>
      %broadcast_in_dim3A_838 = vector.broadcast %reduce_sum3A_837 : f32 to vector<16xf32>
      %select_n3A_839 = arith.select %eq3A_833, %broadcast_in_dim3A_838, %select_n3A_739 : vector<16xi1>, vector<16xf32>
      %mul3A_840 = arith.constant 16 : i32
      %mul3A_841 = arith.muli %add3A_90, %mul3A_840 : i32
      %add3A_842 = arith.constant 15 : i32
      %add3A_843 = arith.addi %mul3A_841, %add3A_842 : i32
      %mul3A_844 = arith.constant 16 : i32
      %mul3A_845 = arith.muli %add3A_90, %mul3A_844 : i32
      %add3A_846 = arith.constant 0 : i32
      %add3A_847 = arith.addi %add3A_846, %mul3A_845 : i32
      %add3A_848 = arith.constant 15 : i32
      %add3A_849 = arith.addi %add3A_847, %add3A_848 : i32
      %get3A_850 = arith.index_cast %add3A_849 : i32 to index
      %get3A_851 = arith.constant 64 : index
      %get3A_852 = tpu.vector_load %arg11[%get3A_850, %get3A_851] {strides = array<i32>} : memref<256x128xf32, #tpu.memory_space<vmem>>, vector<16xf32>,
      %get3A_853 = arith.index_cast %add3A_843 : i32 to index
      %get3A_854 = arith.constant 0 : index
      %get3A_855 = tpu.vector_load %arg9[%get3A_853, %get3A_854] {strides = array<i32>} : memref<128x128xf32, #tpu.memory_space<vmem>>, vector<16xf32>,
      %mul3A_856 = arith.mulf %get3A_852, %get3A_855 : vector<16xf32>
      %get3A_857 = arith.index_cast %add3A_849 : i32 to index
      %get3A_858 = arith.constant 80 : index
      %get3A_859 = tpu.vector_load %arg11[%get3A_857, %get3A_858] {strides = array<i32>} : memref<256x128xf32, #tpu.memory_space<vmem>>, vector<16xf32>,
      %get3A_860 = arith.index_cast %add3A_843 : i32 to index
      %get3A_861 = arith.constant 16 : index
      %get3A_862 = tpu.vector_load %arg9[%get3A_860, %get3A_861] {strides = array<i32>} : memref<128x128xf32, #tpu.memory_space<vmem>>, vector<16xf32>,
      %mul3A_863 = arith.mulf %get3A_859, %get3A_862 : vector<16xf32>
      %add3A_864 = arith.addf %mul3A_856, %mul3A_863 : vector<16xf32>
      %get3A_865 = arith.index_cast %add3A_849 : i32 to index
      %get3A_866 = arith.constant 96 : index
      %get3A_867 = tpu.vector_load %arg11[%get3A_865, %get3A_866] {strides = array<i32>} : memref<256x128xf32, #tpu.memory_space<vmem>>, vector<16xf32>,
      %get3A_868 = arith.index_cast %add3A_843 : i32 to index
      %get3A_869 = arith.constant 32 : index
      %get3A_870 = tpu.vector_load %arg9[%get3A_868, %get3A_869] {strides = array<i32>} : memref<128x128xf32, #tpu.memory_space<vmem>>, vector<16xf32>,
      %mul3A_871 = arith.mulf %get3A_867, %get3A_870 : vector<16xf32>
      %add3A_872 = arith.addf %add3A_864, %mul3A_871 : vector<16xf32>
      %get3A_873 = arith.index_cast %add3A_849 : i32 to index
      %get3A_874 = arith.constant 112 : index
      %get3A_875 = tpu.vector_load %arg11[%get3A_873, %get3A_874] {strides = array<i32>} : memref<256x128xf32, #tpu.memory_space<vmem>>, vector<16xf32>,
      %get3A_876 = arith.index_cast %add3A_843 : i32 to index
      %get3A_877 = arith.constant 48 : index
      %get3A_878 = tpu.vector_load %arg9[%get3A_876, %get3A_877] {strides = array<i32>} : memref<128x128xf32, #tpu.memory_space<vmem>>, vector<16xf32>,
      %mul3A_879 = arith.mulf %get3A_875, %get3A_878 : vector<16xf32>
      %add3A_880 = arith.addf %add3A_872, %mul3A_879 : vector<16xf32>
      %eq3A_881 = arith.constant 15 : i32
      %eq3A_882 = vector.broadcast %eq3A_881 : i32 to vector<16xi32>
      %eq3A_883 = arith.cmpi eq, %iota3A, %eq3A_882 : vector<16xi32>
      %reduce_sum3A_884 = arith.constant true
      %reduce_sum3A_885 = vector.broadcast %reduce_sum3A_884 : i1 to vector<16xi1>
      %reduce_sum3A_886 = tpu.scan <sum>, %add3A_880 masked %reduce_sum3A_885 : vector<16xf32>, vector<16xi1> -> vector<16xf32>
      %reduce_sum3A_887 = vector.extract %reduce_sum3A_886[15] : f32 from vector<16xf32>
      %broadcast_in_dim3A_888 = vector.broadcast %reduce_sum3A_887 : f32 to vector<16xf32>
      %select_n3A_889 = arith.select %eq3A_883, %broadcast_in_dim3A_888, %select_n3A_789 : vector<16xi1>, vector<16xf32>
      %add3A_890 = arith.addf %select_n3A_839, %select_n3A_889 : vector<16xf32>
      %mul3A_891 = arith.constant 16 : i32
      %mul3A_892 = arith.muli %add3A_90, %mul3A_891 : i32
      %add3A_893 = arith.constant 256 : i32
      %add3A_894 = arith.addi %add3A_893, %mul3A_892 : i32
      %swap3A = arith.index_cast %add3A_894 : i32 to index
      %swap3A_895 = tpu.vector_load %arg12[%swap3A] {strides = array<i32>} : memref<512xf32, #tpu.memory_space<vmem>>, vector<16xf32>,
      tpu.vector_store %arg12[%swap3A], %add3A_890 {strides = array<i32>} : memref<512xf32, #tpu.memory_space<vmem>>, vector<16xf32>,
    }
    %scan3A_71 = arith.constant 8 : i32
    %dma_wait3A_72 = arith.constant 3 : i32
    %dma_wait3A_73 = arith.constant 0 : i32
    %dma_wait3A_74 = tpu.memref_slice %arg6[%dma_wait3A_72, %dma_wait3A_73] : memref<4x128xi32, #tpu.memory_space<vmem>> -> memref<1x128xi32, #tpu.memory_space<vmem>>
    %dma_wait3A_75 = tpu.memref_squeeze %dma_wait3A_74 : memref<1x128xi32, #tpu.memory_space<vmem>> -> memref<128xi32, #tpu.memory_space<vmem>>
    %dma_wait3A_76 = arith.constant 0 : i32
    %dma_wait3A_77 = arith.constant 0 : i32
    %dma_wait3A_78 = tpu.memref_slice %arg2[%dma_wait3A_76, %dma_wait3A_77] : memref<100000x128xf32, #tpu.memory_space<hbm>> -> memref<100000x128xf32, #tpu.memory_space<hbm>>
    tpu.wait_indirect_dma semaphore(%arg17 : memref<!tpu.dma_semaphore, #tpu.memory_space<semaphore_mem>>) src(%dma_wait3A_78 : memref<100000x128xf32, #tpu.memory_space<hbm>>) dst(%arg10 : memref<128x128xf32, #tpu.memory_space<vmem>>)
    %scan3A_79 = arith.constant 0 : i32
    %scan3A_80 = arith.constant 8 : i32
    %scan3A_81 = arith.addi %scan3A_79, %scan3A_80 : i32
    %scan3A_82 = arith.constant 1 : i32
    scf.for %scan3A_86 = %scan3A_79 to %scan3A_81 step %scan3A_82  : i32 {
      %mul3A_87 = arith.constant 1 : i32
      %mul3A_88 = arith.muli %scan3A_86, %mul3A_87 : i32
      %add3A_89 = arith.constant 0 : i32
      %add3A_90 = arith.addi %add3A_89, %mul3A_88 : i32
      %broadcast_in_dim3A = arith.constant 0.000000e+00 : f32
      %broadcast_in_dim3A_91 = vector.broadcast %broadcast_in_dim3A : f32 to vector<16xf32>
      %broadcast_in_dim3A_92 = arith.constant 0.000000e+00 : f32
      %broadcast_in_dim3A_93 = vector.broadcast %broadcast_in_dim3A_92 : f32 to vector<16xf32>
      %mul3A_94 = arith.constant 16 : i32
      %mul3A_95 = arith.muli %add3A_90, %mul3A_94 : i32
      %add3A_96 = arith.constant 0 : i32
      %add3A_97 = arith.addi %mul3A_95, %add3A_96 : i32
      %mul3A_98 = arith.constant 16 : i32
      %mul3A_99 = arith.muli %add3A_90, %mul3A_98 : i32
      %add3A_100 = arith.constant 128 : i32
      %add3A_101 = arith.addi %add3A_100, %mul3A_99 : i32
      %add3A_102 = arith.constant 0 : i32
      %add3A_103 = arith.addi %add3A_101, %add3A_102 : i32
      %get3A = arith.index_cast %add3A_103 : i32 to index
      %get3A_104 = arith.constant 64 : index
      %get3A_105 = tpu.vector_load %arg11[%get3A, %get3A_104] {strides = array<i32>} : memref<256x128xf32, #tpu.memory_space<vmem>>, vector<16xf32>,
      %get3A_106 = arith.index_cast %add3A_97 : i32 to index
      %get3A_107 = arith.constant 0 : index
      %get3A_108 = tpu.vector_load %arg10[%get3A_106, %get3A_107] {strides = array<i32>} : memref<128x128xf32, #tpu.memory_space<vmem>>, vector<16xf32>,
      %mul3A_109 = arith.mulf %get3A_105, %get3A_108 : vector<16xf32>
      %get3A_110 = arith.index_cast %add3A_103 : i32 to index
      %get3A_111 = arith.constant 80 : index
      %get3A_112 = tpu.vector_load %arg11[%get3A_110, %get3A_111] {strides = array<i32>} : memref<256x128xf32, #tpu.memory_space<vmem>>, vector<16xf32>,
      %get3A_113 = arith.index_cast %add3A_97 : i32 to index
      %get3A_114 = arith.constant 16 : index
      %get3A_115 = tpu.vector_load %arg10[%get3A_113, %get3A_114] {strides = array<i32>} : memref<128x128xf32, #tpu.memory_space<vmem>>, vector<16xf32>,
      %mul3A_116 = arith.mulf %get3A_112, %get3A_115 : vector<16xf32>
      %add3A_117 = arith.addf %mul3A_109, %mul3A_116 : vector<16xf32>
      %get3A_118 = arith.index_cast %add3A_103 : i32 to index
      %get3A_119 = arith.constant 96 : index
      %get3A_120 = tpu.vector_load %arg11[%get3A_118, %get3A_119] {strides = array<i32>} : memref<256x128xf32, #tpu.memory_space<vmem>>, vector<16xf32>,
      %get3A_121 = arith.index_cast %add3A_97 : i32 to index
      %get3A_122 = arith.constant 32 : index
      %get3A_123 = tpu.vector_load %arg10[%get3A_121, %get3A_122] {strides = array<i32>} : memref<128x128xf32, #tpu.memory_space<vmem>>, vector<16xf32>,
      %mul3A_124 = arith.mulf %get3A_120, %get3A_123 : vector<16xf32>
      %add3A_125 = arith.addf %add3A_117, %mul3A_124 : vector<16xf32>
      %get3A_126 = arith.index_cast %add3A_103 : i32 to index
      %get3A_127 = arith.constant 112 : index
      %get3A_128 = tpu.vector_load %arg11[%get3A_126, %get3A_127] {strides = array<i32>} : memref<256x128xf32, #tpu.memory_space<vmem>>, vector<16xf32>,
      %get3A_129 = arith.index_cast %add3A_97 : i32 to index
      %get3A_130 = arith.constant 48 : index
      %get3A_131 = tpu.vector_load %arg10[%get3A_129, %get3A_130] {strides = array<i32>} : memref<128x128xf32, #tpu.memory_space<vmem>>, vector<16xf32>,
      %mul3A_132 = arith.mulf %get3A_128, %get3A_131 : vector<16xf32>
      %add3A_133 = arith.addf %add3A_125, %mul3A_132 : vector<16xf32>
      %eq3A = arith.constant 0 : i32
      %eq3A_134 = vector.broadcast %eq3A : i32 to vector<16xi32>
      %eq3A_135 = arith.cmpi eq, %iota3A, %eq3A_134 : vector<16xi32>
      %reduce_sum3A = arith.constant true
      %reduce_sum3A_136 = vector.broadcast %reduce_sum3A : i1 to vector<16xi1>
      %reduce_sum3A_137 = tpu.scan <sum>, %add3A_133 masked %reduce_sum3A_136 : vector<16xf32>, vector<16xi1> -> vector<16xf32>
      %reduce_sum3A_138 = vector.extract %reduce_sum3A_137[15] : f32 from vector<16xf32>
      %broadcast_in_dim3A_139 = vector.broadcast %reduce_sum3A_138 : f32 to vector<16xf32>
      %select_n3A = arith.select %eq3A_135, %broadcast_in_dim3A_139, %broadcast_in_dim3A_91 : vector<16xi1>, vector<16xf32>
      %mul3A_140 = arith.constant 16 : i32
      %mul3A_141 = arith.muli %add3A_90, %mul3A_140 : i32
      %add3A_142 = arith.constant 1 : i32
      %add3A_143 = arith.addi %mul3A_141, %add3A_142 : i32
      %mul3A_144 = arith.constant 16 : i32
      %mul3A_145 = arith.muli %add3A_90, %mul3A_144 : i32
      %add3A_146 = arith.constant 128 : i32
      %add3A_147 = arith.addi %add3A_146, %mul3A_145 : i32
      %add3A_148 = arith.constant 1 : i32
      %add3A_149 = arith.addi %add3A_147, %add3A_148 : i32
      %get3A_150 = arith.index_cast %add3A_149 : i32 to index
      %get3A_151 = arith.constant 64 : index
      %get3A_152 = tpu.vector_load %arg11[%get3A_150, %get3A_151] {strides = array<i32>} : memref<256x128xf32, #tpu.memory_space<vmem>>, vector<16xf32>,
      %get3A_153 = arith.index_cast %add3A_143 : i32 to index
      %get3A_154 = arith.constant 0 : index
      %get3A_155 = tpu.vector_load %arg10[%get3A_153, %get3A_154] {strides = array<i32>} : memref<128x128xf32, #tpu.memory_space<vmem>>, vector<16xf32>,
      %mul3A_156 = arith.mulf %get3A_152, %get3A_155 : vector<16xf32>
      %get3A_157 = arith.index_cast %add3A_149 : i32 to index
      %get3A_158 = arith.constant 80 : index
      %get3A_159 = tpu.vector_load %arg11[%get3A_157, %get3A_158] {strides = array<i32>} : memref<256x128xf32, #tpu.memory_space<vmem>>, vector<16xf32>,
      %get3A_160 = arith.index_cast %add3A_143 : i32 to index
      %get3A_161 = arith.constant 16 : index
      %get3A_162 = tpu.vector_load %arg10[%get3A_160, %get3A_161] {strides = array<i32>} : memref<128x128xf32, #tpu.memory_space<vmem>>, vector<16xf32>,
      %mul3A_163 = arith.mulf %get3A_159, %get3A_162 : vector<16xf32>
      %add3A_164 = arith.addf %mul3A_156, %mul3A_163 : vector<16xf32>
      %get3A_165 = arith.index_cast %add3A_149 : i32 to index
      %get3A_166 = arith.constant 96 : index
      %get3A_167 = tpu.vector_load %arg11[%get3A_165, %get3A_166] {strides = array<i32>} : memref<256x128xf32, #tpu.memory_space<vmem>>, vector<16xf32>,
      %get3A_168 = arith.index_cast %add3A_143 : i32 to index
      %get3A_169 = arith.constant 32 : index
      %get3A_170 = tpu.vector_load %arg10[%get3A_168, %get3A_169] {strides = array<i32>} : memref<128x128xf32, #tpu.memory_space<vmem>>, vector<16xf32>,
      %mul3A_171 = arith.mulf %get3A_167, %get3A_170 : vector<16xf32>
      %add3A_172 = arith.addf %add3A_164, %mul3A_171 : vector<16xf32>
      %get3A_173 = arith.index_cast %add3A_149 : i32 to index
      %get3A_174 = arith.constant 112 : index
      %get3A_175 = tpu.vector_load %arg11[%get3A_173, %get3A_174] {strides = array<i32>} : memref<256x128xf32, #tpu.memory_space<vmem>>, vector<16xf32>,
      %get3A_176 = arith.index_cast %add3A_143 : i32 to index
      %get3A_177 = arith.constant 48 : index
      %get3A_178 = tpu.vector_load %arg10[%get3A_176, %get3A_177] {strides = array<i32>} : memref<128x128xf32, #tpu.memory_space<vmem>>, vector<16xf32>,
      %mul3A_179 = arith.mulf %get3A_175, %get3A_178 : vector<16xf32>
      %add3A_180 = arith.addf %add3A_172, %mul3A_179 : vector<16xf32>
      %eq3A_181 = arith.constant 1 : i32
      %eq3A_182 = vector.broadcast %eq3A_181 : i32 to vector<16xi32>
      %eq3A_183 = arith.cmpi eq, %iota3A, %eq3A_182 : vector<16xi32>
      %reduce_sum3A_184 = arith.constant true
      %reduce_sum3A_185 = vector.broadcast %reduce_sum3A_184 : i1 to vector<16xi1>
      %reduce_sum3A_186 = tpu.scan <sum>, %add3A_180 masked %reduce_sum3A_185 : vector<16xf32>, vector<16xi1> -> vector<16xf32>
      %reduce_sum3A_187 = vector.extract %reduce_sum3A_186[15] : f32 from vector<16xf32>
      %broadcast_in_dim3A_188 = vector.broadcast %reduce_sum3A_187 : f32 to vector<16xf32>
      %select_n3A_189 = arith.select %eq3A_183, %broadcast_in_dim3A_188, %broadcast_in_dim3A_93 : vector<16xi1>, vector<16xf32>
      %mul3A_190 = arith.constant 16 : i32
      %mul3A_191 = arith.muli %add3A_90, %mul3A_190 : i32
      %add3A_192 = arith.constant 2 : i32
      %add3A_193 = arith.addi %mul3A_191, %add3A_192 : i32
      %mul3A_194 = arith.constant 16 : i32
      %mul3A_195 = arith.muli %add3A_90, %mul3A_194 : i32
      %add3A_196 = arith.constant 128 : i32
      %add3A_197 = arith.addi %add3A_196, %mul3A_195 : i32
      %add3A_198 = arith.constant 2 : i32
      %add3A_199 = arith.addi %add3A_197, %add3A_198 : i32
      %get3A_200 = arith.index_cast %add3A_199 : i32 to index
      %get3A_201 = arith.constant 64 : index
      %get3A_202 = tpu.vector_load %arg11[%get3A_200, %get3A_201] {strides = array<i32>} : memref<256x128xf32, #tpu.memory_space<vmem>>, vector<16xf32>,
      %get3A_203 = arith.index_cast %add3A_193 : i32 to index
      %get3A_204 = arith.constant 0 : index
      %get3A_205 = tpu.vector_load %arg10[%get3A_203, %get3A_204] {strides = array<i32>} : memref<128x128xf32, #tpu.memory_space<vmem>>, vector<16xf32>,
      %mul3A_206 = arith.mulf %get3A_202, %get3A_205 : vector<16xf32>
      %get3A_207 = arith.index_cast %add3A_199 : i32 to index
      %get3A_208 = arith.constant 80 : index
      %get3A_209 = tpu.vector_load %arg11[%get3A_207, %get3A_208] {strides = array<i32>} : memref<256x128xf32, #tpu.memory_space<vmem>>, vector<16xf32>,
      %get3A_210 = arith.index_cast %add3A_193 : i32 to index
      %get3A_211 = arith.constant 16 : index
      %get3A_212 = tpu.vector_load %arg10[%get3A_210, %get3A_211] {strides = array<i32>} : memref<128x128xf32, #tpu.memory_space<vmem>>, vector<16xf32>,
      %mul3A_213 = arith.mulf %get3A_209, %get3A_212 : vector<16xf32>
      %add3A_214 = arith.addf %mul3A_206, %mul3A_213 : vector<16xf32>
      %get3A_215 = arith.index_cast %add3A_199 : i32 to index
      %get3A_216 = arith.constant 96 : index
      %get3A_217 = tpu.vector_load %arg11[%get3A_215, %get3A_216] {strides = array<i32>} : memref<256x128xf32, #tpu.memory_space<vmem>>, vector<16xf32>,
      %get3A_218 = arith.index_cast %add3A_193 : i32 to index
      %get3A_219 = arith.constant 32 : index
      %get3A_220 = tpu.vector_load %arg10[%get3A_218, %get3A_219] {strides = array<i32>} : memref<128x128xf32, #tpu.memory_space<vmem>>, vector<16xf32>,
      %mul3A_221 = arith.mulf %get3A_217, %get3A_220 : vector<16xf32>
      %add3A_222 = arith.addf %add3A_214, %mul3A_221 : vector<16xf32>
      %get3A_223 = arith.index_cast %add3A_199 : i32 to index
      %get3A_224 = arith.constant 112 : index
      %get3A_225 = tpu.vector_load %arg11[%get3A_223, %get3A_224] {strides = array<i32>} : memref<256x128xf32, #tpu.memory_space<vmem>>, vector<16xf32>,
      %get3A_226 = arith.index_cast %add3A_193 : i32 to index
      %get3A_227 = arith.constant 48 : index
      %get3A_228 = tpu.vector_load %arg10[%get3A_226, %get3A_227] {strides = array<i32>} : memref<128x128xf32, #tpu.memory_space<vmem>>, vector<16xf32>,
      %mul3A_229 = arith.mulf %get3A_225, %get3A_228 : vector<16xf32>
      %add3A_230 = arith.addf %add3A_222, %mul3A_229 : vector<16xf32>
      %eq3A_231 = arith.constant 2 : i32
      %eq3A_232 = vector.broadcast %eq3A_231 : i32 to vector<16xi32>
      %eq3A_233 = arith.cmpi eq, %iota3A, %eq3A_232 : vector<16xi32>
      %reduce_sum3A_234 = arith.constant true
      %reduce_sum3A_235 = vector.broadcast %reduce_sum3A_234 : i1 to vector<16xi1>
      %reduce_sum3A_236 = tpu.scan <sum>, %add3A_230 masked %reduce_sum3A_235 : vector<16xf32>, vector<16xi1> -> vector<16xf32>
      %reduce_sum3A_237 = vector.extract %reduce_sum3A_236[15] : f32 from vector<16xf32>
      %broadcast_in_dim3A_238 = vector.broadcast %reduce_sum3A_237 : f32 to vector<16xf32>
      %select_n3A_239 = arith.select %eq3A_233, %broadcast_in_dim3A_238, %select_n3A : vector<16xi1>, vector<16xf32>
      %mul3A_240 = arith.constant 16 : i32
      %mul3A_241 = arith.muli %add3A_90, %mul3A_240 : i32
      %add3A_242 = arith.constant 3 : i32
      %add3A_243 = arith.addi %mul3A_241, %add3A_242 : i32
      %mul3A_244 = arith.constant 16 : i32
      %mul3A_245 = arith.muli %add3A_90, %mul3A_244 : i32
      %add3A_246 = arith.constant 128 : i32
      %add3A_247 = arith.addi %add3A_246, %mul3A_245 : i32
      %add3A_248 = arith.constant 3 : i32
      %add3A_249 = arith.addi %add3A_247, %add3A_248 : i32
      %get3A_250 = arith.index_cast %add3A_249 : i32 to index
      %get3A_251 = arith.constant 64 : index
      %get3A_252 = tpu.vector_load %arg11[%get3A_250, %get3A_251] {strides = array<i32>} : memref<256x128xf32, #tpu.memory_space<vmem>>, vector<16xf32>,
      %get3A_253 = arith.index_cast %add3A_243 : i32 to index
      %get3A_254 = arith.constant 0 : index
      %get3A_255 = tpu.vector_load %arg10[%get3A_253, %get3A_254] {strides = array<i32>} : memref<128x128xf32, #tpu.memory_space<vmem>>, vector<16xf32>,
      %mul3A_256 = arith.mulf %get3A_252, %get3A_255 : vector<16xf32>
      %get3A_257 = arith.index_cast %add3A_249 : i32 to index
      %get3A_258 = arith.constant 80 : index
      %get3A_259 = tpu.vector_load %arg11[%get3A_257, %get3A_258] {strides = array<i32>} : memref<256x128xf32, #tpu.memory_space<vmem>>, vector<16xf32>,
      %get3A_260 = arith.index_cast %add3A_243 : i32 to index
      %get3A_261 = arith.constant 16 : index
      %get3A_262 = tpu.vector_load %arg10[%get3A_260, %get3A_261] {strides = array<i32>} : memref<128x128xf32, #tpu.memory_space<vmem>>, vector<16xf32>,
      %mul3A_263 = arith.mulf %get3A_259, %get3A_262 : vector<16xf32>
      %add3A_264 = arith.addf %mul3A_256, %mul3A_263 : vector<16xf32>
      %get3A_265 = arith.index_cast %add3A_249 : i32 to index
      %get3A_266 = arith.constant 96 : index
      %get3A_267 = tpu.vector_load %arg11[%get3A_265, %get3A_266] {strides = array<i32>} : memref<256x128xf32, #tpu.memory_space<vmem>>, vector<16xf32>,
      %get3A_268 = arith.index_cast %add3A_243 : i32 to index
      %get3A_269 = arith.constant 32 : index
      %get3A_270 = tpu.vector_load %arg10[%get3A_268, %get3A_269] {strides = array<i32>} : memref<128x128xf32, #tpu.memory_space<vmem>>, vector<16xf32>,
      %mul3A_271 = arith.mulf %get3A_267, %get3A_270 : vector<16xf32>
      %add3A_272 = arith.addf %add3A_264, %mul3A_271 : vector<16xf32>
      %get3A_273 = arith.index_cast %add3A_249 : i32 to index
      %get3A_274 = arith.constant 112 : index
      %get3A_275 = tpu.vector_load %arg11[%get3A_273, %get3A_274] {strides = array<i32>} : memref<256x128xf32, #tpu.memory_space<vmem>>, vector<16xf32>,
      %get3A_276 = arith.index_cast %add3A_243 : i32 to index
      %get3A_277 = arith.constant 48 : index
      %get3A_278 = tpu.vector_load %arg10[%get3A_276, %get3A_277] {strides = array<i32>} : memref<128x128xf32, #tpu.memory_space<vmem>>, vector<16xf32>,
      %mul3A_279 = arith.mulf %get3A_275, %get3A_278 : vector<16xf32>
      %add3A_280 = arith.addf %add3A_272, %mul3A_279 : vector<16xf32>
      %eq3A_281 = arith.constant 3 : i32
      %eq3A_282 = vector.broadcast %eq3A_281 : i32 to vector<16xi32>
      %eq3A_283 = arith.cmpi eq, %iota3A, %eq3A_282 : vector<16xi32>
      %reduce_sum3A_284 = arith.constant true
      %reduce_sum3A_285 = vector.broadcast %reduce_sum3A_284 : i1 to vector<16xi1>
      %reduce_sum3A_286 = tpu.scan <sum>, %add3A_280 masked %reduce_sum3A_285 : vector<16xf32>, vector<16xi1> -> vector<16xf32>
      %reduce_sum3A_287 = vector.extract %reduce_sum3A_286[15] : f32 from vector<16xf32>
      %broadcast_in_dim3A_288 = vector.broadcast %reduce_sum3A_287 : f32 to vector<16xf32>
      %select_n3A_289 = arith.select %eq3A_283, %broadcast_in_dim3A_288, %select_n3A_189 : vector<16xi1>, vector<16xf32>
      %mul3A_290 = arith.constant 16 : i32
      %mul3A_291 = arith.muli %add3A_90, %mul3A_290 : i32
      %add3A_292 = arith.constant 4 : i32
      %add3A_293 = arith.addi %mul3A_291, %add3A_292 : i32
      %mul3A_294 = arith.constant 16 : i32
      %mul3A_295 = arith.muli %add3A_90, %mul3A_294 : i32
      %add3A_296 = arith.constant 128 : i32
      %add3A_297 = arith.addi %add3A_296, %mul3A_295 : i32
      %add3A_298 = arith.constant 4 : i32
      %add3A_299 = arith.addi %add3A_297, %add3A_298 : i32
      %get3A_300 = arith.index_cast %add3A_299 : i32 to index
      %get3A_301 = arith.constant 64 : index
      %get3A_302 = tpu.vector_load %arg11[%get3A_300, %get3A_301] {strides = array<i32>} : memref<256x128xf32, #tpu.memory_space<vmem>>, vector<16xf32>,
      %get3A_303 = arith.index_cast %add3A_293 : i32 to index
      %get3A_304 = arith.constant 0 : index
      %get3A_305 = tpu.vector_load %arg10[%get3A_303, %get3A_304] {strides = array<i32>} : memref<128x128xf32, #tpu.memory_space<vmem>>, vector<16xf32>,
      %mul3A_306 = arith.mulf %get3A_302, %get3A_305 : vector<16xf32>
      %get3A_307 = arith.index_cast %add3A_299 : i32 to index
      %get3A_308 = arith.constant 80 : index
      %get3A_309 = tpu.vector_load %arg11[%get3A_307, %get3A_308] {strides = array<i32>} : memref<256x128xf32, #tpu.memory_space<vmem>>, vector<16xf32>,
      %get3A_310 = arith.index_cast %add3A_293 : i32 to index
      %get3A_311 = arith.constant 16 : index
      %get3A_312 = tpu.vector_load %arg10[%get3A_310, %get3A_311] {strides = array<i32>} : memref<128x128xf32, #tpu.memory_space<vmem>>, vector<16xf32>,
      %mul3A_313 = arith.mulf %get3A_309, %get3A_312 : vector<16xf32>
      %add3A_314 = arith.addf %mul3A_306, %mul3A_313 : vector<16xf32>
      %get3A_315 = arith.index_cast %add3A_299 : i32 to index
      %get3A_316 = arith.constant 96 : index
      %get3A_317 = tpu.vector_load %arg11[%get3A_315, %get3A_316] {strides = array<i32>} : memref<256x128xf32, #tpu.memory_space<vmem>>, vector<16xf32>,
      %get3A_318 = arith.index_cast %add3A_293 : i32 to index
      %get3A_319 = arith.constant 32 : index
      %get3A_320 = tpu.vector_load %arg10[%get3A_318, %get3A_319] {strides = array<i32>} : memref<128x128xf32, #tpu.memory_space<vmem>>, vector<16xf32>,
      %mul3A_321 = arith.mulf %get3A_317, %get3A_320 : vector<16xf32>
      %add3A_322 = arith.addf %add3A_314, %mul3A_321 : vector<16xf32>
      %get3A_323 = arith.index_cast %add3A_299 : i32 to index
      %get3A_324 = arith.constant 112 : index
      %get3A_325 = tpu.vector_load %arg11[%get3A_323, %get3A_324] {strides = array<i32>} : memref<256x128xf32, #tpu.memory_space<vmem>>, vector<16xf32>,
      %get3A_326 = arith.index_cast %add3A_293 : i32 to index
      %get3A_327 = arith.constant 48 : index
      %get3A_328 = tpu.vector_load %arg10[%get3A_326, %get3A_327] {strides = array<i32>} : memref<128x128xf32, #tpu.memory_space<vmem>>, vector<16xf32>,
      %mul3A_329 = arith.mulf %get3A_325, %get3A_328 : vector<16xf32>
      %add3A_330 = arith.addf %add3A_322, %mul3A_329 : vector<16xf32>
      %eq3A_331 = arith.constant 4 : i32
      %eq3A_332 = vector.broadcast %eq3A_331 : i32 to vector<16xi32>
      %eq3A_333 = arith.cmpi eq, %iota3A, %eq3A_332 : vector<16xi32>
      %reduce_sum3A_334 = arith.constant true
      %reduce_sum3A_335 = vector.broadcast %reduce_sum3A_334 : i1 to vector<16xi1>
      %reduce_sum3A_336 = tpu.scan <sum>, %add3A_330 masked %reduce_sum3A_335 : vector<16xf32>, vector<16xi1> -> vector<16xf32>
      %reduce_sum3A_337 = vector.extract %reduce_sum3A_336[15] : f32 from vector<16xf32>
      %broadcast_in_dim3A_338 = vector.broadcast %reduce_sum3A_337 : f32 to vector<16xf32>
      %select_n3A_339 = arith.select %eq3A_333, %broadcast_in_dim3A_338, %select_n3A_239 : vector<16xi1>, vector<16xf32>
      %mul3A_340 = arith.constant 16 : i32
      %mul3A_341 = arith.muli %add3A_90, %mul3A_340 : i32
      %add3A_342 = arith.constant 5 : i32
      %add3A_343 = arith.addi %mul3A_341, %add3A_342 : i32
      %mul3A_344 = arith.constant 16 : i32
      %mul3A_345 = arith.muli %add3A_90, %mul3A_344 : i32
      %add3A_346 = arith.constant 128 : i32
      %add3A_347 = arith.addi %add3A_346, %mul3A_345 : i32
      %add3A_348 = arith.constant 5 : i32
      %add3A_349 = arith.addi %add3A_347, %add3A_348 : i32
      %get3A_350 = arith.index_cast %add3A_349 : i32 to index
      %get3A_351 = arith.constant 64 : index
      %get3A_352 = tpu.vector_load %arg11[%get3A_350, %get3A_351] {strides = array<i32>} : memref<256x128xf32, #tpu.memory_space<vmem>>, vector<16xf32>,
      %get3A_353 = arith.index_cast %add3A_343 : i32 to index
      %get3A_354 = arith.constant 0 : index
      %get3A_355 = tpu.vector_load %arg10[%get3A_353, %get3A_354] {strides = array<i32>} : memref<128x128xf32, #tpu.memory_space<vmem>>, vector<16xf32>,
      %mul3A_356 = arith.mulf %get3A_352, %get3A_355 : vector<16xf32>
      %get3A_357 = arith.index_cast %add3A_349 : i32 to index
      %get3A_358 = arith.constant 80 : index
      %get3A_359 = tpu.vector_load %arg11[%get3A_357, %get3A_358] {strides = array<i32>} : memref<256x128xf32, #tpu.memory_space<vmem>>, vector<16xf32>,
      %get3A_360 = arith.index_cast %add3A_343 : i32 to index
      %get3A_361 = arith.constant 16 : index
      %get3A_362 = tpu.vector_load %arg10[%get3A_360, %get3A_361] {strides = array<i32>} : memref<128x128xf32, #tpu.memory_space<vmem>>, vector<16xf32>,
      %mul3A_363 = arith.mulf %get3A_359, %get3A_362 : vector<16xf32>
      %add3A_364 = arith.addf %mul3A_356, %mul3A_363 : vector<16xf32>
      %get3A_365 = arith.index_cast %add3A_349 : i32 to index
      %get3A_366 = arith.constant 96 : index
      %get3A_367 = tpu.vector_load %arg11[%get3A_365, %get3A_366] {strides = array<i32>} : memref<256x128xf32, #tpu.memory_space<vmem>>, vector<16xf32>,
      %get3A_368 = arith.index_cast %add3A_343 : i32 to index
      %get3A_369 = arith.constant 32 : index
      %get3A_370 = tpu.vector_load %arg10[%get3A_368, %get3A_369] {strides = array<i32>} : memref<128x128xf32, #tpu.memory_space<vmem>>, vector<16xf32>,
      %mul3A_371 = arith.mulf %get3A_367, %get3A_370 : vector<16xf32>
      %add3A_372 = arith.addf %add3A_364, %mul3A_371 : vector<16xf32>
      %get3A_373 = arith.index_cast %add3A_349 : i32 to index
      %get3A_374 = arith.constant 112 : index
      %get3A_375 = tpu.vector_load %arg11[%get3A_373, %get3A_374] {strides = array<i32>} : memref<256x128xf32, #tpu.memory_space<vmem>>, vector<16xf32>,
      %get3A_376 = arith.index_cast %add3A_343 : i32 to index
      %get3A_377 = arith.constant 48 : index
      %get3A_378 = tpu.vector_load %arg10[%get3A_376, %get3A_377] {strides = array<i32>} : memref<128x128xf32, #tpu.memory_space<vmem>>, vector<16xf32>,
      %mul3A_379 = arith.mulf %get3A_375, %get3A_378 : vector<16xf32>
      %add3A_380 = arith.addf %add3A_372, %mul3A_379 : vector<16xf32>
      %eq3A_381 = arith.constant 5 : i32
      %eq3A_382 = vector.broadcast %eq3A_381 : i32 to vector<16xi32>
      %eq3A_383 = arith.cmpi eq, %iota3A, %eq3A_382 : vector<16xi32>
      %reduce_sum3A_384 = arith.constant true
      %reduce_sum3A_385 = vector.broadcast %reduce_sum3A_384 : i1 to vector<16xi1>
      %reduce_sum3A_386 = tpu.scan <sum>, %add3A_380 masked %reduce_sum3A_385 : vector<16xf32>, vector<16xi1> -> vector<16xf32>
      %reduce_sum3A_387 = vector.extract %reduce_sum3A_386[15] : f32 from vector<16xf32>
      %broadcast_in_dim3A_388 = vector.broadcast %reduce_sum3A_387 : f32 to vector<16xf32>
      %select_n3A_389 = arith.select %eq3A_383, %broadcast_in_dim3A_388, %select_n3A_289 : vector<16xi1>, vector<16xf32>
      %mul3A_390 = arith.constant 16 : i32
      %mul3A_391 = arith.muli %add3A_90, %mul3A_390 : i32
      %add3A_392 = arith.constant 6 : i32
      %add3A_393 = arith.addi %mul3A_391, %add3A_392 : i32
      %mul3A_394 = arith.constant 16 : i32
      %mul3A_395 = arith.muli %add3A_90, %mul3A_394 : i32
      %add3A_396 = arith.constant 128 : i32
      %add3A_397 = arith.addi %add3A_396, %mul3A_395 : i32
      %add3A_398 = arith.constant 6 : i32
      %add3A_399 = arith.addi %add3A_397, %add3A_398 : i32
      %get3A_400 = arith.index_cast %add3A_399 : i32 to index
      %get3A_401 = arith.constant 64 : index
      %get3A_402 = tpu.vector_load %arg11[%get3A_400, %get3A_401] {strides = array<i32>} : memref<256x128xf32, #tpu.memory_space<vmem>>, vector<16xf32>,
      %get3A_403 = arith.index_cast %add3A_393 : i32 to index
      %get3A_404 = arith.constant 0 : index
      %get3A_405 = tpu.vector_load %arg10[%get3A_403, %get3A_404] {strides = array<i32>} : memref<128x128xf32, #tpu.memory_space<vmem>>, vector<16xf32>,
      %mul3A_406 = arith.mulf %get3A_402, %get3A_405 : vector<16xf32>
      %get3A_407 = arith.index_cast %add3A_399 : i32 to index
      %get3A_408 = arith.constant 80 : index
      %get3A_409 = tpu.vector_load %arg11[%get3A_407, %get3A_408] {strides = array<i32>} : memref<256x128xf32, #tpu.memory_space<vmem>>, vector<16xf32>,
      %get3A_410 = arith.index_cast %add3A_393 : i32 to index
      %get3A_411 = arith.constant 16 : index
      %get3A_412 = tpu.vector_load %arg10[%get3A_410, %get3A_411] {strides = array<i32>} : memref<128x128xf32, #tpu.memory_space<vmem>>, vector<16xf32>,
      %mul3A_413 = arith.mulf %get3A_409, %get3A_412 : vector<16xf32>
      %add3A_414 = arith.addf %mul3A_406, %mul3A_413 : vector<16xf32>
      %get3A_415 = arith.index_cast %add3A_399 : i32 to index
      %get3A_416 = arith.constant 96 : index
      %get3A_417 = tpu.vector_load %arg11[%get3A_415, %get3A_416] {strides = array<i32>} : memref<256x128xf32, #tpu.memory_space<vmem>>, vector<16xf32>,
      %get3A_418 = arith.index_cast %add3A_393 : i32 to index
      %get3A_419 = arith.constant 32 : index
      %get3A_420 = tpu.vector_load %arg10[%get3A_418, %get3A_419] {strides = array<i32>} : memref<128x128xf32, #tpu.memory_space<vmem>>, vector<16xf32>,
      %mul3A_421 = arith.mulf %get3A_417, %get3A_420 : vector<16xf32>
      %add3A_422 = arith.addf %add3A_414, %mul3A_421 : vector<16xf32>
      %get3A_423 = arith.index_cast %add3A_399 : i32 to index
      %get3A_424 = arith.constant 112 : index
      %get3A_425 = tpu.vector_load %arg11[%get3A_423, %get3A_424] {strides = array<i32>} : memref<256x128xf32, #tpu.memory_space<vmem>>, vector<16xf32>,
      %get3A_426 = arith.index_cast %add3A_393 : i32 to index
      %get3A_427 = arith.constant 48 : index
      %get3A_428 = tpu.vector_load %arg10[%get3A_426, %get3A_427] {strides = array<i32>} : memref<128x128xf32, #tpu.memory_space<vmem>>, vector<16xf32>,
      %mul3A_429 = arith.mulf %get3A_425, %get3A_428 : vector<16xf32>
      %add3A_430 = arith.addf %add3A_422, %mul3A_429 : vector<16xf32>
      %eq3A_431 = arith.constant 6 : i32
      %eq3A_432 = vector.broadcast %eq3A_431 : i32 to vector<16xi32>
      %eq3A_433 = arith.cmpi eq, %iota3A, %eq3A_432 : vector<16xi32>
      %reduce_sum3A_434 = arith.constant true
      %reduce_sum3A_435 = vector.broadcast %reduce_sum3A_434 : i1 to vector<16xi1>
      %reduce_sum3A_436 = tpu.scan <sum>, %add3A_430 masked %reduce_sum3A_435 : vector<16xf32>, vector<16xi1> -> vector<16xf32>
      %reduce_sum3A_437 = vector.extract %reduce_sum3A_436[15] : f32 from vector<16xf32>
      %broadcast_in_dim3A_438 = vector.broadcast %reduce_sum3A_437 : f32 to vector<16xf32>
      %select_n3A_439 = arith.select %eq3A_433, %broadcast_in_dim3A_438, %select_n3A_339 : vector<16xi1>, vector<16xf32>
      %mul3A_440 = arith.constant 16 : i32
      %mul3A_441 = arith.muli %add3A_90, %mul3A_440 : i32
      %add3A_442 = arith.constant 7 : i32
      %add3A_443 = arith.addi %mul3A_441, %add3A_442 : i32
      %mul3A_444 = arith.constant 16 : i32
      %mul3A_445 = arith.muli %add3A_90, %mul3A_444 : i32
      %add3A_446 = arith.constant 128 : i32
      %add3A_447 = arith.addi %add3A_446, %mul3A_445 : i32
      %add3A_448 = arith.constant 7 : i32
      %add3A_449 = arith.addi %add3A_447, %add3A_448 : i32
      %get3A_450 = arith.index_cast %add3A_449 : i32 to index
      %get3A_451 = arith.constant 64 : index
      %get3A_452 = tpu.vector_load %arg11[%get3A_450, %get3A_451] {strides = array<i32>} : memref<256x128xf32, #tpu.memory_space<vmem>>, vector<16xf32>,
      %get3A_453 = arith.index_cast %add3A_443 : i32 to index
      %get3A_454 = arith.constant 0 : index
      %get3A_455 = tpu.vector_load %arg10[%get3A_453, %get3A_454] {strides = array<i32>} : memref<128x128xf32, #tpu.memory_space<vmem>>, vector<16xf32>,
      %mul3A_456 = arith.mulf %get3A_452, %get3A_455 : vector<16xf32>
      %get3A_457 = arith.index_cast %add3A_449 : i32 to index
      %get3A_458 = arith.constant 80 : index
      %get3A_459 = tpu.vector_load %arg11[%get3A_457, %get3A_458] {strides = array<i32>} : memref<256x128xf32, #tpu.memory_space<vmem>>, vector<16xf32>,
      %get3A_460 = arith.index_cast %add3A_443 : i32 to index
      %get3A_461 = arith.constant 16 : index
      %get3A_462 = tpu.vector_load %arg10[%get3A_460, %get3A_461] {strides = array<i32>} : memref<128x128xf32, #tpu.memory_space<vmem>>, vector<16xf32>,
      %mul3A_463 = arith.mulf %get3A_459, %get3A_462 : vector<16xf32>
      %add3A_464 = arith.addf %mul3A_456, %mul3A_463 : vector<16xf32>
      %get3A_465 = arith.index_cast %add3A_449 : i32 to index
      %get3A_466 = arith.constant 96 : index
      %get3A_467 = tpu.vector_load %arg11[%get3A_465, %get3A_466] {strides = array<i32>} : memref<256x128xf32, #tpu.memory_space<vmem>>, vector<16xf32>,
      %get3A_468 = arith.index_cast %add3A_443 : i32 to index
      %get3A_469 = arith.constant 32 : index
      %get3A_470 = tpu.vector_load %arg10[%get3A_468, %get3A_469] {strides = array<i32>} : memref<128x128xf32, #tpu.memory_space<vmem>>, vector<16xf32>,
      %mul3A_471 = arith.mulf %get3A_467, %get3A_470 : vector<16xf32>
      %add3A_472 = arith.addf %add3A_464, %mul3A_471 : vector<16xf32>
      %get3A_473 = arith.index_cast %add3A_449 : i32 to index
      %get3A_474 = arith.constant 112 : index
      %get3A_475 = tpu.vector_load %arg11[%get3A_473, %get3A_474] {strides = array<i32>} : memref<256x128xf32, #tpu.memory_space<vmem>>, vector<16xf32>,
      %get3A_476 = arith.index_cast %add3A_443 : i32 to index
      %get3A_477 = arith.constant 48 : index
      %get3A_478 = tpu.vector_load %arg10[%get3A_476, %get3A_477] {strides = array<i32>} : memref<128x128xf32, #tpu.memory_space<vmem>>, vector<16xf32>,
      %mul3A_479 = arith.mulf %get3A_475, %get3A_478 : vector<16xf32>
      %add3A_480 = arith.addf %add3A_472, %mul3A_479 : vector<16xf32>
      %eq3A_481 = arith.constant 7 : i32
      %eq3A_482 = vector.broadcast %eq3A_481 : i32 to vector<16xi32>
      %eq3A_483 = arith.cmpi eq, %iota3A, %eq3A_482 : vector<16xi32>
      %reduce_sum3A_484 = arith.constant true
      %reduce_sum3A_485 = vector.broadcast %reduce_sum3A_484 : i1 to vector<16xi1>
      %reduce_sum3A_486 = tpu.scan <sum>, %add3A_480 masked %reduce_sum3A_485 : vector<16xf32>, vector<16xi1> -> vector<16xf32>
      %reduce_sum3A_487 = vector.extract %reduce_sum3A_486[15] : f32 from vector<16xf32>
      %broadcast_in_dim3A_488 = vector.broadcast %reduce_sum3A_487 : f32 to vector<16xf32>
      %select_n3A_489 = arith.select %eq3A_483, %broadcast_in_dim3A_488, %select_n3A_389 : vector<16xi1>, vector<16xf32>
      %mul3A_490 = arith.constant 16 : i32
      %mul3A_491 = arith.muli %add3A_90, %mul3A_490 : i32
      %add3A_492 = arith.constant 8 : i32
      %add3A_493 = arith.addi %mul3A_491, %add3A_492 : i32
      %mul3A_494 = arith.constant 16 : i32
      %mul3A_495 = arith.muli %add3A_90, %mul3A_494 : i32
      %add3A_496 = arith.constant 128 : i32
      %add3A_497 = arith.addi %add3A_496, %mul3A_495 : i32
      %add3A_498 = arith.constant 8 : i32
      %add3A_499 = arith.addi %add3A_497, %add3A_498 : i32
      %get3A_500 = arith.index_cast %add3A_499 : i32 to index
      %get3A_501 = arith.constant 64 : index
      %get3A_502 = tpu.vector_load %arg11[%get3A_500, %get3A_501] {strides = array<i32>} : memref<256x128xf32, #tpu.memory_space<vmem>>, vector<16xf32>,
      %get3A_503 = arith.index_cast %add3A_493 : i32 to index
      %get3A_504 = arith.constant 0 : index
      %get3A_505 = tpu.vector_load %arg10[%get3A_503, %get3A_504] {strides = array<i32>} : memref<128x128xf32, #tpu.memory_space<vmem>>, vector<16xf32>,
      %mul3A_506 = arith.mulf %get3A_502, %get3A_505 : vector<16xf32>
      %get3A_507 = arith.index_cast %add3A_499 : i32 to index
      %get3A_508 = arith.constant 80 : index
      %get3A_509 = tpu.vector_load %arg11[%get3A_507, %get3A_508] {strides = array<i32>} : memref<256x128xf32, #tpu.memory_space<vmem>>, vector<16xf32>,
      %get3A_510 = arith.index_cast %add3A_493 : i32 to index
      %get3A_511 = arith.constant 16 : index
      %get3A_512 = tpu.vector_load %arg10[%get3A_510, %get3A_511] {strides = array<i32>} : memref<128x128xf32, #tpu.memory_space<vmem>>, vector<16xf32>,
      %mul3A_513 = arith.mulf %get3A_509, %get3A_512 : vector<16xf32>
      %add3A_514 = arith.addf %mul3A_506, %mul3A_513 : vector<16xf32>
      %get3A_515 = arith.index_cast %add3A_499 : i32 to index
      %get3A_516 = arith.constant 96 : index
      %get3A_517 = tpu.vector_load %arg11[%get3A_515, %get3A_516] {strides = array<i32>} : memref<256x128xf32, #tpu.memory_space<vmem>>, vector<16xf32>,
      %get3A_518 = arith.index_cast %add3A_493 : i32 to index
      %get3A_519 = arith.constant 32 : index
      %get3A_520 = tpu.vector_load %arg10[%get3A_518, %get3A_519] {strides = array<i32>} : memref<128x128xf32, #tpu.memory_space<vmem>>, vector<16xf32>,
      %mul3A_521 = arith.mulf %get3A_517, %get3A_520 : vector<16xf32>
      %add3A_522 = arith.addf %add3A_514, %mul3A_521 : vector<16xf32>
      %get3A_523 = arith.index_cast %add3A_499 : i32 to index
      %get3A_524 = arith.constant 112 : index
      %get3A_525 = tpu.vector_load %arg11[%get3A_523, %get3A_524] {strides = array<i32>} : memref<256x128xf32, #tpu.memory_space<vmem>>, vector<16xf32>,
      %get3A_526 = arith.index_cast %add3A_493 : i32 to index
      %get3A_527 = arith.constant 48 : index
      %get3A_528 = tpu.vector_load %arg10[%get3A_526, %get3A_527] {strides = array<i32>} : memref<128x128xf32, #tpu.memory_space<vmem>>, vector<16xf32>,
      %mul3A_529 = arith.mulf %get3A_525, %get3A_528 : vector<16xf32>
      %add3A_530 = arith.addf %add3A_522, %mul3A_529 : vector<16xf32>
      %eq3A_531 = arith.constant 8 : i32
      %eq3A_532 = vector.broadcast %eq3A_531 : i32 to vector<16xi32>
      %eq3A_533 = arith.cmpi eq, %iota3A, %eq3A_532 : vector<16xi32>
      %reduce_sum3A_534 = arith.constant true
      %reduce_sum3A_535 = vector.broadcast %reduce_sum3A_534 : i1 to vector<16xi1>
      %reduce_sum3A_536 = tpu.scan <sum>, %add3A_530 masked %reduce_sum3A_535 : vector<16xf32>, vector<16xi1> -> vector<16xf32>
      %reduce_sum3A_537 = vector.extract %reduce_sum3A_536[15] : f32 from vector<16xf32>
      %broadcast_in_dim3A_538 = vector.broadcast %reduce_sum3A_537 : f32 to vector<16xf32>
      %select_n3A_539 = arith.select %eq3A_533, %broadcast_in_dim3A_538, %select_n3A_439 : vector<16xi1>, vector<16xf32>
      %mul3A_540 = arith.constant 16 : i32
      %mul3A_541 = arith.muli %add3A_90, %mul3A_540 : i32
      %add3A_542 = arith.constant 9 : i32
      %add3A_543 = arith.addi %mul3A_541, %add3A_542 : i32
      %mul3A_544 = arith.constant 16 : i32
      %mul3A_545 = arith.muli %add3A_90, %mul3A_544 : i32
      %add3A_546 = arith.constant 128 : i32
      %add3A_547 = arith.addi %add3A_546, %mul3A_545 : i32
      %add3A_548 = arith.constant 9 : i32
      %add3A_549 = arith.addi %add3A_547, %add3A_548 : i32
      %get3A_550 = arith.index_cast %add3A_549 : i32 to index
      %get3A_551 = arith.constant 64 : index
      %get3A_552 = tpu.vector_load %arg11[%get3A_550, %get3A_551] {strides = array<i32>} : memref<256x128xf32, #tpu.memory_space<vmem>>, vector<16xf32>,
      %get3A_553 = arith.index_cast %add3A_543 : i32 to index
      %get3A_554 = arith.constant 0 : index
      %get3A_555 = tpu.vector_load %arg10[%get3A_553, %get3A_554] {strides = array<i32>} : memref<128x128xf32, #tpu.memory_space<vmem>>, vector<16xf32>,
      %mul3A_556 = arith.mulf %get3A_552, %get3A_555 : vector<16xf32>
      %get3A_557 = arith.index_cast %add3A_549 : i32 to index
      %get3A_558 = arith.constant 80 : index
      %get3A_559 = tpu.vector_load %arg11[%get3A_557, %get3A_558] {strides = array<i32>} : memref<256x128xf32, #tpu.memory_space<vmem>>, vector<16xf32>,
      %get3A_560 = arith.index_cast %add3A_543 : i32 to index
      %get3A_561 = arith.constant 16 : index
      %get3A_562 = tpu.vector_load %arg10[%get3A_560, %get3A_561] {strides = array<i32>} : memref<128x128xf32, #tpu.memory_space<vmem>>, vector<16xf32>,
      %mul3A_563 = arith.mulf %get3A_559, %get3A_562 : vector<16xf32>
      %add3A_564 = arith.addf %mul3A_556, %mul3A_563 : vector<16xf32>
      %get3A_565 = arith.index_cast %add3A_549 : i32 to index
      %get3A_566 = arith.constant 96 : index
      %get3A_567 = tpu.vector_load %arg11[%get3A_565, %get3A_566] {strides = array<i32>} : memref<256x128xf32, #tpu.memory_space<vmem>>, vector<16xf32>,
      %get3A_568 = arith.index_cast %add3A_543 : i32 to index
      %get3A_569 = arith.constant 32 : index
      %get3A_570 = tpu.vector_load %arg10[%get3A_568, %get3A_569] {strides = array<i32>} : memref<128x128xf32, #tpu.memory_space<vmem>>, vector<16xf32>,
      %mul3A_571 = arith.mulf %get3A_567, %get3A_570 : vector<16xf32>
      %add3A_572 = arith.addf %add3A_564, %mul3A_571 : vector<16xf32>
      %get3A_573 = arith.index_cast %add3A_549 : i32 to index
      %get3A_574 = arith.constant 112 : index
      %get3A_575 = tpu.vector_load %arg11[%get3A_573, %get3A_574] {strides = array<i32>} : memref<256x128xf32, #tpu.memory_space<vmem>>, vector<16xf32>,
      %get3A_576 = arith.index_cast %add3A_543 : i32 to index
      %get3A_577 = arith.constant 48 : index
      %get3A_578 = tpu.vector_load %arg10[%get3A_576, %get3A_577] {strides = array<i32>} : memref<128x128xf32, #tpu.memory_space<vmem>>, vector<16xf32>,
      %mul3A_579 = arith.mulf %get3A_575, %get3A_578 : vector<16xf32>
      %add3A_580 = arith.addf %add3A_572, %mul3A_579 : vector<16xf32>
      %eq3A_581 = arith.constant 9 : i32
      %eq3A_582 = vector.broadcast %eq3A_581 : i32 to vector<16xi32>
      %eq3A_583 = arith.cmpi eq, %iota3A, %eq3A_582 : vector<16xi32>
      %reduce_sum3A_584 = arith.constant true
      %reduce_sum3A_585 = vector.broadcast %reduce_sum3A_584 : i1 to vector<16xi1>
      %reduce_sum3A_586 = tpu.scan <sum>, %add3A_580 masked %reduce_sum3A_585 : vector<16xf32>, vector<16xi1> -> vector<16xf32>
      %reduce_sum3A_587 = vector.extract %reduce_sum3A_586[15] : f32 from vector<16xf32>
      %broadcast_in_dim3A_588 = vector.broadcast %reduce_sum3A_587 : f32 to vector<16xf32>
      %select_n3A_589 = arith.select %eq3A_583, %broadcast_in_dim3A_588, %select_n3A_489 : vector<16xi1>, vector<16xf32>
      %mul3A_590 = arith.constant 16 : i32
      %mul3A_591 = arith.muli %add3A_90, %mul3A_590 : i32
      %add3A_592 = arith.constant 10 : i32
      %add3A_593 = arith.addi %mul3A_591, %add3A_592 : i32
      %mul3A_594 = arith.constant 16 : i32
      %mul3A_595 = arith.muli %add3A_90, %mul3A_594 : i32
      %add3A_596 = arith.constant 128 : i32
      %add3A_597 = arith.addi %add3A_596, %mul3A_595 : i32
      %add3A_598 = arith.constant 10 : i32
      %add3A_599 = arith.addi %add3A_597, %add3A_598 : i32
      %get3A_600 = arith.index_cast %add3A_599 : i32 to index
      %get3A_601 = arith.constant 64 : index
      %get3A_602 = tpu.vector_load %arg11[%get3A_600, %get3A_601] {strides = array<i32>} : memref<256x128xf32, #tpu.memory_space<vmem>>, vector<16xf32>,
      %get3A_603 = arith.index_cast %add3A_593 : i32 to index
      %get3A_604 = arith.constant 0 : index
      %get3A_605 = tpu.vector_load %arg10[%get3A_603, %get3A_604] {strides = array<i32>} : memref<128x128xf32, #tpu.memory_space<vmem>>, vector<16xf32>,
      %mul3A_606 = arith.mulf %get3A_602, %get3A_605 : vector<16xf32>
      %get3A_607 = arith.index_cast %add3A_599 : i32 to index
      %get3A_608 = arith.constant 80 : index
      %get3A_609 = tpu.vector_load %arg11[%get3A_607, %get3A_608] {strides = array<i32>} : memref<256x128xf32, #tpu.memory_space<vmem>>, vector<16xf32>,
      %get3A_610 = arith.index_cast %add3A_593 : i32 to index
      %get3A_611 = arith.constant 16 : index
      %get3A_612 = tpu.vector_load %arg10[%get3A_610, %get3A_611] {strides = array<i32>} : memref<128x128xf32, #tpu.memory_space<vmem>>, vector<16xf32>,
      %mul3A_613 = arith.mulf %get3A_609, %get3A_612 : vector<16xf32>
      %add3A_614 = arith.addf %mul3A_606, %mul3A_613 : vector<16xf32>
      %get3A_615 = arith.index_cast %add3A_599 : i32 to index
      %get3A_616 = arith.constant 96 : index
      %get3A_617 = tpu.vector_load %arg11[%get3A_615, %get3A_616] {strides = array<i32>} : memref<256x128xf32, #tpu.memory_space<vmem>>, vector<16xf32>,
      %get3A_618 = arith.index_cast %add3A_593 : i32 to index
      %get3A_619 = arith.constant 32 : index
      %get3A_620 = tpu.vector_load %arg10[%get3A_618, %get3A_619] {strides = array<i32>} : memref<128x128xf32, #tpu.memory_space<vmem>>, vector<16xf32>,
      %mul3A_621 = arith.mulf %get3A_617, %get3A_620 : vector<16xf32>
      %add3A_622 = arith.addf %add3A_614, %mul3A_621 : vector<16xf32>
      %get3A_623 = arith.index_cast %add3A_599 : i32 to index
      %get3A_624 = arith.constant 112 : index
      %get3A_625 = tpu.vector_load %arg11[%get3A_623, %get3A_624] {strides = array<i32>} : memref<256x128xf32, #tpu.memory_space<vmem>>, vector<16xf32>,
      %get3A_626 = arith.index_cast %add3A_593 : i32 to index
      %get3A_627 = arith.constant 48 : index
      %get3A_628 = tpu.vector_load %arg10[%get3A_626, %get3A_627] {strides = array<i32>} : memref<128x128xf32, #tpu.memory_space<vmem>>, vector<16xf32>,
      %mul3A_629 = arith.mulf %get3A_625, %get3A_628 : vector<16xf32>
      %add3A_630 = arith.addf %add3A_622, %mul3A_629 : vector<16xf32>
      %eq3A_631 = arith.constant 10 : i32
      %eq3A_632 = vector.broadcast %eq3A_631 : i32 to vector<16xi32>
      %eq3A_633 = arith.cmpi eq, %iota3A, %eq3A_632 : vector<16xi32>
      %reduce_sum3A_634 = arith.constant true
      %reduce_sum3A_635 = vector.broadcast %reduce_sum3A_634 : i1 to vector<16xi1>
      %reduce_sum3A_636 = tpu.scan <sum>, %add3A_630 masked %reduce_sum3A_635 : vector<16xf32>, vector<16xi1> -> vector<16xf32>
      %reduce_sum3A_637 = vector.extract %reduce_sum3A_636[15] : f32 from vector<16xf32>
      %broadcast_in_dim3A_638 = vector.broadcast %reduce_sum3A_637 : f32 to vector<16xf32>
      %select_n3A_639 = arith.select %eq3A_633, %broadcast_in_dim3A_638, %select_n3A_539 : vector<16xi1>, vector<16xf32>
      %mul3A_640 = arith.constant 16 : i32
      %mul3A_641 = arith.muli %add3A_90, %mul3A_640 : i32
      %add3A_642 = arith.constant 11 : i32
      %add3A_643 = arith.addi %mul3A_641, %add3A_642 : i32
      %mul3A_644 = arith.constant 16 : i32
      %mul3A_645 = arith.muli %add3A_90, %mul3A_644 : i32
      %add3A_646 = arith.constant 128 : i32
      %add3A_647 = arith.addi %add3A_646, %mul3A_645 : i32
      %add3A_648 = arith.constant 11 : i32
      %add3A_649 = arith.addi %add3A_647, %add3A_648 : i32
      %get3A_650 = arith.index_cast %add3A_649 : i32 to index
      %get3A_651 = arith.constant 64 : index
      %get3A_652 = tpu.vector_load %arg11[%get3A_650, %get3A_651] {strides = array<i32>} : memref<256x128xf32, #tpu.memory_space<vmem>>, vector<16xf32>,
      %get3A_653 = arith.index_cast %add3A_643 : i32 to index
      %get3A_654 = arith.constant 0 : index
      %get3A_655 = tpu.vector_load %arg10[%get3A_653, %get3A_654] {strides = array<i32>} : memref<128x128xf32, #tpu.memory_space<vmem>>, vector<16xf32>,
      %mul3A_656 = arith.mulf %get3A_652, %get3A_655 : vector<16xf32>
      %get3A_657 = arith.index_cast %add3A_649 : i32 to index
      %get3A_658 = arith.constant 80 : index
      %get3A_659 = tpu.vector_load %arg11[%get3A_657, %get3A_658] {strides = array<i32>} : memref<256x128xf32, #tpu.memory_space<vmem>>, vector<16xf32>,
      %get3A_660 = arith.index_cast %add3A_643 : i32 to index
      %get3A_661 = arith.constant 16 : index
      %get3A_662 = tpu.vector_load %arg10[%get3A_660, %get3A_661] {strides = array<i32>} : memref<128x128xf32, #tpu.memory_space<vmem>>, vector<16xf32>,
      %mul3A_663 = arith.mulf %get3A_659, %get3A_662 : vector<16xf32>
      %add3A_664 = arith.addf %mul3A_656, %mul3A_663 : vector<16xf32>
      %get3A_665 = arith.index_cast %add3A_649 : i32 to index
      %get3A_666 = arith.constant 96 : index
      %get3A_667 = tpu.vector_load %arg11[%get3A_665, %get3A_666] {strides = array<i32>} : memref<256x128xf32, #tpu.memory_space<vmem>>, vector<16xf32>,
      %get3A_668 = arith.index_cast %add3A_643 : i32 to index
      %get3A_669 = arith.constant 32 : index
      %get3A_670 = tpu.vector_load %arg10[%get3A_668, %get3A_669] {strides = array<i32>} : memref<128x128xf32, #tpu.memory_space<vmem>>, vector<16xf32>,
      %mul3A_671 = arith.mulf %get3A_667, %get3A_670 : vector<16xf32>
      %add3A_672 = arith.addf %add3A_664, %mul3A_671 : vector<16xf32>
      %get3A_673 = arith.index_cast %add3A_649 : i32 to index
      %get3A_674 = arith.constant 112 : index
      %get3A_675 = tpu.vector_load %arg11[%get3A_673, %get3A_674] {strides = array<i32>} : memref<256x128xf32, #tpu.memory_space<vmem>>, vector<16xf32>,
      %get3A_676 = arith.index_cast %add3A_643 : i32 to index
      %get3A_677 = arith.constant 48 : index
      %get3A_678 = tpu.vector_load %arg10[%get3A_676, %get3A_677] {strides = array<i32>} : memref<128x128xf32, #tpu.memory_space<vmem>>, vector<16xf32>,
      %mul3A_679 = arith.mulf %get3A_675, %get3A_678 : vector<16xf32>
      %add3A_680 = arith.addf %add3A_672, %mul3A_679 : vector<16xf32>
      %eq3A_681 = arith.constant 11 : i32
      %eq3A_682 = vector.broadcast %eq3A_681 : i32 to vector<16xi32>
      %eq3A_683 = arith.cmpi eq, %iota3A, %eq3A_682 : vector<16xi32>
      %reduce_sum3A_684 = arith.constant true
      %reduce_sum3A_685 = vector.broadcast %reduce_sum3A_684 : i1 to vector<16xi1>
      %reduce_sum3A_686 = tpu.scan <sum>, %add3A_680 masked %reduce_sum3A_685 : vector<16xf32>, vector<16xi1> -> vector<16xf32>
      %reduce_sum3A_687 = vector.extract %reduce_sum3A_686[15] : f32 from vector<16xf32>
      %broadcast_in_dim3A_688 = vector.broadcast %reduce_sum3A_687 : f32 to vector<16xf32>
      %select_n3A_689 = arith.select %eq3A_683, %broadcast_in_dim3A_688, %select_n3A_589 : vector<16xi1>, vector<16xf32>
      %mul3A_690 = arith.constant 16 : i32
      %mul3A_691 = arith.muli %add3A_90, %mul3A_690 : i32
      %add3A_692 = arith.constant 12 : i32
      %add3A_693 = arith.addi %mul3A_691, %add3A_692 : i32
      %mul3A_694 = arith.constant 16 : i32
      %mul3A_695 = arith.muli %add3A_90, %mul3A_694 : i32
      %add3A_696 = arith.constant 128 : i32
      %add3A_697 = arith.addi %add3A_696, %mul3A_695 : i32
      %add3A_698 = arith.constant 12 : i32
      %add3A_699 = arith.addi %add3A_697, %add3A_698 : i32
      %get3A_700 = arith.index_cast %add3A_699 : i32 to index
      %get3A_701 = arith.constant 64 : index
      %get3A_702 = tpu.vector_load %arg11[%get3A_700, %get3A_701] {strides = array<i32>} : memref<256x128xf32, #tpu.memory_space<vmem>>, vector<16xf32>,
      %get3A_703 = arith.index_cast %add3A_693 : i32 to index
      %get3A_704 = arith.constant 0 : index
      %get3A_705 = tpu.vector_load %arg10[%get3A_703, %get3A_704] {strides = array<i32>} : memref<128x128xf32, #tpu.memory_space<vmem>>, vector<16xf32>,
      %mul3A_706 = arith.mulf %get3A_702, %get3A_705 : vector<16xf32>
      %get3A_707 = arith.index_cast %add3A_699 : i32 to index
      %get3A_708 = arith.constant 80 : index
      %get3A_709 = tpu.vector_load %arg11[%get3A_707, %get3A_708] {strides = array<i32>} : memref<256x128xf32, #tpu.memory_space<vmem>>, vector<16xf32>,
      %get3A_710 = arith.index_cast %add3A_693 : i32 to index
      %get3A_711 = arith.constant 16 : index
      %get3A_712 = tpu.vector_load %arg10[%get3A_710, %get3A_711] {strides = array<i32>} : memref<128x128xf32, #tpu.memory_space<vmem>>, vector<16xf32>,
      %mul3A_713 = arith.mulf %get3A_709, %get3A_712 : vector<16xf32>
      %add3A_714 = arith.addf %mul3A_706, %mul3A_713 : vector<16xf32>
      %get3A_715 = arith.index_cast %add3A_699 : i32 to index
      %get3A_716 = arith.constant 96 : index
      %get3A_717 = tpu.vector_load %arg11[%get3A_715, %get3A_716] {strides = array<i32>} : memref<256x128xf32, #tpu.memory_space<vmem>>, vector<16xf32>,
      %get3A_718 = arith.index_cast %add3A_693 : i32 to index
      %get3A_719 = arith.constant 32 : index
      %get3A_720 = tpu.vector_load %arg10[%get3A_718, %get3A_719] {strides = array<i32>} : memref<128x128xf32, #tpu.memory_space<vmem>>, vector<16xf32>,
      %mul3A_721 = arith.mulf %get3A_717, %get3A_720 : vector<16xf32>
      %add3A_722 = arith.addf %add3A_714, %mul3A_721 : vector<16xf32>
      %get3A_723 = arith.index_cast %add3A_699 : i32 to index
      %get3A_724 = arith.constant 112 : index
      %get3A_725 = tpu.vector_load %arg11[%get3A_723, %get3A_724] {strides = array<i32>} : memref<256x128xf32, #tpu.memory_space<vmem>>, vector<16xf32>,
      %get3A_726 = arith.index_cast %add3A_693 : i32 to index
      %get3A_727 = arith.constant 48 : index
      %get3A_728 = tpu.vector_load %arg10[%get3A_726, %get3A_727] {strides = array<i32>} : memref<128x128xf32, #tpu.memory_space<vmem>>, vector<16xf32>,
      %mul3A_729 = arith.mulf %get3A_725, %get3A_728 : vector<16xf32>
      %add3A_730 = arith.addf %add3A_722, %mul3A_729 : vector<16xf32>
      %eq3A_731 = arith.constant 12 : i32
      %eq3A_732 = vector.broadcast %eq3A_731 : i32 to vector<16xi32>
      %eq3A_733 = arith.cmpi eq, %iota3A, %eq3A_732 : vector<16xi32>
      %reduce_sum3A_734 = arith.constant true
      %reduce_sum3A_735 = vector.broadcast %reduce_sum3A_734 : i1 to vector<16xi1>
      %reduce_sum3A_736 = tpu.scan <sum>, %add3A_730 masked %reduce_sum3A_735 : vector<16xf32>, vector<16xi1> -> vector<16xf32>
      %reduce_sum3A_737 = vector.extract %reduce_sum3A_736[15] : f32 from vector<16xf32>
      %broadcast_in_dim3A_738 = vector.broadcast %reduce_sum3A_737 : f32 to vector<16xf32>
      %select_n3A_739 = arith.select %eq3A_733, %broadcast_in_dim3A_738, %select_n3A_639 : vector<16xi1>, vector<16xf32>
      %mul3A_740 = arith.constant 16 : i32
      %mul3A_741 = arith.muli %add3A_90, %mul3A_740 : i32
      %add3A_742 = arith.constant 13 : i32
      %add3A_743 = arith.addi %mul3A_741, %add3A_742 : i32
      %mul3A_744 = arith.constant 16 : i32
      %mul3A_745 = arith.muli %add3A_90, %mul3A_744 : i32
      %add3A_746 = arith.constant 128 : i32
      %add3A_747 = arith.addi %add3A_746, %mul3A_745 : i32
      %add3A_748 = arith.constant 13 : i32
      %add3A_749 = arith.addi %add3A_747, %add3A_748 : i32
      %get3A_750 = arith.index_cast %add3A_749 : i32 to index
      %get3A_751 = arith.constant 64 : index
      %get3A_752 = tpu.vector_load %arg11[%get3A_750, %get3A_751] {strides = array<i32>} : memref<256x128xf32, #tpu.memory_space<vmem>>, vector<16xf32>,
      %get3A_753 = arith.index_cast %add3A_743 : i32 to index
      %get3A_754 = arith.constant 0 : index
      %get3A_755 = tpu.vector_load %arg10[%get3A_753, %get3A_754] {strides = array<i32>} : memref<128x128xf32, #tpu.memory_space<vmem>>, vector<16xf32>,
      %mul3A_756 = arith.mulf %get3A_752, %get3A_755 : vector<16xf32>
      %get3A_757 = arith.index_cast %add3A_749 : i32 to index
      %get3A_758 = arith.constant 80 : index
      %get3A_759 = tpu.vector_load %arg11[%get3A_757, %get3A_758] {strides = array<i32>} : memref<256x128xf32, #tpu.memory_space<vmem>>, vector<16xf32>,
      %get3A_760 = arith.index_cast %add3A_743 : i32 to index
      %get3A_761 = arith.constant 16 : index
      %get3A_762 = tpu.vector_load %arg10[%get3A_760, %get3A_761] {strides = array<i32>} : memref<128x128xf32, #tpu.memory_space<vmem>>, vector<16xf32>,
      %mul3A_763 = arith.mulf %get3A_759, %get3A_762 : vector<16xf32>
      %add3A_764 = arith.addf %mul3A_756, %mul3A_763 : vector<16xf32>
      %get3A_765 = arith.index_cast %add3A_749 : i32 to index
      %get3A_766 = arith.constant 96 : index
      %get3A_767 = tpu.vector_load %arg11[%get3A_765, %get3A_766] {strides = array<i32>} : memref<256x128xf32, #tpu.memory_space<vmem>>, vector<16xf32>,
      %get3A_768 = arith.index_cast %add3A_743 : i32 to index
      %get3A_769 = arith.constant 32 : index
      %get3A_770 = tpu.vector_load %arg10[%get3A_768, %get3A_769] {strides = array<i32>} : memref<128x128xf32, #tpu.memory_space<vmem>>, vector<16xf32>,
      %mul3A_771 = arith.mulf %get3A_767, %get3A_770 : vector<16xf32>
      %add3A_772 = arith.addf %add3A_764, %mul3A_771 : vector<16xf32>
      %get3A_773 = arith.index_cast %add3A_749 : i32 to index
      %get3A_774 = arith.constant 112 : index
      %get3A_775 = tpu.vector_load %arg11[%get3A_773, %get3A_774] {strides = array<i32>} : memref<256x128xf32, #tpu.memory_space<vmem>>, vector<16xf32>,
      %get3A_776 = arith.index_cast %add3A_743 : i32 to index
      %get3A_777 = arith.constant 48 : index
      %get3A_778 = tpu.vector_load %arg10[%get3A_776, %get3A_777] {strides = array<i32>} : memref<128x128xf32, #tpu.memory_space<vmem>>, vector<16xf32>,
      %mul3A_779 = arith.mulf %get3A_775, %get3A_778 : vector<16xf32>
      %add3A_780 = arith.addf %add3A_772, %mul3A_779 : vector<16xf32>
      %eq3A_781 = arith.constant 13 : i32
      %eq3A_782 = vector.broadcast %eq3A_781 : i32 to vector<16xi32>
      %eq3A_783 = arith.cmpi eq, %iota3A, %eq3A_782 : vector<16xi32>
      %reduce_sum3A_784 = arith.constant true
      %reduce_sum3A_785 = vector.broadcast %reduce_sum3A_784 : i1 to vector<16xi1>
      %reduce_sum3A_786 = tpu.scan <sum>, %add3A_780 masked %reduce_sum3A_785 : vector<16xf32>, vector<16xi1> -> vector<16xf32>
      %reduce_sum3A_787 = vector.extract %reduce_sum3A_786[15] : f32 from vector<16xf32>
      %broadcast_in_dim3A_788 = vector.broadcast %reduce_sum3A_787 : f32 to vector<16xf32>
      %select_n3A_789 = arith.select %eq3A_783, %broadcast_in_dim3A_788, %select_n3A_689 : vector<16xi1>, vector<16xf32>
      %mul3A_790 = arith.constant 16 : i32
      %mul3A_791 = arith.muli %add3A_90, %mul3A_790 : i32
      %add3A_792 = arith.constant 14 : i32
      %add3A_793 = arith.addi %mul3A_791, %add3A_792 : i32
      %mul3A_794 = arith.constant 16 : i32
      %mul3A_795 = arith.muli %add3A_90, %mul3A_794 : i32
      %add3A_796 = arith.constant 128 : i32
      %add3A_797 = arith.addi %add3A_796, %mul3A_795 : i32
      %add3A_798 = arith.constant 14 : i32
      %add3A_799 = arith.addi %add3A_797, %add3A_798 : i32
      %get3A_800 = arith.index_cast %add3A_799 : i32 to index
      %get3A_801 = arith.constant 64 : index
      %get3A_802 = tpu.vector_load %arg11[%get3A_800, %get3A_801] {strides = array<i32>} : memref<256x128xf32, #tpu.memory_space<vmem>>, vector<16xf32>,
      %get3A_803 = arith.index_cast %add3A_793 : i32 to index
      %get3A_804 = arith.constant 0 : index
      %get3A_805 = tpu.vector_load %arg10[%get3A_803, %get3A_804] {strides = array<i32>} : memref<128x128xf32, #tpu.memory_space<vmem>>, vector<16xf32>,
      %mul3A_806 = arith.mulf %get3A_802, %get3A_805 : vector<16xf32>
      %get3A_807 = arith.index_cast %add3A_799 : i32 to index
      %get3A_808 = arith.constant 80 : index
      %get3A_809 = tpu.vector_load %arg11[%get3A_807, %get3A_808] {strides = array<i32>} : memref<256x128xf32, #tpu.memory_space<vmem>>, vector<16xf32>,
      %get3A_810 = arith.index_cast %add3A_793 : i32 to index
      %get3A_811 = arith.constant 16 : index
      %get3A_812 = tpu.vector_load %arg10[%get3A_810, %get3A_811] {strides = array<i32>} : memref<128x128xf32, #tpu.memory_space<vmem>>, vector<16xf32>,
      %mul3A_813 = arith.mulf %get3A_809, %get3A_812 : vector<16xf32>
      %add3A_814 = arith.addf %mul3A_806, %mul3A_813 : vector<16xf32>
      %get3A_815 = arith.index_cast %add3A_799 : i32 to index
      %get3A_816 = arith.constant 96 : index
      %get3A_817 = tpu.vector_load %arg11[%get3A_815, %get3A_816] {strides = array<i32>} : memref<256x128xf32, #tpu.memory_space<vmem>>, vector<16xf32>,
      %get3A_818 = arith.index_cast %add3A_793 : i32 to index
      %get3A_819 = arith.constant 32 : index
      %get3A_820 = tpu.vector_load %arg10[%get3A_818, %get3A_819] {strides = array<i32>} : memref<128x128xf32, #tpu.memory_space<vmem>>, vector<16xf32>,
      %mul3A_821 = arith.mulf %get3A_817, %get3A_820 : vector<16xf32>
      %add3A_822 = arith.addf %add3A_814, %mul3A_821 : vector<16xf32>
      %get3A_823 = arith.index_cast %add3A_799 : i32 to index
      %get3A_824 = arith.constant 112 : index
      %get3A_825 = tpu.vector_load %arg11[%get3A_823, %get3A_824] {strides = array<i32>} : memref<256x128xf32, #tpu.memory_space<vmem>>, vector<16xf32>,
      %get3A_826 = arith.index_cast %add3A_793 : i32 to index
      %get3A_827 = arith.constant 48 : index
      %get3A_828 = tpu.vector_load %arg10[%get3A_826, %get3A_827] {strides = array<i32>} : memref<128x128xf32, #tpu.memory_space<vmem>>, vector<16xf32>,
      %mul3A_829 = arith.mulf %get3A_825, %get3A_828 : vector<16xf32>
      %add3A_830 = arith.addf %add3A_822, %mul3A_829 : vector<16xf32>
      %eq3A_831 = arith.constant 14 : i32
      %eq3A_832 = vector.broadcast %eq3A_831 : i32 to vector<16xi32>
      %eq3A_833 = arith.cmpi eq, %iota3A, %eq3A_832 : vector<16xi32>
      %reduce_sum3A_834 = arith.constant true
      %reduce_sum3A_835 = vector.broadcast %reduce_sum3A_834 : i1 to vector<16xi1>
      %reduce_sum3A_836 = tpu.scan <sum>, %add3A_830 masked %reduce_sum3A_835 : vector<16xf32>, vector<16xi1> -> vector<16xf32>
      %reduce_sum3A_837 = vector.extract %reduce_sum3A_836[15] : f32 from vector<16xf32>
      %broadcast_in_dim3A_838 = vector.broadcast %reduce_sum3A_837 : f32 to vector<16xf32>
      %select_n3A_839 = arith.select %eq3A_833, %broadcast_in_dim3A_838, %select_n3A_739 : vector<16xi1>, vector<16xf32>
      %mul3A_840 = arith.constant 16 : i32
      %mul3A_841 = arith.muli %add3A_90, %mul3A_840 : i32
      %add3A_842 = arith.constant 15 : i32
      %add3A_843 = arith.addi %mul3A_841, %add3A_842 : i32
      %mul3A_844 = arith.constant 16 : i32
      %mul3A_845 = arith.muli %add3A_90, %mul3A_844 : i32
      %add3A_846 = arith.constant 128 : i32
      %add3A_847 = arith.addi %add3A_846, %mul3A_845 : i32
      %add3A_848 = arith.constant 15 : i32
      %add3A_849 = arith.addi %add3A_847, %add3A_848 : i32
      %get3A_850 = arith.index_cast %add3A_849 : i32 to index
      %get3A_851 = arith.constant 64 : index
      %get3A_852 = tpu.vector_load %arg11[%get3A_850, %get3A_851] {strides = array<i32>} : memref<256x128xf32, #tpu.memory_space<vmem>>, vector<16xf32>,
      %get3A_853 = arith.index_cast %add3A_843 : i32 to index
      %get3A_854 = arith.constant 0 : index
      %get3A_855 = tpu.vector_load %arg10[%get3A_853, %get3A_854] {strides = array<i32>} : memref<128x128xf32, #tpu.memory_space<vmem>>, vector<16xf32>,
      %mul3A_856 = arith.mulf %get3A_852, %get3A_855 : vector<16xf32>
      %get3A_857 = arith.index_cast %add3A_849 : i32 to index
      %get3A_858 = arith.constant 80 : index
      %get3A_859 = tpu.vector_load %arg11[%get3A_857, %get3A_858] {strides = array<i32>} : memref<256x128xf32, #tpu.memory_space<vmem>>, vector<16xf32>,
      %get3A_860 = arith.index_cast %add3A_843 : i32 to index
      %get3A_861 = arith.constant 16 : index
      %get3A_862 = tpu.vector_load %arg10[%get3A_860, %get3A_861] {strides = array<i32>} : memref<128x128xf32, #tpu.memory_space<vmem>>, vector<16xf32>,
      %mul3A_863 = arith.mulf %get3A_859, %get3A_862 : vector<16xf32>
      %add3A_864 = arith.addf %mul3A_856, %mul3A_863 : vector<16xf32>
      %get3A_865 = arith.index_cast %add3A_849 : i32 to index
      %get3A_866 = arith.constant 96 : index
      %get3A_867 = tpu.vector_load %arg11[%get3A_865, %get3A_866] {strides = array<i32>} : memref<256x128xf32, #tpu.memory_space<vmem>>, vector<16xf32>,
      %get3A_868 = arith.index_cast %add3A_843 : i32 to index
      %get3A_869 = arith.constant 32 : index
      %get3A_870 = tpu.vector_load %arg10[%get3A_868, %get3A_869] {strides = array<i32>} : memref<128x128xf32, #tpu.memory_space<vmem>>, vector<16xf32>,
      %mul3A_871 = arith.mulf %get3A_867, %get3A_870 : vector<16xf32>
      %add3A_872 = arith.addf %add3A_864, %mul3A_871 : vector<16xf32>
      %get3A_873 = arith.index_cast %add3A_849 : i32 to index
      %get3A_874 = arith.constant 112 : index
      %get3A_875 = tpu.vector_load %arg11[%get3A_873, %get3A_874] {strides = array<i32>} : memref<256x128xf32, #tpu.memory_space<vmem>>, vector<16xf32>,
      %get3A_876 = arith.index_cast %add3A_843 : i32 to index
      %get3A_877 = arith.constant 48 : index
      %get3A_878 = tpu.vector_load %arg10[%get3A_876, %get3A_877] {strides = array<i32>} : memref<128x128xf32, #tpu.memory_space<vmem>>, vector<16xf32>,
      %mul3A_879 = arith.mulf %get3A_875, %get3A_878 : vector<16xf32>
      %add3A_880 = arith.addf %add3A_872, %mul3A_879 : vector<16xf32>
      %eq3A_881 = arith.constant 15 : i32
      %eq3A_882 = vector.broadcast %eq3A_881 : i32 to vector<16xi32>
      %eq3A_883 = arith.cmpi eq, %iota3A, %eq3A_882 : vector<16xi32>
      %reduce_sum3A_884 = arith.constant true
      %reduce_sum3A_885 = vector.broadcast %reduce_sum3A_884 : i1 to vector<16xi1>
      %reduce_sum3A_886 = tpu.scan <sum>, %add3A_880 masked %reduce_sum3A_885 : vector<16xf32>, vector<16xi1> -> vector<16xf32>
      %reduce_sum3A_887 = vector.extract %reduce_sum3A_886[15] : f32 from vector<16xf32>
      %broadcast_in_dim3A_888 = vector.broadcast %reduce_sum3A_887 : f32 to vector<16xf32>
      %select_n3A_889 = arith.select %eq3A_883, %broadcast_in_dim3A_888, %select_n3A_789 : vector<16xi1>, vector<16xf32>
      %add3A_890 = arith.addf %select_n3A_839, %select_n3A_889 : vector<16xf32>
      %mul3A_891 = arith.constant 16 : i32
      %mul3A_892 = arith.muli %add3A_90, %mul3A_891 : i32
      %add3A_893 = arith.constant 384 : i32
      %add3A_894 = arith.addi %add3A_893, %mul3A_892 : i32
      %swap3A = arith.index_cast %add3A_894 : i32 to index
      %swap3A_895 = tpu.vector_load %arg12[%swap3A] {strides = array<i32>} : memref<512xf32, #tpu.memory_space<vmem>>, vector<16xf32>,
      tpu.vector_store %arg12[%swap3A], %add3A_890 {strides = array<i32>} : memref<512xf32, #tpu.memory_space<vmem>>, vector<16xf32>,
    }
    %scan3A_83 = arith.constant 8 : i32
    "tpu.region"() ({
      %run_scoped3A = tpu.sem_alloc : memref<!tpu.dma_semaphore, #tpu.memory_space<semaphore_mem>>
      %dma_start3A_86 = arith.constant 0 : i32
      %dma_start3A_87 = tpu.memref_slice %arg12[%dma_start3A_86] : memref<512xf32, #tpu.memory_space<vmem>> -> memref<256xf32, #tpu.memory_space<vmem>>
      %dma_start3A_88 = tpu.memref_slice %arg5[%mul3A_2] : memref<16384xf32, #tpu.memory_space<hbm>> -> memref<256xf32, #tpu.memory_space<hbm>>
      %dma_start3A_89 = tpu.memref_slice %arg5[%mul3A_2] : memref<16384xf32, #tpu.memory_space<hbm>> -> memref<256xf32, #tpu.memory_space<hbm>>
      %dma_start3A_90 = arith.constant 0 : i32
      %dma_start3A_91 = tpu.memref_slice %arg12[%dma_start3A_90] : memref<512xf32, #tpu.memory_space<vmem>> -> memref<256xf32, #tpu.memory_space<vmem>>
      tpu.enqueue_dma source(%dma_start3A_91 : memref<256xf32, #tpu.memory_space<vmem>>) target(%dma_start3A_89 : memref<256xf32, #tpu.memory_space<hbm>>) target_semaphore(%run_scoped3A : memref<!tpu.dma_semaphore, #tpu.memory_space<semaphore_mem>>)
      %dma_wait3A_92 = arith.constant 0 : i32
      %dma_wait3A_93 = tpu.memref_slice %arg12[%dma_wait3A_92] : memref<512xf32, #tpu.memory_space<vmem>> -> memref<256xf32, #tpu.memory_space<vmem>>
      %dma_wait3A_94 = tpu.memref_slice %arg5[%mul3A_2] : memref<16384xf32, #tpu.memory_space<hbm>> -> memref<256xf32, #tpu.memory_space<hbm>>
      %dma_wait3A_95 = tpu.memref_slice %arg5[%mul3A_2] : memref<16384xf32, #tpu.memory_space<hbm>> -> memref<256xf32, #tpu.memory_space<hbm>>
      %dma_wait3A_96 = arith.constant 0 : i32
      %dma_wait3A_97 = tpu.memref_slice %arg12[%dma_wait3A_96] : memref<512xf32, #tpu.memory_space<vmem>> -> memref<256xf32, #tpu.memory_space<vmem>>
      tpu.wait_dma2 semaphore(%run_scoped3A : memref<!tpu.dma_semaphore, #tpu.memory_space<semaphore_mem>>) src(%dma_wait3A_97 : memref<256xf32, #tpu.memory_space<vmem>>) dst(%dma_wait3A_95 : memref<256xf32, #tpu.memory_space<hbm>>)
      tpu.yield
    }) : () -> ()
    %add3A_84 = arith.constant 8192 : i32
    %add3A_85 = arith.addi %add3A_84, %mul3A_2 : i32
    "tpu.region"() ({
      %run_scoped3A = tpu.sem_alloc : memref<!tpu.dma_semaphore, #tpu.memory_space<semaphore_mem>>
      %dma_start3A_86 = arith.constant 256 : i32
      %dma_start3A_87 = tpu.memref_slice %arg12[%dma_start3A_86] : memref<512xf32, #tpu.memory_space<vmem>> -> memref<256xf32, #tpu.memory_space<vmem>>
      %dma_start3A_88 = tpu.memref_slice %arg5[%add3A_85] : memref<16384xf32, #tpu.memory_space<hbm>> -> memref<256xf32, #tpu.memory_space<hbm>>
      %dma_start3A_89 = tpu.memref_slice %arg5[%add3A_85] : memref<16384xf32, #tpu.memory_space<hbm>> -> memref<256xf32, #tpu.memory_space<hbm>>
      %dma_start3A_90 = arith.constant 256 : i32
      %dma_start3A_91 = tpu.memref_slice %arg12[%dma_start3A_90] : memref<512xf32, #tpu.memory_space<vmem>> -> memref<256xf32, #tpu.memory_space<vmem>>
      tpu.enqueue_dma source(%dma_start3A_91 : memref<256xf32, #tpu.memory_space<vmem>>) target(%dma_start3A_89 : memref<256xf32, #tpu.memory_space<hbm>>) target_semaphore(%run_scoped3A : memref<!tpu.dma_semaphore, #tpu.memory_space<semaphore_mem>>)
      %dma_wait3A_92 = arith.constant 256 : i32
      %dma_wait3A_93 = tpu.memref_slice %arg12[%dma_wait3A_92] : memref<512xf32, #tpu.memory_space<vmem>> -> memref<256xf32, #tpu.memory_space<vmem>>
      %dma_wait3A_94 = tpu.memref_slice %arg5[%add3A_85] : memref<16384xf32, #tpu.memory_space<hbm>> -> memref<256xf32, #tpu.memory_space<hbm>>
      %dma_wait3A_95 = tpu.memref_slice %arg5[%add3A_85] : memref<16384xf32, #tpu.memory_space<hbm>> -> memref<256xf32, #tpu.memory_space<hbm>>
      %dma_wait3A_96 = arith.constant 256 : i32
      %dma_wait3A_97 = tpu.memref_slice %arg12[%dma_wait3A_96] : memref<512xf32, #tpu.memory_space<vmem>> -> memref<256xf32, #tpu.memory_space<vmem>>
      tpu.wait_dma2 semaphore(%run_scoped3A : memref<!tpu.dma_semaphore, #tpu.memory_space<semaphore_mem>>) src(%dma_wait3A_97 : memref<256xf32, #tpu.memory_space<vmem>>) dst(%dma_wait3A_95 : memref<256xf32, #tpu.memory_space<hbm>>)
      tpu.yield
    }) : () -> ()
    return
  }
}

module attributes {stable_mosaic.version = 14 : i64} {
  func.func @_pack_diag_kernel(%arg0: i32, %arg1: memref<64x16384xf32, #tpu.memory_space<vmem>>, %arg2: memref<16384x128xf32, #tpu.memory_space<vmem>>) attributes {dimension_semantics = [#tpu.dimension_semantics<arbitrary>], iteration_bounds = array<i64: 7>, scalar_prefetch = 0 : i64, scratch_operands = 0 : i64, tpu.core_type = #tpu.core_type<tc>, window_params = [{transform_indices = @transform_0, window_bounds = array<i64: 64, 16384>}, {transform_indices = @transform_1, window_bounds = array<i64: 16384, 128>}]} {
    %get3A = arith.constant 0 : index
    %get3A_0 = arith.constant 0 : index
    %get3A_1 = vector.load %arg1[%get3A, %get3A_0] : memref<64x16384xf32, #tpu.memory_space<vmem>>, vector<64x16384xf32>
    %transpose3A = tpu.transpose %get3A_1, [1, 0] : vector<64x16384xf32> -> vector<16384x64xf32>
    %broadcast_in_dim3A = arith.constant 0.000000e+00 : f32
    %broadcast_in_dim3A_2 = vector.broadcast %broadcast_in_dim3A : f32 to vector<16384x64xf32>
    %concatenate3A = tpu.concatenate %transpose3A, %broadcast_in_dim3A_2 in 1 : vector<16384x64xf32>, vector<16384x64xf32> -> vector<16384x128xf32>
    %swap3A = arith.constant 0 : index
    %swap3A_3 = arith.constant 0 : index
    %swap3A_4 = vector.load %arg2[%swap3A, %swap3A_3] : memref<16384x128xf32, #tpu.memory_space<vmem>>, vector<16384x128xf32>
    tpu.vector_store %arg2[%swap3A, %swap3A_3], %concatenate3A {strides = array<i32>} : memref<16384x128xf32, #tpu.memory_space<vmem>>, vector<16384x128xf32>,
    return
  }
  func.func @transform_0(%arg0: i32) -> (i32, i32) {
    %c0_i32 = arith.constant 0 : i32
    %c0_i32_0 = arith.constant 0 : i32
    return %c0_i32, %arg0 : i32, i32
  }
  func.func @transform_1(%arg0: i32) -> (i32, i32) {
    %c0_i32 = arith.constant 0 : i32
    %c0_i32_0 = arith.constant 0 : i32
    return %arg0, %c0_i32 : i32, i32
  }
}

module attributes {stable_mosaic.version = 14 : i64} {
  func.func @_pack_q_kernel(%arg0: i32, %arg1: memref<64x4096xf32, #tpu.memory_space<vmem>>, %arg2: memref<64x4096xf32, #tpu.memory_space<vmem>>, %arg3: memref<64x4096xf32, #tpu.memory_space<vmem>>, %arg4: memref<64x4096xf32, #tpu.memory_space<vmem>>, %arg5: memref<4096x128xf32, #tpu.memory_space<vmem>>) attributes {dimension_semantics = [#tpu.dimension_semantics<arbitrary>], iteration_bounds = array<i64: 2>, scalar_prefetch = 0 : i64, scratch_operands = 0 : i64, tpu.core_type = #tpu.core_type<tc>, window_params = [{transform_indices = @transform_0, window_bounds = array<i64: 64, 4096>}, {transform_indices = @transform_1, window_bounds = array<i64: 64, 4096>}, {transform_indices = @transform_2, window_bounds = array<i64: 64, 4096>}, {transform_indices = @transform_3, window_bounds = array<i64: 64, 4096>}, {transform_indices = @transform_4, window_bounds = array<i64: 4096, 128>}]} {
    %get3A = arith.constant 0 : index
    %get3A_0 = arith.constant 0 : index
    %get3A_1 = vector.load %arg1[%get3A, %get3A_0] : memref<64x4096xf32, #tpu.memory_space<vmem>>, vector<64x4096xf32>
    %get3A_2 = arith.constant 0 : index
    %get3A_3 = arith.constant 0 : index
    %get3A_4 = vector.load %arg2[%get3A_2, %get3A_3] : memref<64x4096xf32, #tpu.memory_space<vmem>>, vector<64x4096xf32>
    %mul3A = arith.mulf %get3A_1, %get3A_4 : vector<64x4096xf32>
    %get3A_5 = arith.constant 0 : index
    %get3A_6 = arith.constant 0 : index
    %get3A_7 = vector.load %arg3[%get3A_5, %get3A_6] : memref<64x4096xf32, #tpu.memory_space<vmem>>, vector<64x4096xf32>
    %get3A_8 = arith.constant 0 : index
    %get3A_9 = arith.constant 0 : index
    %get3A_10 = vector.load %arg4[%get3A_8, %get3A_9] : memref<64x4096xf32, #tpu.memory_space<vmem>>, vector<64x4096xf32>
    %mul3A_11 = arith.mulf %get3A_7, %get3A_10 : vector<64x4096xf32>
    %transpose3A = tpu.transpose %mul3A, [1, 0] : vector<64x4096xf32> -> vector<4096x64xf32>
    %transpose3A_12 = tpu.transpose %mul3A_11, [1, 0] : vector<64x4096xf32> -> vector<4096x64xf32>
    %concatenate3A = tpu.concatenate %transpose3A, %transpose3A_12 in 1 : vector<4096x64xf32>, vector<4096x64xf32> -> vector<4096x128xf32>
    %swap3A = arith.constant 0 : index
    %swap3A_13 = arith.constant 0 : index
    %swap3A_14 = vector.load %arg5[%swap3A, %swap3A_13] : memref<4096x128xf32, #tpu.memory_space<vmem>>, vector<4096x128xf32>
    tpu.vector_store %arg5[%swap3A, %swap3A_13], %concatenate3A {strides = array<i32>} : memref<4096x128xf32, #tpu.memory_space<vmem>>, vector<4096x128xf32>,
    return
  }
  func.func @transform_0(%arg0: i32) -> (i32, i32) {
    %c0_i32 = arith.constant 0 : i32
    %c0_i32_0 = arith.constant 0 : i32
    return %c0_i32, %arg0 : i32, i32
  }
  func.func @transform_1(%arg0: i32) -> (i32, i32) {
    %c0_i32 = arith.constant 0 : i32
    %c0_i32_0 = arith.constant 0 : i32
    return %c0_i32, %arg0 : i32, i32
  }
  func.func @transform_2(%arg0: i32) -> (i32, i32) {
    %add3A = arith.constant 2 : i32
    %add3A_0 = arith.addi %arg0, %add3A : i32
    %c0_i32 = arith.constant 0 : i32
    %c0_i32_1 = arith.constant 0 : i32
    return %c0_i32, %add3A_0 : i32, i32
  }
  func.func @transform_3(%arg0: i32) -> (i32, i32) {
    %add3A = arith.constant 2 : i32
    %add3A_0 = arith.addi %arg0, %add3A : i32
    %c0_i32 = arith.constant 0 : i32
    %c0_i32_1 = arith.constant 0 : i32
    return %c0_i32, %add3A_0 : i32, i32
  }
  func.func @transform_4(%arg0: i32) -> (i32, i32) {
    %c0_i32 = arith.constant 0 : i32
    %c0_i32_0 = arith.constant 0 : i32
    return %arg0, %c0_i32 : i32, i32
  }
}

</mosaic_0001>

<sc_bundles>
// kernel: _dist_mult.5.cloned.1.call-start
scs
__scs_entry_jumppad:
0x0: {  	(pc) =	sbr.rel $0x88, $3  }
0x1: {  	(tag) =	ssettag $0x0;
	lr =	simm.s32 $0x1  }
0x2: {  	[smem:$0x3F9D] =	sst lr;
	_ =	strace $0xD0000000  }
0x3: {  	_ = 	snop  }
0x4: {  	_ = 	snop  }
0x5: {  	_ = 	snop  }
0x6: {  	_ = 	snop  }
0x7: {  	_ = 	snop  }
__scs_overlays_trampoline_lowered:
0x8: {  	[smem:$0x3FAC] =	sst s0  }
0x9: {  	[smem:$0x3FAD] =	sst s1  }
0xa: {  	[smem:$0x3FAE] =	sst s2  }
0xb: {  	[smem:$0x3FAF] =	sst s3  }
0xc: {  	[smem:$0x3FB0] =	sst s4  }
0xd: {  	[smem:$0x3FB1] =	sst s5  }
0xe: {  	[smem:$0x3FB2] =	sst s6  }
0xf: {  	[smem:$0x3FB3] =	sst s7  }
0x10: {  	[smem:$0x3FB4] =	sst s8  }
0x11: {  	[smem:$0x3FB5] =	sst s9;
	s0 =	simm.s32 @!p0 $0x0  }
0x12: {  	s1 =	sld [smem:$0x3F9B];
	s0 =	simm.s32 @p0 $0x1  }
0x13: {  	[smem:$0x3FB6] =	sst s0;
	s0 =	simm.s32 @!p1 $0x0  }
0x14: {  	s2 =	sld [smem:$0x3F9A];
	s0 =	simm.s32 @p1 $0x1  }
0x15: {  	[smem:$0x3FB7] =	sst s0;
	s0 =	simm.s32 @!p2 $0x0  }
0x16: {  	s3 =	sld [smem:$0x3FDB];
	s0 =	simm.s32 @p2 $0x1  }
0x17: {  	s4 =	simm.s32 $0x1BF5;
	[smem:$0x3FB9] =	sst s0  }
0x18: {  	s0 =	sld [smem:$0x3F9C];
	_ =	swait.ge [sflag:s4], $0x0  }
0x19: {  	s7 =	sld [smem:$0x3F9D]  }
0x1a: {  	s8 =	sadd.s32 $0xFFFFE003, lr  }
0x1b: {  	s9 =	sadd.s32 $0xFFFFFEF7, lr;
	s5 =	simm.s32 $0xFFFFFFFF;
	p2 =	slt.u32 s8, $0xFFFFF086  }
0x1c: {  	p1 =	slt.u32 s9, $0xF7A;
	s5 =	simm.s32 @!p2 $0x0  }
0x1d: {  	s5 =	simm.s32 @p1 $0x1;
	p0 =	seq.s32 s7, s2  }
0x1e: {  	s7 =	smul.u32 @!p0 $0xF7A, s2;
	p2 =	seq.s32 @!p0 s5, $0x0  }
0x1f: {  	s9 =	smul.u32 $0xF7A, s1;
	s8 =	simm.s32 @!p0 $0x1BF5;
	p2 =	por !p2, p0  }
0x20: {  	[sflag:s8] =	ssyncset.s32 @!p0 $0xFFFFF086;
	s6 =	sadd.s32 @!p0 s3, s7;
	s7 =	simm.s32 @!p0 $0x108  }
0x21: {  	s3 =	sadd.s32 s3, s9;
	s6 =	sadd.s32 @!p0 $0x88, s6;
	s7 =	simm.s32 @p2 $0x1082  }
0x22: {  	[simem:s7], [sflag:s8] =	dma.local @!p0 [hbm:s6], $0xF7A  }
0x23: {  	s9 =	sor.u32 $0xD0000000, s2;
	s6 =	simm.s32 $0x108;
	_ =	swait.ge @!p0 [sflag:s8], $0x0  }
0x24: {  	s3 =	sadd.s32 $0x88, s3;
	s6 =	simm.s32 @!p1 $0x1082;
	[sflag:s4] =	ssyncset.s32 $0xFFFFF086  }
0x25: {  	[simem:s6], [sflag:s4] =	dma.local [hbm:s3], $0xF7A  }
0x26: {  	[smem:$0x3F9D] =	sst s1;
	(tag) =	ssettag s2;
	_ =	strace s9  }
0x27: {  	s1 =	sld [smem:$0x3FAD]  }
0x28: {  	s2 =	sld [smem:$0x3FAE]  }
0x29: {  	s4 =	sld [smem:$0x3FB0]  }
0x2a: {  	p0 =	seq.s32 s5, $0x0;
	s5 =	sld [smem:$0x3FB1]  }
0x2b: {  	s6 =	sld [smem:$0x3FB2]  }
0x2c: {  	s7 =	sld [smem:$0x3FB3]  }
0x2d: {  	s3 =	simm.s32 $0x108;
	s8 =	sld [smem:$0x3FB4]  }
0x2e: {  	s3 =	simm.s32 @!p0 $0x1082;
	s9 =	sld [smem:$0x3FB5]  }
0x2f: {  	lr =	sadd.s32 s0, s3;
	s0 =	sld [smem:$0x3FAC]  }
0x30: {  	s3 =	sld [smem:$0x3FAF]  }
0x31: {  	[smem:$0x3FB8] =	sst s10  }
0x32: {  	s10 =	sld [smem:$0x3FB6];
	_ =	sdelay $0x3  }
0x33: {  	p0 =	seq.s32 s10, $0x1;
	s10 =	sld [smem:$0x3FB8];
	_ =	sdelay $0x3  }
0x34: {  	[smem:$0x3FB8] =	sst s10  }
0x35: {  	s10 =	sld [smem:$0x3FB7];
	_ =	sdelay $0x3  }
0x36: {  	p1 =	seq.s32 s10, $0x1;
	s10 =	sld [smem:$0x3FB8];
	_ =	sdelay $0x3  }
0x37: {  	[smem:$0x3FB8] =	sst s10  }
0x38: {  	s10 =	sld [smem:$0x3FB9]  }
0x39: {  	_ = 	snop;
	(pc) =	sbr.ind lr, $3  }
0x3a: {  	_ = 	snop  }
0x3b: {  	_ = 	snop  }
0x3c: {  	p2 =	seq.s32 s10, $0x1;
	s10 =	sld [smem:$0x3FB8]  }
0x3d: {  	_ =	shalt  }
0x3e: {  	_ =	shalt  }
0x3f: {  	_ =	shalt  }
0x40: {  	_ =	shalt  }
0x41: {  	_ =	shalt  }
0x42: {  	_ =	shalt  }
0x43: {  	_ =	shalt  }
0x44: {  	_ =	shalt  }
0x45: {  	_ =	shalt  }
0x46: {  	_ =	shalt  }
0x47: {  	_ =	shalt  }
0x48: {  	_ =	shalt  }
0x49: {  	_ =	shalt  }
0x4a: {  	_ =	shalt  }
0x4b: {  	_ =	shalt  }
0x4c: {  	_ =	shalt  }
0x4d: {  	_ =	shalt  }
0x4e: {  	_ =	shalt  }
0x4f: {  	_ =	shalt  }
0x50: {  	_ =	shalt  }
0x51: {  	_ =	shalt  }
0x52: {  	_ =	shalt  }
0x53: {  	_ =	shalt  }
0x54: {  	_ =	shalt  }
0x55: {  	_ =	shalt  }
0x56: {  	_ =	shalt  }
0x57: {  	_ =	shalt  }
0x58: {  	_ =	shalt  }
0x59: {  	_ =	shalt  }
0x5a: {  	_ =	shalt  }
0x5b: {  	_ =	shalt  }
0x5c: {  	_ =	shalt  }
0x5d: {  	_ =	shalt  }
0x5e: {  	_ =	shalt  }
0x5f: {  	_ =	shalt  }
0x60: {  	_ =	shalt  }
0x61: {  	_ =	shalt  }
0x62: {  	_ =	shalt  }
0x63: {  	_ =	shalt  }
0x64: {  	_ =	shalt  }
0x65: {  	_ =	shalt  }
0x66: {  	_ =	shalt  }
0x67: {  	_ =	shalt  }
0x68: {  	_ =	shalt  }
0x69: {  	_ =	shalt  }
0x6a: {  	_ =	shalt  }
0x6b: {  	_ =	shalt  }
0x6c: {  	_ =	shalt  }
0x6d: {  	_ =	shalt  }
0x6e: {  	_ =	shalt  }
0x6f: {  	_ =	shalt  }
0x70: {  	_ =	shalt  }
0x71: {  	_ =	shalt  }
0x72: {  	_ =	shalt  }
0x73: {  	_ =	shalt  }
0x74: {  	_ =	shalt  }
0x75: {  	_ =	shalt  }
0x76: {  	_ =	shalt  }
0x77: {  	_ =	shalt  }
0x78: {  	_ =	shalt  }
0x79: {  	_ =	shalt  }
0x7a: {  	_ =	shalt  }
0x7b: {  	_ =	shalt  }
0x7c: {  	_ =	shalt  }
0x7d: {  	_ =	shalt  }
0x7e: {  	_ =	shalt  }
0x7f: {  	_ =	shalt  }
0x80: {  	_ =	shalt  }
0x81: {  	_ =	shalt  }
0x82: {  	_ =	shalt  }
0x83: {  	_ =	shalt  }
0x84: {  	_ =	shalt  }
0x85: {  	_ =	shalt  }
0x86: {  	_ =	shalt  }
0x87: {  	_ =	shalt  }
.Lfunc_end0:
.L_simem_size_0:
called_computation_lowered:
.L_overlay_start_0:
0x88: {  	s2 =	sld [smem:$0x3FD9]  }
0x89: {  	s3 =	sld [smem:$0x3FFE];
	_ =	sdelay $0x1  }
0x8a: {  	s1 =	srdreg.scid  }
0x8b: {  	s0 =	sand.u32 $0x1, s1  }
0x8c: {  	s17 =	sshll.u32 s0, $0xA;
	s2 =	sadd.s32 s3, s2  }
0x8d: {  	s2 =	sadd.s32 s2, s17  }
0x8e: {  	[smem:$0x3FC4] =	sst s2  }
0x8f: {  	_ = 	snop  }
0x90: {  	s2 =	sld [smem:$0x3FD0];
	(tm) =	ssettm $0x1  }
0x91: {  	s18 =	sld [smem:$0x3FFB];
	_ =	sdelay $0x3  }
0x92: {  	_ =	strace s18  }
0x93: {  	s3 =	sld [smem:$0x3FFC];
	_ =	sdelay $0x3  }
0x94: {  	_ =	strace s3  }
0x95: {  	s3 =	sld [smem:$0x3FFD];
	_ =	sdelay $0x3  }
0x96: {  	_ =	strace s3  }
0x97: {  	_ =	strace $0x8FFFFFFF  }
0x98: {  	s19 =	sld [smem:$0x3FDB];
	_ =	sdelay $0x1  }
0x99: {  	s4 =	simm.s32 $_scs_section_size  }
0x9a: {  	s5 =	simm.s32 $_size__tile_overlayer_lowered;
	s6 =	simm.s32 $_tile_overlayer_lowered  }
0x9b: {  	s22 =	simm.s32 $0x1BFF;
	s21 =	sshll.u32 s6, $0x1;
	s3 =	sadd.s32 s4, s19  }
0x9c: {  	s7 =	simm.s32 $0x0;
	s20 =	sshll.u32 s5, $0x1;
	s5 =	sadd.s32 s21, s3  }
0x9d: {  	[timem:s7], [sflag:s22] =	dma.local [hbm:s5], s20  }
0x9e: {  	_ =	swait.ge [sflag:s22], s20  }
0x9f: {  	s4 =	ssub.s32 $0x0, s20;
	[sflag:s22] =	ssyncset.done $0x0  }
0xa0: {  	[sflag:s22] =	ssyncadd.s32 s4;
	_ =	sdelay $0x1  }
0xa1: {  	s23 =	simm.s32 $0x1B8B  }
0xa2: {  	_ =	swait.ge [sflag:s23], $0x1  }
0xa3: {  	[sflag:s23] =	ssyncset.done $0x0  }
0xa4: {  	s25 =	simm.s32 $0x1B8E;
	s24 =	sld [smem:$0x3FFE];
	[sflag:s23] =	ssyncadd.s32 $0xFFFFFFFF  }
0xa5: {  	s26 =	simm.s32 $execute0_lowered;
	[smem:$0x3FD2] =	sst s25  }
0xa6: {  	s5 =	sshll.u32 s26, $0x1;
	_ =	strace $0x80000046;
	[dreg:$0x1] =	wrdreg $0xFFFFFFFF  }
0xa7: {  	s28 =	simm.s32 $_size_execute0_lowered;
	s3 =	sadd.s32 s3, s5;
	[dreg:$0x0] =	wrdreg $0x0  }
0xa8: {  	s5 =	sshll.u32 s28, $0x1;
	[dreg:$0x2] =	wrdreg s3  }
0xa9: {  	[dreg:$0x3] =	wrdreg s5  }
0xaa: {  	[dreg:$0x4] =	wrdreg $0xC0  }
0xab: {  	_ =	task [dreg:s7], $0x5FFFF  }
0xac: {  	[dreg:$0x1] =	wrdreg $0xFFFFFFFF  }
0xad: {  	[dreg:$0x0] =	wrdreg $0x60  }
0xae: {  	[dreg:$0x2] =	wrdreg s24  }
0xaf: {  	[dreg:$0x3] =	wrdreg s2  }
0xb0: {  	[dreg:$0x4] =	wrdreg $0x9  }
0xb1: {  	_ =	task.clear_ibuf [dreg:s7], $0x5FFFF;
	_ =	strace $0x90000046  }
0xb2: {  	s29 =	simm.s32 $0x9;
	_ =	strace $0x80000048  }
0xb3: {  	_ =	swait.ge [sflag:s29], $0x1  }
0xb4: {  	[sflag:s29] =	ssyncadd.s32 $0xFFFFFFFF  }
0xb5: {  	_ =	strace $0x90000048  }
0xb6: {  	_ =	sfence  }
0xb7: {  	s30 =	sld [smem:$0x0];
	_ =	sdelay $0x2  }
0xb8: {  	s31 =	sshll.u32 s1, $0xD;
	s1 =	sshrl.u32 s1, $0x2  }
0xb9: {  	s3 =	sand.u32 $0x4000, s31;
	s1 =	sadd.s32 s1, s30  }
0xba: {  	s0 =	sor.u32 s3, s0;
	s1 =	sshll.u32 s1, $0x11  }
0xbb: {  	s0 =	sor.u32 s1, s0  }
0xbc: {  	s0 =	sadd.s32 $0x8F2B, s0  }
0xbd: {  	[sflag:s0] =	ssyncadd.remote.s32 $0x1  }
0xbe: {  	_ =	sfence.sel $0xFFFF  }
0xbf: {  	[dreg:$0x0] =	wrdreg $0xFFFFFFFF;
	(pc) =	sbr.abs _section_cstart, $3  }
0xc0: {  	[dreg:$0x1] =	wrdreg $0xFFFFFFFF  }
0xc1: {  	_ =	task.clear_ibuf [dreg:s7], $0x2FFFF;
	_ =	strace $0x9FFFFFFF  }
0xc2: {  	(tm) =	ssettm $0x7FFFFFFF  }
0xc3: {  	_ =	shalt  }
tec
execute0_lowered:
.L_overlay_start_1:
0x0: {  	(tag) =	ssettag $0x1  }
0x1: {  	vm0 =	vcmask $0xF0C  }
0x2: {  	vm1 =	vcmask $0x73C;
	vm3 =	vcmask $0x1714;
	vm5 =	vcmask $0x1F1C  }
0x3: {  	vm7 =	vcmask $0x2724;
	vm4 =	vcmask $0x1310;
	vm6 =	vcmask $0xB00  }
0x4: {  	vm10 =	vcmask $0x2F2C;
	vm9 =	vcmask $0x1B18;
	vm12 =	vcmask $0x3734  }
0x5: {  	vm8 =	vcmask $0x2B28;
	vm11 =	vcmask $0x3330;
	vm13 =	vcmask $0xF3C  }
0x6: {  	vm15 =	vcmask $0x1300;
	vm1 =	vmor vm1, vm0;
	vm0 =	vmmov $0x1  }
0x7: {  	vm4 =	vmor vm6, vm4;
	vm6 =	vcmask $0x2320;
	vm2 =	vmor vm1, vm3  }
0x8: {  	vm1 =	vcmask $0x704;
	vm4 =	vmor vm4, vm9;
	vm3 =	vmor vm13, vm3  }
0x9: {  	s4 =	rddreg [dreg:$0x0];
	vm13 =	vcmask $0x3B38;
	vm9 =	vmor vm15, vm9;
	vm15 =	vcmask $0x1B00  }
0xa: {  	s5 =	rddreg [dreg:$0x1];
	vm2 =	vmor vm2, vm5;
	vm4 =	vmor vm4, vm6;
	vm14 =	vmor vm3, vm5  }
0xb: {  	s0 =	rddreg [dreg:$0x2];
	vm9 =	vmor vm9, vm6;
	vm2 =	vmor vm2, vm7;
	vm4 =	vmor vm4, vm8  }
0xc: {  	s3 =	srdreg.scid;
	s1 =	stileid.u32;
	s2 =	simm.s32 $0x0;
	vm9 =	vmor vm9, vm8;
	vm2 =	vmor vm2, vm10;
	vm4 =	vmor vm4, vm11  }
0xd: {  	s11 =	simm.s32 $0x80;
	s12 =	simm.s32 $0x200;
	s13 =	simm.s32 $0x4200;
	vm3 =	vmor vm4, vm13;
	vm4 =	vmor vm14, vm7;
	vm14 =	vcmask $0x173C  }
0xe: {  	s14 =	simm.s32 $0x100;
	s15 =	simm.s32 $0x8200;
	s16 =	simm.s32 $0x180;
	vm9 =	vmor vm9, vm11;
	vm4 =	vmor vm4, vm10;
	vm5 =	vmor vm14, vm5  }
0xf: {  	s17 =	simm.s32 $0xC200;
	s18 =	simm.s32 $0x1;
	s19 =	simm.s32 $0x2;
	vm2 =	vmor vm2, vm12;
	vm4 =	vmor vm4, vm12;
	vm14 =	vmor vm5, vm7  }
0x10: {  	s20 =	simm.s32 $0x3;
	s21 =	simm.s32 $0x4;
	s22 =	simm.s32 $0x5;
	vm5 =	vmor vm9, vm13;
	vm9 =	vmor vm14, vm10;
	vm14 =	vmor vm15, vm6  }
0x11: {  	s23 =	simm.s32 $0x18200;
	s24 =	simm.s32 $0x18300;
	s25 =	simm.s32 $0x0;
	vm6 =	vmor vm9, vm12;
	vm9 =	vmor vm14, vm8;
	vm14 =	vcmask $0x1F3C  }
0x12: {  	s6 =	sand.u32 $0x1, s3;
	s31 =	sshll.u32 s1, $0x1;
	[smem:$0x7FF] =	sst s2;
	vm15 =	vcmask $0x2300;
	vm9 =	vmor vm9, vm11;
	vm14 =	vmor vm14, vm7  }
0x13: {  	s3 =	sadd.s32 $0x1200, s4;
	s7 =	sor.u32 s6, s31;
	_ =	strace $0x80000047;
	vm7 =	vmor vm9, vm13;
	vm9 =	vmor vm14, vm10;
	vm14 =	vmor vm15, vm8  }
0x14: {  	s6 =	ssub.s32 $0x2, s6;
	s8 =	sshll.u32 s7, $0x6;
	s9 =	sshll.u32 s7, $0xC;
	vm8 =	vmor vm9, vm12;
	vm9 =	vmor vm14, vm11;
	vm14 =	vcmask $0x273C  }
0x15: {  	s10 =	sshrl.u32 s6, $0x1;
	s7 =	sshll.u32 s7, $0x5;
	s8 =	sadd.s32 s8, s4;
	vm15 =	vmmov $0x7fff;
	vm10 =	vmor vm14, vm10;
	vm14 =	vcmask $0x2B00  }
0x16: {  	s9 =	sadd.s32 s9, s4;
	s10 =	ssub.s32 s6, s10;
	s4 =	sadd.s32 s5, s7;
	vm9 =	vmor vm9, vm13;
	vm11 =	vmor vm14, vm11;
	vm14 =	vcmask $0x2F3C  }
0x17: {  	s5 =	sadd.s32 $0xA00, s8;
	s6 =	sadd.s32 $0x187C00, s9;
	s7 =	sadd.s32 $0x400, s4;
	vm10 =	vmor vm10, vm12;
	vm12 =	vmor vm14, vm12;
	vm14 =	vcmask $0x3300  }
0x18: {  	s8 =	smax.u32 s10, $0x1;
	s9 =	simm.s32 $0x6;
	s10 =	simm.s32 $0x10200;
	vm11 =	vmor vm11, vm13;
	vm13 =	vmor vm14, vm13;
	vm14 =	vcmask $0x373C  }
.LBB2_1:
0x19: {  	[tilespmem:s2], [sflag:$0x6] =	stream.linear.gather [hbm4b:s5+s2], $0x200, $0x38;
	[tilespmem:$0x18400] =	vst v63  }
0x1a: {  	_ =	swait.ge [sflag:s9], $0x200  }
0x1b: {  	[sflag:s9] =	ssyncset.done $0x0  }
0x1c: {  	[sflag:s9] =	ssyncadd.s32 $0xFFFFFE00  }
0x1d: {  	[tilespmem:s10], [sflag:$0x1] =	stream.linear.gather [hbm4b:s6+s2], $0x8000, $0x38;
	[tilespmem:$0x18400] =	vst v63  }
0x1e: {  	_ = 	snop  }
0x1f: {  	[tilespmem:s12], [sflag:$0x2] =	stream.indirect.gather [hbm4b:s3+s11], $0x80, s2, s11, $0xb8;
	[tilespmem:$0x18400] =	vst v63  }
0x20: {  	_ = 	snop  }
0x21: {  	[tilespmem:s13], [sflag:$0x3] =	stream.indirect.gather [hbm4b:s3+s11], $0x80, s11, s11, $0xb8;
	[tilespmem:$0x18400] =	vst v63  }
0x22: {  	_ = 	snop  }
0x23: {  	[tilespmem:s15], [sflag:$0x4] =	stream.indirect.gather [hbm4b:s3+s11], $0x80, s14, s11, $0xb8;
	[tilespmem:$0x18400] =	vst v63  }
0x24: {  	_ = 	snop  }
0x25: {  	[tilespmem:s17], [sflag:$0x5] =	stream.indirect.gather [hbm4b:s3+s11], $0x80, s16, s11, $0xb8;
	[tilespmem:$0x18400] =	vst v63  }
0x26: {  	_ =	swait.ge [sflag:s18], $0x8000  }
0x27: {  	[sflag:s18] =	ssyncset.done $0x0  }
0x28: {  	[sflag:s18] =	ssyncadd.s32 $0xFFFF8000  }
0x29: {  	_ =	swait.ge [sflag:s19], $0x4000  }
0x2a: {  	[sflag:s19] =	ssyncset.done $0x0  }
0x2b: {  	s26 =	simm.s32 $0x0;
	[sflag:s19] =	ssyncadd.s32 $0xFFFFC000  }
0x2c: {  	v24 =	vld [tilespmem:s26+$0x10930]  }
0x2d: {  	v23 =	vld [tilespmem:s26+$0x930]  }
0x2e: {  	v0 =	vld [tilespmem:s26+$0x109A0]  }
0x2f: {  	v42 =	vld [tilespmem:s26+$0x10830]  }
0x30: {  	v41 =	vld [tilespmem:s26+$0x830]  }
0x31: {  	v21 =	vld [tilespmem:s26+$0x10920]  }
0x32: {  	v22 =	vld [tilespmem:s26+$0x920]  }
0x33: {  	v49 =	vld [tilespmem:s26+$0x108B0]  }
0x34: {  	v50 =	vld [tilespmem:s26+$0x10980]  }
0x35: {  	v51 =	vld [tilespmem:s26+$0x980]  }
0x36: {  	v52 =	vld [tilespmem:s26+$0x10990]  }
0x37: {  	v32 =	vld [tilespmem:s26+$0x10730]  }
0x38: {  	v31 =	vld [tilespmem:s26+$0x730]  }
0x39: {  	v25 =	vld [tilespmem:s26+$0x10820]  }
0x3a: {  	v26 =	vld [tilespmem:s26+$0x820]  }
0x3b: {  	v27 =	vld [tilespmem:s26+$0x10900]  }
0x3c: {  	v28 =	vld [tilespmem:s26+$0x900]  }
0x3d: {  	v29 =	vld [tilespmem:s26+$0x10910]  }
0x3e: {  	v30 =	vld [tilespmem:s26+$0x910]  }
0x3f: {  	v34 =	vld [tilespmem:s26+$0x107B0]  }
0x40: {  	v33 =	vld [tilespmem:s26+$0x7B0]  }
0x41: {  	v53 =	vld [tilespmem:s26+$0x108A0]  }
0x42: {  	v54 =	vld [tilespmem:s26+$0x10630]  }
0x43: {  	v55 =	vld [tilespmem:s26+$0x630]  }
0x44: {  	v35 =	vld [tilespmem:s26+$0x10720]  }
0x45: {  	v36 =	vld [tilespmem:s26+$0x720]  }
0x46: {  	v37 =	vld [tilespmem:s26+$0x10800]  }
0x47: {  	v38 =	vld [tilespmem:s26+$0x800]  }
0x48: {  	v39 =	vld [tilespmem:s26+$0x10810]  }
0x49: {  	v40 =	vld [tilespmem:s26+$0x810]  }
0x4a: {  	v60 =	vld [tilespmem:s26+$0x106B0]  }
0x4b: {  	v59 =	vld [tilespmem:s26+$0x6B0]  }
0x4c: {  	v43 =	vld [tilespmem:s26+$0x107A0]  }
0x4d: {  	v44 =	vld [tilespmem:s26+$0x7A0]  }
0x4e: {  	v56 =	vld [tilespmem:s26+$0x10880]  }
0x4f: {  	v57 =	vld [tilespmem:s26+$0x880]  }
0x50: {  	v58 =	vld [tilespmem:s26+$0x10890]  }
0x51: {  	v61 =	vld [tilespmem:s26+$0x890]  }
0x52: {  	v62 =	vld [tilespmem:s26+$0x10530]  }
0x53: {  	v63 =	vld [tilespmem:s26+$0x530]  }
0x54: {  	v47 =	vld [tilespmem:s26+$0x10620]  }
0x55: {  	v48 =	vld [tilespmem:s26+$0x620]  }
0x56: {  	v4 =	vld [tilespmem:s26+$0x10430]  }
0x57: {  	v5 =	vld [tilespmem:s26+$0x430]  }
0x58: {  	v7 =	vld [tilespmem:s26+$0x10610]  }
0x59: {  	v46 =	vld [tilespmem:s26+$0x104B0]  }
0x5a: {  	v45 =	vld [tilespmem:s26+$0x4B0]  }
0x5b: {  	v6 =	vld [tilespmem:s26+$0x105A0]  }
0x5c: {  	v14 =	vld [tilespmem:s26+$0x10680]  }
0x5d: {  	v13 =	vld [tilespmem:s26+$0x680]  }
0x5e: {  	v12 =	vld [tilespmem:s26+$0x10690]  }
0x5f: {  	v11 =	vld [tilespmem:s26+$0x690]  }
0x60: {  	v18 =	vld [tilespmem:s26+$0x10420]  }
0x61: {  	v15 =	vld [tilespmem:s26+$0x420]  }
0x62: {  	v10 =	vld [tilespmem:s26+$0x10500]  }
0x63: {  	v9 =	vld [tilespmem:s26+$0x500]  }
0x64: {  	v8 =	vld [tilespmem:s26+$0x10510]  }
0x65: {  	v20 =	vld [tilespmem:s26+$0x104A0]  }
0x66: {  	v19 =	vld [tilespmem:s26+$0x4A0]  }
0x67: {  	v17 =	vld [tilespmem:s26+$0x10320]  }
0x68: {  	v16 =	vld [tilespmem:s26+$0x320]  }
0x69: {  	v3 =	vld [tilespmem:s26+$0x10400]  }
0x6a: {  	v2 =	vld [tilespmem:s26+$0x400]  }
0x6b: {  	v1 =	vld [tilespmem:s26+$0x10410]  }
0x6c: {  	[tilespmem:$0x1FE60] =	vst v49;
	v49 =	vld [tilespmem:s26+$0x10700]  }
0x6d: {  	[tilespmem:$0x1FE30] =	vst v50;
	v50 =	vld [tilespmem:s26+$0x700]  }
0x6e: {  	[tilespmem:$0x1FE40] =	vst v51;
	v51 =	vld [tilespmem:s26+$0x10710]  }
0x6f: {  	[tilespmem:$0x1FE50] =	vst v52;
	v52 =	vld [tilespmem:s26+$0x710]  }
0x70: {  	[tilespmem:$0x1FE20] =	vst v53;
	v53 =	vld [tilespmem:s26+$0x106A0]  }
0x71: {  	[tilespmem:$0x1FCD0] =	vst v54;
	v54 =	vld [tilespmem:s26+$0x6A0]  }
0x72: {  	[tilespmem:$0x1FCE0] =	vst v55;
	v55 =	vld [tilespmem:s26+$0x10780]  }
0x73: {  	[tilespmem:$0x1FDE0] =	vst v56;
	v56 =	vld [tilespmem:s26+$0x780]  }
0x74: {  	[tilespmem:$0x1FDF0] =	vst v57;
	v57 =	vld [tilespmem:s26+$0x10790]  }
0x75: {  	[tilespmem:$0x1FE00] =	vst v58;
	v58 =	vld [tilespmem:s26+$0x790]  }
0x76: {  	[tilespmem:$0x1FE10] =	vst v61;
	v61 =	vld [tilespmem:s26+$0x10520]  }
0x77: {  	[tilespmem:$0x1FCF0] =	vst v62;
	v62 =	vld [tilespmem:s26+$0x520]  }
0x78: {  	[tilespmem:$0x1FD00] =	vst v63;
	v63 =	vld [tilespmem:s26+$0x10600]  }
0x79: {  	[tilespmem:$0x1FD20] =	vst v5;
	v5 =	vld [tilespmem:s26+$0x600]  }
0x7a: {  	[tilespmem:$0x1FD10] =	vst v4;
	v4 =	vld [tilespmem:s26+$0x610]  }
0x7b: {  	[tilespmem:$0x1FDD0] =	vst v6;
	v6 =	vld [tilespmem:s26+$0x10330]  }
0x7c: {  	[tilespmem:$0x1FE70] =	vst v0;
	v0 =	vld [tilespmem:s26+$0x103B0]  }
0x7d: {  	v27 =	vmul.f32 v28, v27;
	v28 =	vmul.f32 v30, v29;
	v29 =	vld [tilespmem:s26+$0x103A0]  }
0x7e: {  	v30 =	vld [tilespmem:s26+$0x3A0]  }
0x7f: {  	v21 =	vmul.f32 v22, v21;
	v22 =	vld [tilespmem:s26+$0x10480]  }
0x80: {  	v23 =	vmul.f32 v23, v24;
	v24 =	vld [tilespmem:s26+$0x10490]  }
0x81: {  	v25 =	vmul.f32 v26, v25;
	v26 =	vld [tilespmem:s26+$0x490]  }
0x82: {  	v40 =	vmul.f32 v40, v39;
	v39 =	vld [tilespmem:s26+$0x310]  }
0x83: {  	v13 =	vmul.f32 v13, v14;
	v14 =	vld [tilespmem:s26+$0x380]  }
0x84: {  	[tilespmem:$0x1FD50] =	vst v0;
	v0 =	vld [tilespmem:s26+$0x3B0]  }
0x85: {  	v41 =	vmul.f32 v41, v42;
	v42 =	vmul.f32 v9, v10;
	v9 =	vld [tilespmem:$0x1FCD0]  }
0x86: {  	v10 =	vld [tilespmem:$0x1FCE0];
	v27 =	vadd.f32 v28, v27;
	v28 =	vmul.f32 v38, v37  }
0x87: {  	v38 =	vld [tilespmem:s26+$0x480]  }
0x88: {  	v21 =	vadd.f32 v21, v27;
	v27 =	vadd.f32 v40, v28;
	v40 =	vld [tilespmem:s26+$0x220]  }
0x89: {  	[tilespmem:$0x1FD60] =	vst v0;
	v0 =	vld [tilespmem:s26+$0x10580]  }
0x8a: {  	[tilespmem:$0x1FD30] =	vst v6;
	v6 =	vld [tilespmem:s26+$0x330]  }
0x8b: {  	v51 =	vmul.f32 v52, v51;
	v52 =	vmul.f32 v58, v57;
	v57 =	vld [tilespmem:s26+$0x300]  }
0x8c: {  	v58 =	vld [tilespmem:s26+$0x10310]  }
0x8d: {  	v28 =	vmul.f32 v50, v49;
	v50 =	vld [tilespmem:$0x1FCF0]  }
0x8e: {  	[tilespmem:$0x1FD90] =	vst v0;
	v0 =	vld [tilespmem:s26+$0x580]  }
0x8f: {  	v5 =	vmul.f32 v5, v63;
	v63 =	vmul.f32 v33, v34;
	v34 =	vld [tilespmem:$0x1FDD0]  }
0x90: {  	v11 =	vmul.f32 v11, v12;
	v21 =	vadd.f32 v23, v21;
	v23 =	vld [tilespmem:s26+$0x10220]  }
0x91: {  	v25 =	vadd.f32 v25, v27;
	v27 =	vmul.f32 v56, v55;
	v55 =	vld [tilespmem:s26+$0x10300]  }
0x92: {  	v9 =	vmul.f32 v10, v9;
	v10 =	vadd.f32 v11, v13;
	v13 =	vld [tilespmem:s26+$0x390]  }
0x93: {  	[tilespmem:$0x1FDA0] =	vst v0;
	v0 =	vld [tilespmem:s26+$0x10590]  }
0x94: {  	v56 =	vmul.f32 v44, v43;
	v44 =	vld [tilespmem:s26+$0x200]  }
0x95: {  	v11 =	vmul.f32 v54, v53;
	v54 =	vld [tilespmem:s26+$0x10280]  }
0x96: {  	v53 =	vmul.f32 v15, v18;
	v18 =	vld [tilespmem:s26+$0x280]  }
0x97: {  	v15 =	vmul.f32 v26, v24;
	v24 =	vld [tilespmem:$0x1FD20]  }
0x98: {  	[tilespmem:$0x1FDB0] =	vst v0;
	v0 =	vld [tilespmem:s26+$0x590]  }
0x99: {  	v28 =	vadd.f32 v51, v28;
	v51 =	vld [tilespmem:$0x1FD00]  }
0x9a: {  	v25 =	vadd.f32 v41, v25;
	v41 =	vmul.f32 v48, v47;
	v47 =	vld [tilespmem:s26+$0x10200]  }
0x9b: {  	v27 =	vadd.f32 v52, v27;
	v52 =	vld [tilespmem:s26+$0x10210]  }
0x9c: {  	v10 =	vadd.f32 v11, v10;
	v11 =	vmul.f32 v38, v22;
	v22 =	vld [tilespmem:$0x1FD10]  }
0x9d: {  	[tilespmem:$0x1FDC0] =	vst v0;
	v0 =	vld [tilespmem:s26+$0x10230]  }
0x9e: {  	v38 =	vld [tilespmem:$0x1FDE0]  }
0x9f: {  	v35 =	vmul.f32 v36, v35;
	v31 =	vmul.f32 v31, v32;
	[tilespmem:$0x1FD40] =	vst v6;
	v6 =	vld [tilespmem:s26+$0x510]  }
0xa0: {  	v4 =	vmul.f32 v4, v7;
	v11 =	vadd.f32 v15, v11;
	v15 =	vmul.f32 v19, v20;
	v19 =	vld [tilespmem:s26+$0x10290]  }
0xa1: {  	v28 =	vadd.f32 v35, v28;
	v27 =	vadd.f32 v56, v27;
	v56 =	vmul.f32 v16, v17;
	v16 =	vld [tilespmem:s26+$0x290]  }
0xa2: {  	[tilespmem:$0x1FD70] =	vst v0;
	v0 =	vld [tilespmem:s26+$0x230]  }
0xa3: {  	v4 =	vadd.f32 v4, v5;
	v28 =	vadd.f32 v31, v28;
	v31 =	vld [tilespmem:s26+$0x10380]  }
0xa4: {  	v55 =	vmul.f32 v57, v55;
	v57 =	vld [tilespmem:$0x1FD30]  }
0xa5: {  	(xrf2) =	vadd.scan.msk.f32 $0xffff, v21;
	v4 =	vadd.f32 v41, v4;
	v11 =	vadd.f32 v15, v11;
	v15 =	vld [tilespmem:$0x1FD40]  }
0xa6: {  	(xrf2) =	vadd.scan.msk.f32 $0xffff, v25;
	v12 =	vadd.f32 v63, v27;
	v27 =	vmul.f32 v59, v60;
	v6 =	vmul.f32 v6, v8;
	v8 =	vld [tilespmem:s26+$0x10390]  }
0xa7: {  	v48 =	vadd.f32 v9, v4;
	(xrf2) =	vadd.scan.msk.f32 $0xffff, v28;
	[tilespmem:$0x1FD80] =	vst v0;
	v0 =	vld [tilespmem:s26+$0x410]  }
0xa8: {  	v9 =	vadd.f32 v27, v10;
	v10 =	vld [tilespmem:s26+$0x210];
	(xrf2) =	vadd.scan.msk.f32 $0xffff, v12  }
0xa9: {  	v12 =	vld [tilespmem:$0x1FD60];
	(xrf2) =	vadd.scan.msk.f32 $0xffff, v48  }
0xaa: {  	v2 =	vmul.f32 v2, v3;
	v43 =	vmul.f32 v62, v61;
	(xrf2) =	vadd.scan.msk.f32 $0xffff, v9;
	v9 =	vld [tilespmem:$0x1FD50]  }
0xab: {  	v14 =	vmul.f32 v14, v31;
	v63 =	vld [tilespmem:$0x1FD90];
	v8 =	vmul.f32 v13, v8  }
0xac: {  	v7 =	vmul.f32 v39, v58;
	v13 =	vld [tilespmem:s26+$0x102A0];
	v0 =	vmul.f32 v0, v1  }
0xad: {  	v5 =	vadd.f32 v6, v42;
	v8 =	vadd.f32 v8, v14;
	v14 =	vmul.f32 v30, v29;
	v61 =	vld [tilespmem:$0x1FD70]  }
0xae: {  	v0 =	vadd.f32 v0, v2;
	v2 =	vadd.f32 v7, v55;
	v7 =	vmul.f32 v15, v57;
	v15 =	vld [tilespmem:s26+$0x2A0]  }
0xaf: {  	v49 =	vadd.f32 v43, v5;
	v5 =	vmul.f32 v51, v50;
	v59 =	vadd.f32 v14, v8;
	v14 =	vld [tilespmem:$0x1FD80]  }
0xb0: {  	v9 =	vmul.f32 v12, v9;
	v12 =	vld [tilespmem:s26+$0x105B0]  }
0xb1: {  	v4 =	vadd.f32 v5, v49;
	v5 =	vmul.f32 v18, v54;
	v32 =	vld [tilespmem:$0x1FDA0];
	v8 =	vmul.f32 v16, v19  }
0xb2: {  	v33 =	vld [tilespmem:$0x1FDB0]  }
0xb3: {  	v6 =	vmul.f32 v10, v52;
	v5 =	vadd.f32 v8, v5;
	v8 =	vmul.f32 v15, v13;
	v13 =	vld [tilespmem:s26+$0x5B0]  }
0xb4: {  	(xrf2) =	vadd.scan.msk.f32 $0xffff, v4;
	v1 =	vmul.f32 v44, v47;
	v4 =	vmul.f32 v14, v61;
	v14 =	vld [tilespmem:$0x1FDC0]  }
0xb5: {  	v35 =	vld [tilespmem:s26+$0x8B0];
	v22 =	vmul.f32 v24, v22;
	v0 =	vadd.f32 v53, v0  }
0xb6: {  	v20 =	vmul.f32 v45, v46;
	v60 =	vmul.f32 v40, v23;
	v10 =	vld [tilespmem:s26+$0x5A0];
	v1 =	vadd.f32 v6, v1  }
0xb7: {  	v46 =	vld [tilespmem:$0x1FE30];
	v2 =	vadd.f32 v56, v2;
	v0 =	vadd.f32 v22, v0  }
0xb8: {  	v11 =	vadd.f32 v20, v11;
	v62 =	vadd.f32 v60, v1;
	v42 =	vmul.f32 v13, v12;
	v13 =	vld [tilespmem:$0x1FE40]  }
0xb9: {  	v17 =	vld [tilespmem:s26+$0x102B0];
	v1 =	vmul.f32 v32, v63;
	v2 =	vadd.f32 v7, v2;
	v6 =	vmul.f32 v14, v33;
	(xrf2) =	vadd.scan.msk.f32 $0xffff, v0  }
0xba: {  	v58 =	vld [tilespmem:s26+$0x2B0];
	(xrf2) =	vadd.scan.msk.f32 $0xffff, v11  }
0xbb: {  	v40 =	vld [tilespmem:$0x1FE00];
	v1 =	vadd.f32 v6, v1;
	(xrf2) =	vadd.scan.msk.f32 $0xffff, v2;
	v2 =	vmul.f32 v10, v34  }
0xbc: {  	v5 =	vadd.f32 v8, v5;
	v8 =	vld [tilespmem:s26+$0x990]  }
0xbd: {  	v41 =	vadd.f32 v2, v1;
	v1 =	vmul.f32 v13, v46;
	v13 =	vld [tilespmem:$0x1FE50]  }
0xbe: {  	v3 =	vadd.f32 v9, v59;
	v9 =	vld [tilespmem:$0x1FE10]  }
0xbf: {  	v39 =	vld [tilespmem:$0x1FDF0]  }
0xc0: {  	v44 =	vld [tilespmem:$0x1FE20]  }
0xc1: {  	v47 =	vld [tilespmem:$0x1FE60];
	v7 =	vmul.f32 v58, v17  }
0xc2: {  	v14 =	vld [tilespmem:s26+$0x8A0];
	v8 =	vmul.f32 v8, v13  }
0xc3: {  	v37 =	vadd.f32 v7, v5;
	v7 =	vmul.f32 v9, v40;
	v9 =	vld [tilespmem:s26+$0x9A0]  }
0xc4: {  	v0 =	vadd.f32 v4, v62;
	v1 =	vadd.f32 v8, v1;
	v8 =	vld [tilespmem:$0x1FE70]  }
0xc5: {  	v36, _, _ =	vpop (xrf2);
	(xrf2) =	vadd.scan.msk.f32 $0xffff, v3;
	v5 =	vmul.f32 v39, v38  }
0xc6: {  	v43 =	vld [tilespmem:s26+$0x109B0];
	v10, _, _ =	vpop (xrf2);
	(xrf2) =	vadd.scan.msk.f32 $0xffff, v0  }
0xc7: {  	v11, _, _ =	vpop (xrf2);
	v12 =	vld [tilespmem:s26+$0x9B0];
	v5 =	vadd.f32 v7, v5;
	v7 =	vmul.f32 v14, v44;
	(xrf2) =	vadd.scan.msk.f32 $0xffff, v37  }
0xc8: {  	v45, _, _ =	vpop (xrf2);
	v0 =	vadd.f32 v42, v41  }
0xc9: {  	v4 =	vmul.f32 v35, v47;
	v5 =	vadd.f32 v7, v5;
	v13, _, _ =	vpop (xrf2);
	v8 =	vmul.f32 v9, v8  }
0xca: {  	(xrf2) =	vadd.scan.msk.f32 $0xffff, v0;
	v48, _, _ =	vpop (xrf2)  }
0xcb: {  	v4 =	vadd.f32 v4, v5;
	v49, _, _ =	vpop (xrf2)  }
0xcc: {  	v2 =	vmul.f32 v12, v43;
	v50, _, _ =	vpop (xrf2);
	v1 =	vadd.f32 v8, v1  }
0xcd: {  	(xrf2) =	vadd.scan.msk.f32 $0xffff, v4;
	v8, _, _ =	vpop (xrf2)  }
0xce: {  	v1 =	vadd.f32 v2, v1;
	v51, _, _ =	vpop (xrf2)  }
0xcf: {  	v11 =	vbroadcast v11, $0xF;
	v52, _, _ =	vpop (xrf2)  }
0xd0: {  	v12 =	vbroadcast v13, $0xF;
	v9 =	vbroadcast v10, $0xF;
	v10, _, _ =	vpop (xrf2);
	(xrf2) =	vadd.scan.msk.f32 $0xffff, v1  }
0xd1: {  	v0 =	vbroadcast v49, $0xF;
	v53 =	vbroadcast v50, $0xF;
	v54, _, _ =	vpop (xrf2)  }
0xd2: {  	v10 =	vbroadcast v10, $0xF;
	v5 =	vbroadcast v54, $0xF  }
0xd3: {  	v4 =	vbroadcast v51, $0xF;
	v2 =	vbroadcast v52, $0xF  }
0xd4: {  	v8 =	vbroadcast v8, $0xF;
	v13, _, _ =	vpop (xrf2);
	v10 =	vnsel vm0, $0x0, v10;
	v5 =	vnsel vm1, $0x0, v5  }
0xd5: {  	v55 =	vbroadcast v13, $0xF;
	v4 =	vsel vm2, v10, v4;
	v2 =	vsel vm3, v5, v2  }
0xd6: {  	v56 =	vbroadcast v48, $0xF;
	v1 =	vsel vm4, v4, v53;
	v2 =	vsel vm5, v2, v8  }
0xd7: {  	v58 =	vbroadcast v45, $0xF;
	v59, _, _ =	vpop (xrf2);
	v0 =	vsel vm6, v1, v0;
	v57 =	vsel vm7, v2, v55  }
0xd8: {  	v3 =	vbroadcast v59, $0xF;
	v0 =	vsel vm8, v0, v12;
	v1 =	vsel vm9, v57, v56  }
0xd9: {  	v60 =	vbroadcast v36, $0xF;
	v0 =	vsel vm10, v0, v11;
	v1 =	vsel vm11, v1, v58  }
0xda: {  	v0 =	vsel vm12, v0, v9;
	v1 =	vsel vm13, v1, v3;
	v61, _, _ =	vpop (xrf2)  }
0xdb: {  	v0 =	vsel vm14, v0, v60;
	v1 =	vsel vm15, v1, v61  }
0xdc: {  	v0 =	vadd.f32 v1, v0;
	_ =	sdelay $0x1  }
0xdd: {  	s26 =	simm.s32 $0x800;
	[tilespmem:s23+$0x0] =	vst v0  }
0xde: {  	v0 =	vld [tilespmem:s26+$0x10930]  }
0xdf: {  	v62 =	vld [tilespmem:s26+$0x930]  }
0xe0: {  	v15 =	vld [tilespmem:s26+$0x109A0]  }
0xe1: {  	v63 =	vld [tilespmem:s26+$0x10830]  }
0xe2: {  	v4 =	vld [tilespmem:s26+$0x830]  }
0xe3: {  	v26 =	vld [tilespmem:s26+$0x920]  }
0xe4: {  	v43 =	vld [tilespmem:s26+$0x108B0]  }
0xe5: {  	v44 =	vld [tilespmem:s26+$0x10980]  }
0xe6: {  	v45 =	vld [tilespmem:s26+$0x980]  }
0xe7: {  	v46 =	vld [tilespmem:s26+$0x10990]  }
0xe8: {  	v5 =	vld [tilespmem:s26+$0x10730]  }
0xe9: {  	v6 =	vld [tilespmem:s26+$0x730]  }
0xea: {  	v3 =	vld [tilespmem:s26+$0x10820]  }
0xeb: {  	v24 =	vld [tilespmem:s26+$0x820]  }
0xec: {  	v31 =	vld [tilespmem:s26+$0x10900]  }
0xed: {  	v32 =	vld [tilespmem:s26+$0x900]  }
0xee: {  	v33 =	vld [tilespmem:s26+$0x10910]  }
0xef: {  	v34 =	vld [tilespmem:s26+$0x910]  }
0xf0: {  	v7 =	vld [tilespmem:s26+$0x107B0]  }
0xf1: {  	v35 =	vld [tilespmem:s26+$0x7B0]  }
0xf2: {  	v36 =	vld [tilespmem:s26+$0x108A0]  }
0xf3: {  	v37 =	vld [tilespmem:s26+$0x10630]  }
0xf4: {  	v38 =	vld [tilespmem:s26+$0x630]  }
0xf5: {  	v28 =	vld [tilespmem:s26+$0x10720]  }
0xf6: {  	v27 =	vld [tilespmem:s26+$0x720]  }
0xf7: {  	v41 =	vld [tilespmem:s26+$0x10800]  }
0xf8: {  	v42 =	vld [tilespmem:s26+$0x800]  }
0xf9: {  	v1 =	vld [tilespmem:s26+$0x10810]  }
0xfa: {  	v2 =	vld [tilespmem:s26+$0x810]  }
0xfb: {  	v10 =	vld [tilespmem:s26+$0x106B0]  }
0xfc: {  	v12 =	vld [tilespmem:s26+$0x6B0]  }
0xfd: {  	v39 =	vld [tilespmem:s26+$0x10880]  }
0xfe: {  	v40 =	vld [tilespmem:s26+$0x880]  }
0xff: {  	v47 =	vld [tilespmem:s26+$0x10890]  }
0x100: {  	v48 =	vld [tilespmem:s26+$0x890]  }
0x101: {  	v8 =	vld [tilespmem:s26+$0x10530]  }
0x102: {  	v9 =	vld [tilespmem:s26+$0x530]  }
0x103: {  	v51 =	vld [tilespmem:s26+$0x10620]  }
0x104: {  	v52 =	vld [tilespmem:s26+$0x620]  }
0x105: {  	v53 =	vld [tilespmem:s26+$0x10700]  }
0x106: {  	v54 =	vld [tilespmem:s26+$0x700]  }
0x107: {  	v55 =	vld [tilespmem:s26+$0x10710]  }
0x108: {  	v56 =	vld [tilespmem:s26+$0x710]  }
0x109: {  	v49 =	vld [tilespmem:s26+$0x106A0]  }
0x10a: {  	v58 =	vld [tilespmem:s26+$0x6A0]  }
0x10b: {  	v59 =	vld [tilespmem:s26+$0x10780]  }
0x10c: {  	v60 =	vld [tilespmem:s26+$0x780]  }
0x10d: {  	v61 =	vld [tilespmem:s26+$0x10790]  }
0x10e: {  	v17 =	vld [tilespmem:s26+$0x10430]  }
0x10f: {  	v50 =	vld [tilespmem:s26+$0x10520]  }
0x110: {  	v57 =	vld [tilespmem:s26+$0x520]  }
0x111: {  	v25 =	vld [tilespmem:s26+$0x10600]  }
0x112: {  	v23 =	vld [tilespmem:s26+$0x600]  }
0x113: {  	v22 =	vld [tilespmem:s26+$0x10610]  }
0x114: {  	v13 =	vld [tilespmem:s26+$0x104B0]  }
0x115: {  	v16 =	vld [tilespmem:s26+$0x4B0]  }
0x116: {  	v29 =	vld [tilespmem:s26+$0x690]  }
0x117: {  	v18 =	vld [tilespmem:s26+$0x10330]  }
0x118: {  	v20 =	vld [tilespmem:s26+$0x330]  }
0x119: {  	v30 =	vld [tilespmem:s26+$0x510]  }
0x11a: {  	v11 =	vld [tilespmem:s26+$0x103B0]  }
0x11b: {  	v14 =	vld [tilespmem:s26+$0x10580]  }
0x11c: {  	v19 =	vld [tilespmem:s26+$0x10230]  }
0x11d: {  	v21 =	vld [tilespmem:s26+$0x230]  }
0x11e: {  	[tilespmem:$0x1FF40] =	vst v4;
	v4 =	vld [tilespmem:s26+$0x10920]  }
0x11f: {  	[tilespmem:$0x1FF60] =	vst v6;
	v6 =	vld [tilespmem:s26+$0x107A0]  }
0x120: {  	[tilespmem:$0x1FF70] =	vst v7;
	v7 =	vld [tilespmem:s26+$0x7A0]  }
0x121: {  	[tilespmem:$0x1FF20] =	vst v62;
	v62 =	vld [tilespmem:s26+$0x790]  }
0x122: {  	[tilespmem:$0x1FEB0] =	vst v47;
	v47 =	vld [tilespmem:s26+$0x430]  }
0x123: {  	[tilespmem:$0x1FF10] =	vst v0;
	v0 =	vld [tilespmem:s26+$0x610]  }
0x124: {  	[tilespmem:$0x1FF30] =	vst v63;
	v63 =	vld [tilespmem:s26+$0x105A0]  }
0x125: {  	[tilespmem:$0x1FEA0] =	vst v40;
	v40 =	vld [tilespmem:s26+$0x10680]  }
0x126: {  	[tilespmem:$0x1FF80] =	vst v35;
	v35 =	vld [tilespmem:s26+$0x680]  }
0x127: {  	[tilespmem:$0x1FFA0] =	vst v38;
	v38 =	vld [tilespmem:s26+$0x10690]  }
0x128: {  	[tilespmem:$0x1FFC0] =	vst v50;
	v50 =	vld [tilespmem:s26+$0x10420]  }
0x129: {  	[tilespmem:$0x1FFB0] =	vst v49;
	v49 =	vld [tilespmem:s26+$0x420]  }
0x12a: {  	[tilespmem:$0x1FF50] =	vst v5;
	v5 =	vld [tilespmem:s26+$0x580]  }
0x12b: {  	[tilespmem:$0x1FE90] =	vst v39;
	v39 =	vld [tilespmem:s26+$0x10500]  }
0x12c: {  	[tilespmem:$0x1FE80] =	vst v36;
	v36 =	vld [tilespmem:s26+$0x500]  }
0x12d: {  	[tilespmem:$0x1FF90] =	vst v37;
	v37 =	vld [tilespmem:s26+$0x10510]  }
0x12e: {  	[tilespmem:$0x1FEC0] =	vst v48;
	v48 =	vld [tilespmem:s26+$0x3B0]  }
0x12f: {  	[tilespmem:$0x1FEE0] =	vst v5;
	v5 =	vld [tilespmem:s26+$0x10590]  }
0x130: {  	[tilespmem:$0x1FFD0] =	vst v57;
	v57 =	vld [tilespmem:s26+$0x4A0]  }
0x131: {  	v31 =	vmul.f32 v32, v31;
	v32 =	vld [tilespmem:s26+$0x10410]  }
0x132: {  	v41 =	vmul.f32 v42, v41;
	v42 =	vmul.f32 v2, v1;
	v1 =	vld [tilespmem:s26+$0x410]  }
0x133: {  	v3 =	vmul.f32 v24, v3;
	v24 =	vld [tilespmem:s26+$0x103A0]  }
0x134: {  	[tilespmem:$0x1FEF0] =	vst v5;
	v5 =	vld [tilespmem:s26+$0x590]  }
0x135: {  	v2 =	vld [tilespmem:$0x1FF10]  }
0x136: {  	v41 =	vadd.f32 v42, v41;
	v42 =	vmul.f32 v54, v53;
	v53 =	vld [tilespmem:s26+$0x10480]  }
0x137: {  	v54 =	vld [tilespmem:s26+$0x480]  }
0x138: {  	v41 =	vadd.f32 v3, v41;
	v3 =	vld [tilespmem:s26+$0x490]  }
0x139: {  	[tilespmem:$0x1FF00] =	vst v5;
	v5 =	vld [tilespmem:s26+$0x10320]  }
0x13a: {  	[tilespmem:$0x1FED0] =	vst v63;
	v63 =	vld [tilespmem:s26+$0x104A0]  }
0x13b: {  	v26 =	vmul.f32 v26, v4;
	v4 =	vld [tilespmem:$0x1FF20]  }
0x13c: {  	v0 =	vmul.f32 v0, v22;
	v22 =	vld [tilespmem:s26+$0x10490]  }
0x13d: {  	v60 =	vmul.f32 v60, v59;
	v59 =	vmul.f32 v62, v61;
	v61 =	vld [tilespmem:$0x1FF50]  }
0x13e: {  	[tilespmem:$0x1FFE0] =	vst v5;
	v5 =	vld [tilespmem:s26+$0x320]  }
0x13f: {  	v23 =	vmul.f32 v23, v25;
	v62 =	vld [tilespmem:$0x1FF60]  }
0x140: {  	v30 =	vmul.f32 v30, v37;
	v37 =	vld [tilespmem:s26+$0x380]  }
0x141: {  	v0 =	vadd.f32 v0, v23;
	v23 =	vmul.f32 v52, v51;
	v51 =	vld [tilespmem:$0x1FFD0]  }
0x142: {  	v2 =	vmul.f32 v4, v2;
	v4 =	vmul.f32 v56, v55;
	v55 =	vld [tilespmem:$0x1FF30]  }
0x143: {  	v56 =	vld [tilespmem:$0x1FF40];
	[tilespmem:$0x1FFF0] =	vst v5;
	v5 =	vmul.f32 v34, v33  }
0x144: {  	v27 =	vmul.f32 v27, v28;
	v28 =	vadd.f32 v4, v42;
	v4 =	vmul.f32 v62, v61;
	v61 =	vld [tilespmem:s26+$0x300]  }
0x145: {  	v62 =	vld [tilespmem:s26+$0x10310];
	v31 =	vadd.f32 v5, v31  }
0x146: {  	v25 =	vadd.f32 v27, v28;
	v27 =	vld [tilespmem:s26+$0x10220]  }
0x147: {  	v28 =	vadd.f32 v59, v60;
	v59 =	vld [tilespmem:$0x1FF90];
	v31 =	vadd.f32 v26, v31  }
0x148: {  	v60 =	vmul.f32 v7, v6;
	v6 =	vld [tilespmem:s26+$0x310]  }
0x149: {  	v31 =	vadd.f32 v2, v31;
	v2 =	vmul.f32 v56, v55;
	v55 =	vld [tilespmem:$0x1FF70]  }
0x14a: {  	v56 =	vld [tilespmem:$0x1FF80]  }
0x14b: {  	v42 =	vadd.f32 v60, v28;
	v60 =	vld [tilespmem:$0x1FFA0]  }
0x14c: {  	v33 =	vld [tilespmem:s26+$0x10400]  }
0x14d: {  	v34 =	vld [tilespmem:s26+$0x400]  }
0x14e: {  	v5 =	vld [tilespmem:$0x1FFB0];
	v41 =	vadd.f32 v2, v41  }
0x14f: {  	v25 =	vadd.f32 v4, v25;
	v4 =	vld [tilespmem:s26+$0x10300];
	(xrf2) =	vadd.scan.msk.f32 $0xffff, v31;
	v2 =	vmul.f32 v56, v55  }
0x150: {  	v0 =	vadd.f32 v23, v0;
	v28 =	vld [tilespmem:s26+$0x220];
	v23 =	vmul.f32 v60, v59;
	(xrf2) =	vadd.scan.msk.f32 $0xffff, v41  }
0x151: {  	v29 =	vmul.f32 v29, v38;
	(xrf2) =	vadd.scan.msk.f32 $0xffff, v25;
	v25 =	vmul.f32 v35, v40;
	v40 =	vld [tilespmem:$0x1FFC0];
	v31 =	vadd.f32 v2, v42  }
0x152: {  	v22 =	vmul.f32 v3, v22;
	v60 =	vmul.f32 v57, v63;
	v0 =	vadd.f32 v23, v0;
	v63 =	vld [tilespmem:$0x1FFF0]  }
0x153: {  	v26 =	vld [tilespmem:s26+$0x3A0];
	v7 =	vmul.f32 v34, v33;
	v23 =	vmul.f32 v58, v5;
	v25 =	vadd.f32 v29, v25;
	(xrf2) =	vadd.scan.msk.f32 $0xffff, v31  }
0x154: {  	v34 =	vld [tilespmem:s26+$0x210];
	v41 =	vmul.f32 v61, v4;
	v29 =	vmul.f32 v36, v39;
	(xrf2) =	vadd.scan.msk.f32 $0xffff, v0  }
0x155: {  	v33 =	vld [tilespmem:s26+$0x10280];
	v56 =	vmul.f32 v9, v8;
	v23 =	vadd.f32 v23, v25;
	v25 =	vmul.f32 v12, v10  }
0x156: {  	v55 =	vld [tilespmem:s26+$0x390];
	v31 =	vmul.f32 v1, v32;
	v29 =	vadd.f32 v30, v29;
	v52 =	vmul.f32 v51, v40  }
0x157: {  	v35 =	vmul.f32 v6, v62;
	v62 =	vld [tilespmem:$0x1FFE0];
	v25 =	vadd.f32 v25, v23;
	v23 =	vmul.f32 v54, v53  }
0x158: {  	v36 =	vld [tilespmem:s26+$0x10380];
	v0 =	vadd.f32 v31, v7;
	v31 =	vmul.f32 v49, v50;
	v29 =	vadd.f32 v52, v29  }
0x159: {  	v42 =	vld [tilespmem:s26+$0x10390];
	v38 =	vadd.f32 v35, v41;
	v22 =	vadd.f32 v22, v23  }
0x15a: {  	v59 =	vmul.f32 v47, v17;
	v35 =	vld [tilespmem:s26+$0x280];
	v49, _, _ =	vpop (xrf2);
	v58 =	vadd.f32 v31, v0;
	v29 =	vadd.f32 v56, v29  }
0x15b: {  	v30 =	vld [tilespmem:s26+$0x200];
	v23, _, _ =	vpop (xrf2)  }
0x15c: {  	v61 =	vmul.f32 v16, v13;
	v32 =	vld [tilespmem:s26+$0x10210];
	(xrf2) =	vadd.scan.msk.f32 $0xffff, v25;
	v40 =	vadd.f32 v59, v58;
	v0 =	vadd.f32 v60, v22;
	v25, _, _ =	vpop (xrf2)  }
0x15d: {  	v39 =	vmul.f32 v63, v62;
	v31 =	vld [tilespmem:s26+$0x10200];
	(xrf2) =	vadd.scan.msk.f32 $0xffff, v29;
	v22, _, _ =	vpop (xrf2)  }
0x15e: {  	s29 =	simm.s32 $0x4000;
	s28 =	simm.s32 $0x18200;
	v41 =	vmul.f32 v55, v42;
	(xrf2) =	vadd.scan.msk.f32 $0xffff, v40;
	v40 =	vmul.f32 v37, v36;
	v36 =	vld [tilespmem:s26+$0x10290];
	v37 =	vadd.f32 v61, v0;
	v29, _, _ =	vpop (xrf2)  }
.LBB2_2:
0x15f: {  	v42 =	vld [tilespmem:s26+$0x290]  }
0x160: {  	v1 =	vld [tilespmem:$0x1FF00]  }
0x161: {  	v13 =	vld [tilespmem:s26+$0x8A0]  }
0x162: {  	v47 =	vld [tilespmem:$0x1FED0]  }
0x163: {  	v50 =	vld [tilespmem:$0x1FEA0]  }
0x164: {  	v51 =	vld [tilespmem:$0x1FEB0]  }
0x165: {  	v52 =	vld [tilespmem:$0x1FEC0]  }
0x166: {  	v7 =	vadd.f32 v41, v40;
	v40 =	vld [tilespmem:s26+$0x102B0]  }
0x167: {  	v41 =	vld [tilespmem:$0x1FEE0];
	v18 =	vmul.f32 v20, v18  }
0x168: {  	v38 =	vadd.f32 v39, v38;
	v20 =	vld [tilespmem:s26+$0x102A0];
	v24 =	vmul.f32 v26, v24;
	v26 =	vmul.f32 v30, v31  }
0x169: {  	v0 =	vmul.f32 v34, v32;
	v31 =	vld [tilespmem:s26+$0x2A0];
	v16 =	vmul.f32 v48, v11  }
0x16a: {  	v19 =	vmul.f32 v21, v19;
	v21 =	vld [tilespmem:s26+$0x105B0];
	v18 =	vadd.f32 v18, v38;
	v24 =	vadd.f32 v24, v7  }
0x16b: {  	(xrf2) =	vadd.scan.msk.f32 $0xffff, v37;
	v17 =	vadd.f32 v0, v26;
	v26 =	vmul.f32 v28, v27;
	v28 =	vmul.f32 v42, v36;
	v42 =	vld [tilespmem:$0x1FEF0]  }
0x16c: {  	v27 =	vld [tilespmem:s26+$0x2B0]  }
0x16d: {  	v38, _, _ =	vpop (xrf2);
	(xrf2) =	vadd.scan.msk.f32 $0xffff, v18;
	v18 =	vmul.f32 v35, v33;
	v16 =	vadd.f32 v16, v24;
	v24 =	vld [tilespmem:s26+$0x5A0]  }
0x16e: {  	v48 =	vld [tilespmem:$0x1FE90]  }
0x16f: {  	v17 =	vadd.f32 v26, v17;
	v26 =	vld [tilespmem:s26+$0x5B0];
	v20 =	vmul.f32 v31, v20;
	v18 =	vadd.f32 v28, v18  }
0x170: {  	v53 =	vld [tilespmem:$0x1FE80];
	v11 =	vmul.f32 v41, v14;
	v12 =	vmul.f32 v1, v42  }
0x171: {  	v30, _, _ =	vpop (xrf2);
	(xrf2) =	vadd.scan.msk.f32 $0xffff, v16;
	v16 =	vadd.f32 v19, v17;
	v19 =	vld [tilespmem:s26+$0x990];
	v17 =	vadd.f32 v20, v18;
	v18 =	vmul.f32 v27, v40  }
0x172: {  	v11 =	vadd.f32 v12, v11;
	v10 =	vmul.f32 v24, v47;
	v12 =	vld [tilespmem:s26+$0x8B0]  }
0x173: {  	v8 =	vld [tilespmem:s26+$0x9A0];
	v7 =	vmul.f32 v52, v51;
	v14, _, _ =	vpop (xrf2);
	v6 =	vmul.f32 v50, v48;
	(xrf2) =	vadd.scan.msk.f32 $0xffff, v16;
	v16 =	vadd.f32 v18, v17  }
0x174: {  	v54 =	vld [tilespmem:s26+$0x9B0];
	v10 =	vadd.f32 v10, v11;
	v11 =	vmul.f32 v26, v21  }
0x175: {  	v5 =	vmul.f32 v13, v53;
	v9, _, _ =	vpop (xrf2);
	v6 =	vadd.f32 v7, v6;
	v17 =	vld [tilespmem:s26+$0x109B0];
	(xrf2) =	vadd.scan.msk.f32 $0xffff, v16  }
0x176: {  	v2 =	vmul.f32 v45, v44;
	v10 =	vadd.f32 v11, v10;
	v11 =	vmul.f32 v19, v46  }
0x177: {  	v5 =	vadd.f32 v5, v6;
	v55 =	vmul.f32 v12, v43  }
0x178: {  	v56 =	vmul.f32 v8, v15;
	v4, _, _ =	vpop (xrf2);
	v2 =	vadd.f32 v11, v2;
	(xrf2) =	vadd.scan.msk.f32 $0xffff, v10  }
0x179: {  	v5 =	vadd.f32 v55, v5  }
0x17a: {  	v57 =	vmul.f32 v54, v17;
	v0 =	vadd.f32 v56, v2  }
0x17b: {  	v3, _, _ =	vpop (xrf2);
	(xrf2) =	vadd.scan.msk.f32 $0xffff, v5  }
0x17c: {  	v0 =	vadd.f32 v57, v0  }
0x17d: {  	v59 =	vbroadcast v23, $0xF  }
0x17e: {  	v60 =	vbroadcast v29, $0xF;
	v61 =	vbroadcast v25, $0xF;
	v58, _, _ =	vpop (xrf2);
	(xrf2) =	vadd.scan.msk.f32 $0xffff, v0  }
0x17f: {  	v63 =	vbroadcast v30, $0xF;
	v62 =	vbroadcast v14, $0xF;
	v8, _, _ =	vpop (xrf2)  }
0x180: {  	v1 =	vbroadcast v58, $0xF;
	v8 =	vbroadcast v8, $0xF  }
0x181: {  	v4 =	vbroadcast v4, $0xF;
	v3 =	vbroadcast v3, $0xF  }
0x182: {  	v9 =	vbroadcast v9, $0xF;
	v1 =	vnsel vm0, $0x0, v1;
	v8 =	vnsel vm1, $0x0, v8;
	v10, _, _ =	vpop (xrf2)  }
0x183: {  	v1 =	vsel vm2, v1, v4;
	v3 =	vsel vm3, v8, v3;
	v33 =	vbroadcast v10, $0xF  }
0x184: {  	v35 =	vbroadcast v38, $0xF;
	v0 =	vsel vm4, v1, v62;
	v34 =	vsel vm5, v3, v9  }
0x185: {  	v36 =	vbroadcast v22, $0xF;
	v0 =	vsel vm6, v0, v63;
	v1 =	vsel vm7, v34, v33;
	v37, _, _ =	vpop (xrf2)  }
0x186: {  	v0 =	vsel vm8, v0, v60;
	v1 =	vsel vm9, v1, v35;
	v38 =	vbroadcast v37, $0xF  }
0x187: {  	v39 =	vbroadcast v49, $0xF;
	v0 =	vsel vm10, v0, v61;
	v1 =	vsel vm11, v1, v36  }
0x188: {  	v0 =	vsel vm12, v0, v59;
	v1 =	vsel vm13, v1, v38;
	v40, _, _ =	vpop (xrf2)  }
0x189: {  	v0 =	vsel vm14, v0, v39;
	v1 =	vsel vm15, v1, v40  }
0x18a: {  	v0 =	vadd.f32 v1, v0  }
0x18b: {  	s28 =	sadd.s32 $0x10, s28  }
0x18c: {  	s26 =	sshra.s32 s29, $0x2;
	[tilespmem:s28+$0x0] =	vst v0  }
0x18d: {  	v33 =	vld [tilespmem:s26+$0x10930]  }
0x18e: {  	v34 =	vld [tilespmem:s26+$0x930]  }
0x18f: {  	v0 =	vld [tilespmem:s26+$0x109A0]  }
0x190: {  	v41 =	vld [tilespmem:s26+$0x10830]  }
0x191: {  	v29 =	vld [tilespmem:s26+$0x830]  }
0x192: {  	v39 =	vld [tilespmem:s26+$0x10920]  }
0x193: {  	v40 =	vld [tilespmem:s26+$0x920]  }
0x194: {  	v42 =	vld [tilespmem:s26+$0x108B0]  }
0x195: {  	v43 =	vld [tilespmem:s26+$0x10980]  }
0x196: {  	v44 =	vld [tilespmem:s26+$0x980]  }
0x197: {  	v24 =	vld [tilespmem:s26+$0x10990]  }
0x198: {  	v45 =	vld [tilespmem:s26+$0x10730]  }
0x199: {  	v28 =	vld [tilespmem:s26+$0x730]  }
0x19a: {  	v21 =	vld [tilespmem:s26+$0x10900]  }
0x19b: {  	v53 =	vld [tilespmem:s26+$0x900]  }
0x19c: {  	v54 =	vld [tilespmem:s26+$0x10910]  }
0x19d: {  	v57 =	vld [tilespmem:s26+$0x910]  }
0x19e: {  	v31 =	vld [tilespmem:s26+$0x107B0]  }
0x19f: {  	v32 =	vld [tilespmem:s26+$0x7B0]  }
0x1a0: {  	v46 =	vld [tilespmem:s26+$0x108A0]  }
0x1a1: {  	v47 =	vld [tilespmem:s26+$0x10630]  }
0x1a2: {  	v48 =	vld [tilespmem:s26+$0x630]  }
0x1a3: {  	v27 =	vld [tilespmem:s26+$0x10720]  }
0x1a4: {  	v26 =	vld [tilespmem:s26+$0x720]  }
0x1a5: {  	v60 =	vld [tilespmem:s26+$0x10800]  }
0x1a6: {  	v61 =	vld [tilespmem:s26+$0x800]  }
0x1a7: {  	v62 =	vld [tilespmem:s26+$0x10810]  }
0x1a8: {  	v63 =	vld [tilespmem:s26+$0x810]  }
0x1a9: {  	v49 =	vld [tilespmem:s26+$0x106B0]  }
0x1aa: {  	v50 =	vld [tilespmem:s26+$0x6B0]  }
0x1ab: {  	v25 =	vld [tilespmem:s26+$0x107A0]  }
0x1ac: {  	v51 =	vld [tilespmem:s26+$0x10880]  }
0x1ad: {  	v52 =	vld [tilespmem:s26+$0x880]  }
0x1ae: {  	v55 =	vld [tilespmem:s26+$0x10890]  }
0x1af: {  	v56 =	vld [tilespmem:s26+$0x890]  }
0x1b0: {  	v58 =	vld [tilespmem:s26+$0x10530]  }
0x1b1: {  	v59 =	vld [tilespmem:s26+$0x530]  }
0x1b2: {  	v22 =	vld [tilespmem:s26+$0x10620]  }
0x1b3: {  	v1 =	vld [tilespmem:s26+$0x700]  }
0x1b4: {  	v2 =	vld [tilespmem:s26+$0x10710]  }
0x1b5: {  	v3 =	vld [tilespmem:s26+$0x710]  }
0x1b6: {  	v30 =	vld [tilespmem:s26+$0x106A0]  }
0x1b7: {  	v4 =	vld [tilespmem:s26+$0x10780]  }
0x1b8: {  	v5 =	vld [tilespmem:s26+$0x780]  }
0x1b9: {  	v6 =	vld [tilespmem:s26+$0x10790]  }
0x1ba: {  	v7 =	vld [tilespmem:s26+$0x790]  }
0x1bb: {  	v35 =	vld [tilespmem:s26+$0x10430]  }
0x1bc: {  	v37 =	vld [tilespmem:s26+$0x430]  }
0x1bd: {  	v23 =	vld [tilespmem:s26+$0x10520]  }
0x1be: {  	v8 =	vld [tilespmem:s26+$0x10600]  }
0x1bf: {  	v9 =	vld [tilespmem:s26+$0x600]  }
0x1c0: {  	v10 =	vld [tilespmem:s26+$0x10610]  }
0x1c1: {  	v11 =	vld [tilespmem:s26+$0x610]  }
0x1c2: {  	v36 =	vld [tilespmem:s26+$0x104B0]  }
0x1c3: {  	v38 =	vld [tilespmem:s26+$0x4B0]  }
0x1c4: {  	v12 =	vld [tilespmem:s26+$0x105A0]  }
0x1c5: {  	v13 =	vld [tilespmem:s26+$0x680]  }
0x1c6: {  	v14 =	vld [tilespmem:s26+$0x10690]  }
0x1c7: {  	v16 =	vld [tilespmem:s26+$0x690]  }
0x1c8: {  	v18 =	vld [tilespmem:s26+$0x10330]  }
0x1c9: {  	v20 =	vld [tilespmem:s26+$0x330]  }
0x1ca: {  	v15 =	vld [tilespmem:s26+$0x10500]  }
0x1cb: {  	v17 =	vld [tilespmem:s26+$0x10580]  }
0x1cc: {  	v19 =	vld [tilespmem:s26+$0x580]  }
0x1cd: {  	[tilespmem:$0x1FC10] =	vst v41;
	v41 =	vld [tilespmem:s26+$0x10820]  }
0x1ce: {  	[tilespmem:$0x1FC50] =	vst v42;
	v42 =	vld [tilespmem:s26+$0x820]  }
0x1cf: {  	[tilespmem:$0x1FC90] =	vst v50;
	v50 =	vld [tilespmem:s26+$0x7A0]  }
0x1d0: {  	[tilespmem:$0x1FEA0] =	vst v52;
	v52 =	vld [tilespmem:s26+$0x620]  }
0x1d1: {  	[tilespmem:$0x1FCC0] =	vst v0;
	v0 =	vld [tilespmem:s26+$0x10700]  }
0x1d2: {  	[tilespmem:$0x1FC80] =	vst v49;
	v49 =	vld [tilespmem:s26+$0x6A0]  }
0x1d3: {  	[tilespmem:$0x1FE90] =	vst v51;
	v51 =	vld [tilespmem:s26+$0x520]  }
0x1d4: {  	[tilespmem:$0x1FED0] =	vst v12;
	v12 =	vld [tilespmem:s26+$0x10680]  }
0x1d5: {  	[tilespmem:$0x1FEB0] =	vst v55;
	v55 =	vld [tilespmem:s26+$0x10420]  }
0x1d6: {  	[tilespmem:$0x1FCA0] =	vst v58;
	v58 =	vld [tilespmem:s26+$0x420]  }
0x1d7: {  	[tilespmem:$0x1FC70] =	vst v43;
	v43 =	vld [tilespmem:s26+$0x500]  }
0x1d8: {  	[tilespmem:$0x1FC60] =	vst v44;
	v44 =	vld [tilespmem:s26+$0x10510]  }
0x1d9: {  	[tilespmem:$0x1FC20] =	vst v45;
	v45 =	vld [tilespmem:s26+$0x510]  }
0x1da: {  	[tilespmem:$0x1FC30] =	vst v47;
	v47 =	vld [tilespmem:s26+$0x103B0]  }
0x1db: {  	[tilespmem:$0x1FC40] =	vst v48;
	v48 =	vld [tilespmem:s26+$0x3B0]  }
0x1dc: {  	[tilespmem:$0x1FEC0] =	vst v56;
	v56 =	vld [tilespmem:s26+$0x104A0]  }
0x1dd: {  	[tilespmem:$0x1FCB0] =	vst v59;
	v59 =	vld [tilespmem:s26+$0x4A0]  }
0x1de: {  	[tilespmem:$0x1FEE0] =	vst v19;
	v19 =	vld [tilespmem:s26+$0x10590]  }
0x1df: {  	[tilespmem:$0x1FE80] =	vst v46;
	v46 =	vmul.f32 v53, v21;
	v21 =	vld [tilespmem:s26+$0x230]  }
0x1e0: {  	v53 =	vld [tilespmem:s26+$0x10320]  }
0x1e1: {  	v39 =	vmul.f32 v40, v39;
	v40 =	vld [tilespmem:s26+$0x320]  }
0x1e2: {  	v33 =	vmul.f32 v34, v33;
	v34 =	vld [tilespmem:s26+$0x400]  }
0x1e3: {  	v8 =	vmul.f32 v9, v8;
	v9 =	vmul.f32 v11, v10;
	v11 =	vld [tilespmem:$0x1FC40]  }
0x1e4: {  	v54 =	vmul.f32 v57, v54;
	v10 =	vmul.f32 v16, v14;
	v14 =	vld [tilespmem:$0x1FC90]  }
0x1e5: {  	v16 =	vld [tilespmem:$0x1FCB0]  }
0x1e6: {  	v46 =	vadd.f32 v54, v46;
	v54 =	vmul.f32 v61, v60;
	v60 =	vld [tilespmem:s26+$0x10400]  }
0x1e7: {  	v61 =	vmul.f32 v3, v2;
	v3 =	vld [tilespmem:s26+$0x410]  }
0x1e8: {  	[tilespmem:$0x1FEF0] =	vst v19;
	v19 =	vld [tilespmem:s26+$0x590]  }
0x1e9: {  	v8 =	vadd.f32 v9, v8;
	v41 =	vmul.f32 v42, v41;
	v42 =	vld [tilespmem:s26+$0x10410];
	v9 =	vmul.f32 v52, v22  }
0x1ea: {  	v52 =	vmul.f32 v13, v12;
	v12 =	vmul.f32 v43, v15;
	v43 =	vld [tilespmem:$0x1FC50]  }
0x1eb: {  	v13 =	vmul.f32 v45, v44;
	v45 =	vld [tilespmem:$0x1FC60]  }
0x1ec: {  	v39 =	vadd.f32 v39, v46;
	v44 =	vld [tilespmem:$0x1FC70]  }
0x1ed: {  	v57 =	vmul.f32 v63, v62;
	v46 =	vmov v24;
	v24 =	vld [tilespmem:$0x1FC10]  }
0x1ee: {  	v62 =	vadd.f32 v33, v39;
	v39 =	vmul.f32 v26, v27;
	v26 =	vld [tilespmem:s26+$0x3A0]  }
0x1ef: {  	v54 =	vadd.f32 v57, v54;
	v33 =	vld [tilespmem:s26+$0x10490]  }
0x1f0: {  	v0 =	vmul.f32 v1, v0;
	v27 =	vld [tilespmem:s26+$0x10220]  }
0x1f1: {  	v63 =	vadd.f32 v41, v54;
	v54 =	vmul.f32 v7, v6;
	v6 =	vld [tilespmem:s26+$0x10480]  }
0x1f2: {  	v0 =	vadd.f32 v61, v0;
	v61 =	vld [tilespmem:$0x1FC20]  }
0x1f3: {  	v8 =	vadd.f32 v9, v8;
	v9 =	vld [tilespmem:$0x1FC30]  }
0x1f4: {  	v15 =	vmul.f32 v34, v60;
	v34 =	vld [tilespmem:s26+$0x210]  }
0x1f5: {  	v41 =	vmul.f32 v5, v4;
	v12 =	vadd.f32 v13, v12;
	(xrf2) =	vadd.scan.msk.f32 $0xffff, v62;
	v62 =	vld [tilespmem:s26+$0x480]  }
0x1f6: {  	v13 =	vmul.f32 v51, v23;
	v0 =	vadd.f32 v39, v0;
	v39 =	vld [tilespmem:s26+$0x490];
	v29 =	vmul.f32 v29, v24  }
0x1f7: {  	v2 =	vadd.f32 v54, v41;
	v54 =	vld [tilespmem:s26+$0x10300];
	v1 =	vmul.f32 v28, v61  }
0x1f8: {  	v12 =	vadd.f32 v13, v12;
	v13 =	vld [tilespmem:$0x1FCA0];
	v57 =	vadd.f32 v29, v63  }
0x1f9: {  	[tilespmem:$0x1FF00] =	vst v19;
	v19 =	vld [tilespmem:s26+$0x10230];
	v63 =	vmul.f32 v50, v25;
	v0 =	vadd.f32 v1, v0  }
0x1fa: {  	v24 =	vld [tilespmem:s26+$0x103A0];
	v50 =	vmul.f32 v32, v31;
	(xrf2) =	vadd.scan.msk.f32 $0xffff, v57  }
0x1fb: {  	v28 =	vld [tilespmem:s26+$0x220];
	v2 =	vadd.f32 v63, v2;
	(xrf2) =	vadd.scan.msk.f32 $0xffff, v0;
	v0 =	vadd.f32 v10, v52;
	v10 =	vmul.f32 v49, v30  }
0x1fc: {  	v9 =	vmul.f32 v11, v9;
	v11 =	vld [tilespmem:s26+$0x300]  }
0x1fd: {  	v2 =	vadd.f32 v50, v2;
	v0 =	vadd.f32 v10, v0;
	v10 =	vld [tilespmem:$0x1FC80]  }
0x1fe: {  	v61 =	vmul.f32 v37, v35;
	v35 =	vld [tilespmem:s26+$0x280];
	v8 =	vadd.f32 v9, v8  }
0x1ff: {  	v31 =	vld [tilespmem:s26+$0x10200];
	(xrf2) =	vadd.scan.msk.f32 $0xffff, v2  }
0x200: {  	v9 =	vld [tilespmem:s26+$0x310];
	v49, _, _ =	vpop (xrf2);
	(xrf2) =	vadd.scan.msk.f32 $0xffff, v8  }
0x201: {  	v3 =	vmul.f32 v3, v42;
	v13 =	vmul.f32 v16, v13;
	v16 =	vld [tilespmem:s26+$0x390]  }
0x202: {  	v57 =	vld [tilespmem:s26+$0x10310];
	v10 =	vmul.f32 v14, v10  }
0x203: {  	v3 =	vadd.f32 v3, v15;
	v15 =	vmul.f32 v58, v55;
	v8 =	vld [tilespmem:s26+$0x380]  }
0x204: {  	v58 =	vmul.f32 v62, v6;
	v1 =	vmul.f32 v39, v33;
	v14 =	vld [tilespmem:s26+$0x10380];
	v0 =	vadd.f32 v10, v0  }
0x205: {  	p0 =	sne.s32 s29, $0xE000;
	v62 =	vmul.f32 v59, v56;
	v10 =	vld [tilespmem:s26+$0x10390]  }
.Ltmp0:
0x206: {  	v32 =	vld [tilespmem:s26+$0x10210];
	v3 =	vadd.f32 v15, v3;
	v39 =	vmul.f32 v40, v53;
	v23, _, _ =	vpop (xrf2);
	(xrf2) =	vadd.scan.msk.f32 $0xffff, v0;
	v0 =	vadd.f32 v1, v58;
	(pc) =	sbr.rel @p0 .LBB2_2-.Ltmp0, $4  }
0x207: {  	v15 =	vld [tilespmem:$0x1FCC0];
	v60 =	vadd.f32 v13, v12;
	v4 =	vmul.f32 v11, v54;
	v2 =	vmul.f32 v9, v57  }
0x208: {  	v33 =	vld [tilespmem:s26+$0x10280];
	v63 =	vmul.f32 v38, v36;
	v3 =	vadd.f32 v61, v3;
	v25, _, _ =	vpop (xrf2);
	v0 =	vadd.f32 v62, v0  }
0x209: {  	v36 =	vld [tilespmem:s26+$0x10290];
	v11 =	vmov v47;
	v38 =	vadd.f32 v2, v4;
	(xrf2) =	vadd.scan.msk.f32 $0xffff, v60;
	v40 =	vmul.f32 v8, v14;
	v22, _, _ =	vpop (xrf2)  }
0x20a: {  	s29 =	sadd.s32 $0x2000, s29;
	v30 =	vld [tilespmem:s26+$0x200];
	v14 =	vmov v17;
	(xrf2) =	vadd.scan.msk.f32 $0xffff, v3;
	v41 =	vmul.f32 v16, v10;
	v29, _, _ =	vpop (xrf2);
	v37 =	vadd.f32 v63, v0  }
0x20b: {  	_ =	sdelay $0x3  }
0x20c: {  	v9 =	vmul.f32 v34, v32;
	v8 =	vmul.f32 v30, v31  }
0x20d: {  	v0 =	vld [tilespmem:s26+$0x290]  }
0x20e: {  	v1 =	vld [tilespmem:s26+$0x102A0];
	v8 =	vadd.f32 v9, v8;
	v9 =	vmul.f32 v28, v27  }
0x20f: {  	v4 =	vld [tilespmem:s26+$0x2A0]  }
0x210: {  	v2 =	vadd.f32 v39, v38;
	v39 =	vadd.f32 v9, v8;
	v8 =	vld [tilespmem:$0x1FEE0]  }
0x211: {  	v7 =	vld [tilespmem:s26+$0x102B0]  }
0x212: {  	v34 =	vld [tilespmem:s26+$0x2B0]  }
0x213: {  	v10 =	vld [tilespmem:s26+$0x5A0]  }
0x214: {  	v9 =	vld [tilespmem:$0x1FEF0]  }
0x215: {  	v8 =	vmul.f32 v8, v14;
	v14 =	vld [tilespmem:$0x1FF00]  }
0x216: {  	v12 =	vld [tilespmem:s26+$0x105B0]  }
0x217: {  	v38 =	vld [tilespmem:s26+$0x5B0]  }
0x218: {  	v11 =	vmul.f32 v48, v11;
	v48 =	vld [tilespmem:$0x1FED0]  }
0x219: {  	v50 =	vld [tilespmem:$0x1FE90]  }
0x21a: {  	v6 =	vmul.f32 v26, v24;
	v51 =	vld [tilespmem:$0x1FEA0];
	v9 =	vmul.f32 v14, v9  }
0x21b: {  	v52 =	vld [tilespmem:$0x1FEB0];
	v5 =	vadd.f32 v41, v40;
	v35 =	vmul.f32 v35, v33;
	v0 =	vmul.f32 v0, v36  }
0x21c: {  	v3 =	vmul.f32 v20, v18;
	v47 =	vadd.f32 v9, v8;
	v9 =	vld [tilespmem:$0x1FEC0]  }
0x21d: {  	v55 =	vld [tilespmem:$0x1FE80];
	v5 =	vadd.f32 v6, v5;
	v1 =	vmul.f32 v4, v1;
	v0 =	vadd.f32 v0, v35  }
0x21e: {  	v13 =	vmul.f32 v21, v19;
	v2 =	vadd.f32 v3, v2;
	v14 =	vld [tilespmem:s26+$0x8A0]  }
0x21f: {  	(xrf2) =	vadd.scan.msk.f32 $0xffff, v37;
	v41 =	vld [tilespmem:s26+$0x990];
	v5 =	vadd.f32 v11, v5;
	v40 =	vmul.f32 v34, v7;
	v0 =	vadd.f32 v1, v0  }
0x220: {  	(xrf2) =	vadd.scan.msk.f32 $0xffff, v2;
	v7 =	vmul.f32 v10, v48;
	v42 =	vadd.f32 v13, v39;
	v8 =	vld [tilespmem:s26+$0x8B0]  }
0x221: {  	(xrf2) =	vadd.scan.msk.f32 $0xffff, v5;
	v1 =	vmul.f32 v51, v50;
	v0 =	vadd.f32 v40, v0;
	v5 =	vmul.f32 v9, v52;
	v9 =	vld [tilespmem:s26+$0x9A0]  }
0x222: {  	v54 =	vld [tilespmem:s26+$0x109B0];
	v4 =	vmul.f32 v38, v12;
	(xrf2) =	vadd.scan.msk.f32 $0xffff, v42;
	v53 =	vadd.f32 v7, v47  }
0x223: {  	v56 =	vld [tilespmem:s26+$0x9B0];
	(xrf2) =	vadd.scan.msk.f32 $0xffff, v0;
	v1 =	vadd.f32 v5, v1;
	v5 =	vmul.f32 v14, v55  }
0x224: {  	v58 =	vmul.f32 v45, v44;
	v3 =	vmul.f32 v41, v46;
	v57 =	vadd.f32 v4, v53  }
0x225: {  	v59 =	vmul.f32 v8, v43;
	v1 =	vadd.f32 v5, v1  }
0x226: {  	v60, _, _ =	vpop (xrf2);
	v2 =	vadd.f32 v3, v58;
	(xrf2) =	vadd.scan.msk.f32 $0xffff, v57;
	v61 =	vmul.f32 v9, v15  }
0x227: {  	v62, _, _ =	vpop (xrf2);
	v1 =	vadd.f32 v59, v1  }
0x228: {  	v32 =	vmul.f32 v56, v54;
	v63, _, _ =	vpop (xrf2);
	v2 =	vadd.f32 v61, v2  }
0x229: {  	v33, _, _ =	vpop (xrf2);
	(xrf2) =	vadd.scan.msk.f32 $0xffff, v1  }
0x22a: {  	v34, _, _ =	vpop (xrf2);
	v2 =	vadd.f32 v32, v2  }
0x22b: {  	v36 =	vbroadcast v23, $0xF;
	v35, _, _ =	vpop (xrf2)  }
0x22c: {  	v10 =	vbroadcast v25, $0xF;
	v41 =	vbroadcast v60, $0xF;
	v8, _, _ =	vpop (xrf2);
	(xrf2) =	vadd.scan.msk.f32 $0xffff, v2  }
0x22d: {  	v37 =	vbroadcast v63, $0xF;
	v6 =	vbroadcast v33, $0xF;
	v38, _, _ =	vpop (xrf2)  }
0x22e: {  	v8 =	vbroadcast v8, $0xF;
	v4 =	vbroadcast v38, $0xF  }
0x22f: {  	v3 =	vbroadcast v35, $0xF;
	v1 =	vbroadcast v34, $0xF  }
0x230: {  	v0 =	vbroadcast v62, $0xF;
	v8 =	vnsel vm0, $0x0, v8;
	v4 =	vnsel vm1, $0x0, v4;
	v11, _, _ =	vpop (xrf2)  }
0x231: {  	v3 =	vsel vm3, v4, v3;
	v1 =	vsel vm2, v8, v1;
	v39 =	vbroadcast v11, $0xF  }
0x232: {  	v9 =	vbroadcast v29, $0xF;
	v40 =	vsel vm5, v3, v6;
	v1 =	vsel vm4, v1, v37  }
0x233: {  	v43 =	vbroadcast v22, $0xF;
	v0 =	vsel vm6, v1, v0;
	v42 =	vsel vm7, v40, v39;
	v44, _, _ =	vpop (xrf2)  }
0x234: {  	v0 =	vsel vm8, v0, v9;
	v1 =	vsel vm9, v42, v41;
	v45 =	vbroadcast v44, $0xF  }
0x235: {  	v46 =	vbroadcast v49, $0xF;
	v0 =	vsel vm10, v0, v10;
	v1 =	vsel vm11, v1, v43  }
0x236: {  	v0 =	vsel vm12, v0, v36;
	v1 =	vsel vm13, v1, v45;
	v47, _, _ =	vpop (xrf2)  }
0x237: {  	v0 =	vsel vm14, v0, v46;
	v1 =	vsel vm15, v1, v47  }
0x238: {  	v0 =	vadd.f32 v1, v0  }
0x239: {  	s30 =	sadd.s32 $0x10, s28  }
0x23a: {  	[tilespmem:s30+$0x0] =	vst v0  }
0x23b: {  	_ =	swait.ge [sflag:s20], $0x4000  }
0x23c: {  	[sflag:s20] =	ssyncset.done $0x0  }
0x23d: {  	s31 =	simm.s32 $0x0;
	[sflag:s20] =	ssyncadd.s32 $0xFFFFC000  }
0x23e: {  	v24 =	vld [tilespmem:s31+$0x14930]  }
0x23f: {  	v23 =	vld [tilespmem:s31+$0x4930]  }
0x240: {  	v48 =	vld [tilespmem:s31+$0x149A0]  }
0x241: {  	v42 =	vld [tilespmem:s31+$0x14830]  }
0x242: {  	v41 =	vld [tilespmem:s31+$0x4830]  }
0x243: {  	v21 =	vld [tilespmem:s31+$0x14920]  }
0x244: {  	v22 =	vld [tilespmem:s31+$0x4920]  }
0x245: {  	v49 =	vld [tilespmem:s31+$0x148B0]  }
0x246: {  	v50 =	vld [tilespmem:s31+$0x14980]  }
0x247: {  	v51 =	vld [tilespmem:s31+$0x4980]  }
0x248: {  	v52 =	vld [tilespmem:s31+$0x14990]  }
0x249: {  	v32 =	vld [tilespmem:s31+$0x14730]  }
0x24a: {  	v31 =	vld [tilespmem:s31+$0x4730]  }
0x24b: {  	v25 =	vld [tilespmem:s31+$0x14820]  }
0x24c: {  	v26 =	vld [tilespmem:s31+$0x4820]  }
0x24d: {  	v27 =	vld [tilespmem:s31+$0x14900]  }
0x24e: {  	v28 =	vld [tilespmem:s31+$0x4900]  }
0x24f: {  	v29 =	vld [tilespmem:s31+$0x14910]  }
0x250: {  	v30 =	vld [tilespmem:s31+$0x4910]  }
0x251: {  	v34 =	vld [tilespmem:s31+$0x147B0]  }
0x252: {  	v33 =	vld [tilespmem:s31+$0x47B0]  }
0x253: {  	v53 =	vld [tilespmem:s31+$0x148A0]  }
0x254: {  	v54 =	vld [tilespmem:s31+$0x14630]  }
0x255: {  	v55 =	vld [tilespmem:s31+$0x4630]  }
0x256: {  	v35 =	vld [tilespmem:s31+$0x14720]  }
0x257: {  	v36 =	vld [tilespmem:s31+$0x4720]  }
0x258: {  	v37 =	vld [tilespmem:s31+$0x14800]  }
0x259: {  	v38 =	vld [tilespmem:s31+$0x4800]  }
0x25a: {  	v39 =	vld [tilespmem:s31+$0x14810]  }
0x25b: {  	v40 =	vld [tilespmem:s31+$0x4810]  }
0x25c: {  	v60 =	vld [tilespmem:s31+$0x146B0]  }
0x25d: {  	v59 =	vld [tilespmem:s31+$0x46B0]  }
0x25e: {  	v43 =	vld [tilespmem:s31+$0x147A0]  }
0x25f: {  	v44 =	vld [tilespmem:s31+$0x47A0]  }
0x260: {  	v56 =	vld [tilespmem:s31+$0x14880]  }
0x261: {  	v57 =	vld [tilespmem:s31+$0x4880]  }
0x262: {  	v58 =	vld [tilespmem:s31+$0x14890]  }
0x263: {  	v61 =	vld [tilespmem:s31+$0x4890]  }
0x264: {  	v62 =	vld [tilespmem:s31+$0x14530]  }
0x265: {  	v63 =	vld [tilespmem:s31+$0x4530]  }
0x266: {  	v47 =	vld [tilespmem:s31+$0x14620]  }
0x267: {  	v4 =	vld [tilespmem:s31+$0x14430]  }
0x268: {  	v5 =	vld [tilespmem:s31+$0x4430]  }
0x269: {  	v7 =	vld [tilespmem:s31+$0x14610]  }
0x26a: {  	v46 =	vld [tilespmem:s31+$0x144B0]  }
0x26b: {  	v45 =	vld [tilespmem:s31+$0x44B0]  }
0x26c: {  	v6 =	vld [tilespmem:s31+$0x145A0]  }
0x26d: {  	v14 =	vld [tilespmem:s31+$0x14680]  }
0x26e: {  	v13 =	vld [tilespmem:s31+$0x4680]  }
0x26f: {  	v12 =	vld [tilespmem:s31+$0x14690]  }
0x270: {  	v11 =	vld [tilespmem:s31+$0x4690]  }
0x271: {  	v18 =	vld [tilespmem:s31+$0x14420]  }
0x272: {  	v15 =	vld [tilespmem:s31+$0x4420]  }
0x273: {  	v10 =	vld [tilespmem:s31+$0x14500]  }
0x274: {  	v9 =	vld [tilespmem:s31+$0x4500]  }
0x275: {  	v8 =	vld [tilespmem:s31+$0x14510]  }
0x276: {  	v0 =	vld [tilespmem:s31+$0x143B0]  }
0x277: {  	v20 =	vld [tilespmem:s31+$0x144A0]  }
0x278: {  	v19 =	vld [tilespmem:s31+$0x44A0]  }
0x279: {  	v17 =	vld [tilespmem:s31+$0x14320]  }
0x27a: {  	v16 =	vld [tilespmem:s31+$0x4320]  }
0x27b: {  	v3 =	vld [tilespmem:s31+$0x14400]  }
0x27c: {  	v2 =	vld [tilespmem:s31+$0x4400]  }
0x27d: {  	v1 =	vld [tilespmem:s31+$0x14410]  }
0x27e: {  	[tilespmem:$0x1FA80] =	vst v48;
	v48 =	vld [tilespmem:s31+$0x4620]  }
0x27f: {  	[tilespmem:$0x1FA70] =	vst v49;
	v49 =	vld [tilespmem:s31+$0x14700]  }
0x280: {  	[tilespmem:$0x1FA40] =	vst v50;
	v50 =	vld [tilespmem:s31+$0x4700]  }
0x281: {  	[tilespmem:$0x1FA50] =	vst v51;
	v51 =	vld [tilespmem:s31+$0x14710]  }
0x282: {  	[tilespmem:$0x1FA60] =	vst v52;
	v52 =	vld [tilespmem:s31+$0x4710]  }
0x283: {  	[tilespmem:$0x1FA30] =	vst v53;
	v53 =	vld [tilespmem:s31+$0x146A0]  }
0x284: {  	[tilespmem:$0x1F8E0] =	vst v54;
	v54 =	vld [tilespmem:s31+$0x46A0]  }
0x285: {  	[tilespmem:$0x1F8F0] =	vst v55;
	v55 =	vld [tilespmem:s31+$0x14780]  }
0x286: {  	[tilespmem:$0x1F9F0] =	vst v56;
	v56 =	vld [tilespmem:s31+$0x4780]  }
0x287: {  	[tilespmem:$0x1FA00] =	vst v57;
	v57 =	vld [tilespmem:s31+$0x14790]  }
0x288: {  	[tilespmem:$0x1FA10] =	vst v58;
	v58 =	vld [tilespmem:s31+$0x4790]  }
0x289: {  	[tilespmem:$0x1FA20] =	vst v61;
	v61 =	vld [tilespmem:s31+$0x14520]  }
0x28a: {  	[tilespmem:$0x1F900] =	vst v62;
	v62 =	vld [tilespmem:s31+$0x4520]  }
0x28b: {  	[tilespmem:$0x1F910] =	vst v63;
	v63 =	vld [tilespmem:s31+$0x14600]  }
0x28c: {  	[tilespmem:$0x1F930] =	vst v5;
	v5 =	vld [tilespmem:s31+$0x4600]  }
0x28d: {  	[tilespmem:$0x1F920] =	vst v4;
	v4 =	vld [tilespmem:s31+$0x4610]  }
0x28e: {  	[tilespmem:$0x1F9E0] =	vst v6;
	v6 =	vld [tilespmem:s31+$0x14330]  }
0x28f: {  	[tilespmem:$0x1F960] =	vst v0;
	v0 =	vld [tilespmem:s31+$0x43B0]  }
0x290: {  	v27 =	vmul.f32 v28, v27;
	v28 =	vmul.f32 v30, v29;
	v29 =	vld [tilespmem:s31+$0x143A0]  }
0x291: {  	v30 =	vld [tilespmem:s31+$0x43A0]  }
0x292: {  	v21 =	vmul.f32 v22, v21;
	v22 =	vld [tilespmem:s31+$0x14480]  }
0x293: {  	v23 =	vmul.f32 v23, v24;
	v24 =	vld [tilespmem:s31+$0x14490]  }
0x294: {  	v25 =	vmul.f32 v26, v25;
	v26 =	vld [tilespmem:s31+$0x4490]  }
0x295: {  	v35 =	vmul.f32 v36, v35;
	v36 =	vld [tilespmem:s31+$0x14300]  }
0x296: {  	v13 =	vmul.f32 v13, v14;
	v14 =	vld [tilespmem:s31+$0x4380]  }
0x297: {  	v40 =	vmul.f32 v40, v39;
	v39 =	vld [tilespmem:s31+$0x14200];
	v27 =	vadd.f32 v28, v27;
	v28 =	vmul.f32 v38, v37  }
0x298: {  	v38 =	vld [tilespmem:s31+$0x4480]  }
0x299: {  	v21 =	vadd.f32 v21, v27;
	v27 =	vadd.f32 v40, v28;
	v40 =	vld [tilespmem:s31+$0x4220]  }
0x29a: {  	[tilespmem:$0x1F940] =	vst v6;
	v6 =	vld [tilespmem:s31+$0x4330]  }
0x29b: {  	[tilespmem:$0x1F970] =	vst v0;
	v0 =	vld [tilespmem:s31+$0x14580]  }
0x29c: {  	v28 =	vmul.f32 v50, v49;
	v52 =	vmul.f32 v52, v51;
	v51 =	vld [tilespmem:s31+$0x4300]  }
0x29d: {  	v49 =	vmul.f32 v58, v57;
	v58 =	vmul.f32 v9, v10;
	v9 =	vld [tilespmem:$0x1F8E0]  }
0x29e: {  	v10 =	vld [tilespmem:$0x1F8F0]  }
0x29f: {  	v5 =	vmul.f32 v5, v63;
	v63 =	vld [tilespmem:s31+$0x4200]  }
0x2a0: {  	[tilespmem:$0x1F9A0] =	vst v0;
	v0 =	vld [tilespmem:s31+$0x4580]  }
0x2a1: {  	v50 =	vmul.f32 v44, v43;
	v43 =	vld [tilespmem:$0x1F900]  }
0x2a2: {  	v44 =	vld [tilespmem:$0x1F910]  }
0x2a3: {  	v57 =	vmul.f32 v48, v47;
	v47 =	vld [tilespmem:s31+$0x14210]  }
0x2a4: {  	v48 =	vmul.f32 v15, v18;
	v18 =	vld [tilespmem:s31+$0x4280]  }
0x2a5: {  	[tilespmem:$0x1F9B0] =	vst v0;
	v0 =	vld [tilespmem:s31+$0x14590]  }
0x2a6: {  	v15 =	vmul.f32 v26, v24;
	v24 =	vld [tilespmem:$0x1F930]  }
0x2a7: {  	v62 =	vmul.f32 v62, v61;
	v61 =	vld [tilespmem:$0x1F9E0]  }
0x2a8: {  	v21 =	vadd.f32 v23, v21;
	v23 =	vld [tilespmem:s31+$0x14220]  }
0x2a9: {  	v25 =	vadd.f32 v25, v27;
	v27 =	vmul.f32 v56, v55;
	v56 =	vld [tilespmem:s31+$0x4310]  }
0x2aa: {  	[tilespmem:$0x1F9C0] =	vst v0;
	v0 =	vld [tilespmem:s31+$0x4590]  }
0x2ab: {  	v55 =	vmul.f32 v33, v34;
	v33 =	vld [tilespmem:$0x1F9F0]  }
0x2ac: {  	v28 =	vadd.f32 v52, v28;
	v52 =	vld [tilespmem:s31+$0x14310]  }
0x2ad: {  	v27 =	vadd.f32 v49, v27;
	v49 =	vld [tilespmem:s31+$0x14280]  }
0x2ae: {  	v11 =	vmul.f32 v11, v12;
	[tilespmem:$0x1F950] =	vst v6;
	v6 =	vld [tilespmem:s31+$0x4510]  }
0x2af: {  	v31 =	vmul.f32 v31, v32;
	v4 =	vmul.f32 v4, v7;
	v28 =	vadd.f32 v35, v28;
	[tilespmem:$0x1F9D0] =	vst v0;
	v0 =	vld [tilespmem:s31+$0x14230]  }
0x2b0: {  	v9 =	vmul.f32 v10, v9;
	v10 =	vadd.f32 v11, v13;
	v11 =	vmul.f32 v54, v53;
	v13 =	vld [tilespmem:s31+$0x4390]  }
0x2b1: {  	v27 =	vadd.f32 v50, v27;
	v50 =	vmul.f32 v51, v36;
	v51 =	vmul.f32 v16, v17;
	v16 =	vld [tilespmem:s31+$0x4290]  }
0x2b2: {  	v4 =	vadd.f32 v4, v5;
	v28 =	vadd.f32 v31, v28;
	v31 =	vld [tilespmem:s31+$0x14380]  }
0x2b3: {  	v41 =	vmul.f32 v41, v42;
	v10 =	vadd.f32 v11, v10;
	v11 =	vmul.f32 v38, v22;
	v22 =	vld [tilespmem:$0x1F920]  }
0x2b4: {  	v4 =	vadd.f32 v57, v4;
	v12 =	vadd.f32 v55, v27;
	v27 =	vmul.f32 v59, v60;
	[tilespmem:$0x1F980] =	vst v0;
	v0 =	vld [tilespmem:s31+$0x4230]  }
0x2b5: {  	v25 =	vadd.f32 v41, v25;
	v7 =	vmul.f32 v56, v52;
	v52 =	vld [tilespmem:$0x1F940]  }
0x2b6: {  	v41 =	vadd.f32 v9, v4;
	v9 =	vadd.f32 v27, v10;
	v10 =	vld [tilespmem:s31+$0x4210]  }
0x2b7: {  	(xrf2) =	vadd.scan.msk.f32 $0xffff, v21;
	v11 =	vadd.f32 v15, v11;
	v15 =	vmul.f32 v19, v20;
	v19 =	vld [tilespmem:s31+$0x14290]  }
0x2b8: {  	(xrf2) =	vadd.scan.msk.f32 $0xffff, v25;
	v6 =	vmul.f32 v6, v8;
	v8 =	vld [tilespmem:s31+$0x14390]  }
0x2b9: {  	(xrf2) =	vadd.scan.msk.f32 $0xffff, v28;
	[tilespmem:$0x1F990] =	vst v0;
	v0 =	vld [tilespmem:s31+$0x4410]  }
0x2ba: {  	(xrf2) =	vadd.scan.msk.f32 $0xffff, v12;
	v12 =	vld [tilespmem:$0x1F970]  }
0x2bb: {  	(xrf2) =	vadd.scan.msk.f32 $0xffff, v41;
	v11 =	vadd.f32 v15, v11;
	v15 =	vld [tilespmem:$0x1F950]  }
0x2bc: {  	(xrf2) =	vadd.scan.msk.f32 $0xffff, v9;
	v9 =	vld [tilespmem:$0x1F960];
	v5 =	vadd.f32 v6, v58  }
0x2bd: {  	v14 =	vmul.f32 v14, v31;
	v59 =	vld [tilespmem:$0x1F9B0];
	v8 =	vmul.f32 v13, v8  }
0x2be: {  	v2 =	vmul.f32 v2, v3;
	v42 =	vadd.f32 v62, v5;
	v13 =	vld [tilespmem:s31+$0x142A0];
	v0 =	vmul.f32 v0, v1  }
0x2bf: {  	v5 =	vmul.f32 v44, v43;
	v8 =	vadd.f32 v8, v14;
	v14 =	vmul.f32 v30, v29;
	v56 =	vld [tilespmem:$0x1F980]  }
0x2c0: {  	v0 =	vadd.f32 v0, v2;
	v2 =	vadd.f32 v7, v50;
	v7 =	vmul.f32 v15, v52;
	v15 =	vld [tilespmem:s31+$0x42A0]  }
0x2c1: {  	v54 =	vadd.f32 v14, v8;
	v14 =	vld [tilespmem:$0x1F990]  }
0x2c2: {  	v58 =	vld [tilespmem:$0x1F9A0];
	v4 =	vadd.f32 v5, v42;
	v5 =	vmul.f32 v18, v49  }
0x2c3: {  	v9 =	vmul.f32 v12, v9;
	v12 =	vld [tilespmem:s31+$0x145B0];
	v8 =	vmul.f32 v16, v19  }
0x2c4: {  	v60 =	vld [tilespmem:$0x1F9C0]  }
0x2c5: {  	v6 =	vmul.f32 v10, v47;
	v5 =	vadd.f32 v8, v5;
	v8 =	vmul.f32 v15, v13;
	v13 =	vld [tilespmem:s31+$0x45B0]  }
0x2c6: {  	(xrf2) =	vadd.scan.msk.f32 $0xffff, v4;
	v1 =	vmul.f32 v63, v39;
	v4 =	vmul.f32 v14, v56;
	v14 =	vld [tilespmem:$0x1F9D0]  }
0x2c7: {  	v34 =	vld [tilespmem:$0x1FA00];
	v22 =	vmul.f32 v24, v22;
	v0 =	vadd.f32 v48, v0  }
0x2c8: {  	v55 =	vmul.f32 v40, v23;
	v20 =	vmul.f32 v45, v46;
	v10 =	vld [tilespmem:s31+$0x45A0];
	v1 =	vadd.f32 v6, v1  }
0x2c9: {  	v41 =	vld [tilespmem:$0x1FA40];
	v2 =	vadd.f32 v51, v2;
	v0 =	vadd.f32 v22, v0  }
0x2ca: {  	v11 =	vadd.f32 v20, v11;
	v57 =	vadd.f32 v55, v1;
	v37 =	vmul.f32 v13, v12;
	v13 =	vld [tilespmem:$0x1FA50]  }
0x2cb: {  	v35 =	vld [tilespmem:$0x1FA10];
	v1 =	vmul.f32 v59, v58;
	v2 =	vadd.f32 v7, v2;
	v6 =	vmul.f32 v14, v60;
	(xrf2) =	vadd.scan.msk.f32 $0xffff, v0  }
0x2cc: {  	v17 =	vld [tilespmem:s31+$0x142B0];
	(xrf2) =	vadd.scan.msk.f32 $0xffff, v11  }
0x2cd: {  	v53 =	vld [tilespmem:s31+$0x42B0];
	v1 =	vadd.f32 v6, v1;
	(xrf2) =	vadd.scan.msk.f32 $0xffff, v2;
	v2 =	vmul.f32 v10, v61  }
0x2ce: {  	v5 =	vadd.f32 v8, v5;
	v8 =	vld [tilespmem:s31+$0x4990]  }
0x2cf: {  	v36 =	vadd.f32 v2, v1;
	v1 =	vmul.f32 v13, v41;
	v13 =	vld [tilespmem:$0x1FA60]  }
0x2d0: {  	v3 =	vadd.f32 v9, v54;
	v9 =	vld [tilespmem:$0x1FA20]  }
0x2d1: {  	v62 =	vld [tilespmem:s31+$0x48B0]  }
0x2d2: {  	v42 =	vld [tilespmem:$0x1FA70]  }
0x2d3: {  	v39 =	vld [tilespmem:$0x1FA30];
	v7 =	vmul.f32 v53, v17  }
0x2d4: {  	v14 =	vld [tilespmem:s31+$0x48A0];
	v8 =	vmul.f32 v8, v13  }
0x2d5: {  	v32 =	vadd.f32 v7, v5;
	v7 =	vmul.f32 v9, v35;
	v9 =	vld [tilespmem:s31+$0x49A0]  }
0x2d6: {  	v0 =	vadd.f32 v4, v57;
	v1 =	vadd.f32 v8, v1;
	v8 =	vld [tilespmem:$0x1FA80]  }
0x2d7: {  	v63, _, _ =	vpop (xrf2);
	(xrf2) =	vadd.scan.msk.f32 $0xffff, v3;
	v5 =	vmul.f32 v34, v33  }
0x2d8: {  	v38 =	vld [tilespmem:s31+$0x149B0];
	v10, _, _ =	vpop (xrf2);
	(xrf2) =	vadd.scan.msk.f32 $0xffff, v0  }
0x2d9: {  	v11, _, _ =	vpop (xrf2);
	v12 =	vld [tilespmem:s31+$0x49B0];
	v5 =	vadd.f32 v7, v5;
	v7 =	vmul.f32 v14, v39;
	(xrf2) =	vadd.scan.msk.f32 $0xffff, v32  }
0x2da: {  	v40, _, _ =	vpop (xrf2);
	v0 =	vadd.f32 v37, v36  }
0x2db: {  	v4 =	vmul.f32 v62, v42;
	v5 =	vadd.f32 v7, v5;
	v13, _, _ =	vpop (xrf2);
	v8 =	vmul.f32 v9, v8  }
0x2dc: {  	(xrf2) =	vadd.scan.msk.f32 $0xffff, v0;
	v43, _, _ =	vpop (xrf2)  }
0x2dd: {  	v4 =	vadd.f32 v4, v5;
	v44, _, _ =	vpop (xrf2)  }
0x2de: {  	v2 =	vmul.f32 v12, v38;
	v45, _, _ =	vpop (xrf2);
	v1 =	vadd.f32 v8, v1  }
0x2df: {  	(xrf2) =	vadd.scan.msk.f32 $0xffff, v4;
	v8, _, _ =	vpop (xrf2)  }
0x2e0: {  	v1 =	vadd.f32 v2, v1;
	v46, _, _ =	vpop (xrf2)  }
0x2e1: {  	v11 =	vbroadcast v11, $0xF;
	v47, _, _ =	vpop (xrf2)  }
0x2e2: {  	v12 =	vbroadcast v13, $0xF;
	v9 =	vbroadcast v10, $0xF;
	v10, _, _ =	vpop (xrf2);
	(xrf2) =	vadd.scan.msk.f32 $0xffff, v1  }
0x2e3: {  	v0 =	vbroadcast v44, $0xF;
	v48 =	vbroadcast v45, $0xF;
	v49, _, _ =	vpop (xrf2)  }
0x2e4: {  	v10 =	vbroadcast v10, $0xF;
	v5 =	vbroadcast v49, $0xF  }
0x2e5: {  	v4 =	vbroadcast v46, $0xF;
	v2 =	vbroadcast v47, $0xF  }
0x2e6: {  	v8 =	vbroadcast v8, $0xF;
	v13, _, _ =	vpop (xrf2);
	v10 =	vnsel vm0, $0x0, v10;
	v5 =	vnsel vm1, $0x0, v5  }
0x2e7: {  	v50 =	vbroadcast v13, $0xF;
	v4 =	vsel vm2, v10, v4;
	v2 =	vsel vm3, v5, v2  }
0x2e8: {  	v51 =	vbroadcast v43, $0xF;
	v1 =	vsel vm4, v4, v48;
	v2 =	vsel vm5, v2, v8  }
0x2e9: {  	v53 =	vbroadcast v40, $0xF;
	v54, _, _ =	vpop (xrf2);
	v0 =	vsel vm6, v1, v0;
	v52 =	vsel vm7, v2, v50  }
0x2ea: {  	v3 =	vbroadcast v54, $0xF;
	v0 =	vsel vm8, v0, v12;
	v1 =	vsel vm9, v52, v51  }
0x2eb: {  	v55 =	vbroadcast v63, $0xF;
	v0 =	vsel vm10, v0, v11;
	v1 =	vsel vm11, v1, v53  }
0x2ec: {  	v0 =	vsel vm12, v0, v9;
	v1 =	vsel vm13, v1, v3;
	v56, _, _ =	vpop (xrf2)  }
0x2ed: {  	v0 =	vsel vm14, v0, v55;
	v1 =	vsel vm15, v1, v56  }
0x2ee: {  	v0 =	vadd.f32 v1, v0  }
0x2ef: {  	s26 =	simm.s32 $0x18280  }
0x2f0: {  	s28 =	simm.s32 $0x800;
	[tilespmem:s26+$0x0] =	vst v0  }
0x2f1: {  	v0 =	vld [tilespmem:s28+$0x14930]  }
0x2f2: {  	v57 =	vld [tilespmem:s28+$0x4930]  }
0x2f3: {  	v15 =	vld [tilespmem:s28+$0x149A0]  }
0x2f4: {  	v58 =	vld [tilespmem:s28+$0x14830]  }
0x2f5: {  	v59 =	vld [tilespmem:s28+$0x4830]  }
0x2f6: {  	v4 =	vld [tilespmem:s28+$0x14920]  }
0x2f7: {  	v26 =	vld [tilespmem:s28+$0x4920]  }
0x2f8: {  	v44 =	vld [tilespmem:s28+$0x148B0]  }
0x2f9: {  	v45 =	vld [tilespmem:s28+$0x14980]  }
0x2fa: {  	v46 =	vld [tilespmem:s28+$0x4980]  }
0x2fb: {  	v60 =	vld [tilespmem:s28+$0x14990]  }
0x2fc: {  	v61 =	vld [tilespmem:s28+$0x14730]  }
0x2fd: {  	v62 =	vld [tilespmem:s28+$0x4730]  }
0x2fe: {  	v3 =	vld [tilespmem:s28+$0x14820]  }
0x2ff: {  	v24 =	vld [tilespmem:s28+$0x4820]  }
0x300: {  	v31 =	vld [tilespmem:s28+$0x14900]  }
0x301: {  	v32 =	vld [tilespmem:s28+$0x4900]  }
0x302: {  	v33 =	vld [tilespmem:s28+$0x14910]  }
0x303: {  	v34 =	vld [tilespmem:s28+$0x4910]  }
0x304: {  	v63 =	vld [tilespmem:s28+$0x147B0]  }
0x305: {  	v5 =	vld [tilespmem:s28+$0x47B0]  }
0x306: {  	v6 =	vld [tilespmem:s28+$0x148A0]  }
0x307: {  	v7 =	vld [tilespmem:s28+$0x14630]  }
0x308: {  	v35 =	vld [tilespmem:s28+$0x4630]  }
0x309: {  	v28 =	vld [tilespmem:s28+$0x14720]  }
0x30a: {  	v27 =	vld [tilespmem:s28+$0x4720]  }
0x30b: {  	v41 =	vld [tilespmem:s28+$0x14800]  }
0x30c: {  	v42 =	vld [tilespmem:s28+$0x4800]  }
0x30d: {  	v2 =	vld [tilespmem:s28+$0x4810]  }
0x30e: {  	v12 =	vld [tilespmem:s28+$0x146B0]  }
0x30f: {  	v13 =	vld [tilespmem:s28+$0x46B0]  }
0x310: {  	v36 =	vld [tilespmem:s28+$0x14880]  }
0x311: {  	v37 =	vld [tilespmem:s28+$0x4880]  }
0x312: {  	v38 =	vld [tilespmem:s28+$0x14890]  }
0x313: {  	v39 =	vld [tilespmem:s28+$0x4890]  }
0x314: {  	v40 =	vld [tilespmem:s28+$0x14530]  }
0x315: {  	v10 =	vld [tilespmem:s28+$0x4530]  }
0x316: {  	v51 =	vld [tilespmem:s28+$0x14620]  }
0x317: {  	v52 =	vld [tilespmem:s28+$0x4620]  }
0x318: {  	v53 =	vld [tilespmem:s28+$0x14700]  }
0x319: {  	v54 =	vld [tilespmem:s28+$0x4700]  }
0x31a: {  	v55 =	vld [tilespmem:s28+$0x14710]  }
0x31b: {  	v56 =	vld [tilespmem:s28+$0x4710]  }
0x31c: {  	v43 =	vld [tilespmem:s28+$0x146A0]  }
0x31d: {  	v48 =	vld [tilespmem:s28+$0x4430]  }
0x31e: {  	v47 =	vld [tilespmem:s28+$0x14520]  }
0x31f: {  	v49 =	vld [tilespmem:s28+$0x4520]  }
0x320: {  	v25 =	vld [tilespmem:s28+$0x14600]  }
0x321: {  	v23 =	vld [tilespmem:s28+$0x4600]  }
0x322: {  	v22 =	vld [tilespmem:s28+$0x14610]  }
0x323: {  	v1 =	vld [tilespmem:s28+$0x4610]  }
0x324: {  	v16 =	vld [tilespmem:s28+$0x144B0]  }
0x325: {  	v17 =	vld [tilespmem:s28+$0x44B0]  }
0x326: {  	v50 =	vld [tilespmem:s28+$0x145A0]  }
0x327: {  	v29 =	vld [tilespmem:s28+$0x4690]  }
0x328: {  	v18 =	vld [tilespmem:s28+$0x14330]  }
0x329: {  	v20 =	vld [tilespmem:s28+$0x4330]  }
0x32a: {  	v8 =	vld [tilespmem:s28+$0x4420]  }
0x32b: {  	v30 =	vld [tilespmem:s28+$0x4510]  }
0x32c: {  	v11 =	vld [tilespmem:s28+$0x143B0]  }
0x32d: {  	v14 =	vld [tilespmem:s28+$0x14580]  }
0x32e: {  	v19 =	vld [tilespmem:s28+$0x14230]  }
0x32f: {  	v21 =	vld [tilespmem:s28+$0x4230]  }
0x330: {  	v9 =	vld [tilespmem:s28+$0x4320]  }
0x331: {  	[tilespmem:$0x1FB20] =	vst v0;
	v0 =	vld [tilespmem:s28+$0x14810]  }
0x332: {  	[tilespmem:$0x1FB90] =	vst v5;
	v5 =	vld [tilespmem:s28+$0x147A0]  }
0x333: {  	[tilespmem:$0x1FBA0] =	vst v7;
	v7 =	vld [tilespmem:s28+$0x47A0]  }
0x334: {  	[tilespmem:$0x1FB40] =	vst v58;
	v58 =	vld [tilespmem:s28+$0x46A0]  }
0x335: {  	[tilespmem:$0x1FB50] =	vst v59;
	v59 =	vld [tilespmem:s28+$0x14780]  }
0x336: {  	[tilespmem:$0x1FA90] =	vst v60;
	v60 =	vld [tilespmem:s28+$0x4780]  }
0x337: {  	[tilespmem:$0x1FB60] =	vst v61;
	v61 =	vld [tilespmem:s28+$0x14790]  }
0x338: {  	[tilespmem:$0x1FB70] =	vst v62;
	v62 =	vld [tilespmem:s28+$0x4790]  }
0x339: {  	[tilespmem:$0x1FBC0] =	vst v43;
	v43 =	vld [tilespmem:s28+$0x14430]  }
0x33a: {  	[tilespmem:$0x1FBF0] =	vst v40;
	v40 =	vld [tilespmem:s28+$0x14680]  }
0x33b: {  	[tilespmem:$0x1FBB0] =	vst v35;
	v35 =	vld [tilespmem:s28+$0x4680]  }
0x33c: {  	[tilespmem:$0x1FAD0] =	vst v38;
	v38 =	vld [tilespmem:s28+$0x14690]  }
0x33d: {  	[tilespmem:$0x1FAF0] =	vst v50;
	v50 =	vld [tilespmem:s28+$0x14420]  }
0x33e: {  	[tilespmem:$0x1FAE0] =	vst v39;
	v39 =	vld [tilespmem:s28+$0x14500]  }
0x33f: {  	[tilespmem:$0x1FAB0] =	vst v36;
	v36 =	vld [tilespmem:s28+$0x4500]  }
0x340: {  	[tilespmem:$0x1FAC0] =	vst v37;
	v37 =	vld [tilespmem:s28+$0x14510]  }
0x341: {  	[tilespmem:$0x1FBE0] =	vst v49;
	v49 =	vld [tilespmem:s28+$0x43B0]  }
0x342: {  	[tilespmem:$0x1FB80] =	vst v63;
	v63 =	vld [tilespmem:s28+$0x144A0]  }
0x343: {  	[tilespmem:$0x1FB30] =	vst v57;
	v57 =	vld [tilespmem:s28+$0x44A0]  }
0x344: {  	[tilespmem:$0x1FBD0] =	vst v47;
	v47 =	vld [tilespmem:s28+$0x4580]  }
0x345: {  	[tilespmem:$0x1FAA0] =	vst v6;
	v6 =	vld [tilespmem:s28+$0x14590]  }
0x346: {  	v31 =	vmul.f32 v32, v31;
	v32 =	vmul.f32 v34, v33;
	v33 =	vld [tilespmem:s28+$0x14400]  }
0x347: {  	v34 =	vld [tilespmem:s28+$0x4400]  }
0x348: {  	v3 =	vmul.f32 v24, v3;
	v24 =	vld [tilespmem:s28+$0x143A0]  }
0x349: {  	v1 =	vmul.f32 v1, v22;
	v22 =	vld [tilespmem:s28+$0x14490]  }
0x34a: {  	v26 =	vmul.f32 v26, v4;
	v23 =	vmul.f32 v23, v25;
	v4 =	vld [tilespmem:$0x1FB30]  }
0x34b: {  	v31 =	vadd.f32 v32, v31;
	v32 =	vld [tilespmem:s28+$0x14410]  }
0x34c: {  	v1 =	vadd.f32 v1, v23;
	v23 =	vmul.f32 v52, v51;
	v51 =	vld [tilespmem:$0x1FBE0]  }
0x34d: {  	v31 =	vadd.f32 v26, v31;
	v26 =	vld [tilespmem:s28+$0x43A0]  }
0x34e: {  	[tilespmem:$0x1FB00] =	vst v6;
	v6 =	vld [tilespmem:s28+$0x4590]  }
0x34f: {  	v41 =	vmul.f32 v42, v41;
	v42 =	vmul.f32 v2, v0;
	v0 =	vld [tilespmem:s28+$0x4410]  }
0x350: {  	v2 =	vld [tilespmem:$0x1FB20]  }
0x351: {  	v60 =	vmul.f32 v60, v59;
	v59 =	vmul.f32 v62, v61;
	v61 =	vld [tilespmem:$0x1FB60]  }
0x352: {  	v62 =	vld [tilespmem:$0x1FB70]  }
0x353: {  	v30 =	vmul.f32 v30, v37;
	v37 =	vld [tilespmem:s28+$0x4380]  }
0x354: {  	v41 =	vadd.f32 v42, v41;
	v42 =	vmul.f32 v54, v53;
	v53 =	vld [tilespmem:s28+$0x14480]  }
0x355: {  	v54 =	vld [tilespmem:s28+$0x4480]  }
0x356: {  	v41 =	vadd.f32 v3, v41;
	v3 =	vld [tilespmem:s28+$0x4490];
	v2 =	vmul.f32 v4, v2  }
0x357: {  	v4 =	vmul.f32 v56, v55;
	v56 =	vld [tilespmem:$0x1FB50]  }
0x358: {  	v31 =	vadd.f32 v2, v31;
	v2 =	vld [tilespmem:$0x1FB40]  }
0x359: {  	[tilespmem:$0x1FB10] =	vst v6;
	v6 =	vld [tilespmem:s28+$0x14320]  }
0x35a: {  	v27 =	vmul.f32 v27, v28;
	v55 =	vld [tilespmem:$0x1FB80];
	v28 =	vadd.f32 v4, v42  }
0x35b: {  	v4 =	vmul.f32 v62, v61;
	v61 =	vld [tilespmem:$0x1FBC0]  }
0x35c: {  	v25 =	vadd.f32 v27, v28;
	v28 =	vadd.f32 v59, v60;
	v60 =	vmul.f32 v7, v5;
	v59 =	vld [tilespmem:$0x1FBA0]  }
0x35d: {  	v2 =	vmul.f32 v56, v2;
	v56 =	vld [tilespmem:$0x1FB90]  }
0x35e: {  	v42 =	vadd.f32 v60, v28;
	v60 =	vld [tilespmem:$0x1FBB0]  }
0x35f: {  	v62 =	vld [tilespmem:s28+$0x4310]  }
0x360: {  	v27 =	vld [tilespmem:s28+$0x14220]  }
0x361: {  	v7 =	vld [tilespmem:s28+$0x14390];
	v41 =	vadd.f32 v2, v41  }
0x362: {  	(xrf2) =	vadd.scan.msk.f32 $0xffff, v31;
	v5 =	vmul.f32 v34, v33;
	v34 =	vld [tilespmem:s28+$0x4210];
	v25 =	vadd.f32 v4, v25;
	v2 =	vmul.f32 v56, v55  }
0x363: {  	v1 =	vadd.f32 v23, v1;
	v4 =	vld [tilespmem:s28+$0x14300];
	v23 =	vmul.f32 v60, v59;
	(xrf2) =	vadd.scan.msk.f32 $0xffff, v41  }
0x364: {  	v29 =	vmul.f32 v29, v38;
	(xrf2) =	vadd.scan.msk.f32 $0xffff, v25;
	v25 =	vmul.f32 v35, v40;
	v40 =	vld [tilespmem:$0x1FBD0];
	v31 =	vadd.f32 v2, v42  }
0x365: {  	v56 =	vld [tilespmem:$0x1FBF0];
	v1 =	vadd.f32 v23, v1  }
0x366: {  	v41 =	vld [tilespmem:s28+$0x4300];
	v23 =	vmul.f32 v58, v61;
	v25 =	vadd.f32 v29, v25;
	(xrf2) =	vadd.scan.msk.f32 $0xffff, v31  }
0x367: {  	v22 =	vmul.f32 v3, v22;
	v35 =	vld [tilespmem:s28+$0x14310];
	v29 =	vmul.f32 v36, v39;
	(xrf2) =	vadd.scan.msk.f32 $0xffff, v1  }
0x368: {  	v33 =	vld [tilespmem:s28+$0x14280];
	v61 =	vmul.f32 v57, v63;
	v23 =	vadd.f32 v23, v25;
	v25 =	vmul.f32 v13, v12  }
0x369: {  	v28 =	vld [tilespmem:s28+$0x4220];
	v31 =	vmul.f32 v0, v32;
	v29 =	vadd.f32 v30, v29;
	v52 =	vmul.f32 v51, v40  }
0x36a: {  	[tilespmem:$0x1FC00] =	vst v9;
	v55 =	vld [tilespmem:s28+$0x4390];
	v58 =	vmul.f32 v10, v56;
	v25 =	vadd.f32 v25, v23;
	v23 =	vmul.f32 v54, v53  }
0x36b: {  	v63 =	vld [tilespmem:$0x1FC00];
	v1 =	vadd.f32 v31, v5;
	v31 =	vmul.f32 v8, v50;
	v29 =	vadd.f32 v52, v29  }
0x36c: {  	v36 =	vld [tilespmem:s28+$0x14380];
	v41 =	vmul.f32 v41, v4;
	v35 =	vmul.f32 v62, v35;
	v22 =	vadd.f32 v22, v23  }
0x36d: {  	v60 =	vmul.f32 v48, v43;
	v43, _, _ =	vpop (xrf2);
	v30 =	vld [tilespmem:s28+$0x4200];
	v59 =	vadd.f32 v31, v1;
	v29 =	vadd.f32 v58, v29  }
0x36e: {  	v32 =	vld [tilespmem:s28+$0x14210];
	v38 =	vadd.f32 v35, v41;
	v23, _, _ =	vpop (xrf2)  }
0x36f: {  	v62 =	vmul.f32 v17, v16;
	v35 =	vld [tilespmem:s28+$0x4280];
	(xrf2) =	vadd.scan.msk.f32 $0xffff, v25;
	v40 =	vadd.f32 v60, v59;
	v1 =	vadd.f32 v61, v22;
	v25, _, _ =	vpop (xrf2)  }
0x370: {  	v39 =	vmul.f32 v63, v6;
	v31 =	vld [tilespmem:s28+$0x14200];
	(xrf2) =	vadd.scan.msk.f32 $0xffff, v29;
	v22, _, _ =	vpop (xrf2)  }
0x371: {  	s29 =	simm.s32 $0x4000;
	v41 =	vmul.f32 v55, v7;
	(xrf2) =	vadd.scan.msk.f32 $0xffff, v40;
	v40 =	vmul.f32 v37, v36;
	v36 =	vld [tilespmem:s28+$0x14290];
	v37 =	vadd.f32 v62, v1;
	v29, _, _ =	vpop (xrf2)  }
.LBB2_4:
0x372: {  	v42 =	vld [tilespmem:s28+$0x4290]  }
0x373: {  	v1 =	vld [tilespmem:$0x1FB10]  }
0x374: {  	v13 =	vld [tilespmem:s28+$0x48A0]  }
0x375: {  	v48 =	vld [tilespmem:$0x1FAC0]  }
0x376: {  	v50 =	vld [tilespmem:$0x1FAE0]  }
0x377: {  	v51 =	vld [tilespmem:$0x1FAA0]  }
0x378: {  	v7 =	vadd.f32 v41, v40;
	v40 =	vld [tilespmem:s28+$0x142B0]  }
0x379: {  	v41 =	vld [tilespmem:$0x1FB00]  }
0x37a: {  	v18 =	vmul.f32 v20, v18;
	v20 =	vld [tilespmem:s28+$0x142A0]  }
0x37b: {  	v38 =	vadd.f32 v39, v38;
	v24 =	vmul.f32 v26, v24;
	v26 =	vmul.f32 v30, v31;
	v31 =	vld [tilespmem:s28+$0x42A0]  }
0x37c: {  	v0 =	vmul.f32 v34, v32;
	v19 =	vmul.f32 v21, v19;
	v21 =	vld [tilespmem:s28+$0x145B0]  }
0x37d: {  	v16 =	vmul.f32 v49, v11;
	v11 =	vmul.f32 v47, v14;
	v47 =	vld [tilespmem:$0x1FAB0];
	v18 =	vadd.f32 v18, v38  }
0x37e: {  	(xrf2) =	vadd.scan.msk.f32 $0xffff, v37;
	v24 =	vadd.f32 v24, v7;
	v17 =	vadd.f32 v0, v26;
	v26 =	vmul.f32 v28, v27;
	v27 =	vld [tilespmem:s28+$0x42B0]  }
0x37f: {  	v28 =	vmul.f32 v42, v36;
	v42 =	vld [tilespmem:$0x1FAF0]  }
0x380: {  	v38, _, _ =	vpop (xrf2);
	(xrf2) =	vadd.scan.msk.f32 $0xffff, v18;
	v18 =	vmul.f32 v35, v33;
	v16 =	vadd.f32 v16, v24;
	v24 =	vld [tilespmem:s28+$0x45A0]  }
0x381: {  	v49 =	vld [tilespmem:$0x1FAD0]  }
0x382: {  	v17 =	vadd.f32 v26, v17;
	v26 =	vld [tilespmem:s28+$0x45B0];
	v20 =	vmul.f32 v31, v20;
	v18 =	vadd.f32 v28, v18  }
0x383: {  	v53 =	vld [tilespmem:$0x1FA90];
	v12 =	vmul.f32 v1, v41  }
0x384: {  	v30, _, _ =	vpop (xrf2);
	(xrf2) =	vadd.scan.msk.f32 $0xffff, v16;
	v16 =	vadd.f32 v19, v17;
	v19 =	vld [tilespmem:s28+$0x4990];
	v17 =	vadd.f32 v20, v18;
	v18 =	vmul.f32 v27, v40  }
0x385: {  	v11 =	vadd.f32 v12, v11;
	v12 =	vld [tilespmem:s28+$0x48B0];
	v10 =	vmul.f32 v24, v42  }
0x386: {  	v8 =	vld [tilespmem:s28+$0x49A0];
	v14, _, _ =	vpop (xrf2);
	v6 =	vmul.f32 v48, v47;
	v7 =	vmul.f32 v50, v49;
	(xrf2) =	vadd.scan.msk.f32 $0xffff, v16;
	v16 =	vadd.f32 v18, v17  }
0x387: {  	v52 =	vld [tilespmem:s28+$0x49B0];
	v10 =	vadd.f32 v10, v11;
	v11 =	vmul.f32 v26, v21  }
0x388: {  	v5 =	vmul.f32 v13, v51;
	v9, _, _ =	vpop (xrf2);
	v6 =	vadd.f32 v7, v6;
	v17 =	vld [tilespmem:s28+$0x149B0];
	(xrf2) =	vadd.scan.msk.f32 $0xffff, v16  }
0x389: {  	v2 =	vmul.f32 v46, v45;
	v10 =	vadd.f32 v11, v10;
	v11 =	vmul.f32 v19, v53  }
0x38a: {  	v5 =	vadd.f32 v5, v6;
	v54 =	vmul.f32 v12, v44  }
0x38b: {  	v55 =	vmul.f32 v8, v15;
	v4, _, _ =	vpop (xrf2);
	v2 =	vadd.f32 v11, v2;
	(xrf2) =	vadd.scan.msk.f32 $0xffff, v10  }
0x38c: {  	v5 =	vadd.f32 v54, v5  }
0x38d: {  	v56 =	vmul.f32 v52, v17;
	v0 =	vadd.f32 v55, v2  }
0x38e: {  	v3, _, _ =	vpop (xrf2);
	(xrf2) =	vadd.scan.msk.f32 $0xffff, v5  }
0x38f: {  	v0 =	vadd.f32 v56, v0  }
0x390: {  	v58 =	vbroadcast v23, $0xF  }
0x391: {  	v59 =	vbroadcast v29, $0xF;
	v60 =	vbroadcast v25, $0xF;
	v57, _, _ =	vpop (xrf2);
	(xrf2) =	vadd.scan.msk.f32 $0xffff, v0  }
0x392: {  	v62 =	vbroadcast v30, $0xF;
	v61 =	vbroadcast v14, $0xF;
	v8, _, _ =	vpop (xrf2)  }
0x393: {  	v1 =	vbroadcast v57, $0xF;
	v8 =	vbroadcast v8, $0xF  }
0x394: {  	v4 =	vbroadcast v4, $0xF;
	v3 =	vbroadcast v3, $0xF  }
0x395: {  	v9 =	vbroadcast v9, $0xF;
	v1 =	vnsel vm0, $0x0, v1;
	v8 =	vnsel vm1, $0x0, v8;
	v10, _, _ =	vpop (xrf2)  }
0x396: {  	v1 =	vsel vm2, v1, v4;
	v3 =	vsel vm3, v8, v3;
	v63 =	vbroadcast v10, $0xF  }
0x397: {  	v34 =	vbroadcast v38, $0xF;
	v0 =	vsel vm4, v1, v61;
	v33 =	vsel vm5, v3, v9  }
0x398: {  	v35 =	vbroadcast v22, $0xF;
	v0 =	vsel vm6, v0, v62;
	v36, _, _ =	vpop (xrf2);
	v1 =	vsel vm7, v33, v63  }
0x399: {  	v0 =	vsel vm8, v0, v59;
	v37 =	vbroadcast v36, $0xF;
	v1 =	vsel vm9, v1, v34  }
0x39a: {  	v38 =	vbroadcast v43, $0xF;
	v0 =	vsel vm10, v0, v60;
	v1 =	vsel vm11, v1, v35  }
0x39b: {  	v0 =	vsel vm12, v0, v58;
	v1 =	vsel vm13, v1, v37;
	v39, _, _ =	vpop (xrf2)  }
0x39c: {  	v0 =	vsel vm14, v0, v38;
	v1 =	vsel vm15, v1, v39  }
0x39d: {  	v0 =	vadd.f32 v1, v0  }
0x39e: {  	s26 =	sadd.s32 $0x10, s26  }
0x39f: {  	s28 =	sshra.s32 s29, $0x2;
	[tilespmem:s26+$0x0] =	vst v0  }
0x3a0: {  	v33 =	vld [tilespmem:s28+$0x14930]  }
0x3a1: {  	v34 =	vld [tilespmem:s28+$0x4930]  }
0x3a2: {  	v0 =	vld [tilespmem:s28+$0x149A0]  }
0x3a3: {  	v40 =	vld [tilespmem:s28+$0x14830]  }
0x3a4: {  	v41 =	vld [tilespmem:s28+$0x4830]  }
0x3a5: {  	v39 =	vld [tilespmem:s28+$0x14920]  }
0x3a6: {  	v42 =	vld [tilespmem:s28+$0x148B0]  }
0x3a7: {  	v43 =	vld [tilespmem:s28+$0x14980]  }
0x3a8: {  	v24 =	vld [tilespmem:s28+$0x4980]  }
0x3a9: {  	v44 =	vld [tilespmem:s28+$0x14990]  }
0x3aa: {  	v45 =	vld [tilespmem:s28+$0x14730]  }
0x3ab: {  	v30 =	vld [tilespmem:s28+$0x4730]  }
0x3ac: {  	v21 =	vld [tilespmem:s28+$0x14900]  }
0x3ad: {  	v53 =	vld [tilespmem:s28+$0x4900]  }
0x3ae: {  	v54 =	vld [tilespmem:s28+$0x14910]  }
0x3af: {  	v57 =	vld [tilespmem:s28+$0x4910]  }
0x3b0: {  	v31 =	vld [tilespmem:s28+$0x147B0]  }
0x3b1: {  	v32 =	vld [tilespmem:s28+$0x47B0]  }
0x3b2: {  	v46 =	vld [tilespmem:s28+$0x148A0]  }
0x3b3: {  	v47 =	vld [tilespmem:s28+$0x14630]  }
0x3b4: {  	v48 =	vld [tilespmem:s28+$0x4630]  }
0x3b5: {  	v28 =	vld [tilespmem:s28+$0x14720]  }
0x3b6: {  	v26 =	vld [tilespmem:s28+$0x4720]  }
0x3b7: {  	v60 =	vld [tilespmem:s28+$0x14800]  }
0x3b8: {  	v61 =	vld [tilespmem:s28+$0x4800]  }
0x3b9: {  	v62 =	vld [tilespmem:s28+$0x14810]  }
0x3ba: {  	v63 =	vld [tilespmem:s28+$0x4810]  }
0x3bb: {  	v49 =	vld [tilespmem:s28+$0x146B0]  }
0x3bc: {  	v50 =	vld [tilespmem:s28+$0x46B0]  }
0x3bd: {  	v27 =	vld [tilespmem:s28+$0x147A0]  }
0x3be: {  	v51 =	vld [tilespmem:s28+$0x14880]  }
0x3bf: {  	v52 =	vld [tilespmem:s28+$0x4880]  }
0x3c0: {  	v55 =	vld [tilespmem:s28+$0x14890]  }
0x3c1: {  	v56 =	vld [tilespmem:s28+$0x4890]  }
0x3c2: {  	v58 =	vld [tilespmem:s28+$0x14530]  }
0x3c3: {  	v59 =	vld [tilespmem:s28+$0x4530]  }
0x3c4: {  	v22 =	vld [tilespmem:s28+$0x14620]  }
0x3c5: {  	v1 =	vld [tilespmem:s28+$0x4700]  }
0x3c6: {  	v2 =	vld [tilespmem:s28+$0x14710]  }
0x3c7: {  	v3 =	vld [tilespmem:s28+$0x4710]  }
0x3c8: {  	v29 =	vld [tilespmem:s28+$0x146A0]  }
0x3c9: {  	v23 =	vld [tilespmem:s28+$0x46A0]  }
0x3ca: {  	v4 =	vld [tilespmem:s28+$0x14780]  }
0x3cb: {  	v5 =	vld [tilespmem:s28+$0x4780]  }
0x3cc: {  	v6 =	vld [tilespmem:s28+$0x14790]  }
0x3cd: {  	v7 =	vld [tilespmem:s28+$0x4790]  }
0x3ce: {  	v35 =	vld [tilespmem:s28+$0x14430]  }
0x3cf: {  	v37 =	vld [tilespmem:s28+$0x4430]  }
0x3d0: {  	v25 =	vld [tilespmem:s28+$0x14520]  }
0x3d1: {  	v8 =	vld [tilespmem:s28+$0x14600]  }
0x3d2: {  	v9 =	vld [tilespmem:s28+$0x4600]  }
0x3d3: {  	v10 =	vld [tilespmem:s28+$0x14610]  }
0x3d4: {  	v11 =	vld [tilespmem:s28+$0x4610]  }
0x3d5: {  	v36 =	vld [tilespmem:s28+$0x144B0]  }
0x3d6: {  	v38 =	vld [tilespmem:s28+$0x44B0]  }
0x3d7: {  	v12 =	vld [tilespmem:s28+$0x145A0]  }
0x3d8: {  	v13 =	vld [tilespmem:s28+$0x4680]  }
0x3d9: {  	v14 =	vld [tilespmem:s28+$0x14690]  }
0x3da: {  	v16 =	vld [tilespmem:s28+$0x4690]  }
0x3db: {  	v18 =	vld [tilespmem:s28+$0x14330]  }
0x3dc: {  	v20 =	vld [tilespmem:s28+$0x4330]  }
0x3dd: {  	v15 =	vld [tilespmem:s28+$0x4500]  }
0x3de: {  	v17 =	vld [tilespmem:s28+$0x14580]  }
0x3df: {  	v19 =	vld [tilespmem:s28+$0x14590]  }
0x3e0: {  	[tilespmem:$0x1F820] =	vst v40;
	v40 =	vld [tilespmem:s28+$0x4920]  }
0x3e1: {  	[tilespmem:$0x1F830] =	vst v41;
	v41 =	vld [tilespmem:s28+$0x14820]  }
0x3e2: {  	[tilespmem:$0x1F880] =	vst v42;
	v42 =	vld [tilespmem:s28+$0x4820]  }
0x3e3: {  	[tilespmem:$0x1F8A0] =	vst v50;
	v50 =	vld [tilespmem:s28+$0x47A0]  }
0x3e4: {  	[tilespmem:$0x1FAC0] =	vst v52;
	v52 =	vld [tilespmem:s28+$0x4620]  }
0x3e5: {  	[tilespmem:$0x1F8D0] =	vst v0;
	v0 =	vld [tilespmem:s28+$0x14700]  }
0x3e6: {  	[tilespmem:$0x1FAB0] =	vst v51;
	v51 =	vld [tilespmem:s28+$0x4520]  }
0x3e7: {  	[tilespmem:$0x1FAF0] =	vst v12;
	v12 =	vld [tilespmem:s28+$0x14680]  }
0x3e8: {  	[tilespmem:$0x1FAD0] =	vst v55;
	v55 =	vld [tilespmem:s28+$0x14420]  }
0x3e9: {  	[tilespmem:$0x1F8B0] =	vst v58;
	v58 =	vld [tilespmem:s28+$0x4420]  }
0x3ea: {  	[tilespmem:$0x1F870] =	vst v43;
	v43 =	vld [tilespmem:s28+$0x14500]  }
0x3eb: {  	[tilespmem:$0x1FA90] =	vst v44;
	v44 =	vld [tilespmem:s28+$0x14510]  }
0x3ec: {  	[tilespmem:$0x1F840] =	vst v45;
	v45 =	vld [tilespmem:s28+$0x4510]  }
0x3ed: {  	[tilespmem:$0x1F860] =	vst v48;
	v48 =	vld [tilespmem:s28+$0x143B0]  }
0x3ee: {  	[tilespmem:$0x1F890] =	vst v49;
	v49 =	vld [tilespmem:s28+$0x43B0]  }
0x3ef: {  	[tilespmem:$0x1FAE0] =	vst v56;
	v56 =	vld [tilespmem:s28+$0x144A0]  }
0x3f0: {  	[tilespmem:$0x1F8C0] =	vst v59;
	v59 =	vld [tilespmem:s28+$0x44A0]  }
0x3f1: {  	[tilespmem:$0x1F850] =	vst v47;
	v47 =	vld [tilespmem:s28+$0x4580]  }
0x3f2: {  	[tilespmem:$0x1FB00] =	vst v19;
	v19 =	vld [tilespmem:s28+$0x4590]  }
0x3f3: {  	[tilespmem:$0x1FAA0] =	vst v46;
	v46 =	vmul.f32 v53, v21;
	v21 =	vld [tilespmem:s28+$0x4230]  }
0x3f4: {  	v53 =	vld [tilespmem:s28+$0x14320]  }
0x3f5: {  	v54 =	vmul.f32 v57, v54;
	v33 =	vmul.f32 v34, v33;
	v34 =	vld [tilespmem:s28+$0x4400]  }
0x3f6: {  	v57 =	vmul.f32 v63, v62;
	v63 =	vmul.f32 v3, v2;
	v3 =	vld [tilespmem:s28+$0x4410]  }
0x3f7: {  	v62 =	vld [tilespmem:$0x1F830]  }
0x3f8: {  	v8 =	vmul.f32 v9, v8;
	v9 =	vmul.f32 v11, v10;
	v11 =	vld [tilespmem:$0x1F860]  }
0x3f9: {  	v10 =	vmul.f32 v16, v14;
	v14 =	vld [tilespmem:$0x1F8A0]  }
0x3fa: {  	v16 =	vld [tilespmem:$0x1F8C0];
	v46 =	vadd.f32 v54, v46  }
0x3fb: {  	v54 =	vmul.f32 v61, v60;
	v60 =	vld [tilespmem:s28+$0x14400]  }
0x3fc: {  	[tilespmem:$0x1FB10] =	vst v19;
	v19 =	vld [tilespmem:s28+$0x14230];
	v39 =	vmul.f32 v40, v39  }
0x3fd: {  	v40 =	vld [tilespmem:s28+$0x4320]  }
0x3fe: {  	v41 =	vmul.f32 v42, v41;
	v39 =	vadd.f32 v39, v46;
	v46 =	vmov v24;
	v24 =	vld [tilespmem:$0x1F820]  }
0x3ff: {  	v8 =	vadd.f32 v9, v8;
	v42 =	vld [tilespmem:s28+$0x14410];
	v0 =	vmul.f32 v1, v0;
	v9 =	vmul.f32 v52, v22  }
0x400: {  	v54 =	vadd.f32 v57, v54;
	v52 =	vmul.f32 v13, v12;
	v13 =	vmul.f32 v45, v44;
	v45 =	vld [tilespmem:$0x1F870]  }
0x401: {  	v44 =	vld [tilespmem:$0x1F880]  }
0x402: {  	v61 =	vadd.f32 v41, v54;
	v0 =	vadd.f32 v63, v0;
	v63 =	vmul.f32 v26, v28;
	v26 =	vld [tilespmem:s28+$0x43A0]  }
0x403: {  	v54 =	vmul.f32 v7, v6;
	v6 =	vld [tilespmem:s28+$0x14480];
	v57 =	vadd.f32 v33, v39;
	v39 =	vmul.f32 v62, v24  }
0x404: {  	v28 =	vld [tilespmem:s28+$0x4220]  }
0x405: {  	(xrf2) =	vadd.scan.msk.f32 $0xffff, v57;
	v57 =	vadd.f32 v39, v61;
	v61 =	vld [tilespmem:$0x1F840]  }
0x406: {  	v12 =	vmul.f32 v15, v43;
	v8 =	vadd.f32 v9, v8;
	v9 =	vld [tilespmem:$0x1F850]  }
0x407: {  	v15 =	vmul.f32 v34, v60;
	v34 =	vld [tilespmem:s28+$0x4210]  }
0x408: {  	v41 =	vmul.f32 v5, v4;
	v12 =	vadd.f32 v13, v12;
	v33 =	vld [tilespmem:s28+$0x14490]  }
0x409: {  	v13 =	vmul.f32 v51, v25;
	v0 =	vadd.f32 v63, v0;
	v63 =	vmul.f32 v50, v27;
	v27 =	vld [tilespmem:s28+$0x14220]  }
0x40a: {  	v2 =	vadd.f32 v54, v41;
	v54 =	vld [tilespmem:s28+$0x14300];
	v1 =	vmul.f32 v30, v61  }
0x40b: {  	v12 =	vadd.f32 v13, v12;
	v13 =	vld [tilespmem:$0x1F8B0]  }
0x40c: {  	v50 =	vmul.f32 v32, v31;
	v31 =	vld [tilespmem:s28+$0x14200];
	v0 =	vadd.f32 v1, v0  }
0x40d: {  	v32 =	vld [tilespmem:s28+$0x14210];
	v2 =	vadd.f32 v63, v2;
	(xrf2) =	vadd.scan.msk.f32 $0xffff, v57  }
0x40e: {  	v63 =	vmul.f32 v38, v36;
	v36 =	vld [tilespmem:s28+$0x14290];
	(xrf2) =	vadd.scan.msk.f32 $0xffff, v0;
	v0 =	vadd.f32 v10, v52;
	v10 =	vmul.f32 v23, v29  }
0x40f: {  	v62 =	vld [tilespmem:s28+$0x4480];
	v9 =	vmul.f32 v11, v9  }
0x410: {  	v2 =	vadd.f32 v50, v2;
	v0 =	vadd.f32 v10, v0;
	v10 =	vld [tilespmem:$0x1F890]  }
0x411: {  	v11 =	vld [tilespmem:s28+$0x4300];
	v8 =	vadd.f32 v9, v8  }
0x412: {  	v39 =	vld [tilespmem:s28+$0x4490];
	(xrf2) =	vadd.scan.msk.f32 $0xffff, v2  }
0x413: {  	v9 =	vld [tilespmem:s28+$0x4310];
	v43, _, _ =	vpop (xrf2);
	(xrf2) =	vadd.scan.msk.f32 $0xffff, v8  }
0x414: {  	v3 =	vmul.f32 v3, v42;
	v13 =	vmul.f32 v16, v13;
	v16 =	vld [tilespmem:s28+$0x4390]  }
0x415: {  	v57 =	vld [tilespmem:s28+$0x14310];
	v10 =	vmul.f32 v14, v10  }
0x416: {  	v3 =	vadd.f32 v3, v15;
	v15 =	vmul.f32 v58, v55;
	v8 =	vld [tilespmem:s28+$0x4380]  }
0x417: {  	v58 =	vmul.f32 v62, v6;
	v1 =	vmul.f32 v39, v33;
	v14 =	vld [tilespmem:s28+$0x14380];
	v0 =	vadd.f32 v10, v0  }
0x418: {  	p0 =	sne.s32 s29, $0xE000;
	v3 =	vadd.f32 v15, v3;
	v10 =	vld [tilespmem:s28+$0x14390]  }
.Ltmp1:
0x419: {  	v24 =	vld [tilespmem:s28+$0x143A0];
	v62 =	vmul.f32 v59, v56;
	v61 =	vmul.f32 v37, v35;
	v23, _, _ =	vpop (xrf2);
	(xrf2) =	vadd.scan.msk.f32 $0xffff, v0;
	v0 =	vadd.f32 v1, v58;
	(pc) =	sbr.rel @p0 .LBB2_4-.Ltmp1, $4  }
0x41a: {  	v15 =	vld [tilespmem:$0x1F8D0];
	v60 =	vadd.f32 v13, v12;
	v4 =	vmul.f32 v11, v54;
	v2 =	vmul.f32 v9, v57  }
0x41b: {  	v11 =	vmov v48;
	v30 =	vld [tilespmem:s28+$0x4200];
	v3 =	vadd.f32 v61, v3;
	v25, _, _ =	vpop (xrf2);
	v0 =	vadd.f32 v62, v0  }
0x41c: {  	v35 =	vld [tilespmem:s28+$0x4280];
	v39 =	vmul.f32 v40, v53;
	v38 =	vadd.f32 v2, v4;
	v22, _, _ =	vpop (xrf2);
	(xrf2) =	vadd.scan.msk.f32 $0xffff, v60;
	v40 =	vmul.f32 v8, v14  }
0x41d: {  	s29 =	sadd.s32 $0x2000, s29;
	v33 =	vld [tilespmem:s28+$0x14280];
	v14 =	vmov v17;
	v29, _, _ =	vpop (xrf2);
	(xrf2) =	vadd.scan.msk.f32 $0xffff, v3;
	v41 =	vmul.f32 v16, v10;
	v37 =	vadd.f32 v63, v0  }
0x41e: {  	v0 =	vld [tilespmem:s28+$0x4290]  }
0x41f: {  	v1 =	vld [tilespmem:s28+$0x142A0]  }
0x420: {  	v4 =	vld [tilespmem:s28+$0x42A0]  }
0x421: {  	v7 =	vld [tilespmem:s28+$0x142B0];
	v9 =	vmul.f32 v34, v32;
	v8 =	vmul.f32 v30, v31  }
0x422: {  	v34 =	vld [tilespmem:s28+$0x42B0]  }
0x423: {  	v10 =	vld [tilespmem:s28+$0x45A0];
	v8 =	vadd.f32 v9, v8;
	v9 =	vmul.f32 v28, v27  }
0x424: {  	v12 =	vld [tilespmem:s28+$0x145B0]  }
0x425: {  	v2 =	vadd.f32 v39, v38;
	v38 =	vadd.f32 v9, v8;
	v9 =	vld [tilespmem:$0x1FB00]  }
0x426: {  	v8 =	vmul.f32 v47, v14;
	v14 =	vld [tilespmem:$0x1FB10]  }
0x427: {  	v48 =	vld [tilespmem:$0x1FAB0]  }
0x428: {  	v11 =	vmul.f32 v49, v11;
	v49 =	vld [tilespmem:$0x1FAC0]  }
0x429: {  	v50 =	vld [tilespmem:$0x1FAD0]  }
0x42a: {  	v53 =	vld [tilespmem:$0x1FAA0]  }
0x42b: {  	v6 =	vmul.f32 v26, v24;
	v57 =	vld [tilespmem:$0x1FA90];
	v9 =	vmul.f32 v14, v9  }
0x42c: {  	v5 =	vadd.f32 v41, v40;
	v35 =	vmul.f32 v35, v33;
	v0 =	vmul.f32 v0, v36;
	v47 =	vld [tilespmem:$0x1FAF0]  }
0x42d: {  	v3 =	vmul.f32 v20, v18;
	v42 =	vadd.f32 v9, v8;
	v9 =	vld [tilespmem:$0x1FAE0]  }
0x42e: {  	v5 =	vadd.f32 v6, v5;
	v1 =	vmul.f32 v4, v1;
	v36 =	vld [tilespmem:s28+$0x45B0];
	v0 =	vadd.f32 v0, v35  }
0x42f: {  	v13 =	vmul.f32 v21, v19;
	v2 =	vadd.f32 v3, v2;
	v14 =	vld [tilespmem:s28+$0x48A0]  }
0x430: {  	(xrf2) =	vadd.scan.msk.f32 $0xffff, v37;
	v40 =	vld [tilespmem:s28+$0x4990];
	v5 =	vadd.f32 v11, v5;
	v39 =	vmul.f32 v34, v7;
	v0 =	vadd.f32 v1, v0  }
0x431: {  	(xrf2) =	vadd.scan.msk.f32 $0xffff, v2;
	v41 =	vadd.f32 v13, v38;
	v7 =	vmul.f32 v10, v47;
	v8 =	vld [tilespmem:s28+$0x48B0]  }
0x432: {  	(xrf2) =	vadd.scan.msk.f32 $0xffff, v5;
	v1 =	vmul.f32 v49, v48;
	v0 =	vadd.f32 v39, v0;
	v5 =	vmul.f32 v9, v50;
	v9 =	vld [tilespmem:s28+$0x49A0]  }
0x433: {  	v52 =	vld [tilespmem:s28+$0x149B0];
	(xrf2) =	vadd.scan.msk.f32 $0xffff, v41;
	v4 =	vmul.f32 v36, v12;
	v51 =	vadd.f32 v7, v42  }
0x434: {  	v54 =	vld [tilespmem:s28+$0x49B0];
	(xrf2) =	vadd.scan.msk.f32 $0xffff, v0;
	v1 =	vadd.f32 v5, v1;
	v5 =	vmul.f32 v14, v53  }
0x435: {  	v56 =	vmul.f32 v46, v45;
	v3 =	vmul.f32 v40, v57;
	v55 =	vadd.f32 v4, v51  }
0x436: {  	v58 =	vmul.f32 v8, v44;
	v1 =	vadd.f32 v5, v1  }
0x437: {  	v59, _, _ =	vpop (xrf2);
	v2 =	vadd.f32 v3, v56;
	(xrf2) =	vadd.scan.msk.f32 $0xffff, v55;
	v60 =	vmul.f32 v9, v15  }
0x438: {  	v61, _, _ =	vpop (xrf2);
	v1 =	vadd.f32 v58, v1  }
0x439: {  	v63 =	vmul.f32 v54, v52;
	v62, _, _ =	vpop (xrf2);
	v2 =	vadd.f32 v60, v2  }
0x43a: {  	v32, _, _ =	vpop (xrf2);
	(xrf2) =	vadd.scan.msk.f32 $0xffff, v1  }
0x43b: {  	v33, _, _ =	vpop (xrf2);
	v2 =	vadd.f32 v63, v2  }
0x43c: {  	v40 =	vbroadcast v59, $0xF;
	v34, _, _ =	vpop (xrf2)  }
0x43d: {  	v35 =	vbroadcast v23, $0xF;
	v36 =	vbroadcast v62, $0xF;
	v8, _, _ =	vpop (xrf2);
	(xrf2) =	vadd.scan.msk.f32 $0xffff, v2  }
0x43e: {  	v10 =	vbroadcast v25, $0xF;
	v6 =	vbroadcast v32, $0xF;
	v37, _, _ =	vpop (xrf2)  }
0x43f: {  	v8 =	vbroadcast v8, $0xF;
	v4 =	vbroadcast v37, $0xF  }
0x440: {  	v3 =	vbroadcast v34, $0xF;
	v1 =	vbroadcast v33, $0xF  }
0x441: {  	v0 =	vbroadcast v61, $0xF;
	v8 =	vnsel vm0, $0x0, v8;
	v4 =	vnsel vm1, $0x0, v4;
	v11, _, _ =	vpop (xrf2)  }
0x442: {  	v3 =	vsel vm3, v4, v3;
	v1 =	vsel vm2, v8, v1;
	v38 =	vbroadcast v11, $0xF  }
0x443: {  	v9 =	vbroadcast v29, $0xF;
	v39 =	vsel vm5, v3, v6;
	v1 =	vsel vm4, v1, v36  }
0x444: {  	v42 =	vbroadcast v22, $0xF;
	v0 =	vsel vm6, v1, v0;
	v41 =	vsel vm7, v39, v38;
	v44, _, _ =	vpop (xrf2)  }
0x445: {  	v0 =	vsel vm8, v0, v9;
	v1 =	vsel vm9, v41, v40;
	v45 =	vbroadcast v44, $0xF  }
0x446: {  	v46 =	vbroadcast v43, $0xF;
	v0 =	vsel vm10, v0, v10;
	v1 =	vsel vm11, v1, v42  }
0x447: {  	v0 =	vsel vm12, v0, v35;
	v1 =	vsel vm13, v1, v45;
	v47, _, _ =	vpop (xrf2)  }
0x448: {  	v0 =	vsel vm14, v0, v46;
	v1 =	vsel vm15, v1, v47  }
0x449: {  	v0 =	vadd.f32 v1, v0  }
0x44a: {  	s26 =	sadd.s32 $0x10, s26  }
0x44b: {  	[tilespmem:s26+$0x0] =	vst v0  }
0x44c: {  	_ =	swait.ge [sflag:s21], $0x4000  }
0x44d: {  	[sflag:s21] =	ssyncset.done $0x0  }
0x44e: {  	s31 =	simm.s32 $0x0;
	[sflag:s21] =	ssyncadd.s32 $0xFFFFC000  }
0x44f: {  	v24 =	vld [tilespmem:s31+$0x10970]  }
0x450: {  	v23 =	vld [tilespmem:s31+$0x8930]  }
0x451: {  	v48 =	vld [tilespmem:s31+$0x109E0]  }
0x452: {  	v42 =	vld [tilespmem:s31+$0x10870]  }
0x453: {  	v41 =	vld [tilespmem:s31+$0x8830]  }
0x454: {  	v21 =	vld [tilespmem:s31+$0x10960]  }
0x455: {  	v22 =	vld [tilespmem:s31+$0x8920]  }
0x456: {  	v49 =	vld [tilespmem:s31+$0x108F0]  }
0x457: {  	v50 =	vld [tilespmem:s31+$0x109C0]  }
0x458: {  	v51 =	vld [tilespmem:s31+$0x8980]  }
0x459: {  	v52 =	vld [tilespmem:s31+$0x109D0]  }
0x45a: {  	v32 =	vld [tilespmem:s31+$0x10770]  }
0x45b: {  	v31 =	vld [tilespmem:s31+$0x8730]  }
0x45c: {  	v25 =	vld [tilespmem:s31+$0x10860]  }
0x45d: {  	v26 =	vld [tilespmem:s31+$0x8820]  }
0x45e: {  	v27 =	vld [tilespmem:s31+$0x10940]  }
0x45f: {  	v28 =	vld [tilespmem:s31+$0x8900]  }
0x460: {  	v29 =	vld [tilespmem:s31+$0x10950]  }
0x461: {  	v30 =	vld [tilespmem:s31+$0x8910]  }
0x462: {  	v34 =	vld [tilespmem:s31+$0x107F0]  }
0x463: {  	v33 =	vld [tilespmem:s31+$0x87B0]  }
0x464: {  	v53 =	vld [tilespmem:s31+$0x108E0]  }
0x465: {  	v54 =	vld [tilespmem:s31+$0x10670]  }
0x466: {  	v55 =	vld [tilespmem:s31+$0x8630]  }
0x467: {  	v35 =	vld [tilespmem:s31+$0x10760]  }
0x468: {  	v36 =	vld [tilespmem:s31+$0x8720]  }
0x469: {  	v37 =	vld [tilespmem:s31+$0x10840]  }
0x46a: {  	v38 =	vld [tilespmem:s31+$0x8800]  }
0x46b: {  	v39 =	vld [tilespmem:s31+$0x10850]  }
0x46c: {  	v40 =	vld [tilespmem:s31+$0x8810]  }
0x46d: {  	v60 =	vld [tilespmem:s31+$0x106F0]  }
0x46e: {  	v59 =	vld [tilespmem:s31+$0x86B0]  }
0x46f: {  	v43 =	vld [tilespmem:s31+$0x107E0]  }
0x470: {  	v44 =	vld [tilespmem:s31+$0x87A0]  }
0x471: {  	v56 =	vld [tilespmem:s31+$0x108C0]  }
0x472: {  	v57 =	vld [tilespmem:s31+$0x8880]  }
0x473: {  	v58 =	vld [tilespmem:s31+$0x108D0]  }
0x474: {  	v61 =	vld [tilespmem:s31+$0x8890]  }
0x475: {  	v62 =	vld [tilespmem:s31+$0x10570]  }
0x476: {  	v63 =	vld [tilespmem:s31+$0x8530]  }
0x477: {  	v47 =	vld [tilespmem:s31+$0x10660]  }
0x478: {  	v4 =	vld [tilespmem:s31+$0x10470]  }
0x479: {  	v5 =	vld [tilespmem:s31+$0x8430]  }
0x47a: {  	v7 =	vld [tilespmem:s31+$0x10650]  }
0x47b: {  	v46 =	vld [tilespmem:s31+$0x104F0]  }
0x47c: {  	v45 =	vld [tilespmem:s31+$0x84B0]  }
0x47d: {  	v6 =	vld [tilespmem:s31+$0x105E0]  }
0x47e: {  	v14 =	vld [tilespmem:s31+$0x106C0]  }
0x47f: {  	v13 =	vld [tilespmem:s31+$0x8680]  }
0x480: {  	v12 =	vld [tilespmem:s31+$0x106D0]  }
0x481: {  	v11 =	vld [tilespmem:s31+$0x8690]  }
0x482: {  	v18 =	vld [tilespmem:s31+$0x10460]  }
0x483: {  	v15 =	vld [tilespmem:s31+$0x8420]  }
0x484: {  	v10 =	vld [tilespmem:s31+$0x10540]  }
0x485: {  	v9 =	vld [tilespmem:s31+$0x8500]  }
0x486: {  	v8 =	vld [tilespmem:s31+$0x10550]  }
0x487: {  	v0 =	vld [tilespmem:s31+$0x103F0]  }
0x488: {  	v20 =	vld [tilespmem:s31+$0x104E0]  }
0x489: {  	v19 =	vld [tilespmem:s31+$0x84A0]  }
0x48a: {  	v17 =	vld [tilespmem:s31+$0x10360]  }
0x48b: {  	v16 =	vld [tilespmem:s31+$0x8320]  }
0x48c: {  	v3 =	vld [tilespmem:s31+$0x10440]  }
0x48d: {  	v2 =	vld [tilespmem:s31+$0x8400]  }
0x48e: {  	v1 =	vld [tilespmem:s31+$0x10450]  }
0x48f: {  	[tilespmem:$0x1F690] =	vst v48;
	v48 =	vld [tilespmem:s31+$0x8620]  }
0x490: {  	[tilespmem:$0x1F680] =	vst v49;
	v49 =	vld [tilespmem:s31+$0x10740]  }
0x491: {  	[tilespmem:$0x1F650] =	vst v50;
	v50 =	vld [tilespmem:s31+$0x8700]  }
0x492: {  	[tilespmem:$0x1F660] =	vst v51;
	v51 =	vld [tilespmem:s31+$0x10750]  }
0x493: {  	[tilespmem:$0x1F670] =	vst v52;
	v52 =	vld [tilespmem:s31+$0x8710]  }
0x494: {  	[tilespmem:$0x1F640] =	vst v53;
	v53 =	vld [tilespmem:s31+$0x106E0]  }
0x495: {  	[tilespmem:$0x1F4F0] =	vst v54;
	v54 =	vld [tilespmem:s31+$0x86A0]  }
0x496: {  	[tilespmem:$0x1F500] =	vst v55;
	v55 =	vld [tilespmem:s31+$0x107C0]  }
0x497: {  	[tilespmem:$0x1F600] =	vst v56;
	v56 =	vld [tilespmem:s31+$0x8780]  }
0x498: {  	[tilespmem:$0x1F610] =	vst v57;
	v57 =	vld [tilespmem:s31+$0x107D0]  }
0x499: {  	[tilespmem:$0x1F620] =	vst v58;
	v58 =	vld [tilespmem:s31+$0x8790]  }
0x49a: {  	[tilespmem:$0x1F630] =	vst v61;
	v61 =	vld [tilespmem:s31+$0x10560]  }
0x49b: {  	[tilespmem:$0x1F510] =	vst v62;
	v62 =	vld [tilespmem:s31+$0x8520]  }
0x49c: {  	[tilespmem:$0x1F520] =	vst v63;
	v63 =	vld [tilespmem:s31+$0x10640]  }
0x49d: {  	[tilespmem:$0x1F540] =	vst v5;
	v5 =	vld [tilespmem:s31+$0x8600]  }
0x49e: {  	[tilespmem:$0x1F530] =	vst v4;
	v4 =	vld [tilespmem:s31+$0x8610]  }
0x49f: {  	[tilespmem:$0x1F5F0] =	vst v6;
	v6 =	vld [tilespmem:s31+$0x10370]  }
0x4a0: {  	[tilespmem:$0x1F570] =	vst v0;
	v0 =	vld [tilespmem:s31+$0x83B0]  }
0x4a1: {  	v27 =	vmul.f32 v28, v27;
	v28 =	vmul.f32 v30, v29;
	v29 =	vld [tilespmem:s31+$0x103E0]  }
0x4a2: {  	v30 =	vld [tilespmem:s31+$0x83A0]  }
0x4a3: {  	v21 =	vmul.f32 v22, v21;
	v22 =	vld [tilespmem:s31+$0x104C0]  }
0x4a4: {  	v23 =	vmul.f32 v23, v24;
	v24 =	vld [tilespmem:s31+$0x104D0]  }
0x4a5: {  	v25 =	vmul.f32 v26, v25;
	v26 =	vld [tilespmem:s31+$0x8490]  }
0x4a6: {  	v35 =	vmul.f32 v36, v35;
	v36 =	vld [tilespmem:s31+$0x10340]  }
0x4a7: {  	v13 =	vmul.f32 v13, v14;
	v14 =	vld [tilespmem:s31+$0x8380]  }
0x4a8: {  	v40 =	vmul.f32 v40, v39;
	v39 =	vld [tilespmem:s31+$0x10240];
	v27 =	vadd.f32 v28, v27;
	v28 =	vmul.f32 v38, v37  }
0x4a9: {  	v38 =	vld [tilespmem:s31+$0x8480]  }
0x4aa: {  	v21 =	vadd.f32 v21, v27;
	v27 =	vadd.f32 v40, v28;
	v40 =	vld [tilespmem:s31+$0x8220]  }
0x4ab: {  	[tilespmem:$0x1F550] =	vst v6;
	v6 =	vld [tilespmem:s31+$0x8330]  }
0x4ac: {  	[tilespmem:$0x1F580] =	vst v0;
	v0 =	vld [tilespmem:s31+$0x105C0]  }
0x4ad: {  	v28 =	vmul.f32 v50, v49;
	v52 =	vmul.f32 v52, v51;
	v51 =	vld [tilespmem:s31+$0x8300]  }
0x4ae: {  	v49 =	vmul.f32 v58, v57;
	v58 =	vmul.f32 v9, v10;
	v9 =	vld [tilespmem:$0x1F4F0]  }
0x4af: {  	v10 =	vld [tilespmem:$0x1F500]  }
0x4b0: {  	v5 =	vmul.f32 v5, v63;
	v63 =	vld [tilespmem:s31+$0x8200]  }
0x4b1: {  	[tilespmem:$0x1F5B0] =	vst v0;
	v0 =	vld [tilespmem:s31+$0x8580]  }
0x4b2: {  	v50 =	vmul.f32 v44, v43;
	v43 =	vld [tilespmem:$0x1F510]  }
0x4b3: {  	v44 =	vld [tilespmem:$0x1F520]  }
0x4b4: {  	v57 =	vmul.f32 v48, v47;
	v47 =	vld [tilespmem:s31+$0x10250]  }
0x4b5: {  	v48 =	vmul.f32 v15, v18;
	v18 =	vld [tilespmem:s31+$0x8280]  }
0x4b6: {  	[tilespmem:$0x1F5C0] =	vst v0;
	v0 =	vld [tilespmem:s31+$0x105D0]  }
0x4b7: {  	v15 =	vmul.f32 v26, v24;
	v24 =	vld [tilespmem:$0x1F540]  }
0x4b8: {  	v62 =	vmul.f32 v62, v61;
	v61 =	vld [tilespmem:$0x1F5F0]  }
0x4b9: {  	v21 =	vadd.f32 v23, v21;
	v23 =	vld [tilespmem:s31+$0x10260]  }
0x4ba: {  	v25 =	vadd.f32 v25, v27;
	v27 =	vmul.f32 v56, v55;
	v56 =	vld [tilespmem:s31+$0x8310]  }
0x4bb: {  	[tilespmem:$0x1F5D0] =	vst v0;
	v0 =	vld [tilespmem:s31+$0x8590]  }
0x4bc: {  	v55 =	vmul.f32 v33, v34;
	v33 =	vld [tilespmem:$0x1F600]  }
0x4bd: {  	v28 =	vadd.f32 v52, v28;
	v52 =	vld [tilespmem:s31+$0x10350]  }
0x4be: {  	v27 =	vadd.f32 v49, v27;
	v49 =	vld [tilespmem:s31+$0x102C0]  }
0x4bf: {  	v11 =	vmul.f32 v11, v12;
	[tilespmem:$0x1F560] =	vst v6;
	v6 =	vld [tilespmem:s31+$0x8510]  }
0x4c0: {  	v31 =	vmul.f32 v31, v32;
	v4 =	vmul.f32 v4, v7;
	v28 =	vadd.f32 v35, v28;
	[tilespmem:$0x1F5E0] =	vst v0;
	v0 =	vld [tilespmem:s31+$0x10270]  }
0x4c1: {  	v9 =	vmul.f32 v10, v9;
	v10 =	vadd.f32 v11, v13;
	v11 =	vmul.f32 v54, v53;
	v13 =	vld [tilespmem:s31+$0x8390]  }
0x4c2: {  	v27 =	vadd.f32 v50, v27;
	v50 =	vmul.f32 v51, v36;
	v51 =	vmul.f32 v16, v17;
	v16 =	vld [tilespmem:s31+$0x8290]  }
0x4c3: {  	v4 =	vadd.f32 v4, v5;
	v28 =	vadd.f32 v31, v28;
	v31 =	vld [tilespmem:s31+$0x103C0]  }
0x4c4: {  	v41 =	vmul.f32 v41, v42;
	v10 =	vadd.f32 v11, v10;
	v11 =	vmul.f32 v38, v22;
	v22 =	vld [tilespmem:$0x1F530]  }
0x4c5: {  	v4 =	vadd.f32 v57, v4;
	v12 =	vadd.f32 v55, v27;
	v27 =	vmul.f32 v59, v60;
	[tilespmem:$0x1F590] =	vst v0;
	v0 =	vld [tilespmem:s31+$0x8230]  }
0x4c6: {  	v25 =	vadd.f32 v41, v25;
	v7 =	vmul.f32 v56, v52;
	v52 =	vld [tilespmem:$0x1F550]  }
0x4c7: {  	v41 =	vadd.f32 v9, v4;
	v9 =	vadd.f32 v27, v10;
	v10 =	vld [tilespmem:s31+$0x8210]  }
0x4c8: {  	(xrf2) =	vadd.scan.msk.f32 $0xffff, v21;
	v11 =	vadd.f32 v15, v11;
	v15 =	vmul.f32 v19, v20;
	v19 =	vld [tilespmem:s31+$0x102D0]  }
0x4c9: {  	(xrf2) =	vadd.scan.msk.f32 $0xffff, v25;
	v6 =	vmul.f32 v6, v8;
	v8 =	vld [tilespmem:s31+$0x103D0]  }
0x4ca: {  	(xrf2) =	vadd.scan.msk.f32 $0xffff, v28;
	[tilespmem:$0x1F5A0] =	vst v0;
	v0 =	vld [tilespmem:s31+$0x8410]  }
0x4cb: {  	(xrf2) =	vadd.scan.msk.f32 $0xffff, v12;
	v12 =	vld [tilespmem:$0x1F580]  }
0x4cc: {  	(xrf2) =	vadd.scan.msk.f32 $0xffff, v41;
	v11 =	vadd.f32 v15, v11;
	v15 =	vld [tilespmem:$0x1F560]  }
0x4cd: {  	(xrf2) =	vadd.scan.msk.f32 $0xffff, v9;
	v9 =	vld [tilespmem:$0x1F570];
	v5 =	vadd.f32 v6, v58  }
0x4ce: {  	v14 =	vmul.f32 v14, v31;
	v59 =	vld [tilespmem:$0x1F5C0];
	v8 =	vmul.f32 v13, v8  }
0x4cf: {  	v2 =	vmul.f32 v2, v3;
	v42 =	vadd.f32 v62, v5;
	v13 =	vld [tilespmem:s31+$0x102E0];
	v0 =	vmul.f32 v0, v1  }
0x4d0: {  	v5 =	vmul.f32 v44, v43;
	v8 =	vadd.f32 v8, v14;
	v14 =	vmul.f32 v30, v29;
	v56 =	vld [tilespmem:$0x1F590]  }
0x4d1: {  	v0 =	vadd.f32 v0, v2;
	v2 =	vadd.f32 v7, v50;
	v7 =	vmul.f32 v15, v52;
	v15 =	vld [tilespmem:s31+$0x82A0]  }
0x4d2: {  	v54 =	vadd.f32 v14, v8;
	v14 =	vld [tilespmem:$0x1F5A0]  }
0x4d3: {  	v58 =	vld [tilespmem:$0x1F5B0];
	v4 =	vadd.f32 v5, v42;
	v5 =	vmul.f32 v18, v49  }
0x4d4: {  	v9 =	vmul.f32 v12, v9;
	v12 =	vld [tilespmem:s31+$0x105F0];
	v8 =	vmul.f32 v16, v19  }
0x4d5: {  	v60 =	vld [tilespmem:$0x1F5D0]  }
0x4d6: {  	v6 =	vmul.f32 v10, v47;
	v5 =	vadd.f32 v8, v5;
	v8 =	vmul.f32 v15, v13;
	v13 =	vld [tilespmem:s31+$0x85B0]  }
0x4d7: {  	(xrf2) =	vadd.scan.msk.f32 $0xffff, v4;
	v1 =	vmul.f32 v63, v39;
	v4 =	vmul.f32 v14, v56;
	v14 =	vld [tilespmem:$0x1F5E0]  }
0x4d8: {  	v34 =	vld [tilespmem:$0x1F610];
	v22 =	vmul.f32 v24, v22;
	v0 =	vadd.f32 v48, v0  }
0x4d9: {  	v55 =	vmul.f32 v40, v23;
	v20 =	vmul.f32 v45, v46;
	v10 =	vld [tilespmem:s31+$0x85A0];
	v1 =	vadd.f32 v6, v1  }
0x4da: {  	v41 =	vld [tilespmem:$0x1F650];
	v2 =	vadd.f32 v51, v2;
	v0 =	vadd.f32 v22, v0  }
0x4db: {  	v11 =	vadd.f32 v20, v11;
	v57 =	vadd.f32 v55, v1;
	v37 =	vmul.f32 v13, v12;
	v13 =	vld [tilespmem:$0x1F660]  }
0x4dc: {  	v35 =	vld [tilespmem:$0x1F620];
	v1 =	vmul.f32 v59, v58;
	v2 =	vadd.f32 v7, v2;
	v6 =	vmul.f32 v14, v60;
	(xrf2) =	vadd.scan.msk.f32 $0xffff, v0  }
0x4dd: {  	v17 =	vld [tilespmem:s31+$0x102F0];
	(xrf2) =	vadd.scan.msk.f32 $0xffff, v11  }
0x4de: {  	v53 =	vld [tilespmem:s31+$0x82B0];
	v1 =	vadd.f32 v6, v1;
	(xrf2) =	vadd.scan.msk.f32 $0xffff, v2;
	v2 =	vmul.f32 v10, v61  }
0x4df: {  	v5 =	vadd.f32 v8, v5;
	v8 =	vld [tilespmem:s31+$0x8990]  }
0x4e0: {  	v36 =	vadd.f32 v2, v1;
	v1 =	vmul.f32 v13, v41;
	v13 =	vld [tilespmem:$0x1F670]  }
0x4e1: {  	v3 =	vadd.f32 v9, v54;
	v9 =	vld [tilespmem:$0x1F630]  }
0x4e2: {  	v62 =	vld [tilespmem:s31+$0x88B0]  }
0x4e3: {  	v42 =	vld [tilespmem:$0x1F680]  }
0x4e4: {  	v39 =	vld [tilespmem:$0x1F640];
	v7 =	vmul.f32 v53, v17  }
0x4e5: {  	v14 =	vld [tilespmem:s31+$0x88A0];
	v8 =	vmul.f32 v8, v13  }
0x4e6: {  	v32 =	vadd.f32 v7, v5;
	v7 =	vmul.f32 v9, v35;
	v9 =	vld [tilespmem:s31+$0x89A0]  }
0x4e7: {  	v0 =	vadd.f32 v4, v57;
	v1 =	vadd.f32 v8, v1;
	v8 =	vld [tilespmem:$0x1F690]  }
0x4e8: {  	v63, _, _ =	vpop (xrf2);
	(xrf2) =	vadd.scan.msk.f32 $0xffff, v3;
	v5 =	vmul.f32 v34, v33  }
0x4e9: {  	v38 =	vld [tilespmem:s31+$0x109F0];
	v10, _, _ =	vpop (xrf2);
	(xrf2) =	vadd.scan.msk.f32 $0xffff, v0  }
0x4ea: {  	v11, _, _ =	vpop (xrf2);
	v12 =	vld [tilespmem:s31+$0x89B0];
	v5 =	vadd.f32 v7, v5;
	v7 =	vmul.f32 v14, v39;
	(xrf2) =	vadd.scan.msk.f32 $0xffff, v32  }
0x4eb: {  	v40, _, _ =	vpop (xrf2);
	v0 =	vadd.f32 v37, v36  }
0x4ec: {  	v4 =	vmul.f32 v62, v42;
	v5 =	vadd.f32 v7, v5;
	v13, _, _ =	vpop (xrf2);
	v8 =	vmul.f32 v9, v8  }
0x4ed: {  	(xrf2) =	vadd.scan.msk.f32 $0xffff, v0;
	v43, _, _ =	vpop (xrf2)  }
0x4ee: {  	v4 =	vadd.f32 v4, v5;
	v44, _, _ =	vpop (xrf2)  }
0x4ef: {  	v2 =	vmul.f32 v12, v38;
	v45, _, _ =	vpop (xrf2);
	v1 =	vadd.f32 v8, v1  }
0x4f0: {  	(xrf2) =	vadd.scan.msk.f32 $0xffff, v4;
	v8, _, _ =	vpop (xrf2)  }
0x4f1: {  	v1 =	vadd.f32 v2, v1;
	v46, _, _ =	vpop (xrf2)  }
0x4f2: {  	v11 =	vbroadcast v11, $0xF;
	v47, _, _ =	vpop (xrf2)  }
0x4f3: {  	v12 =	vbroadcast v13, $0xF;
	v9 =	vbroadcast v10, $0xF;
	v10, _, _ =	vpop (xrf2);
	(xrf2) =	vadd.scan.msk.f32 $0xffff, v1  }
0x4f4: {  	v0 =	vbroadcast v44, $0xF;
	v48 =	vbroadcast v45, $0xF;
	v49, _, _ =	vpop (xrf2)  }
0x4f5: {  	v10 =	vbroadcast v10, $0xF;
	v5 =	vbroadcast v49, $0xF  }
0x4f6: {  	v4 =	vbroadcast v46, $0xF;
	v2 =	vbroadcast v47, $0xF  }
0x4f7: {  	v8 =	vbroadcast v8, $0xF;
	v13, _, _ =	vpop (xrf2);
	v10 =	vnsel vm0, $0x0, v10;
	v5 =	vnsel vm1, $0x0, v5  }
0x4f8: {  	v50 =	vbroadcast v13, $0xF;
	v4 =	vsel vm2, v10, v4;
	v2 =	vsel vm3, v5, v2  }
0x4f9: {  	v51 =	vbroadcast v43, $0xF;
	v1 =	vsel vm4, v4, v48;
	v2 =	vsel vm5, v2, v8  }
0x4fa: {  	v53 =	vbroadcast v40, $0xF;
	v54, _, _ =	vpop (xrf2);
	v0 =	vsel vm6, v1, v0;
	v52 =	vsel vm7, v2, v50  }
0x4fb: {  	v3 =	vbroadcast v54, $0xF;
	v0 =	vsel vm8, v0, v12;
	v1 =	vsel vm9, v52, v51  }
0x4fc: {  	v55 =	vbroadcast v63, $0xF;
	v0 =	vsel vm10, v0, v11;
	v1 =	vsel vm11, v1, v53  }
0x4fd: {  	v0 =	vsel vm12, v0, v9;
	v1 =	vsel vm13, v1, v3;
	v56, _, _ =	vpop (xrf2)  }
0x4fe: {  	v0 =	vsel vm14, v0, v55;
	v1 =	vsel vm15, v1, v56  }
0x4ff: {  	v0 =	vadd.f32 v1, v0  }
0x500: {  	s26 =	simm.s32 $0x18300  }
0x501: {  	s28 =	simm.s32 $0x800;
	[tilespmem:s26+$0x0] =	vst v0  }
0x502: {  	v0 =	vld [tilespmem:s28+$0x10970]  }
0x503: {  	v57 =	vld [tilespmem:s28+$0x8930]  }
0x504: {  	v15 =	vld [tilespmem:s28+$0x109E0]  }
0x505: {  	v58 =	vld [tilespmem:s28+$0x10870]  }
0x506: {  	v59 =	vld [tilespmem:s28+$0x8830]  }
0x507: {  	v4 =	vld [tilespmem:s28+$0x10960]  }
0x508: {  	v26 =	vld [tilespmem:s28+$0x8920]  }
0x509: {  	v44 =	vld [tilespmem:s28+$0x108F0]  }
0x50a: {  	v45 =	vld [tilespmem:s28+$0x109C0]  }
0x50b: {  	v46 =	vld [tilespmem:s28+$0x8980]  }
0x50c: {  	v60 =	vld [tilespmem:s28+$0x109D0]  }
0x50d: {  	v61 =	vld [tilespmem:s28+$0x10770]  }
0x50e: {  	v62 =	vld [tilespmem:s28+$0x8730]  }
0x50f: {  	v3 =	vld [tilespmem:s28+$0x10860]  }
0x510: {  	v24 =	vld [tilespmem:s28+$0x8820]  }
0x511: {  	v31 =	vld [tilespmem:s28+$0x10940]  }
0x512: {  	v32 =	vld [tilespmem:s28+$0x8900]  }
0x513: {  	v33 =	vld [tilespmem:s28+$0x10950]  }
0x514: {  	v34 =	vld [tilespmem:s28+$0x8910]  }
0x515: {  	v63 =	vld [tilespmem:s28+$0x107F0]  }
0x516: {  	v5 =	vld [tilespmem:s28+$0x87B0]  }
0x517: {  	v6 =	vld [tilespmem:s28+$0x108E0]  }
0x518: {  	v7 =	vld [tilespmem:s28+$0x10670]  }
0x519: {  	v35 =	vld [tilespmem:s28+$0x8630]  }
0x51a: {  	v28 =	vld [tilespmem:s28+$0x10760]  }
0x51b: {  	v27 =	vld [tilespmem:s28+$0x8720]  }
0x51c: {  	v41 =	vld [tilespmem:s28+$0x10840]  }
0x51d: {  	v42 =	vld [tilespmem:s28+$0x8800]  }
0x51e: {  	v2 =	vld [tilespmem:s28+$0x8810]  }
0x51f: {  	v12 =	vld [tilespmem:s28+$0x106F0]  }
0x520: {  	v13 =	vld [tilespmem:s28+$0x86B0]  }
0x521: {  	v36 =	vld [tilespmem:s28+$0x108C0]  }
0x522: {  	v37 =	vld [tilespmem:s28+$0x8880]  }
0x523: {  	v38 =	vld [tilespmem:s28+$0x108D0]  }
0x524: {  	v39 =	vld [tilespmem:s28+$0x8890]  }
0x525: {  	v40 =	vld [tilespmem:s28+$0x10570]  }
0x526: {  	v10 =	vld [tilespmem:s28+$0x8530]  }
0x527: {  	v51 =	vld [tilespmem:s28+$0x10660]  }
0x528: {  	v52 =	vld [tilespmem:s28+$0x8620]  }
0x529: {  	v53 =	vld [tilespmem:s28+$0x10740]  }
0x52a: {  	v54 =	vld [tilespmem:s28+$0x8700]  }
0x52b: {  	v55 =	vld [tilespmem:s28+$0x10750]  }
0x52c: {  	v56 =	vld [tilespmem:s28+$0x8710]  }
0x52d: {  	v43 =	vld [tilespmem:s28+$0x106E0]  }
0x52e: {  	v48 =	vld [tilespmem:s28+$0x8430]  }
0x52f: {  	v47 =	vld [tilespmem:s28+$0x10560]  }
0x530: {  	v49 =	vld [tilespmem:s28+$0x8520]  }
0x531: {  	v25 =	vld [tilespmem:s28+$0x10640]  }
0x532: {  	v23 =	vld [tilespmem:s28+$0x8600]  }
0x533: {  	v22 =	vld [tilespmem:s28+$0x10650]  }
0x534: {  	v1 =	vld [tilespmem:s28+$0x8610]  }
0x535: {  	v16 =	vld [tilespmem:s28+$0x104F0]  }
0x536: {  	v17 =	vld [tilespmem:s28+$0x84B0]  }
0x537: {  	v50 =	vld [tilespmem:s28+$0x105E0]  }
0x538: {  	v29 =	vld [tilespmem:s28+$0x8690]  }
0x539: {  	v18 =	vld [tilespmem:s28+$0x10370]  }
0x53a: {  	v20 =	vld [tilespmem:s28+$0x8330]  }
0x53b: {  	v8 =	vld [tilespmem:s28+$0x8420]  }
0x53c: {  	v30 =	vld [tilespmem:s28+$0x8510]  }
0x53d: {  	v11 =	vld [tilespmem:s28+$0x103F0]  }
0x53e: {  	v14 =	vld [tilespmem:s28+$0x105C0]  }
0x53f: {  	v19 =	vld [tilespmem:s28+$0x10270]  }
0x540: {  	v21 =	vld [tilespmem:s28+$0x8230]  }
0x541: {  	v9 =	vld [tilespmem:s28+$0x8320]  }
0x542: {  	[tilespmem:$0x1F730] =	vst v0;
	v0 =	vld [tilespmem:s28+$0x10850]  }
0x543: {  	[tilespmem:$0x1F7A0] =	vst v5;
	v5 =	vld [tilespmem:s28+$0x107E0]  }
0x544: {  	[tilespmem:$0x1F7B0] =	vst v7;
	v7 =	vld [tilespmem:s28+$0x87A0]  }
0x545: {  	[tilespmem:$0x1F750] =	vst v58;
	v58 =	vld [tilespmem:s28+$0x86A0]  }
0x546: {  	[tilespmem:$0x1F760] =	vst v59;
	v59 =	vld [tilespmem:s28+$0x107C0]  }
0x547: {  	[tilespmem:$0x1F6A0] =	vst v60;
	v60 =	vld [tilespmem:s28+$0x8780]  }
0x548: {  	[tilespmem:$0x1F770] =	vst v61;
	v61 =	vld [tilespmem:s28+$0x107D0]  }
0x549: {  	[tilespmem:$0x1F780] =	vst v62;
	v62 =	vld [tilespmem:s28+$0x8790]  }
0x54a: {  	[tilespmem:$0x1F7D0] =	vst v43;
	v43 =	vld [tilespmem:s28+$0x10470]  }
0x54b: {  	[tilespmem:$0x1F800] =	vst v40;
	v40 =	vld [tilespmem:s28+$0x106C0]  }
0x54c: {  	[tilespmem:$0x1F7C0] =	vst v35;
	v35 =	vld [tilespmem:s28+$0x8680]  }
0x54d: {  	[tilespmem:$0x1F6E0] =	vst v38;
	v38 =	vld [tilespmem:s28+$0x106D0]  }
0x54e: {  	[tilespmem:$0x1F700] =	vst v50;
	v50 =	vld [tilespmem:s28+$0x10460]  }
0x54f: {  	[tilespmem:$0x1F6F0] =	vst v39;
	v39 =	vld [tilespmem:s28+$0x10540]  }
0x550: {  	[tilespmem:$0x1F6C0] =	vst v36;
	v36 =	vld [tilespmem:s28+$0x8500]  }
0x551: {  	[tilespmem:$0x1F6D0] =	vst v37;
	v37 =	vld [tilespmem:s28+$0x10550]  }
0x552: {  	[tilespmem:$0x1F7F0] =	vst v49;
	v49 =	vld [tilespmem:s28+$0x83B0]  }
0x553: {  	[tilespmem:$0x1F790] =	vst v63;
	v63 =	vld [tilespmem:s28+$0x104E0]  }
0x554: {  	[tilespmem:$0x1F740] =	vst v57;
	v57 =	vld [tilespmem:s28+$0x84A0]  }
0x555: {  	[tilespmem:$0x1F7E0] =	vst v47;
	v47 =	vld [tilespmem:s28+$0x8580]  }
0x556: {  	[tilespmem:$0x1F6B0] =	vst v6;
	v6 =	vld [tilespmem:s28+$0x105D0]  }
0x557: {  	v31 =	vmul.f32 v32, v31;
	v32 =	vmul.f32 v34, v33;
	v33 =	vld [tilespmem:s28+$0x10440]  }
0x558: {  	v34 =	vld [tilespmem:s28+$0x8400]  }
0x559: {  	v3 =	vmul.f32 v24, v3;
	v24 =	vld [tilespmem:s28+$0x103E0]  }
0x55a: {  	v1 =	vmul.f32 v1, v22;
	v22 =	vld [tilespmem:s28+$0x104D0]  }
0x55b: {  	v26 =	vmul.f32 v26, v4;
	v23 =	vmul.f32 v23, v25;
	v4 =	vld [tilespmem:$0x1F740]  }
0x55c: {  	v31 =	vadd.f32 v32, v31;
	v32 =	vld [tilespmem:s28+$0x10450]  }
0x55d: {  	v1 =	vadd.f32 v1, v23;
	v23 =	vmul.f32 v52, v51;
	v51 =	vld [tilespmem:$0x1F7F0]  }
0x55e: {  	v31 =	vadd.f32 v26, v31;
	v26 =	vld [tilespmem:s28+$0x83A0]  }
0x55f: {  	[tilespmem:$0x1F710] =	vst v6;
	v6 =	vld [tilespmem:s28+$0x8590]  }
0x560: {  	v41 =	vmul.f32 v42, v41;
	v42 =	vmul.f32 v2, v0;
	v0 =	vld [tilespmem:s28+$0x8410]  }
0x561: {  	v2 =	vld [tilespmem:$0x1F730]  }
0x562: {  	v60 =	vmul.f32 v60, v59;
	v59 =	vmul.f32 v62, v61;
	v61 =	vld [tilespmem:$0x1F770]  }
0x563: {  	v62 =	vld [tilespmem:$0x1F780]  }
0x564: {  	v30 =	vmul.f32 v30, v37;
	v37 =	vld [tilespmem:s28+$0x8380]  }
0x565: {  	v41 =	vadd.f32 v42, v41;
	v42 =	vmul.f32 v54, v53;
	v53 =	vld [tilespmem:s28+$0x104C0]  }
0x566: {  	v54 =	vld [tilespmem:s28+$0x8480]  }
0x567: {  	v41 =	vadd.f32 v3, v41;
	v3 =	vld [tilespmem:s28+$0x8490];
	v2 =	vmul.f32 v4, v2  }
0x568: {  	v4 =	vmul.f32 v56, v55;
	v56 =	vld [tilespmem:$0x1F760]  }
0x569: {  	v31 =	vadd.f32 v2, v31;
	v2 =	vld [tilespmem:$0x1F750]  }
0x56a: {  	[tilespmem:$0x1F720] =	vst v6;
	v6 =	vld [tilespmem:s28+$0x10360]  }
0x56b: {  	v27 =	vmul.f32 v27, v28;
	v55 =	vld [tilespmem:$0x1F790];
	v28 =	vadd.f32 v4, v42  }
0x56c: {  	v4 =	vmul.f32 v62, v61;
	v61 =	vld [tilespmem:$0x1F7D0]  }
0x56d: {  	v25 =	vadd.f32 v27, v28;
	v28 =	vadd.f32 v59, v60;
	v60 =	vmul.f32 v7, v5;
	v59 =	vld [tilespmem:$0x1F7B0]  }
0x56e: {  	v2 =	vmul.f32 v56, v2;
	v56 =	vld [tilespmem:$0x1F7A0]  }
0x56f: {  	v42 =	vadd.f32 v60, v28;
	v60 =	vld [tilespmem:$0x1F7C0]  }
0x570: {  	v62 =	vld [tilespmem:s28+$0x8310]  }
0x571: {  	v27 =	vld [tilespmem:s28+$0x10260]  }
0x572: {  	v7 =	vld [tilespmem:s28+$0x103D0];
	v41 =	vadd.f32 v2, v41  }
0x573: {  	(xrf2) =	vadd.scan.msk.f32 $0xffff, v31;
	v5 =	vmul.f32 v34, v33;
	v34 =	vld [tilespmem:s28+$0x8210];
	v25 =	vadd.f32 v4, v25;
	v2 =	vmul.f32 v56, v55  }
0x574: {  	v1 =	vadd.f32 v23, v1;
	v4 =	vld [tilespmem:s28+$0x10340];
	v23 =	vmul.f32 v60, v59;
	(xrf2) =	vadd.scan.msk.f32 $0xffff, v41  }
0x575: {  	v29 =	vmul.f32 v29, v38;
	(xrf2) =	vadd.scan.msk.f32 $0xffff, v25;
	v25 =	vmul.f32 v35, v40;
	v40 =	vld [tilespmem:$0x1F7E0];
	v31 =	vadd.f32 v2, v42  }
0x576: {  	v56 =	vld [tilespmem:$0x1F800];
	v1 =	vadd.f32 v23, v1  }
0x577: {  	v41 =	vld [tilespmem:s28+$0x8300];
	v23 =	vmul.f32 v58, v61;
	v25 =	vadd.f32 v29, v25;
	(xrf2) =	vadd.scan.msk.f32 $0xffff, v31  }
0x578: {  	v22 =	vmul.f32 v3, v22;
	v35 =	vld [tilespmem:s28+$0x10350];
	v29 =	vmul.f32 v36, v39;
	(xrf2) =	vadd.scan.msk.f32 $0xffff, v1  }
0x579: {  	v33 =	vld [tilespmem:s28+$0x102C0];
	v61 =	vmul.f32 v57, v63;
	v23 =	vadd.f32 v23, v25;
	v25 =	vmul.f32 v13, v12  }
0x57a: {  	v28 =	vld [tilespmem:s28+$0x8220];
	v31 =	vmul.f32 v0, v32;
	v29 =	vadd.f32 v30, v29;
	v52 =	vmul.f32 v51, v40  }
0x57b: {  	[tilespmem:$0x1F810] =	vst v9;
	v55 =	vld [tilespmem:s28+$0x8390];
	v58 =	vmul.f32 v10, v56;
	v25 =	vadd.f32 v25, v23;
	v23 =	vmul.f32 v54, v53  }
0x57c: {  	v63 =	vld [tilespmem:$0x1F810];
	v1 =	vadd.f32 v31, v5;
	v31 =	vmul.f32 v8, v50;
	v29 =	vadd.f32 v52, v29  }
0x57d: {  	v36 =	vld [tilespmem:s28+$0x103C0];
	v41 =	vmul.f32 v41, v4;
	v35 =	vmul.f32 v62, v35;
	v22 =	vadd.f32 v22, v23  }
0x57e: {  	v60 =	vmul.f32 v48, v43;
	v43, _, _ =	vpop (xrf2);
	v30 =	vld [tilespmem:s28+$0x8200];
	v59 =	vadd.f32 v31, v1;
	v29 =	vadd.f32 v58, v29  }
0x57f: {  	v32 =	vld [tilespmem:s28+$0x10250];
	v38 =	vadd.f32 v35, v41;
	v23, _, _ =	vpop (xrf2)  }
0x580: {  	v62 =	vmul.f32 v17, v16;
	v35 =	vld [tilespmem:s28+$0x8280];
	(xrf2) =	vadd.scan.msk.f32 $0xffff, v25;
	v40 =	vadd.f32 v60, v59;
	v1 =	vadd.f32 v61, v22;
	v25, _, _ =	vpop (xrf2)  }
0x581: {  	v39 =	vmul.f32 v63, v6;
	v31 =	vld [tilespmem:s28+$0x10240];
	(xrf2) =	vadd.scan.msk.f32 $0xffff, v29;
	v22, _, _ =	vpop (xrf2)  }
0x582: {  	s29 =	simm.s32 $0x4000;
	v41 =	vmul.f32 v55, v7;
	(xrf2) =	vadd.scan.msk.f32 $0xffff, v40;
	v40 =	vmul.f32 v37, v36;
	v36 =	vld [tilespmem:s28+$0x102D0];
	v37 =	vadd.f32 v62, v1;
	v29, _, _ =	vpop (xrf2)  }
.LBB2_6:
0x583: {  	v42 =	vld [tilespmem:s28+$0x8290]  }
0x584: {  	v1 =	vld [tilespmem:$0x1F720]  }
0x585: {  	v13 =	vld [tilespmem:s28+$0x88A0]  }
0x586: {  	v48 =	vld [tilespmem:$0x1F6D0]  }
0x587: {  	v50 =	vld [tilespmem:$0x1F6F0]  }
0x588: {  	v51 =	vld [tilespmem:$0x1F6B0]  }
0x589: {  	v7 =	vadd.f32 v41, v40;
	v40 =	vld [tilespmem:s28+$0x102F0]  }
0x58a: {  	v41 =	vld [tilespmem:$0x1F710]  }
0x58b: {  	v18 =	vmul.f32 v20, v18;
	v20 =	vld [tilespmem:s28+$0x102E0]  }
0x58c: {  	v38 =	vadd.f32 v39, v38;
	v24 =	vmul.f32 v26, v24;
	v26 =	vmul.f32 v30, v31;
	v31 =	vld [tilespmem:s28+$0x82A0]  }
0x58d: {  	v0 =	vmul.f32 v34, v32;
	v19 =	vmul.f32 v21, v19;
	v21 =	vld [tilespmem:s28+$0x105F0]  }
0x58e: {  	v16 =	vmul.f32 v49, v11;
	v11 =	vmul.f32 v47, v14;
	v47 =	vld [tilespmem:$0x1F6C0];
	v18 =	vadd.f32 v18, v38  }
0x58f: {  	(xrf2) =	vadd.scan.msk.f32 $0xffff, v37;
	v24 =	vadd.f32 v24, v7;
	v17 =	vadd.f32 v0, v26;
	v26 =	vmul.f32 v28, v27;
	v27 =	vld [tilespmem:s28+$0x82B0]  }
0x590: {  	v28 =	vmul.f32 v42, v36;
	v42 =	vld [tilespmem:$0x1F700]  }
0x591: {  	v38, _, _ =	vpop (xrf2);
	(xrf2) =	vadd.scan.msk.f32 $0xffff, v18;
	v18 =	vmul.f32 v35, v33;
	v16 =	vadd.f32 v16, v24;
	v24 =	vld [tilespmem:s28+$0x85A0]  }
0x592: {  	v49 =	vld [tilespmem:$0x1F6E0]  }
0x593: {  	v17 =	vadd.f32 v26, v17;
	v26 =	vld [tilespmem:s28+$0x85B0];
	v20 =	vmul.f32 v31, v20;
	v18 =	vadd.f32 v28, v18  }
0x594: {  	v53 =	vld [tilespmem:$0x1F6A0];
	v12 =	vmul.f32 v1, v41  }
0x595: {  	v30, _, _ =	vpop (xrf2);
	(xrf2) =	vadd.scan.msk.f32 $0xffff, v16;
	v16 =	vadd.f32 v19, v17;
	v19 =	vld [tilespmem:s28+$0x8990];
	v17 =	vadd.f32 v20, v18;
	v18 =	vmul.f32 v27, v40  }
0x596: {  	v11 =	vadd.f32 v12, v11;
	v12 =	vld [tilespmem:s28+$0x88B0];
	v10 =	vmul.f32 v24, v42  }
0x597: {  	v8 =	vld [tilespmem:s28+$0x89A0];
	v14, _, _ =	vpop (xrf2);
	v6 =	vmul.f32 v48, v47;
	v7 =	vmul.f32 v50, v49;
	(xrf2) =	vadd.scan.msk.f32 $0xffff, v16;
	v16 =	vadd.f32 v18, v17  }
0x598: {  	v52 =	vld [tilespmem:s28+$0x89B0];
	v10 =	vadd.f32 v10, v11;
	v11 =	vmul.f32 v26, v21  }
0x599: {  	v5 =	vmul.f32 v13, v51;
	v9, _, _ =	vpop (xrf2);
	v6 =	vadd.f32 v7, v6;
	v17 =	vld [tilespmem:s28+$0x109F0];
	(xrf2) =	vadd.scan.msk.f32 $0xffff, v16  }
0x59a: {  	v2 =	vmul.f32 v46, v45;
	v10 =	vadd.f32 v11, v10;
	v11 =	vmul.f32 v19, v53  }
0x59b: {  	v5 =	vadd.f32 v5, v6;
	v54 =	vmul.f32 v12, v44  }
0x59c: {  	v55 =	vmul.f32 v8, v15;
	v4, _, _ =	vpop (xrf2);
	v2 =	vadd.f32 v11, v2;
	(xrf2) =	vadd.scan.msk.f32 $0xffff, v10  }
0x59d: {  	v5 =	vadd.f32 v54, v5  }
0x59e: {  	v56 =	vmul.f32 v52, v17;
	v0 =	vadd.f32 v55, v2  }
0x59f: {  	v3, _, _ =	vpop (xrf2);
	(xrf2) =	vadd.scan.msk.f32 $0xffff, v5  }
0x5a0: {  	v0 =	vadd.f32 v56, v0  }
0x5a1: {  	v58 =	vbroadcast v23, $0xF  }
0x5a2: {  	v59 =	vbroadcast v29, $0xF;
	v60 =	vbroadcast v25, $0xF;
	v57, _, _ =	vpop (xrf2);
	(xrf2) =	vadd.scan.msk.f32 $0xffff, v0  }
0x5a3: {  	v62 =	vbroadcast v30, $0xF;
	v61 =	vbroadcast v14, $0xF;
	v8, _, _ =	vpop (xrf2)  }
0x5a4: {  	v1 =	vbroadcast v57, $0xF;
	v8 =	vbroadcast v8, $0xF  }
0x5a5: {  	v4 =	vbroadcast v4, $0xF;
	v3 =	vbroadcast v3, $0xF  }
0x5a6: {  	v9 =	vbroadcast v9, $0xF;
	v1 =	vnsel vm0, $0x0, v1;
	v8 =	vnsel vm1, $0x0, v8;
	v10, _, _ =	vpop (xrf2)  }
0x5a7: {  	v1 =	vsel vm2, v1, v4;
	v3 =	vsel vm3, v8, v3;
	v63 =	vbroadcast v10, $0xF  }
0x5a8: {  	v34 =	vbroadcast v38, $0xF;
	v0 =	vsel vm4, v1, v61;
	v33 =	vsel vm5, v3, v9  }
0x5a9: {  	v35 =	vbroadcast v22, $0xF;
	v0 =	vsel vm6, v0, v62;
	v36, _, _ =	vpop (xrf2);
	v1 =	vsel vm7, v33, v63  }
0x5aa: {  	v0 =	vsel vm8, v0, v59;
	v37 =	vbroadcast v36, $0xF;
	v1 =	vsel vm9, v1, v34  }
0x5ab: {  	v38 =	vbroadcast v43, $0xF;
	v0 =	vsel vm10, v0, v60;
	v1 =	vsel vm11, v1, v35  }
0x5ac: {  	v0 =	vsel vm12, v0, v58;
	v1 =	vsel vm13, v1, v37;
	v39, _, _ =	vpop (xrf2)  }
0x5ad: {  	v0 =	vsel vm14, v0, v38;
	v1 =	vsel vm15, v1, v39  }
0x5ae: {  	v0 =	vadd.f32 v1, v0  }
0x5af: {  	s26 =	sadd.s32 $0x10, s26  }
0x5b0: {  	s28 =	sshra.s32 s29, $0x2;
	[tilespmem:s26+$0x0] =	vst v0  }
0x5b1: {  	v33 =	vld [tilespmem:s28+$0x10970]  }
0x5b2: {  	v34 =	vld [tilespmem:s28+$0x8930]  }
0x5b3: {  	v0 =	vld [tilespmem:s28+$0x109E0]  }
0x5b4: {  	v40 =	vld [tilespmem:s28+$0x10870]  }
0x5b5: {  	v41 =	vld [tilespmem:s28+$0x8830]  }
0x5b6: {  	v39 =	vld [tilespmem:s28+$0x10960]  }
0x5b7: {  	v42 =	vld [tilespmem:s28+$0x108F0]  }
0x5b8: {  	v43 =	vld [tilespmem:s28+$0x109C0]  }
0x5b9: {  	v24 =	vld [tilespmem:s28+$0x8980]  }
0x5ba: {  	v44 =	vld [tilespmem:s28+$0x109D0]  }
0x5bb: {  	v45 =	vld [tilespmem:s28+$0x10770]  }
0x5bc: {  	v30 =	vld [tilespmem:s28+$0x8730]  }
0x5bd: {  	v21 =	vld [tilespmem:s28+$0x10940]  }
0x5be: {  	v53 =	vld [tilespmem:s28+$0x8900]  }
0x5bf: {  	v54 =	vld [tilespmem:s28+$0x10950]  }
0x5c0: {  	v57 =	vld [tilespmem:s28+$0x8910]  }
0x5c1: {  	v31 =	vld [tilespmem:s28+$0x107F0]  }
0x5c2: {  	v32 =	vld [tilespmem:s28+$0x87B0]  }
0x5c3: {  	v46 =	vld [tilespmem:s28+$0x108E0]  }
0x5c4: {  	v47 =	vld [tilespmem:s28+$0x10670]  }
0x5c5: {  	v48 =	vld [tilespmem:s28+$0x8630]  }
0x5c6: {  	v28 =	vld [tilespmem:s28+$0x10760]  }
0x5c7: {  	v26 =	vld [tilespmem:s28+$0x8720]  }
0x5c8: {  	v60 =	vld [tilespmem:s28+$0x10840]  }
0x5c9: {  	v61 =	vld [tilespmem:s28+$0x8800]  }
0x5ca: {  	v62 =	vld [tilespmem:s28+$0x10850]  }
0x5cb: {  	v63 =	vld [tilespmem:s28+$0x8810]  }
0x5cc: {  	v49 =	vld [tilespmem:s28+$0x106F0]  }
0x5cd: {  	v50 =	vld [tilespmem:s28+$0x86B0]  }
0x5ce: {  	v27 =	vld [tilespmem:s28+$0x107E0]  }
0x5cf: {  	v51 =	vld [tilespmem:s28+$0x108C0]  }
0x5d0: {  	v52 =	vld [tilespmem:s28+$0x8880]  }
0x5d1: {  	v55 =	vld [tilespmem:s28+$0x108D0]  }
0x5d2: {  	v56 =	vld [tilespmem:s28+$0x8890]  }
0x5d3: {  	v58 =	vld [tilespmem:s28+$0x10570]  }
0x5d4: {  	v59 =	vld [tilespmem:s28+$0x8530]  }
0x5d5: {  	v22 =	vld [tilespmem:s28+$0x10660]  }
0x5d6: {  	v1 =	vld [tilespmem:s28+$0x8700]  }
0x5d7: {  	v2 =	vld [tilespmem:s28+$0x10750]  }
0x5d8: {  	v3 =	vld [tilespmem:s28+$0x8710]  }
0x5d9: {  	v29 =	vld [tilespmem:s28+$0x106E0]  }
0x5da: {  	v23 =	vld [tilespmem:s28+$0x86A0]  }
0x5db: {  	v4 =	vld [tilespmem:s28+$0x107C0]  }
0x5dc: {  	v5 =	vld [tilespmem:s28+$0x8780]  }
0x5dd: {  	v6 =	vld [tilespmem:s28+$0x107D0]  }
0x5de: {  	v7 =	vld [tilespmem:s28+$0x8790]  }
0x5df: {  	v35 =	vld [tilespmem:s28+$0x10470]  }
0x5e0: {  	v37 =	vld [tilespmem:s28+$0x8430]  }
0x5e1: {  	v25 =	vld [tilespmem:s28+$0x10560]  }
0x5e2: {  	v8 =	vld [tilespmem:s28+$0x10640]  }
0x5e3: {  	v9 =	vld [tilespmem:s28+$0x8600]  }
0x5e4: {  	v10 =	vld [tilespmem:s28+$0x10650]  }
0x5e5: {  	v11 =	vld [tilespmem:s28+$0x8610]  }
0x5e6: {  	v36 =	vld [tilespmem:s28+$0x104F0]  }
0x5e7: {  	v38 =	vld [tilespmem:s28+$0x84B0]  }
0x5e8: {  	v12 =	vld [tilespmem:s28+$0x105E0]  }
0x5e9: {  	v13 =	vld [tilespmem:s28+$0x8680]  }
0x5ea: {  	v14 =	vld [tilespmem:s28+$0x106D0]  }
0x5eb: {  	v16 =	vld [tilespmem:s28+$0x8690]  }
0x5ec: {  	v18 =	vld [tilespmem:s28+$0x10370]  }
0x5ed: {  	v20 =	vld [tilespmem:s28+$0x8330]  }
0x5ee: {  	v15 =	vld [tilespmem:s28+$0x8500]  }
0x5ef: {  	v17 =	vld [tilespmem:s28+$0x105C0]  }
0x5f0: {  	v19 =	vld [tilespmem:s28+$0x105D0]  }
0x5f1: {  	[tilespmem:$0x1F430] =	vst v40;
	v40 =	vld [tilespmem:s28+$0x8920]  }
0x5f2: {  	[tilespmem:$0x1F440] =	vst v41;
	v41 =	vld [tilespmem:s28+$0x10860]  }
0x5f3: {  	[tilespmem:$0x1F490] =	vst v42;
	v42 =	vld [tilespmem:s28+$0x8820]  }
0x5f4: {  	[tilespmem:$0x1F4B0] =	vst v50;
	v50 =	vld [tilespmem:s28+$0x87A0]  }
0x5f5: {  	[tilespmem:$0x1F6D0] =	vst v52;
	v52 =	vld [tilespmem:s28+$0x8620]  }
0x5f6: {  	[tilespmem:$0x1F4E0] =	vst v0;
	v0 =	vld [tilespmem:s28+$0x10740]  }
0x5f7: {  	[tilespmem:$0x1F6C0] =	vst v51;
	v51 =	vld [tilespmem:s28+$0x8520]  }
0x5f8: {  	[tilespmem:$0x1F700] =	vst v12;
	v12 =	vld [tilespmem:s28+$0x106C0]  }
0x5f9: {  	[tilespmem:$0x1F6E0] =	vst v55;
	v55 =	vld [tilespmem:s28+$0x10460]  }
0x5fa: {  	[tilespmem:$0x1F4C0] =	vst v58;
	v58 =	vld [tilespmem:s28+$0x8420]  }
0x5fb: {  	[tilespmem:$0x1F480] =	vst v43;
	v43 =	vld [tilespmem:s28+$0x10540]  }
0x5fc: {  	[tilespmem:$0x1F6A0] =	vst v44;
	v44 =	vld [tilespmem:s28+$0x10550]  }
0x5fd: {  	[tilespmem:$0x1F450] =	vst v45;
	v45 =	vld [tilespmem:s28+$0x8510]  }
0x5fe: {  	[tilespmem:$0x1F470] =	vst v48;
	v48 =	vld [tilespmem:s28+$0x103F0]  }
0x5ff: {  	[tilespmem:$0x1F4A0] =	vst v49;
	v49 =	vld [tilespmem:s28+$0x83B0]  }
0x600: {  	[tilespmem:$0x1F6F0] =	vst v56;
	v56 =	vld [tilespmem:s28+$0x104E0]  }
0x601: {  	[tilespmem:$0x1F4D0] =	vst v59;
	v59 =	vld [tilespmem:s28+$0x84A0]  }
0x602: {  	[tilespmem:$0x1F460] =	vst v47;
	v47 =	vld [tilespmem:s28+$0x8580]  }
0x603: {  	[tilespmem:$0x1F710] =	vst v19;
	v19 =	vld [tilespmem:s28+$0x8590]  }
0x604: {  	[tilespmem:$0x1F6B0] =	vst v46;
	v46 =	vmul.f32 v53, v21;
	v21 =	vld [tilespmem:s28+$0x8230]  }
0x605: {  	v53 =	vld [tilespmem:s28+$0x10360]  }
0x606: {  	v54 =	vmul.f32 v57, v54;
	v33 =	vmul.f32 v34, v33;
	v34 =	vld [tilespmem:s28+$0x8400]  }
0x607: {  	v57 =	vmul.f32 v63, v62;
	v63 =	vmul.f32 v3, v2;
	v3 =	vld [tilespmem:s28+$0x8410]  }
0x608: {  	v62 =	vld [tilespmem:$0x1F440]  }
0x609: {  	v8 =	vmul.f32 v9, v8;
	v9 =	vmul.f32 v11, v10;
	v11 =	vld [tilespmem:$0x1F470]  }
0x60a: {  	v10 =	vmul.f32 v16, v14;
	v14 =	vld [tilespmem:$0x1F4B0]  }
0x60b: {  	v16 =	vld [tilespmem:$0x1F4D0];
	v46 =	vadd.f32 v54, v46  }
0x60c: {  	v54 =	vmul.f32 v61, v60;
	v60 =	vld [tilespmem:s28+$0x10440]  }
0x60d: {  	[tilespmem:$0x1F720] =	vst v19;
	v19 =	vld [tilespmem:s28+$0x10270];
	v39 =	vmul.f32 v40, v39  }
0x60e: {  	v40 =	vld [tilespmem:s28+$0x8320]  }
0x60f: {  	v41 =	vmul.f32 v42, v41;
	v39 =	vadd.f32 v39, v46;
	v46 =	vmov v24;
	v24 =	vld [tilespmem:$0x1F430]  }
0x610: {  	v8 =	vadd.f32 v9, v8;
	v42 =	vld [tilespmem:s28+$0x10450];
	v0 =	vmul.f32 v1, v0;
	v9 =	vmul.f32 v52, v22  }
0x611: {  	v54 =	vadd.f32 v57, v54;
	v52 =	vmul.f32 v13, v12;
	v13 =	vmul.f32 v45, v44;
	v45 =	vld [tilespmem:$0x1F480]  }
0x612: {  	v44 =	vld [tilespmem:$0x1F490]  }
0x613: {  	v61 =	vadd.f32 v41, v54;
	v0 =	vadd.f32 v63, v0;
	v63 =	vmul.f32 v26, v28;
	v26 =	vld [tilespmem:s28+$0x83A0]  }
0x614: {  	v54 =	vmul.f32 v7, v6;
	v6 =	vld [tilespmem:s28+$0x104C0];
	v57 =	vadd.f32 v33, v39;
	v39 =	vmul.f32 v62, v24  }
0x615: {  	v28 =	vld [tilespmem:s28+$0x8220]  }
0x616: {  	(xrf2) =	vadd.scan.msk.f32 $0xffff, v57;
	v57 =	vadd.f32 v39, v61;
	v61 =	vld [tilespmem:$0x1F450]  }
0x617: {  	v12 =	vmul.f32 v15, v43;
	v8 =	vadd.f32 v9, v8;
	v9 =	vld [tilespmem:$0x1F460]  }
0x618: {  	v15 =	vmul.f32 v34, v60;
	v34 =	vld [tilespmem:s28+$0x8210]  }
0x619: {  	v41 =	vmul.f32 v5, v4;
	v12 =	vadd.f32 v13, v12;
	v33 =	vld [tilespmem:s28+$0x104D0]  }
0x61a: {  	v13 =	vmul.f32 v51, v25;
	v0 =	vadd.f32 v63, v0;
	v63 =	vmul.f32 v50, v27;
	v27 =	vld [tilespmem:s28+$0x10260]  }
0x61b: {  	v2 =	vadd.f32 v54, v41;
	v54 =	vld [tilespmem:s28+$0x10340];
	v1 =	vmul.f32 v30, v61  }
0x61c: {  	v12 =	vadd.f32 v13, v12;
	v13 =	vld [tilespmem:$0x1F4C0]  }
0x61d: {  	v50 =	vmul.f32 v32, v31;
	v31 =	vld [tilespmem:s28+$0x10240];
	v0 =	vadd.f32 v1, v0  }
0x61e: {  	v32 =	vld [tilespmem:s28+$0x10250];
	v2 =	vadd.f32 v63, v2;
	(xrf2) =	vadd.scan.msk.f32 $0xffff, v57  }
0x61f: {  	v63 =	vmul.f32 v38, v36;
	v36 =	vld [tilespmem:s28+$0x102D0];
	(xrf2) =	vadd.scan.msk.f32 $0xffff, v0;
	v0 =	vadd.f32 v10, v52;
	v10 =	vmul.f32 v23, v29  }
0x620: {  	v62 =	vld [tilespmem:s28+$0x8480];
	v9 =	vmul.f32 v11, v9  }
0x621: {  	v2 =	vadd.f32 v50, v2;
	v0 =	vadd.f32 v10, v0;
	v10 =	vld [tilespmem:$0x1F4A0]  }
0x622: {  	v11 =	vld [tilespmem:s28+$0x8300];
	v8 =	vadd.f32 v9, v8  }
0x623: {  	v39 =	vld [tilespmem:s28+$0x8490];
	(xrf2) =	vadd.scan.msk.f32 $0xffff, v2  }
0x624: {  	v9 =	vld [tilespmem:s28+$0x8310];
	v43, _, _ =	vpop (xrf2);
	(xrf2) =	vadd.scan.msk.f32 $0xffff, v8  }
0x625: {  	v3 =	vmul.f32 v3, v42;
	v13 =	vmul.f32 v16, v13;
	v16 =	vld [tilespmem:s28+$0x8390]  }
0x626: {  	v57 =	vld [tilespmem:s28+$0x10350];
	v10 =	vmul.f32 v14, v10  }
0x627: {  	v3 =	vadd.f32 v3, v15;
	v15 =	vmul.f32 v58, v55;
	v8 =	vld [tilespmem:s28+$0x8380]  }
0x628: {  	v58 =	vmul.f32 v62, v6;
	v1 =	vmul.f32 v39, v33;
	v14 =	vld [tilespmem:s28+$0x103C0];
	v0 =	vadd.f32 v10, v0  }
0x629: {  	p0 =	sne.s32 s29, $0xE000;
	v3 =	vadd.f32 v15, v3;
	v10 =	vld [tilespmem:s28+$0x103D0]  }
.Ltmp2:
0x62a: {  	v24 =	vld [tilespmem:s28+$0x103E0];
	v62 =	vmul.f32 v59, v56;
	v61 =	vmul.f32 v37, v35;
	v23, _, _ =	vpop (xrf2);
	(xrf2) =	vadd.scan.msk.f32 $0xffff, v0;
	v0 =	vadd.f32 v1, v58;
	(pc) =	sbr.rel @p0 .LBB2_6-.Ltmp2, $4  }
0x62b: {  	v15 =	vld [tilespmem:$0x1F4E0];
	v60 =	vadd.f32 v13, v12;
	v4 =	vmul.f32 v11, v54;
	v2 =	vmul.f32 v9, v57  }
0x62c: {  	v11 =	vmov v48;
	v30 =	vld [tilespmem:s28+$0x8200];
	v3 =	vadd.f32 v61, v3;
	v25, _, _ =	vpop (xrf2);
	v0 =	vadd.f32 v62, v0  }
0x62d: {  	v35 =	vld [tilespmem:s28+$0x8280];
	v39 =	vmul.f32 v40, v53;
	v38 =	vadd.f32 v2, v4;
	v22, _, _ =	vpop (xrf2);
	(xrf2) =	vadd.scan.msk.f32 $0xffff, v60;
	v40 =	vmul.f32 v8, v14  }
0x62e: {  	s29 =	sadd.s32 $0x2000, s29;
	v33 =	vld [tilespmem:s28+$0x102C0];
	v14 =	vmov v17;
	v29, _, _ =	vpop (xrf2);
	(xrf2) =	vadd.scan.msk.f32 $0xffff, v3;
	v41 =	vmul.f32 v16, v10;
	v37 =	vadd.f32 v63, v0  }
0x62f: {  	v0 =	vld [tilespmem:s28+$0x8290]  }
0x630: {  	v1 =	vld [tilespmem:s28+$0x102E0]  }
0x631: {  	v4 =	vld [tilespmem:s28+$0x82A0]  }
0x632: {  	v7 =	vld [tilespmem:s28+$0x102F0];
	v9 =	vmul.f32 v34, v32;
	v8 =	vmul.f32 v30, v31  }
0x633: {  	v34 =	vld [tilespmem:s28+$0x82B0]  }
0x634: {  	v10 =	vld [tilespmem:s28+$0x85A0];
	v8 =	vadd.f32 v9, v8;
	v9 =	vmul.f32 v28, v27  }
0x635: {  	v12 =	vld [tilespmem:s28+$0x105F0]  }
0x636: {  	v2 =	vadd.f32 v39, v38;
	v38 =	vadd.f32 v9, v8;
	v9 =	vld [tilespmem:$0x1F710]  }
0x637: {  	v8 =	vmul.f32 v47, v14;
	v14 =	vld [tilespmem:$0x1F720]  }
0x638: {  	v48 =	vld [tilespmem:$0x1F6C0]  }
0x639: {  	v11 =	vmul.f32 v49, v11;
	v49 =	vld [tilespmem:$0x1F6D0]  }
0x63a: {  	v50 =	vld [tilespmem:$0x1F6E0]  }
0x63b: {  	v53 =	vld [tilespmem:$0x1F6B0]  }
0x63c: {  	v6 =	vmul.f32 v26, v24;
	v57 =	vld [tilespmem:$0x1F6A0];
	v9 =	vmul.f32 v14, v9  }
0x63d: {  	v5 =	vadd.f32 v41, v40;
	v35 =	vmul.f32 v35, v33;
	v0 =	vmul.f32 v0, v36;
	v47 =	vld [tilespmem:$0x1F700]  }
0x63e: {  	v3 =	vmul.f32 v20, v18;
	v42 =	vadd.f32 v9, v8;
	v9 =	vld [tilespmem:$0x1F6F0]  }
0x63f: {  	v5 =	vadd.f32 v6, v5;
	v1 =	vmul.f32 v4, v1;
	v36 =	vld [tilespmem:s28+$0x85B0];
	v0 =	vadd.f32 v0, v35  }
0x640: {  	v13 =	vmul.f32 v21, v19;
	v2 =	vadd.f32 v3, v2;
	v14 =	vld [tilespmem:s28+$0x88A0]  }
0x641: {  	(xrf2) =	vadd.scan.msk.f32 $0xffff, v37;
	v40 =	vld [tilespmem:s28+$0x8990];
	v5 =	vadd.f32 v11, v5;
	v39 =	vmul.f32 v34, v7;
	v0 =	vadd.f32 v1, v0  }
0x642: {  	(xrf2) =	vadd.scan.msk.f32 $0xffff, v2;
	v41 =	vadd.f32 v13, v38;
	v7 =	vmul.f32 v10, v47;
	v8 =	vld [tilespmem:s28+$0x88B0]  }
0x643: {  	(xrf2) =	vadd.scan.msk.f32 $0xffff, v5;
	v1 =	vmul.f32 v49, v48;
	v0 =	vadd.f32 v39, v0;
	v5 =	vmul.f32 v9, v50;
	v9 =	vld [tilespmem:s28+$0x89A0]  }
0x644: {  	v52 =	vld [tilespmem:s28+$0x109F0];
	(xrf2) =	vadd.scan.msk.f32 $0xffff, v41;
	v4 =	vmul.f32 v36, v12;
	v51 =	vadd.f32 v7, v42  }
0x645: {  	v54 =	vld [tilespmem:s28+$0x89B0];
	(xrf2) =	vadd.scan.msk.f32 $0xffff, v0;
	v1 =	vadd.f32 v5, v1;
	v5 =	vmul.f32 v14, v53  }
0x646: {  	v56 =	vmul.f32 v46, v45;
	v3 =	vmul.f32 v40, v57;
	v55 =	vadd.f32 v4, v51  }
0x647: {  	v58 =	vmul.f32 v8, v44;
	v1 =	vadd.f32 v5, v1  }
0x648: {  	v59, _, _ =	vpop (xrf2);
	v2 =	vadd.f32 v3, v56;
	(xrf2) =	vadd.scan.msk.f32 $0xffff, v55;
	v60 =	vmul.f32 v9, v15  }
0x649: {  	v61, _, _ =	vpop (xrf2);
	v1 =	vadd.f32 v58, v1  }
0x64a: {  	v63 =	vmul.f32 v54, v52;
	v62, _, _ =	vpop (xrf2);
	v2 =	vadd.f32 v60, v2  }
0x64b: {  	v32, _, _ =	vpop (xrf2);
	(xrf2) =	vadd.scan.msk.f32 $0xffff, v1  }
0x64c: {  	v33, _, _ =	vpop (xrf2);
	v2 =	vadd.f32 v63, v2  }
0x64d: {  	v40 =	vbroadcast v59, $0xF;
	v34, _, _ =	vpop (xrf2)  }
0x64e: {  	v35 =	vbroadcast v23, $0xF;
	v36 =	vbroadcast v62, $0xF;
	v8, _, _ =	vpop (xrf2);
	(xrf2) =	vadd.scan.msk.f32 $0xffff, v2  }
0x64f: {  	v10 =	vbroadcast v25, $0xF;
	v6 =	vbroadcast v32, $0xF;
	v37, _, _ =	vpop (xrf2)  }
0x650: {  	v8 =	vbroadcast v8, $0xF;
	v4 =	vbroadcast v37, $0xF  }
0x651: {  	v3 =	vbroadcast v34, $0xF;
	v1 =	vbroadcast v33, $0xF  }
0x652: {  	v0 =	vbroadcast v61, $0xF;
	v8 =	vnsel vm0, $0x0, v8;
	v4 =	vnsel vm1, $0x0, v4;
	v11, _, _ =	vpop (xrf2)  }
0x653: {  	v3 =	vsel vm3, v4, v3;
	v1 =	vsel vm2, v8, v1;
	v38 =	vbroadcast v11, $0xF  }
0x654: {  	v9 =	vbroadcast v29, $0xF;
	v39 =	vsel vm5, v3, v6;
	v1 =	vsel vm4, v1, v36  }
0x655: {  	v42 =	vbroadcast v22, $0xF;
	v0 =	vsel vm6, v1, v0;
	v41 =	vsel vm7, v39, v38;
	v44, _, _ =	vpop (xrf2)  }
0x656: {  	v0 =	vsel vm8, v0, v9;
	v1 =	vsel vm9, v41, v40;
	v45 =	vbroadcast v44, $0xF  }
0x657: {  	v46 =	vbroadcast v43, $0xF;
	v0 =	vsel vm10, v0, v10;
	v1 =	vsel vm11, v1, v42  }
0x658: {  	v0 =	vsel vm12, v0, v35;
	v1 =	vsel vm13, v1, v45;
	v47, _, _ =	vpop (xrf2)  }
0x659: {  	v0 =	vsel vm14, v0, v46;
	v1 =	vsel vm15, v1, v47  }
0x65a: {  	v0 =	vadd.f32 v1, v0  }
0x65b: {  	s26 =	sadd.s32 $0x10, s26  }
0x65c: {  	[tilespmem:s26+$0x0] =	vst v0  }
0x65d: {  	_ =	swait.ge [sflag:s22], $0x4000  }
0x65e: {  	[sflag:s22] =	ssyncset.done $0x0  }
0x65f: {  	s31 =	simm.s32 $0x0;
	[sflag:s22] =	ssyncadd.s32 $0xFFFFC000  }
0x660: {  	v24 =	vld [tilespmem:s31+$0x14970]  }
0x661: {  	v23 =	vld [tilespmem:s31+$0xC930]  }
0x662: {  	v48 =	vld [tilespmem:s31+$0x149E0]  }
0x663: {  	v42 =	vld [tilespmem:s31+$0x14870]  }
0x664: {  	v41 =	vld [tilespmem:s31+$0xC830]  }
0x665: {  	v21 =	vld [tilespmem:s31+$0x14960]  }
0x666: {  	v22 =	vld [tilespmem:s31+$0xC920]  }
0x667: {  	v49 =	vld [tilespmem:s31+$0x148F0]  }
0x668: {  	v50 =	vld [tilespmem:s31+$0x149C0]  }
0x669: {  	v51 =	vld [tilespmem:s31+$0xC980]  }
0x66a: {  	v52 =	vld [tilespmem:s31+$0x149D0]  }
0x66b: {  	v32 =	vld [tilespmem:s31+$0x14770]  }
0x66c: {  	v31 =	vld [tilespmem:s31+$0xC730]  }
0x66d: {  	v25 =	vld [tilespmem:s31+$0x14860]  }
0x66e: {  	v26 =	vld [tilespmem:s31+$0xC820]  }
0x66f: {  	v27 =	vld [tilespmem:s31+$0x14940]  }
0x670: {  	v28 =	vld [tilespmem:s31+$0xC900]  }
0x671: {  	v29 =	vld [tilespmem:s31+$0x14950]  }
0x672: {  	v30 =	vld [tilespmem:s31+$0xC910]  }
0x673: {  	v34 =	vld [tilespmem:s31+$0x147F0]  }
0x674: {  	v33 =	vld [tilespmem:s31+$0xC7B0]  }
0x675: {  	v53 =	vld [tilespmem:s31+$0x148E0]  }
0x676: {  	v54 =	vld [tilespmem:s31+$0x14670]  }
0x677: {  	v55 =	vld [tilespmem:s31+$0xC630]  }
0x678: {  	v35 =	vld [tilespmem:s31+$0x14760]  }
0x679: {  	v36 =	vld [tilespmem:s31+$0xC720]  }
0x67a: {  	v37 =	vld [tilespmem:s31+$0x14840]  }
0x67b: {  	v38 =	vld [tilespmem:s31+$0xC800]  }
0x67c: {  	v39 =	vld [tilespmem:s31+$0x14850]  }
0x67d: {  	v40 =	vld [tilespmem:s31+$0xC810]  }
0x67e: {  	v60 =	vld [tilespmem:s31+$0x146F0]  }
0x67f: {  	v59 =	vld [tilespmem:s31+$0xC6B0]  }
0x680: {  	v43 =	vld [tilespmem:s31+$0x147E0]  }
0x681: {  	v44 =	vld [tilespmem:s31+$0xC7A0]  }
0x682: {  	v56 =	vld [tilespmem:s31+$0x148C0]  }
0x683: {  	v57 =	vld [tilespmem:s31+$0xC880]  }
0x684: {  	v58 =	vld [tilespmem:s31+$0x148D0]  }
0x685: {  	v61 =	vld [tilespmem:s31+$0xC890]  }
0x686: {  	v62 =	vld [tilespmem:s31+$0x14570]  }
0x687: {  	v63 =	vld [tilespmem:s31+$0xC530]  }
0x688: {  	v47 =	vld [tilespmem:s31+$0x14660]  }
0x689: {  	v4 =	vld [tilespmem:s31+$0x14470]  }
0x68a: {  	v5 =	vld [tilespmem:s31+$0xC430]  }
0x68b: {  	v7 =	vld [tilespmem:s31+$0x14650]  }
0x68c: {  	v46 =	vld [tilespmem:s31+$0x144F0]  }
0x68d: {  	v45 =	vld [tilespmem:s31+$0xC4B0]  }
0x68e: {  	v6 =	vld [tilespmem:s31+$0x145E0]  }
0x68f: {  	v14 =	vld [tilespmem:s31+$0x146C0]  }
0x690: {  	v13 =	vld [tilespmem:s31+$0xC680]  }
0x691: {  	v12 =	vld [tilespmem:s31+$0x146D0]  }
0x692: {  	v11 =	vld [tilespmem:s31+$0xC690]  }
0x693: {  	v18 =	vld [tilespmem:s31+$0x14460]  }
0x694: {  	v15 =	vld [tilespmem:s31+$0xC420]  }
0x695: {  	v10 =	vld [tilespmem:s31+$0x14540]  }
0x696: {  	v9 =	vld [tilespmem:s31+$0xC500]  }
0x697: {  	v8 =	vld [tilespmem:s31+$0x14550]  }
0x698: {  	v0 =	vld [tilespmem:s31+$0x143F0]  }
0x699: {  	v20 =	vld [tilespmem:s31+$0x144E0]  }
0x69a: {  	v19 =	vld [tilespmem:s31+$0xC4A0]  }
0x69b: {  	v17 =	vld [tilespmem:s31+$0x14360]  }
0x69c: {  	v16 =	vld [tilespmem:s31+$0xC320]  }
0x69d: {  	v3 =	vld [tilespmem:s31+$0x14440]  }
0x69e: {  	v2 =	vld [tilespmem:s31+$0xC400]  }
0x69f: {  	v1 =	vld [tilespmem:s31+$0x14450]  }
0x6a0: {  	[tilespmem:$0x1F2A0] =	vst v48;
	v48 =	vld [tilespmem:s31+$0xC620]  }
0x6a1: {  	[tilespmem:$0x1F290] =	vst v49;
	v49 =	vld [tilespmem:s31+$0x14740]  }
0x6a2: {  	[tilespmem:$0x1F260] =	vst v50;
	v50 =	vld [tilespmem:s31+$0xC700]  }
0x6a3: {  	[tilespmem:$0x1F270] =	vst v51;
	v51 =	vld [tilespmem:s31+$0x14750]  }
0x6a4: {  	[tilespmem:$0x1F280] =	vst v52;
	v52 =	vld [tilespmem:s31+$0xC710]  }
0x6a5: {  	[tilespmem:$0x1F250] =	vst v53;
	v53 =	vld [tilespmem:s31+$0x146E0]  }
0x6a6: {  	[tilespmem:$0x1F100] =	vst v54;
	v54 =	vld [tilespmem:s31+$0xC6A0]  }
0x6a7: {  	[tilespmem:$0x1F110] =	vst v55;
	v55 =	vld [tilespmem:s31+$0x147C0]  }
0x6a8: {  	[tilespmem:$0x1F210] =	vst v56;
	v56 =	vld [tilespmem:s31+$0xC780]  }
0x6a9: {  	[tilespmem:$0x1F220] =	vst v57;
	v57 =	vld [tilespmem:s31+$0x147D0]  }
0x6aa: {  	[tilespmem:$0x1F230] =	vst v58;
	v58 =	vld [tilespmem:s31+$0xC790]  }
0x6ab: {  	[tilespmem:$0x1F240] =	vst v61;
	v61 =	vld [tilespmem:s31+$0x14560]  }
0x6ac: {  	[tilespmem:$0x1F120] =	vst v62;
	v62 =	vld [tilespmem:s31+$0xC520]  }
0x6ad: {  	[tilespmem:$0x1F130] =	vst v63;
	v63 =	vld [tilespmem:s31+$0x14640]  }
0x6ae: {  	[tilespmem:$0x1F150] =	vst v5;
	v5 =	vld [tilespmem:s31+$0xC600]  }
0x6af: {  	[tilespmem:$0x1F140] =	vst v4;
	v4 =	vld [tilespmem:s31+$0xC610]  }
0x6b0: {  	[tilespmem:$0x1F200] =	vst v6;
	v6 =	vld [tilespmem:s31+$0x14370]  }
0x6b1: {  	[tilespmem:$0x1F180] =	vst v0;
	v0 =	vld [tilespmem:s31+$0xC3B0]  }
0x6b2: {  	v27 =	vmul.f32 v28, v27;
	v28 =	vmul.f32 v30, v29;
	v29 =	vld [tilespmem:s31+$0x143E0]  }
0x6b3: {  	v30 =	vld [tilespmem:s31+$0xC3A0]  }
0x6b4: {  	v21 =	vmul.f32 v22, v21;
	v22 =	vld [tilespmem:s31+$0x144C0]  }
0x6b5: {  	v23 =	vmul.f32 v23, v24;
	v24 =	vld [tilespmem:s31+$0x144D0]  }
0x6b6: {  	v25 =	vmul.f32 v26, v25;
	v26 =	vld [tilespmem:s31+$0xC490]  }
0x6b7: {  	v35 =	vmul.f32 v36, v35;
	v36 =	vld [tilespmem:s31+$0x14340]  }
0x6b8: {  	v13 =	vmul.f32 v13, v14;
	v14 =	vld [tilespmem:s31+$0xC380]  }
0x6b9: {  	v40 =	vmul.f32 v40, v39;
	v39 =	vld [tilespmem:s31+$0x14240];
	v27 =	vadd.f32 v28, v27;
	v28 =	vmul.f32 v38, v37  }
0x6ba: {  	v38 =	vld [tilespmem:s31+$0xC480]  }
0x6bb: {  	v21 =	vadd.f32 v21, v27;
	v27 =	vadd.f32 v40, v28;
	v40 =	vld [tilespmem:s31+$0xC220]  }
0x6bc: {  	[tilespmem:$0x1F160] =	vst v6;
	v6 =	vld [tilespmem:s31+$0xC330]  }
0x6bd: {  	[tilespmem:$0x1F190] =	vst v0;
	v0 =	vld [tilespmem:s31+$0x145C0]  }
0x6be: {  	v28 =	vmul.f32 v50, v49;
	v52 =	vmul.f32 v52, v51;
	v51 =	vld [tilespmem:s31+$0xC300]  }
0x6bf: {  	v49 =	vmul.f32 v58, v57;
	v58 =	vmul.f32 v9, v10;
	v9 =	vld [tilespmem:$0x1F100]  }
0x6c0: {  	v10 =	vld [tilespmem:$0x1F110]  }
0x6c1: {  	v5 =	vmul.f32 v5, v63;
	v63 =	vld [tilespmem:s31+$0xC200]  }
0x6c2: {  	[tilespmem:$0x1F1C0] =	vst v0;
	v0 =	vld [tilespmem:s31+$0xC580]  }
0x6c3: {  	v50 =	vmul.f32 v44, v43;
	v43 =	vld [tilespmem:$0x1F120]  }
0x6c4: {  	v44 =	vld [tilespmem:$0x1F130]  }
0x6c5: {  	v57 =	vmul.f32 v48, v47;
	v47 =	vld [tilespmem:s31+$0x14250]  }
0x6c6: {  	v48 =	vmul.f32 v15, v18;
	v18 =	vld [tilespmem:s31+$0xC280]  }
0x6c7: {  	[tilespmem:$0x1F1D0] =	vst v0;
	v0 =	vld [tilespmem:s31+$0x145D0]  }
0x6c8: {  	v15 =	vmul.f32 v26, v24;
	v24 =	vld [tilespmem:$0x1F150]  }
0x6c9: {  	v62 =	vmul.f32 v62, v61;
	v61 =	vld [tilespmem:$0x1F200]  }
0x6ca: {  	v21 =	vadd.f32 v23, v21;
	v23 =	vld [tilespmem:s31+$0x14260]  }
0x6cb: {  	v25 =	vadd.f32 v25, v27;
	v27 =	vmul.f32 v56, v55;
	v56 =	vld [tilespmem:s31+$0xC310]  }
0x6cc: {  	[tilespmem:$0x1F1E0] =	vst v0;
	v0 =	vld [tilespmem:s31+$0xC590]  }
0x6cd: {  	v55 =	vmul.f32 v33, v34;
	v33 =	vld [tilespmem:$0x1F210]  }
0x6ce: {  	v28 =	vadd.f32 v52, v28;
	v52 =	vld [tilespmem:s31+$0x14350]  }
0x6cf: {  	v27 =	vadd.f32 v49, v27;
	v49 =	vld [tilespmem:s31+$0x142C0]  }
0x6d0: {  	v11 =	vmul.f32 v11, v12;
	[tilespmem:$0x1F170] =	vst v6;
	v6 =	vld [tilespmem:s31+$0xC510]  }
0x6d1: {  	v31 =	vmul.f32 v31, v32;
	v4 =	vmul.f32 v4, v7;
	v28 =	vadd.f32 v35, v28;
	[tilespmem:$0x1F1F0] =	vst v0;
	v0 =	vld [tilespmem:s31+$0x14270]  }
0x6d2: {  	v9 =	vmul.f32 v10, v9;
	v10 =	vadd.f32 v11, v13;
	v11 =	vmul.f32 v54, v53;
	v13 =	vld [tilespmem:s31+$0xC390]  }
0x6d3: {  	v27 =	vadd.f32 v50, v27;
	v50 =	vmul.f32 v51, v36;
	v51 =	vmul.f32 v16, v17;
	v16 =	vld [tilespmem:s31+$0xC290]  }
0x6d4: {  	v4 =	vadd.f32 v4, v5;
	v28 =	vadd.f32 v31, v28;
	v31 =	vld [tilespmem:s31+$0x143C0]  }
0x6d5: {  	v41 =	vmul.f32 v41, v42;
	v10 =	vadd.f32 v11, v10;
	v11 =	vmul.f32 v38, v22;
	v22 =	vld [tilespmem:$0x1F140]  }
0x6d6: {  	v4 =	vadd.f32 v57, v4;
	v12 =	vadd.f32 v55, v27;
	v27 =	vmul.f32 v59, v60;
	[tilespmem:$0x1F1A0] =	vst v0;
	v0 =	vld [tilespmem:s31+$0xC230]  }
0x6d7: {  	v25 =	vadd.f32 v41, v25;
	v7 =	vmul.f32 v56, v52;
	v52 =	vld [tilespmem:$0x1F160]  }
0x6d8: {  	v41 =	vadd.f32 v9, v4;
	v9 =	vadd.f32 v27, v10;
	v10 =	vld [tilespmem:s31+$0xC210]  }
0x6d9: {  	(xrf2) =	vadd.scan.msk.f32 $0xffff, v21;
	v11 =	vadd.f32 v15, v11;
	v15 =	vmul.f32 v19, v20;
	v19 =	vld [tilespmem:s31+$0x142D0]  }
0x6da: {  	(xrf2) =	vadd.scan.msk.f32 $0xffff, v25;
	v6 =	vmul.f32 v6, v8;
	v8 =	vld [tilespmem:s31+$0x143D0]  }
0x6db: {  	(xrf2) =	vadd.scan.msk.f32 $0xffff, v28;
	[tilespmem:$0x1F1B0] =	vst v0;
	v0 =	vld [tilespmem:s31+$0xC410]  }
0x6dc: {  	(xrf2) =	vadd.scan.msk.f32 $0xffff, v12;
	v12 =	vld [tilespmem:$0x1F190]  }
0x6dd: {  	(xrf2) =	vadd.scan.msk.f32 $0xffff, v41;
	v11 =	vadd.f32 v15, v11;
	v15 =	vld [tilespmem:$0x1F170]  }
0x6de: {  	(xrf2) =	vadd.scan.msk.f32 $0xffff, v9;
	v9 =	vld [tilespmem:$0x1F180];
	v5 =	vadd.f32 v6, v58  }
0x6df: {  	v14 =	vmul.f32 v14, v31;
	v59 =	vld [tilespmem:$0x1F1D0];
	v8 =	vmul.f32 v13, v8  }
0x6e0: {  	v2 =	vmul.f32 v2, v3;
	v42 =	vadd.f32 v62, v5;
	v13 =	vld [tilespmem:s31+$0x142E0];
	v0 =	vmul.f32 v0, v1  }
0x6e1: {  	v5 =	vmul.f32 v44, v43;
	v8 =	vadd.f32 v8, v14;
	v14 =	vmul.f32 v30, v29;
	v56 =	vld [tilespmem:$0x1F1A0]  }
0x6e2: {  	v0 =	vadd.f32 v0, v2;
	v2 =	vadd.f32 v7, v50;
	v7 =	vmul.f32 v15, v52;
	v15 =	vld [tilespmem:s31+$0xC2A0]  }
0x6e3: {  	v54 =	vadd.f32 v14, v8;
	v14 =	vld [tilespmem:$0x1F1B0]  }
0x6e4: {  	v58 =	vld [tilespmem:$0x1F1C0];
	v4 =	vadd.f32 v5, v42;
	v5 =	vmul.f32 v18, v49  }
0x6e5: {  	v9 =	vmul.f32 v12, v9;
	v12 =	vld [tilespmem:s31+$0x145F0];
	v8 =	vmul.f32 v16, v19  }
0x6e6: {  	v60 =	vld [tilespmem:$0x1F1E0]  }
0x6e7: {  	v6 =	vmul.f32 v10, v47;
	v5 =	vadd.f32 v8, v5;
	v8 =	vmul.f32 v15, v13;
	v13 =	vld [tilespmem:s31+$0xC5B0]  }
0x6e8: {  	(xrf2) =	vadd.scan.msk.f32 $0xffff, v4;
	v1 =	vmul.f32 v63, v39;
	v4 =	vmul.f32 v14, v56;
	v14 =	vld [tilespmem:$0x1F1F0]  }
0x6e9: {  	v34 =	vld [tilespmem:$0x1F220];
	v22 =	vmul.f32 v24, v22;
	v0 =	vadd.f32 v48, v0  }
0x6ea: {  	v55 =	vmul.f32 v40, v23;
	v20 =	vmul.f32 v45, v46;
	v10 =	vld [tilespmem:s31+$0xC5A0];
	v1 =	vadd.f32 v6, v1  }
0x6eb: {  	v41 =	vld [tilespmem:$0x1F260];
	v2 =	vadd.f32 v51, v2;
	v0 =	vadd.f32 v22, v0  }
0x6ec: {  	v11 =	vadd.f32 v20, v11;
	v57 =	vadd.f32 v55, v1;
	v37 =	vmul.f32 v13, v12;
	v13 =	vld [tilespmem:$0x1F270]  }
0x6ed: {  	v35 =	vld [tilespmem:$0x1F230];
	v1 =	vmul.f32 v59, v58;
	v2 =	vadd.f32 v7, v2;
	v6 =	vmul.f32 v14, v60;
	(xrf2) =	vadd.scan.msk.f32 $0xffff, v0  }
0x6ee: {  	v17 =	vld [tilespmem:s31+$0x142F0];
	(xrf2) =	vadd.scan.msk.f32 $0xffff, v11  }
0x6ef: {  	v53 =	vld [tilespmem:s31+$0xC2B0];
	v1 =	vadd.f32 v6, v1;
	(xrf2) =	vadd.scan.msk.f32 $0xffff, v2;
	v2 =	vmul.f32 v10, v61  }
0x6f0: {  	v5 =	vadd.f32 v8, v5;
	v8 =	vld [tilespmem:s31+$0xC990]  }
0x6f1: {  	v36 =	vadd.f32 v2, v1;
	v1 =	vmul.f32 v13, v41;
	v13 =	vld [tilespmem:$0x1F280]  }
0x6f2: {  	v3 =	vadd.f32 v9, v54;
	v9 =	vld [tilespmem:$0x1F240]  }
0x6f3: {  	v62 =	vld [tilespmem:s31+$0xC8B0]  }
0x6f4: {  	v42 =	vld [tilespmem:$0x1F290]  }
0x6f5: {  	v39 =	vld [tilespmem:$0x1F250];
	v7 =	vmul.f32 v53, v17  }
0x6f6: {  	v14 =	vld [tilespmem:s31+$0xC8A0];
	v8 =	vmul.f32 v8, v13  }
0x6f7: {  	v32 =	vadd.f32 v7, v5;
	v7 =	vmul.f32 v9, v35;
	v9 =	vld [tilespmem:s31+$0xC9A0]  }
0x6f8: {  	v0 =	vadd.f32 v4, v57;
	v1 =	vadd.f32 v8, v1;
	v8 =	vld [tilespmem:$0x1F2A0]  }
0x6f9: {  	v63, _, _ =	vpop (xrf2);
	(xrf2) =	vadd.scan.msk.f32 $0xffff, v3;
	v5 =	vmul.f32 v34, v33  }
0x6fa: {  	v38 =	vld [tilespmem:s31+$0x149F0];
	v10, _, _ =	vpop (xrf2);
	(xrf2) =	vadd.scan.msk.f32 $0xffff, v0  }
0x6fb: {  	v11, _, _ =	vpop (xrf2);
	v12 =	vld [tilespmem:s31+$0xC9B0];
	v5 =	vadd.f32 v7, v5;
	v7 =	vmul.f32 v14, v39;
	(xrf2) =	vadd.scan.msk.f32 $0xffff, v32  }
0x6fc: {  	v40, _, _ =	vpop (xrf2);
	v0 =	vadd.f32 v37, v36  }
0x6fd: {  	v4 =	vmul.f32 v62, v42;
	v5 =	vadd.f32 v7, v5;
	v13, _, _ =	vpop (xrf2);
	v8 =	vmul.f32 v9, v8  }
0x6fe: {  	(xrf2) =	vadd.scan.msk.f32 $0xffff, v0;
	v43, _, _ =	vpop (xrf2)  }
0x6ff: {  	v4 =	vadd.f32 v4, v5;
	v44, _, _ =	vpop (xrf2)  }
0x700: {  	v2 =	vmul.f32 v12, v38;
	v45, _, _ =	vpop (xrf2);
	v1 =	vadd.f32 v8, v1  }
0x701: {  	(xrf2) =	vadd.scan.msk.f32 $0xffff, v4;
	v8, _, _ =	vpop (xrf2)  }
0x702: {  	v1 =	vadd.f32 v2, v1;
	v46, _, _ =	vpop (xrf2)  }
0x703: {  	v11 =	vbroadcast v11, $0xF;
	v47, _, _ =	vpop (xrf2)  }
0x704: {  	v12 =	vbroadcast v13, $0xF;
	v9 =	vbroadcast v10, $0xF;
	v10, _, _ =	vpop (xrf2);
	(xrf2) =	vadd.scan.msk.f32 $0xffff, v1  }
0x705: {  	v0 =	vbroadcast v44, $0xF;
	v48 =	vbroadcast v45, $0xF;
	v49, _, _ =	vpop (xrf2)  }
0x706: {  	v10 =	vbroadcast v10, $0xF;
	v5 =	vbroadcast v49, $0xF  }
0x707: {  	v4 =	vbroadcast v46, $0xF;
	v2 =	vbroadcast v47, $0xF  }
0x708: {  	v8 =	vbroadcast v8, $0xF;
	v13, _, _ =	vpop (xrf2);
	v10 =	vnsel vm0, $0x0, v10;
	v5 =	vnsel vm1, $0x0, v5  }
0x709: {  	v50 =	vbroadcast v13, $0xF;
	v4 =	vsel vm2, v10, v4;
	v2 =	vsel vm3, v5, v2  }
0x70a: {  	v51 =	vbroadcast v43, $0xF;
	v1 =	vsel vm4, v4, v48;
	v2 =	vsel vm5, v2, v8  }
0x70b: {  	v53 =	vbroadcast v40, $0xF;
	v54, _, _ =	vpop (xrf2);
	v0 =	vsel vm6, v1, v0;
	v52 =	vsel vm7, v2, v50  }
0x70c: {  	v3 =	vbroadcast v54, $0xF;
	v0 =	vsel vm8, v0, v12;
	v1 =	vsel vm9, v52, v51  }
0x70d: {  	v55 =	vbroadcast v63, $0xF;
	v0 =	vsel vm10, v0, v11;
	v1 =	vsel vm11, v1, v53  }
0x70e: {  	v0 =	vsel vm12, v0, v9;
	v1 =	vsel vm13, v1, v3;
	v56, _, _ =	vpop (xrf2)  }
0x70f: {  	v0 =	vsel vm14, v0, v55;
	v1 =	vsel vm15, v1, v56  }
0x710: {  	v0 =	vadd.f32 v1, v0  }
0x711: {  	s26 =	simm.s32 $0x18380  }
0x712: {  	s28 =	simm.s32 $0x800;
	[tilespmem:s26+$0x0] =	vst v0  }
0x713: {  	v0 =	vld [tilespmem:s28+$0x14970]  }
0x714: {  	v57 =	vld [tilespmem:s28+$0xC930]  }
0x715: {  	v15 =	vld [tilespmem:s28+$0x149E0]  }
0x716: {  	v58 =	vld [tilespmem:s28+$0x14870]  }
0x717: {  	v59 =	vld [tilespmem:s28+$0xC830]  }
0x718: {  	v4 =	vld [tilespmem:s28+$0x14960]  }
0x719: {  	v26 =	vld [tilespmem:s28+$0xC920]  }
0x71a: {  	v44 =	vld [tilespmem:s28+$0x148F0]  }
0x71b: {  	v45 =	vld [tilespmem:s28+$0x149C0]  }
0x71c: {  	v46 =	vld [tilespmem:s28+$0xC980]  }
0x71d: {  	v60 =	vld [tilespmem:s28+$0x149D0]  }
0x71e: {  	v61 =	vld [tilespmem:s28+$0x14770]  }
0x71f: {  	v62 =	vld [tilespmem:s28+$0xC730]  }
0x720: {  	v3 =	vld [tilespmem:s28+$0x14860]  }
0x721: {  	v24 =	vld [tilespmem:s28+$0xC820]  }
0x722: {  	v31 =	vld [tilespmem:s28+$0x14940]  }
0x723: {  	v32 =	vld [tilespmem:s28+$0xC900]  }
0x724: {  	v33 =	vld [tilespmem:s28+$0x14950]  }
0x725: {  	v34 =	vld [tilespmem:s28+$0xC910]  }
0x726: {  	v63 =	vld [tilespmem:s28+$0x147F0]  }
0x727: {  	v5 =	vld [tilespmem:s28+$0xC7B0]  }
0x728: {  	v6 =	vld [tilespmem:s28+$0x148E0]  }
0x729: {  	v7 =	vld [tilespmem:s28+$0x14670]  }
0x72a: {  	v35 =	vld [tilespmem:s28+$0xC630]  }
0x72b: {  	v28 =	vld [tilespmem:s28+$0x14760]  }
0x72c: {  	v27 =	vld [tilespmem:s28+$0xC720]  }
0x72d: {  	v41 =	vld [tilespmem:s28+$0x14840]  }
0x72e: {  	v42 =	vld [tilespmem:s28+$0xC800]  }
0x72f: {  	v2 =	vld [tilespmem:s28+$0xC810]  }
0x730: {  	v12 =	vld [tilespmem:s28+$0x146F0]  }
0x731: {  	v13 =	vld [tilespmem:s28+$0xC6B0]  }
0x732: {  	v36 =	vld [tilespmem:s28+$0x148C0]  }
0x733: {  	v37 =	vld [tilespmem:s28+$0xC880]  }
0x734: {  	v38 =	vld [tilespmem:s28+$0x148D0]  }
0x735: {  	v39 =	vld [tilespmem:s28+$0xC890]  }
0x736: {  	v40 =	vld [tilespmem:s28+$0x14570]  }
0x737: {  	v10 =	vld [tilespmem:s28+$0xC530]  }
0x738: {  	v51 =	vld [tilespmem:s28+$0x14660]  }
0x739: {  	v52 =	vld [tilespmem:s28+$0xC620]  }
0x73a: {  	v53 =	vld [tilespmem:s28+$0x14740]  }
0x73b: {  	v54 =	vld [tilespmem:s28+$0xC700]  }
0x73c: {  	v55 =	vld [tilespmem:s28+$0x14750]  }
0x73d: {  	v56 =	vld [tilespmem:s28+$0xC710]  }
0x73e: {  	v43 =	vld [tilespmem:s28+$0x146E0]  }
0x73f: {  	v48 =	vld [tilespmem:s28+$0xC430]  }
0x740: {  	v47 =	vld [tilespmem:s28+$0x14560]  }
0x741: {  	v49 =	vld [tilespmem:s28+$0xC520]  }
0x742: {  	v25 =	vld [tilespmem:s28+$0x14640]  }
0x743: {  	v23 =	vld [tilespmem:s28+$0xC600]  }
0x744: {  	v22 =	vld [tilespmem:s28+$0x14650]  }
0x745: {  	v1 =	vld [tilespmem:s28+$0xC610]  }
0x746: {  	v16 =	vld [tilespmem:s28+$0x144F0]  }
0x747: {  	v17 =	vld [tilespmem:s28+$0xC4B0]  }
0x748: {  	v50 =	vld [tilespmem:s28+$0x145E0]  }
0x749: {  	v29 =	vld [tilespmem:s28+$0xC690]  }
0x74a: {  	v18 =	vld [tilespmem:s28+$0x14370]  }
0x74b: {  	v20 =	vld [tilespmem:s28+$0xC330]  }
0x74c: {  	v8 =	vld [tilespmem:s28+$0xC420]  }
0x74d: {  	v30 =	vld [tilespmem:s28+$0xC510]  }
0x74e: {  	v11 =	vld [tilespmem:s28+$0x143F0]  }
0x74f: {  	v14 =	vld [tilespmem:s28+$0x145C0]  }
0x750: {  	v19 =	vld [tilespmem:s28+$0x14270]  }
0x751: {  	v21 =	vld [tilespmem:s28+$0xC230]  }
0x752: {  	v9 =	vld [tilespmem:s28+$0xC320]  }
0x753: {  	[tilespmem:$0x1F340] =	vst v0;
	v0 =	vld [tilespmem:s28+$0x14850]  }
0x754: {  	[tilespmem:$0x1F3B0] =	vst v5;
	v5 =	vld [tilespmem:s28+$0x147E0]  }
0x755: {  	[tilespmem:$0x1F3C0] =	vst v7;
	v7 =	vld [tilespmem:s28+$0xC7A0]  }
0x756: {  	[tilespmem:$0x1F360] =	vst v58;
	v58 =	vld [tilespmem:s28+$0xC6A0]  }
0x757: {  	[tilespmem:$0x1F370] =	vst v59;
	v59 =	vld [tilespmem:s28+$0x147C0]  }
0x758: {  	[tilespmem:$0x1F2B0] =	vst v60;
	v60 =	vld [tilespmem:s28+$0xC780]  }
0x759: {  	[tilespmem:$0x1F380] =	vst v61;
	v61 =	vld [tilespmem:s28+$0x147D0]  }
0x75a: {  	[tilespmem:$0x1F390] =	vst v62;
	v62 =	vld [tilespmem:s28+$0xC790]  }
0x75b: {  	[tilespmem:$0x1F3E0] =	vst v43;
	v43 =	vld [tilespmem:s28+$0x14470]  }
0x75c: {  	[tilespmem:$0x1F410] =	vst v40;
	v40 =	vld [tilespmem:s28+$0x146C0]  }
0x75d: {  	[tilespmem:$0x1F3D0] =	vst v35;
	v35 =	vld [tilespmem:s28+$0xC680]  }
0x75e: {  	[tilespmem:$0x1F2F0] =	vst v38;
	v38 =	vld [tilespmem:s28+$0x146D0]  }
0x75f: {  	[tilespmem:$0x1F310] =	vst v50;
	v50 =	vld [tilespmem:s28+$0x14460]  }
0x760: {  	[tilespmem:$0x1F300] =	vst v39;
	v39 =	vld [tilespmem:s28+$0x14540]  }
0x761: {  	[tilespmem:$0x1F2D0] =	vst v36;
	v36 =	vld [tilespmem:s28+$0xC500]  }
0x762: {  	[tilespmem:$0x1F2E0] =	vst v37;
	v37 =	vld [tilespmem:s28+$0x14550]  }
0x763: {  	[tilespmem:$0x1F400] =	vst v49;
	v49 =	vld [tilespmem:s28+$0xC3B0]  }
0x764: {  	[tilespmem:$0x1F3A0] =	vst v63;
	v63 =	vld [tilespmem:s28+$0x144E0]  }
0x765: {  	[tilespmem:$0x1F350] =	vst v57;
	v57 =	vld [tilespmem:s28+$0xC4A0]  }
0x766: {  	[tilespmem:$0x1F3F0] =	vst v47;
	v47 =	vld [tilespmem:s28+$0xC580]  }
0x767: {  	[tilespmem:$0x1F2C0] =	vst v6;
	v6 =	vld [tilespmem:s28+$0x145D0]  }
0x768: {  	v31 =	vmul.f32 v32, v31;
	v32 =	vmul.f32 v34, v33;
	v33 =	vld [tilespmem:s28+$0x14440]  }
0x769: {  	v34 =	vld [tilespmem:s28+$0xC400]  }
0x76a: {  	v3 =	vmul.f32 v24, v3;
	v24 =	vld [tilespmem:s28+$0x143E0]  }
0x76b: {  	v1 =	vmul.f32 v1, v22;
	v22 =	vld [tilespmem:s28+$0x144D0]  }
0x76c: {  	v26 =	vmul.f32 v26, v4;
	v23 =	vmul.f32 v23, v25;
	v4 =	vld [tilespmem:$0x1F350]  }
0x76d: {  	v31 =	vadd.f32 v32, v31;
	v32 =	vld [tilespmem:s28+$0x14450]  }
0x76e: {  	v1 =	vadd.f32 v1, v23;
	v23 =	vmul.f32 v52, v51;
	v51 =	vld [tilespmem:$0x1F400]  }
0x76f: {  	v31 =	vadd.f32 v26, v31;
	v26 =	vld [tilespmem:s28+$0xC3A0]  }
0x770: {  	[tilespmem:$0x1F320] =	vst v6;
	v6 =	vld [tilespmem:s28+$0xC590]  }
0x771: {  	v41 =	vmul.f32 v42, v41;
	v42 =	vmul.f32 v2, v0;
	v0 =	vld [tilespmem:s28+$0xC410]  }
0x772: {  	v2 =	vld [tilespmem:$0x1F340]  }
0x773: {  	v60 =	vmul.f32 v60, v59;
	v59 =	vmul.f32 v62, v61;
	v61 =	vld [tilespmem:$0x1F380]  }
0x774: {  	v62 =	vld [tilespmem:$0x1F390]  }
0x775: {  	v30 =	vmul.f32 v30, v37;
	v37 =	vld [tilespmem:s28+$0xC380]  }
0x776: {  	v41 =	vadd.f32 v42, v41;
	v42 =	vmul.f32 v54, v53;
	v53 =	vld [tilespmem:s28+$0x144C0]  }
0x777: {  	v54 =	vld [tilespmem:s28+$0xC480]  }
0x778: {  	v41 =	vadd.f32 v3, v41;
	v3 =	vld [tilespmem:s28+$0xC490];
	v2 =	vmul.f32 v4, v2  }
0x779: {  	v4 =	vmul.f32 v56, v55;
	v56 =	vld [tilespmem:$0x1F370]  }
0x77a: {  	v31 =	vadd.f32 v2, v31;
	v2 =	vld [tilespmem:$0x1F360]  }
0x77b: {  	[tilespmem:$0x1F330] =	vst v6;
	v6 =	vld [tilespmem:s28+$0x14360]  }
0x77c: {  	v27 =	vmul.f32 v27, v28;
	v55 =	vld [tilespmem:$0x1F3A0];
	v28 =	vadd.f32 v4, v42  }
0x77d: {  	v4 =	vmul.f32 v62, v61;
	v61 =	vld [tilespmem:$0x1F3E0]  }
0x77e: {  	v25 =	vadd.f32 v27, v28;
	v28 =	vadd.f32 v59, v60;
	v60 =	vmul.f32 v7, v5;
	v59 =	vld [tilespmem:$0x1F3C0]  }
0x77f: {  	v2 =	vmul.f32 v56, v2;
	v56 =	vld [tilespmem:$0x1F3B0]  }
0x780: {  	v42 =	vadd.f32 v60, v28;
	v60 =	vld [tilespmem:$0x1F3D0]  }
0x781: {  	v62 =	vld [tilespmem:s28+$0xC310]  }
0x782: {  	v27 =	vld [tilespmem:s28+$0x14260]  }
0x783: {  	v7 =	vld [tilespmem:s28+$0x143D0];
	v41 =	vadd.f32 v2, v41  }
0x784: {  	(xrf2) =	vadd.scan.msk.f32 $0xffff, v31;
	v5 =	vmul.f32 v34, v33;
	v34 =	vld [tilespmem:s28+$0xC210];
	v25 =	vadd.f32 v4, v25;
	v2 =	vmul.f32 v56, v55  }
0x785: {  	v1 =	vadd.f32 v23, v1;
	v4 =	vld [tilespmem:s28+$0x14340];
	v23 =	vmul.f32 v60, v59;
	(xrf2) =	vadd.scan.msk.f32 $0xffff, v41  }
0x786: {  	v29 =	vmul.f32 v29, v38;
	(xrf2) =	vadd.scan.msk.f32 $0xffff, v25;
	v25 =	vmul.f32 v35, v40;
	v40 =	vld [tilespmem:$0x1F3F0];
	v31 =	vadd.f32 v2, v42  }
0x787: {  	v56 =	vld [tilespmem:$0x1F410];
	v1 =	vadd.f32 v23, v1  }
0x788: {  	v41 =	vld [tilespmem:s28+$0xC300];
	v23 =	vmul.f32 v58, v61;
	v25 =	vadd.f32 v29, v25;
	(xrf2) =	vadd.scan.msk.f32 $0xffff, v31  }
0x789: {  	v22 =	vmul.f32 v3, v22;
	v35 =	vld [tilespmem:s28+$0x14350];
	v29 =	vmul.f32 v36, v39;
	(xrf2) =	vadd.scan.msk.f32 $0xffff, v1  }
0x78a: {  	v33 =	vld [tilespmem:s28+$0x142C0];
	v61 =	vmul.f32 v57, v63;
	v23 =	vadd.f32 v23, v25;
	v25 =	vmul.f32 v13, v12  }
0x78b: {  	v28 =	vld [tilespmem:s28+$0xC220];
	v31 =	vmul.f32 v0, v32;
	v29 =	vadd.f32 v30, v29;
	v52 =	vmul.f32 v51, v40  }
0x78c: {  	[tilespmem:$0x1F420] =	vst v9;
	v55 =	vld [tilespmem:s28+$0xC390];
	v58 =	vmul.f32 v10, v56;
	v25 =	vadd.f32 v25, v23;
	v23 =	vmul.f32 v54, v53  }
0x78d: {  	v63 =	vld [tilespmem:$0x1F420];
	v1 =	vadd.f32 v31, v5;
	v31 =	vmul.f32 v8, v50;
	v29 =	vadd.f32 v52, v29  }
0x78e: {  	v36 =	vld [tilespmem:s28+$0x143C0];
	v41 =	vmul.f32 v41, v4;
	v35 =	vmul.f32 v62, v35;
	v22 =	vadd.f32 v22, v23  }
0x78f: {  	v60 =	vmul.f32 v48, v43;
	v43, _, _ =	vpop (xrf2);
	v30 =	vld [tilespmem:s28+$0xC200];
	v59 =	vadd.f32 v31, v1;
	v29 =	vadd.f32 v58, v29  }
0x790: {  	v32 =	vld [tilespmem:s28+$0x14250];
	v38 =	vadd.f32 v35, v41;
	v23, _, _ =	vpop (xrf2)  }
0x791: {  	v62 =	vmul.f32 v17, v16;
	v35 =	vld [tilespmem:s28+$0xC280];
	(xrf2) =	vadd.scan.msk.f32 $0xffff, v25;
	v40 =	vadd.f32 v60, v59;
	v1 =	vadd.f32 v61, v22;
	v25, _, _ =	vpop (xrf2)  }
0x792: {  	v39 =	vmul.f32 v63, v6;
	v31 =	vld [tilespmem:s28+$0x14240];
	(xrf2) =	vadd.scan.msk.f32 $0xffff, v29;
	v22, _, _ =	vpop (xrf2)  }
0x793: {  	s29 =	simm.s32 $0x4000;
	v41 =	vmul.f32 v55, v7;
	(xrf2) =	vadd.scan.msk.f32 $0xffff, v40;
	v40 =	vmul.f32 v37, v36;
	v36 =	vld [tilespmem:s28+$0x142D0];
	v37 =	vadd.f32 v62, v1;
	v29, _, _ =	vpop (xrf2)  }
.LBB2_8:
0x794: {  	v42 =	vld [tilespmem:s28+$0xC290]  }
0x795: {  	v1 =	vld [tilespmem:$0x1F330]  }
0x796: {  	v13 =	vld [tilespmem:s28+$0xC8A0]  }
0x797: {  	v48 =	vld [tilespmem:$0x1F2E0]  }
0x798: {  	v50 =	vld [tilespmem:$0x1F300]  }
0x799: {  	v51 =	vld [tilespmem:$0x1F2C0]  }
0x79a: {  	v7 =	vadd.f32 v41, v40;
	v40 =	vld [tilespmem:s28+$0x142F0]  }
0x79b: {  	v41 =	vld [tilespmem:$0x1F320]  }
0x79c: {  	v18 =	vmul.f32 v20, v18;
	v20 =	vld [tilespmem:s28+$0x142E0]  }
0x79d: {  	v38 =	vadd.f32 v39, v38;
	v24 =	vmul.f32 v26, v24;
	v26 =	vmul.f32 v30, v31;
	v31 =	vld [tilespmem:s28+$0xC2A0]  }
0x79e: {  	v0 =	vmul.f32 v34, v32;
	v19 =	vmul.f32 v21, v19;
	v21 =	vld [tilespmem:s28+$0x145F0]  }
0x79f: {  	v16 =	vmul.f32 v49, v11;
	v11 =	vmul.f32 v47, v14;
	v47 =	vld [tilespmem:$0x1F2D0];
	v18 =	vadd.f32 v18, v38  }
0x7a0: {  	(xrf2) =	vadd.scan.msk.f32 $0xffff, v37;
	v24 =	vadd.f32 v24, v7;
	v17 =	vadd.f32 v0, v26;
	v26 =	vmul.f32 v28, v27;
	v27 =	vld [tilespmem:s28+$0xC2B0]  }
0x7a1: {  	v28 =	vmul.f32 v42, v36;
	v42 =	vld [tilespmem:$0x1F310]  }
0x7a2: {  	v38, _, _ =	vpop (xrf2);
	(xrf2) =	vadd.scan.msk.f32 $0xffff, v18;
	v18 =	vmul.f32 v35, v33;
	v16 =	vadd.f32 v16, v24;
	v24 =	vld [tilespmem:s28+$0xC5A0]  }
0x7a3: {  	v49 =	vld [tilespmem:$0x1F2F0]  }
0x7a4: {  	v17 =	vadd.f32 v26, v17;
	v26 =	vld [tilespmem:s28+$0xC5B0];
	v20 =	vmul.f32 v31, v20;
	v18 =	vadd.f32 v28, v18  }
0x7a5: {  	v53 =	vld [tilespmem:$0x1F2B0];
	v12 =	vmul.f32 v1, v41  }
0x7a6: {  	v30, _, _ =	vpop (xrf2);
	(xrf2) =	vadd.scan.msk.f32 $0xffff, v16;
	v16 =	vadd.f32 v19, v17;
	v19 =	vld [tilespmem:s28+$0xC990];
	v17 =	vadd.f32 v20, v18;
	v18 =	vmul.f32 v27, v40  }
0x7a7: {  	v11 =	vadd.f32 v12, v11;
	v12 =	vld [tilespmem:s28+$0xC8B0];
	v10 =	vmul.f32 v24, v42  }
0x7a8: {  	v8 =	vld [tilespmem:s28+$0xC9A0];
	v14, _, _ =	vpop (xrf2);
	v6 =	vmul.f32 v48, v47;
	v7 =	vmul.f32 v50, v49;
	(xrf2) =	vadd.scan.msk.f32 $0xffff, v16;
	v16 =	vadd.f32 v18, v17  }
0x7a9: {  	v52 =	vld [tilespmem:s28+$0xC9B0];
	v10 =	vadd.f32 v10, v11;
	v11 =	vmul.f32 v26, v21  }
0x7aa: {  	v5 =	vmul.f32 v13, v51;
	v9, _, _ =	vpop (xrf2);
	v6 =	vadd.f32 v7, v6;
	v17 =	vld [tilespmem:s28+$0x149F0];
	(xrf2) =	vadd.scan.msk.f32 $0xffff, v16  }
0x7ab: {  	v2 =	vmul.f32 v46, v45;
	v10 =	vadd.f32 v11, v10;
	v11 =	vmul.f32 v19, v53  }
0x7ac: {  	v5 =	vadd.f32 v5, v6;
	v54 =	vmul.f32 v12, v44  }
0x7ad: {  	v55 =	vmul.f32 v8, v15;
	v4, _, _ =	vpop (xrf2);
	v2 =	vadd.f32 v11, v2;
	(xrf2) =	vadd.scan.msk.f32 $0xffff, v10  }
0x7ae: {  	v5 =	vadd.f32 v54, v5  }
0x7af: {  	v56 =	vmul.f32 v52, v17;
	v0 =	vadd.f32 v55, v2  }
0x7b0: {  	v3, _, _ =	vpop (xrf2);
	(xrf2) =	vadd.scan.msk.f32 $0xffff, v5  }
0x7b1: {  	v0 =	vadd.f32 v56, v0  }
0x7b2: {  	v58 =	vbroadcast v23, $0xF  }
0x7b3: {  	v59 =	vbroadcast v29, $0xF;
	v60 =	vbroadcast v25, $0xF;
	v57, _, _ =	vpop (xrf2);
	(xrf2) =	vadd.scan.msk.f32 $0xffff, v0  }
0x7b4: {  	v62 =	vbroadcast v30, $0xF;
	v61 =	vbroadcast v14, $0xF;
	v8, _, _ =	vpop (xrf2)  }
0x7b5: {  	v1 =	vbroadcast v57, $0xF;
	v8 =	vbroadcast v8, $0xF  }
0x7b6: {  	v4 =	vbroadcast v4, $0xF;
	v3 =	vbroadcast v3, $0xF  }
0x7b7: {  	v9 =	vbroadcast v9, $0xF;
	v1 =	vnsel vm0, $0x0, v1;
	v8 =	vnsel vm1, $0x0, v8;
	v10, _, _ =	vpop (xrf2)  }
0x7b8: {  	v1 =	vsel vm2, v1, v4;
	v3 =	vsel vm3, v8, v3;
	v63 =	vbroadcast v10, $0xF  }
0x7b9: {  	v34 =	vbroadcast v38, $0xF;
	v0 =	vsel vm4, v1, v61;
	v33 =	vsel vm5, v3, v9  }
0x7ba: {  	v35 =	vbroadcast v22, $0xF;
	v0 =	vsel vm6, v0, v62;
	v36, _, _ =	vpop (xrf2);
	v1 =	vsel vm7, v33, v63  }
0x7bb: {  	v0 =	vsel vm8, v0, v59;
	v37 =	vbroadcast v36, $0xF;
	v1 =	vsel vm9, v1, v34  }
0x7bc: {  	v38 =	vbroadcast v43, $0xF;
	v0 =	vsel vm10, v0, v60;
	v1 =	vsel vm11, v1, v35  }
0x7bd: {  	v0 =	vsel vm12, v0, v58;
	v1 =	vsel vm13, v1, v37;
	v39, _, _ =	vpop (xrf2)  }
0x7be: {  	v0 =	vsel vm14, v0, v38;
	v1 =	vsel vm15, v1, v39  }
0x7bf: {  	v0 =	vadd.f32 v1, v0  }
0x7c0: {  	s26 =	sadd.s32 $0x10, s26  }
0x7c1: {  	s28 =	sshra.s32 s29, $0x2;
	[tilespmem:s26+$0x0] =	vst v0  }
0x7c2: {  	v33 =	vld [tilespmem:s28+$0x14970]  }
0x7c3: {  	v34 =	vld [tilespmem:s28+$0xC930]  }
0x7c4: {  	v0 =	vld [tilespmem:s28+$0x149E0]  }
0x7c5: {  	v40 =	vld [tilespmem:s28+$0x14870]  }
0x7c6: {  	v41 =	vld [tilespmem:s28+$0xC830]  }
0x7c7: {  	v39 =	vld [tilespmem:s28+$0x14960]  }
0x7c8: {  	v42 =	vld [tilespmem:s28+$0x148F0]  }
0x7c9: {  	v43 =	vld [tilespmem:s28+$0x149C0]  }
0x7ca: {  	v24 =	vld [tilespmem:s28+$0xC980]  }
0x7cb: {  	v44 =	vld [tilespmem:s28+$0x149D0]  }
0x7cc: {  	v45 =	vld [tilespmem:s28+$0x14770]  }
0x7cd: {  	v30 =	vld [tilespmem:s28+$0xC730]  }
0x7ce: {  	v21 =	vld [tilespmem:s28+$0x14940]  }
0x7cf: {  	v53 =	vld [tilespmem:s28+$0xC900]  }
0x7d0: {  	v54 =	vld [tilespmem:s28+$0x14950]  }
0x7d1: {  	v57 =	vld [tilespmem:s28+$0xC910]  }
0x7d2: {  	v31 =	vld [tilespmem:s28+$0x147F0]  }
0x7d3: {  	v32 =	vld [tilespmem:s28+$0xC7B0]  }
0x7d4: {  	v46 =	vld [tilespmem:s28+$0x148E0]  }
0x7d5: {  	v47 =	vld [tilespmem:s28+$0x14670]  }
0x7d6: {  	v48 =	vld [tilespmem:s28+$0xC630]  }
0x7d7: {  	v28 =	vld [tilespmem:s28+$0x14760]  }
0x7d8: {  	v26 =	vld [tilespmem:s28+$0xC720]  }
0x7d9: {  	v60 =	vld [tilespmem:s28+$0x14840]  }
0x7da: {  	v61 =	vld [tilespmem:s28+$0xC800]  }
0x7db: {  	v62 =	vld [tilespmem:s28+$0x14850]  }
0x7dc: {  	v63 =	vld [tilespmem:s28+$0xC810]  }
0x7dd: {  	v49 =	vld [tilespmem:s28+$0x146F0]  }
0x7de: {  	v50 =	vld [tilespmem:s28+$0xC6B0]  }
0x7df: {  	v27 =	vld [tilespmem:s28+$0x147E0]  }
0x7e0: {  	v51 =	vld [tilespmem:s28+$0x148C0]  }
0x7e1: {  	v52 =	vld [tilespmem:s28+$0xC880]  }
0x7e2: {  	v55 =	vld [tilespmem:s28+$0x148D0]  }
0x7e3: {  	v56 =	vld [tilespmem:s28+$0xC890]  }
0x7e4: {  	v58 =	vld [tilespmem:s28+$0x14570]  }
0x7e5: {  	v59 =	vld [tilespmem:s28+$0xC530]  }
0x7e6: {  	v22 =	vld [tilespmem:s28+$0x14660]  }
0x7e7: {  	v1 =	vld [tilespmem:s28+$0xC700]  }
0x7e8: {  	v2 =	vld [tilespmem:s28+$0x14750]  }
0x7e9: {  	v3 =	vld [tilespmem:s28+$0xC710]  }
0x7ea: {  	v29 =	vld [tilespmem:s28+$0x146E0]  }
0x7eb: {  	v23 =	vld [tilespmem:s28+$0xC6A0]  }
0x7ec: {  	v4 =	vld [tilespmem:s28+$0x147C0]  }
0x7ed: {  	v5 =	vld [tilespmem:s28+$0xC780]  }
0x7ee: {  	v6 =	vld [tilespmem:s28+$0x147D0]  }
0x7ef: {  	v7 =	vld [tilespmem:s28+$0xC790]  }
0x7f0: {  	v35 =	vld [tilespmem:s28+$0x14470]  }
0x7f1: {  	v37 =	vld [tilespmem:s28+$0xC430]  }
0x7f2: {  	v25 =	vld [tilespmem:s28+$0x14560]  }
0x7f3: {  	v8 =	vld [tilespmem:s28+$0x14640]  }
0x7f4: {  	v9 =	vld [tilespmem:s28+$0xC600]  }
0x7f5: {  	v10 =	vld [tilespmem:s28+$0x14650]  }
0x7f6: {  	v11 =	vld [tilespmem:s28+$0xC610]  }
0x7f7: {  	v36 =	vld [tilespmem:s28+$0x144F0]  }
0x7f8: {  	v38 =	vld [tilespmem:s28+$0xC4B0]  }
0x7f9: {  	v12 =	vld [tilespmem:s28+$0x145E0]  }
0x7fa: {  	v13 =	vld [tilespmem:s28+$0xC680]  }
0x7fb: {  	v14 =	vld [tilespmem:s28+$0x146D0]  }
0x7fc: {  	v16 =	vld [tilespmem:s28+$0xC690]  }
0x7fd: {  	v18 =	vld [tilespmem:s28+$0x14370]  }
0x7fe: {  	v20 =	vld [tilespmem:s28+$0xC330]  }
0x7ff: {  	v15 =	vld [tilespmem:s28+$0xC500]  }
0x800: {  	v17 =	vld [tilespmem:s28+$0x145C0]  }
0x801: {  	v19 =	vld [tilespmem:s28+$0x145D0]  }
0x802: {  	[tilespmem:$0x1F040] =	vst v40;
	v40 =	vld [tilespmem:s28+$0xC920]  }
0x803: {  	[tilespmem:$0x1F050] =	vst v41;
	v41 =	vld [tilespmem:s28+$0x14860]  }
0x804: {  	[tilespmem:$0x1F0A0] =	vst v42;
	v42 =	vld [tilespmem:s28+$0xC820]  }
0x805: {  	[tilespmem:$0x1F0C0] =	vst v50;
	v50 =	vld [tilespmem:s28+$0xC7A0]  }
0x806: {  	[tilespmem:$0x1F2E0] =	vst v52;
	v52 =	vld [tilespmem:s28+$0xC620]  }
0x807: {  	[tilespmem:$0x1F0F0] =	vst v0;
	v0 =	vld [tilespmem:s28+$0x14740]  }
0x808: {  	[tilespmem:$0x1F2D0] =	vst v51;
	v51 =	vld [tilespmem:s28+$0xC520]  }
0x809: {  	[tilespmem:$0x1F310] =	vst v12;
	v12 =	vld [tilespmem:s28+$0x146C0]  }
0x80a: {  	[tilespmem:$0x1F2F0] =	vst v55;
	v55 =	vld [tilespmem:s28+$0x14460]  }
0x80b: {  	[tilespmem:$0x1F0D0] =	vst v58;
	v58 =	vld [tilespmem:s28+$0xC420]  }
0x80c: {  	[tilespmem:$0x1F090] =	vst v43;
	v43 =	vld [tilespmem:s28+$0x14540]  }
0x80d: {  	[tilespmem:$0x1F2B0] =	vst v44;
	v44 =	vld [tilespmem:s28+$0x14550]  }
0x80e: {  	[tilespmem:$0x1F060] =	vst v45;
	v45 =	vld [tilespmem:s28+$0xC510]  }
0x80f: {  	[tilespmem:$0x1F080] =	vst v48;
	v48 =	vld [tilespmem:s28+$0x143F0]  }
0x810: {  	[tilespmem:$0x1F0B0] =	vst v49;
	v49 =	vld [tilespmem:s28+$0xC3B0]  }
0x811: {  	[tilespmem:$0x1F300] =	vst v56;
	v56 =	vld [tilespmem:s28+$0x144E0]  }
0x812: {  	[tilespmem:$0x1F0E0] =	vst v59;
	v59 =	vld [tilespmem:s28+$0xC4A0]  }
0x813: {  	[tilespmem:$0x1F070] =	vst v47;
	v47 =	vld [tilespmem:s28+$0xC580]  }
0x814: {  	[tilespmem:$0x1F320] =	vst v19;
	v19 =	vld [tilespmem:s28+$0xC590]  }
0x815: {  	[tilespmem:$0x1F2C0] =	vst v46;
	v46 =	vmul.f32 v53, v21;
	v21 =	vld [tilespmem:s28+$0xC230]  }
0x816: {  	v53 =	vld [tilespmem:s28+$0x14360]  }
0x817: {  	v54 =	vmul.f32 v57, v54;
	v33 =	vmul.f32 v34, v33;
	v34 =	vld [tilespmem:s28+$0xC400]  }
0x818: {  	v57 =	vmul.f32 v63, v62;
	v63 =	vmul.f32 v3, v2;
	v3 =	vld [tilespmem:s28+$0xC410]  }
0x819: {  	v62 =	vld [tilespmem:$0x1F050]  }
0x81a: {  	v8 =	vmul.f32 v9, v8;
	v9 =	vmul.f32 v11, v10;
	v11 =	vld [tilespmem:$0x1F080]  }
0x81b: {  	v10 =	vmul.f32 v16, v14;
	v14 =	vld [tilespmem:$0x1F0C0]  }
0x81c: {  	v16 =	vld [tilespmem:$0x1F0E0];
	v46 =	vadd.f32 v54, v46  }
0x81d: {  	v54 =	vmul.f32 v61, v60;
	v60 =	vld [tilespmem:s28+$0x14440]  }
0x81e: {  	[tilespmem:$0x1F330] =	vst v19;
	v19 =	vld [tilespmem:s28+$0x14270];
	v39 =	vmul.f32 v40, v39  }
0x81f: {  	v40 =	vld [tilespmem:s28+$0xC320]  }
0x820: {  	v41 =	vmul.f32 v42, v41;
	v39 =	vadd.f32 v39, v46;
	v46 =	vmov v24;
	v24 =	vld [tilespmem:$0x1F040]  }
0x821: {  	v8 =	vadd.f32 v9, v8;
	v42 =	vld [tilespmem:s28+$0x14450];
	v0 =	vmul.f32 v1, v0;
	v9 =	vmul.f32 v52, v22  }
0x822: {  	v54 =	vadd.f32 v57, v54;
	v52 =	vmul.f32 v13, v12;
	v13 =	vmul.f32 v45, v44;
	v45 =	vld [tilespmem:$0x1F090]  }
0x823: {  	v44 =	vld [tilespmem:$0x1F0A0]  }
0x824: {  	v61 =	vadd.f32 v41, v54;
	v0 =	vadd.f32 v63, v0;
	v63 =	vmul.f32 v26, v28;
	v26 =	vld [tilespmem:s28+$0xC3A0]  }
0x825: {  	v54 =	vmul.f32 v7, v6;
	v6 =	vld [tilespmem:s28+$0x144C0];
	v57 =	vadd.f32 v33, v39;
	v39 =	vmul.f32 v62, v24  }
0x826: {  	v28 =	vld [tilespmem:s28+$0xC220]  }
0x827: {  	(xrf2) =	vadd.scan.msk.f32 $0xffff, v57;
	v57 =	vadd.f32 v39, v61;
	v61 =	vld [tilespmem:$0x1F060]  }
0x828: {  	v12 =	vmul.f32 v15, v43;
	v8 =	vadd.f32 v9, v8;
	v9 =	vld [tilespmem:$0x1F070]  }
0x829: {  	v15 =	vmul.f32 v34, v60;
	v34 =	vld [tilespmem:s28+$0xC210]  }
0x82a: {  	v41 =	vmul.f32 v5, v4;
	v12 =	vadd.f32 v13, v12;
	v33 =	vld [tilespmem:s28+$0x144D0]  }
0x82b: {  	v13 =	vmul.f32 v51, v25;
	v0 =	vadd.f32 v63, v0;
	v63 =	vmul.f32 v50, v27;
	v27 =	vld [tilespmem:s28+$0x14260]  }
0x82c: {  	v2 =	vadd.f32 v54, v41;
	v54 =	vld [tilespmem:s28+$0x14340];
	v1 =	vmul.f32 v30, v61  }
0x82d: {  	v12 =	vadd.f32 v13, v12;
	v13 =	vld [tilespmem:$0x1F0D0]  }
0x82e: {  	v50 =	vmul.f32 v32, v31;
	v31 =	vld [tilespmem:s28+$0x14240];
	v0 =	vadd.f32 v1, v0  }
0x82f: {  	v32 =	vld [tilespmem:s28+$0x14250];
	v2 =	vadd.f32 v63, v2;
	(xrf2) =	vadd.scan.msk.f32 $0xffff, v57  }
0x830: {  	v63 =	vmul.f32 v38, v36;
	v36 =	vld [tilespmem:s28+$0x142D0];
	(xrf2) =	vadd.scan.msk.f32 $0xffff, v0;
	v0 =	vadd.f32 v10, v52;
	v10 =	vmul.f32 v23, v29  }
0x831: {  	v62 =	vld [tilespmem:s28+$0xC480];
	v9 =	vmul.f32 v11, v9  }
0x832: {  	v2 =	vadd.f32 v50, v2;
	v0 =	vadd.f32 v10, v0;
	v10 =	vld [tilespmem:$0x1F0B0]  }
0x833: {  	v11 =	vld [tilespmem:s28+$0xC300];
	v8 =	vadd.f32 v9, v8  }
0x834: {  	v39 =	vld [tilespmem:s28+$0xC490];
	(xrf2) =	vadd.scan.msk.f32 $0xffff, v2  }
0x835: {  	v9 =	vld [tilespmem:s28+$0xC310];
	v43, _, _ =	vpop (xrf2);
	(xrf2) =	vadd.scan.msk.f32 $0xffff, v8  }
0x836: {  	v3 =	vmul.f32 v3, v42;
	v13 =	vmul.f32 v16, v13;
	v16 =	vld [tilespmem:s28+$0xC390]  }
0x837: {  	v57 =	vld [tilespmem:s28+$0x14350];
	v10 =	vmul.f32 v14, v10  }
0x838: {  	v3 =	vadd.f32 v3, v15;
	v15 =	vmul.f32 v58, v55;
	v8 =	vld [tilespmem:s28+$0xC380]  }
0x839: {  	v58 =	vmul.f32 v62, v6;
	v1 =	vmul.f32 v39, v33;
	v14 =	vld [tilespmem:s28+$0x143C0];
	v0 =	vadd.f32 v10, v0  }
0x83a: {  	p0 =	sne.s32 s29, $0xE000;
	v3 =	vadd.f32 v15, v3;
	v10 =	vld [tilespmem:s28+$0x143D0]  }
.Ltmp3:
0x83b: {  	v24 =	vld [tilespmem:s28+$0x143E0];
	v62 =	vmul.f32 v59, v56;
	v61 =	vmul.f32 v37, v35;
	v23, _, _ =	vpop (xrf2);
	(xrf2) =	vadd.scan.msk.f32 $0xffff, v0;
	v0 =	vadd.f32 v1, v58;
	(pc) =	sbr.rel @p0 .LBB2_8-.Ltmp3, $4  }
0x83c: {  	v15 =	vld [tilespmem:$0x1F0F0];
	v60 =	vadd.f32 v13, v12;
	v4 =	vmul.f32 v11, v54;
	v2 =	vmul.f32 v9, v57  }
0x83d: {  	v11 =	vmov v48;
	v30 =	vld [tilespmem:s28+$0xC200];
	v3 =	vadd.f32 v61, v3;
	v25, _, _ =	vpop (xrf2);
	v0 =	vadd.f32 v62, v0  }
0x83e: {  	v35 =	vld [tilespmem:s28+$0xC280];
	v39 =	vmul.f32 v40, v53;
	v38 =	vadd.f32 v2, v4;
	v22, _, _ =	vpop (xrf2);
	(xrf2) =	vadd.scan.msk.f32 $0xffff, v60;
	v40 =	vmul.f32 v8, v14  }
0x83f: {  	s29 =	sadd.s32 $0x2000, s29;
	v33 =	vld [tilespmem:s28+$0x142C0];
	v14 =	vmov v17;
	v29, _, _ =	vpop (xrf2);
	(xrf2) =	vadd.scan.msk.f32 $0xffff, v3;
	v41 =	vmul.f32 v16, v10;
	v37 =	vadd.f32 v63, v0  }
0x840: {  	v0 =	vld [tilespmem:s28+$0xC290]  }
0x841: {  	v1 =	vld [tilespmem:s28+$0x142E0]  }
0x842: {  	v4 =	vld [tilespmem:s28+$0xC2A0]  }
0x843: {  	v7 =	vld [tilespmem:s28+$0x142F0]  }
0x844: {  	v55 =	vld [tilespmem:s28+$0xC2B0]  }
0x845: {  	v10 =	vld [tilespmem:s28+$0xC5A0]  }
0x846: {  	v12 =	vld [tilespmem:s28+$0x145F0]  }
0x847: {  	v58 =	vld [tilespmem:s28+$0xC5B0]  }
0x848: {  	v61 =	vld [tilespmem:$0x1F320]  }
0x849: {  	v62 =	vld [tilespmem:$0x1F330]  }
0x84a: {  	v63 =	vld [tilespmem:s28+$0xC8A0]  }
0x84b: {  	v3 =	vmul.f32 v20, v18;
	v6 =	vmul.f32 v26, v24;
	v20 =	vld [tilespmem:$0x1F310]  }
0x84c: {  	v9 =	vmul.f32 v34, v32;
	v11 =	vmul.f32 v49, v11;
	v24 =	vld [tilespmem:$0x1F2D0]  }
0x84d: {  	v2 =	vadd.f32 v39, v38;
	v57 =	vmul.f32 v28, v27;
	v26 =	vld [tilespmem:$0x1F2E0];
	v8 =	vmul.f32 v30, v31  }
0x84e: {  	v27 =	vld [tilespmem:$0x1F2F0];
	v5 =	vadd.f32 v41, v40;
	v56 =	vmul.f32 v35, v33;
	v0 =	vmul.f32 v0, v36  }
0x84f: {  	v13 =	vmul.f32 v21, v19;
	v60 =	vmul.f32 v47, v14;
	v28 =	vld [tilespmem:$0x1F300];
	v8 =	vadd.f32 v9, v8  }
0x850: {  	v17 =	vld [tilespmem:s28+$0xC990];
	v5 =	vadd.f32 v6, v5;
	v1 =	vmul.f32 v4, v1;
	v0 =	vadd.f32 v0, v56  }
0x851: {  	v2 =	vadd.f32 v3, v2;
	v33 =	vld [tilespmem:$0x1F2C0];
	v9 =	vmul.f32 v62, v61;
	v59 =	vadd.f32 v57, v8  }
0x852: {  	(xrf2) =	vadd.scan.msk.f32 $0xffff, v37;
	v37 =	vld [tilespmem:$0x1F2B0];
	v5 =	vadd.f32 v11, v5;
	v16 =	vmul.f32 v55, v7;
	v0 =	vadd.f32 v1, v0  }
0x853: {  	v21 =	vld [tilespmem:s28+$0xC8B0];
	(xrf2) =	vadd.scan.msk.f32 $0xffff, v2;
	v7 =	vmul.f32 v10, v20;
	v19 =	vadd.f32 v9, v60;
	v18 =	vadd.f32 v13, v59  }
0x854: {  	v30 =	vld [tilespmem:s28+$0xC9A0];
	(xrf2) =	vadd.scan.msk.f32 $0xffff, v5;
	v5 =	vmul.f32 v28, v27;
	v1 =	vmul.f32 v26, v24;
	v0 =	vadd.f32 v16, v0  }
0x855: {  	v32 =	vld [tilespmem:s28+$0x149F0];
	v4 =	vmul.f32 v58, v12;
	v31 =	vadd.f32 v7, v19;
	(xrf2) =	vadd.scan.msk.f32 $0xffff, v18  }
0x856: {  	v34 =	vld [tilespmem:s28+$0xC9B0];
	v1 =	vadd.f32 v5, v1;
	v5 =	vmul.f32 v63, v33;
	(xrf2) =	vadd.scan.msk.f32 $0xffff, v0  }
0x857: {  	v36 =	vmul.f32 v46, v45;
	v3 =	vmul.f32 v17, v37;
	v35 =	vadd.f32 v4, v31  }
0x858: {  	v38 =	vmul.f32 v21, v44;
	v1 =	vadd.f32 v5, v1  }
0x859: {  	v39, _, _ =	vpop (xrf2);
	v40 =	vmul.f32 v30, v15;
	v2 =	vadd.f32 v3, v36;
	(xrf2) =	vadd.scan.msk.f32 $0xffff, v35  }
0x85a: {  	v41, _, _ =	vpop (xrf2);
	v1 =	vadd.f32 v38, v1  }
0x85b: {  	v44 =	vmul.f32 v34, v32;
	v42, _, _ =	vpop (xrf2);
	v2 =	vadd.f32 v40, v2  }
0x85c: {  	v45, _, _ =	vpop (xrf2);
	(xrf2) =	vadd.scan.msk.f32 $0xffff, v1  }
0x85d: {  	v2 =	vadd.f32 v44, v2;
	v46, _, _ =	vpop (xrf2)  }
0x85e: {  	v48 =	vbroadcast v23, $0xF;
	v47, _, _ =	vpop (xrf2)  }
0x85f: {  	v50 =	vbroadcast v29, $0xF;
	v51 =	vbroadcast v25, $0xF;
	(xrf2) =	vadd.scan.msk.f32 $0xffff, v2;
	v49, _, _ =	vpop (xrf2)  }
0x860: {  	v52 =	vbroadcast v42, $0xF;
	v6 =	vbroadcast v45, $0xF;
	v53, _, _ =	vpop (xrf2)  }
0x861: {  	v8 =	vbroadcast v49, $0xF;
	v4 =	vbroadcast v53, $0xF  }
0x862: {  	v1 =	vbroadcast v46, $0xF;
	v3 =	vbroadcast v47, $0xF  }
0x863: {  	v0 =	vbroadcast v41, $0xF;
	v8 =	vnsel vm0, $0x0, v8;
	v54, _, _ =	vpop (xrf2);
	v4 =	vnsel vm1, $0x0, v4  }
0x864: {  	v1 =	vsel vm2, v8, v1;
	v55 =	vbroadcast v54, $0xF;
	v3 =	vsel vm3, v4, v3  }
0x865: {  	v57 =	vbroadcast v39, $0xF;
	v1 =	vsel vm4, v1, v52;
	v56 =	vsel vm5, v3, v6  }
0x866: {  	v59 =	vbroadcast v22, $0xF;
	v0 =	vsel vm6, v1, v0;
	v60, _, _ =	vpop (xrf2);
	v58 =	vsel vm7, v56, v55  }
0x867: {  	v0 =	vsel vm8, v0, v50;
	v61 =	vbroadcast v60, $0xF;
	v1 =	vsel vm9, v58, v57  }
0x868: {  	v62 =	vbroadcast v43, $0xF;
	v0 =	vsel vm10, v0, v51;
	v1 =	vsel vm11, v1, v59  }
0x869: {  	v63, _, _ =	vpop (xrf2);
	v0 =	vsel vm12, v0, v48;
	v1 =	vsel vm13, v1, v61  }
0x86a: {  	v0 =	vsel vm14, v0, v62;
	v1 =	vsel vm15, v1, v63  }
0x86b: {  	v0 =	vadd.f32 v1, v0  }
0x86c: {  	s26 =	sadd.s32 $0x10, s26  }
0x86d: {  	[tilespmem:s26+$0x0] =	vst v0  }
0x86e: {  	[hbm4b:s4+s2] =	stream.linear.scatter [tilespmem:s23], [sflag:$0x6], $0x100, $0x38;
	[tilespmem:$0x18400] =	vst v63  }
0x86f: {  	s25 =	sadd.s32 $0x1, s25;
	_ =	swait.ge [sflag:s9], $0x100  }
0x870: {  	p0 =	sne.s32 s25, s8;
	[sflag:s9] =	ssyncset.done $0x0  }
.Ltmp4:
0x871: {  	[sflag:s9] =	ssyncadd.s32 $0xFFFFFF00;
	(pc) =	sbr.rel @p0 .LBB2_1-.Ltmp4, $4  }
0x872: {  	[hbm4b:s7+s2] =	stream.linear.scatter [tilespmem:s24], [sflag:$0x6], $0x100, $0x38;
	[tilespmem:$0x18400] =	vst v63  }
0x873: {  	_ =	swait.ge [sflag:s9], $0x100  }
0x874: {  	[sflag:s9] =	ssyncset.done $0x0  }
0x875: {  	[sflag:s9] =	ssyncadd.s32 $0xFFFFFF00  }
0x876: {  	_ =	sfence.sel $0x180000  }
0x877: {  	[bflag:$0x0] =	sbarrier.arrive $0xFFFF  }
0x878: {  	p0 =	sne.s32 s1, $0x0;
	_ =	strace $0x90000047  }
0x879: {  	s0 =	sadd.s32 @!p0 $0x100000, s0;
	[bflag:$0x2] =	sbarrier.arrive $0xFFFF  }
0x87a: {  	[sflag:s0] =	ssyncadd.tile.s32 @!p0 $0x1;
	_ =	shalt  }
.Lfunc_end2:
_tile_overlayer_lowered:
.L_overlay_start_2:
0x87b: {  	(tag) =	ssettag $0x2  }
0x87c: {  	s0 =	rddreg [dreg:$0x0];
	s2 =	stileid.u32  }
0x87d: {  	s1 =	rddreg [dreg:$0x1];
	p0 =	sne.s32 s2, $0x0  }
0x87e: {  	s3 =	rddreg [dreg:$0x2];
	[bflag:$0x3] =	sbarrier.arrive $0xFFFF;
	s2 =	simm.s32 @!p0 $0x1C06  }
0x87f: {  	[timem:s3], [sflag:s2] =	dma.local @!p0 [hbm:s0], s1  }
0x880: {  	s0 =	simm.s32 @!p0 $0x6  }
0x881: {  	_ =	swait.ge @!p0 [sflag:s0], s1  }
0x882: {  	s1 =	ssub.s32 @!p0 $0x0, s1;
	[sflag:s0] =	ssyncset.done @!p0 $0x0  }
0x883: {  	[sflag:s0] =	ssyncadd.s32 @!p0 s1  }
0x884: {  	[bflag:$0x3] =	sbarrier.arrive $0xFFFF  }
0x885: {  	_ =	shalt  }

</sc_bundles>
